<compile_context>
chip_gen: v7x
topology: tpu7x:2x2x1
jax: 0.10.2.dev20260603
libtpu: 0.0.44.dev20260713+nightly
codegen_flags: <defaults>
</compile_context>

<pallas_src>
import functools

import jax
import jax.numpy as jnp
from jax import lax
from jax.experimental import pallas as pl
from jax.experimental.pallas import tpu as pltpu
from jax.experimental.pallas import tpu_sc as plsc

_NUM_DOMAINS = 5
_EMB_DIM = 16
_LANES = 16

_NUM_WORKERS = 32
_CHUNK = 512
_IDX_SUB = 128


_EB = 1024


def _make_sc_transpose(num_entities):
    aligned = (num_entities // 128) * 128
    full_steps = aligned // _EB
    tail = aligned - full_steps * _EB
    info = plsc.get_sparse_core_info()
    nc = info.num_cores
    mesh = plsc.VectorSubcoreMesh(core_axis_name="c", subcore_axis_name="s")
    kmax = -(-(full_steps + 1) // _NUM_WORKERS)

    @functools.partial(
        pl.kernel,
        mesh=mesh,
        compiler_params=pltpu.CompilerParams(
            needs_layout_passes=False, use_tc_tiling_on_sc=True),
        out_type=jax.ShapeDtypeStruct((num_entities * _EMB_DIM // 128, 128),
                                      jnp.float32),
        scratch_types=[
            pltpu.VMEM((_EMB_DIM, _EB), jnp.float32),
            pltpu.VMEM((_EMB_DIM, _EB), jnp.float32),
            pltpu.VMEM((_EB * _EMB_DIM // 128, 128), jnp.float32),
            pltpu.SemaphoreType.DMA,
            pltpu.SemaphoreType.DMA,
        ],
    )
    def transpose_k(in_hbm, out_hbm, in0_v, in1_v, out_v, sem0, sem1):
        wid = lax.axis_index("s") * nc + lax.axis_index("c")
        in_b = (in0_v, in1_v)
        sem_b = (sem0, sem1)
        rows_iota = lax.iota(jnp.int32, _LANES) * _EB

        def fetch(k, par, width):
            s = wid + _NUM_WORKERS * k

            @pl.when(s < full_steps)
            def _():
                eb = pl.multiple_of(s * _EB, 128)
                pltpu.async_copy(in_hbm.at[:, pl.ds(eb, width)],
                                 in_b[par].at[:, pl.ds(0, width)],
                                 sem_b[par])

        def wait_in(par, width):
            pltpu.make_async_copy(
                in_hbm.at[:, pl.ds(0, width)],
                in_b[par].at[:, pl.ds(0, width)], sem_b[par]).wait()

        lanes_i = lax.iota(jnp.int32, _LANES)

        def process(k, par, width):
            s = wid + _NUM_WORKERS * k

            @pl.when(s < full_steps)
            def _():
                wait_in(par, width)
                iv = in_b[par]

                def regroup(e, c2):
                    cols = jnp.broadcast_to(e, (_LANES,))
                    v = plsc.load_gather(iv, [lanes_i, cols])
                    out_v[lax.div(e, 8),
                          pl.ds(lax.rem(e, 8) * _EMB_DIM, _EMB_DIM)] = v
                    return c2

                lax.fori_loop(0, width, regroup, 0)
                orows = width * _EMB_DIM // 128
                pltpu.sync_copy(
                    out_v.at[pl.ds(0, orows), :],
                    out_hbm.at[pl.ds(
                        pl.multiple_of(s * (_EB * _EMB_DIM // 128), 8),
                        orows), :])

        fetch(0, 0, _EB)

        def step(p, c1):
            for par in (0, 1):
                k = p * 2 + par
                fetch(k + 1, 1 - par, _EB)
                process(k, par, _EB)
            return c1

        lax.fori_loop(0, (kmax + 1) // 2, step, 0)

        @pl.when(wid == (0 if tail > 0 else -1))
        def _tail():
            tb = pl.multiple_of(full_steps * _EB, 128)
            pltpu.sync_copy(in_hbm.at[:, pl.ds(tb, tail)],
                            in_b[0].at[:, pl.ds(0, tail)])

            def regroup(e, c2):
                cols = jnp.broadcast_to(e, (_LANES,))
                v = plsc.load_gather(in_b[0], [lanes_i, cols])
                out_v[lax.div(e, 8),
                      pl.ds(lax.rem(e, 8) * _EMB_DIM, _EMB_DIM)] = v
                return c2

            lax.fori_loop(0, tail, regroup, 0)
            orows = tail * _EMB_DIM // 128
            pltpu.sync_copy(
                out_v.at[pl.ds(0, orows), :],
                out_hbm.at[pl.ds(full_steps * (_EB * _EMB_DIM // 128),
                                 orows), :])

    return transpose_k, full_steps, tail


def _make_sc_scorer(total_samples):
    per_w = total_samples // _NUM_WORKERS
    chunks = per_w // _CHUNK
    idx_per_chunk = _CHUNK * _NUM_DOMAINS
    n_sub = idx_per_chunk // _IDX_SUB

    info = plsc.get_sparse_core_info()
    nc = info.num_cores

    mesh = plsc.VectorSubcoreMesh(core_axis_name="c", subcore_axis_name="s")

    @functools.partial(
        pl.kernel,
        mesh=mesh,
        compiler_params=pltpu.CompilerParams(
            needs_layout_passes=False, use_tc_tiling_on_sc=False),
        out_type=jax.ShapeDtypeStruct((total_samples,), jnp.float32),
        scratch_types=[
            pltpu.VMEM((idx_per_chunk,), jnp.int32),
            pltpu.VMEM((idx_per_chunk,), jnp.int32),
            pltpu.VMEM((idx_per_chunk, _EMB_DIM), jnp.float32),
            pltpu.VMEM((idx_per_chunk, _EMB_DIM), jnp.float32),
            pltpu.VMEM((_CHUNK,), jnp.float32),
            pltpu.VMEM((_LANES,), jnp.float32),
            pltpu.SemaphoreType.DMA,
            pltpu.SemaphoreType.DMA,
            pltpu.SemaphoreType.DMA,
            pltpu.SemaphoreType.DMA,
        ],
    )
    def scorer(table_hbm, idx_hbm, par_hbm, out_hbm,
               idx0_v, idx1_v, rows0_v, rows1_v, out_v, par_v,
               sem0, sem1, semi0, semi1):
        wid = lax.axis_index("s") * nc + lax.axis_index("c")
        base = wid * per_w
        idx_b = (idx0_v, idx1_v)
        rows_b = (rows0_v, rows1_v)
        sem_b = (sem0, sem1)
        semi_b = (semi0, semi1)

        pltpu.sync_copy(par_hbm, par_v)
        pv = jnp.exp(par_v[:])
        wh = pv[0]
        ec = pv[1]
        lanes = lax.iota(jnp.int32, _LANES)

        pos_chunks = 16384 // _CHUNK
        pos_n = pos_chunks * _CHUNK
        neg_n = total_samples - pos_n

        def idx_fetch(g, par):
            cg = base // _CHUNK + g
            for d in range(_NUM_DOMAINS):
                off = jnp.where(
                    cg < pos_chunks,
                    d * pos_n + cg * _CHUNK,
                    pos_n * _NUM_DOMAINS + d * neg_n
                    + (cg - pos_chunks) * _CHUNK)
                pltpu.async_copy(
                    idx_hbm.at[pl.ds(off, _CHUNK)],
                    idx_b[par].at[pl.ds(d * _CHUNK, _CHUNK)],
                    semi_b[par])

        def idx_wait(par):
            pltpu.make_async_copy(
                idx_hbm.at[pl.ds(0, idx_per_chunk)],
                idx_b[par], semi_b[par]).wait()

        def fire(g, par):
            for k in range(n_sub):
                pltpu.async_copy(
                    table_hbm.at[idx_b[par].at[pl.ds(k * _IDX_SUB,
                                                     _IDX_SUB)]],
                    rows_b[par].at[pl.ds(k * _IDX_SUB, _IDX_SUB)],
                    sem_b[par],
                )

        def drain(par):
            pltpu.make_async_copy(
                table_hbm.at[pl.ds(0, idx_per_chunk)],
                rows_b[par], sem_b[par]).wait()

        def compute(g, par):
            rows_v = rows_b[par]

            def group_body(j, c2):
                gbase = j * _LANES
                vals = jnp.zeros((_LANES,), jnp.float32)
                for i in range(_LANES):
                    s = gbase + i
                    e0 = rows_v[s, :]
                    e1 = rows_v[s + _CHUNK, :]
                    e2 = rows_v[s + 2 * _CHUNK, :]
                    e3 = rows_v[s + 3 * _CHUNK, :]
                    e4 = rows_v[s + 4 * _CHUNK, :]
                    s3 = e3 + e4
                    s2 = e2 + s3
                    s1 = e1 + s2
                    q = e0 * s1 + e1 * s2 + e2 * s3 + e3 * e4
                    vals = jnp.where(lanes == i, jnp.sum(q), vals)
                out_v[pl.ds(j * _LANES, _LANES)] = jnp.exp(vals * wh) * ec
                return c2

            lax.fori_loop(0, _CHUNK // _LANES, group_body, 0)
            pltpu.sync_copy(out_v, out_hbm.at[pl.ds(base + g * _CHUNK,
                                                    _CHUNK)])

        idx_fetch(0, 0)
        idx_wait(0)
        fire(0, 0)
        idx_fetch(1, 1)

        def pair_body(p, carry):
            for par in (0, 1):
                g = p * 2 + par
                drain(par)
                idx_wait(1 - par)
                fire(g + 1, 1 - par)

                @pl.when(g + 2 < chunks)
                def _():
                    idx_fetch(g + 2, par)

                compute(g, par)
            return carry

        lax.fori_loop(0, (chunks - 1) // 2, pair_body, 0)
        drain(0)
        compute(chunks - 1, 0)

    return scorer


def kernel(pos_x, neg_x, emb_table, pair_w, c):
    B, N, D = neg_x.shape
    total = B * (1 + N)
    all_idx = jnp.concatenate(
        [pos_x.T.reshape(-1),
         jnp.transpose(neg_x, (2, 1, 0)).reshape(-1)]).astype(jnp.int32)
    params = jnp.zeros((_LANES,), jnp.float32)
    params = params.at[0].set(pair_w[0]).at[1].set(c)
    V, E = emb_table.shape
    trans_k, _, _ = _make_sc_transpose(V)
    t128 = trans_k(emb_table.T)
    v_al = (V // 128) * 128
    if v_al < V:
        patch = emb_table[v_al:].reshape((V - v_al) * E // 128, 128)
        t128 = lax.dynamic_update_slice(t128, patch, (v_al * E // 128, 0))
    table_lin = t128.reshape(V, E)
    scores = _make_sc_scorer(total)(table_lin, all_idx, params)
    pos_score = scores[:B]
    neg_score = scores[B:].reshape(N, B).T
    return pos_score, neg_score

# --- scband reference (transcript-rebuilt; emitter-appended) ---
"""Pipeline reference for scband-ape-42786464203163 (READ-ONLY COPY).

The authoritative reference and input builder live on the scoring server;
editing this copy changes nothing except your own understanding.
"""

import jax, jax.numpy as jnp
import numpy as np

NUM_DOMAINS = 5
NUM_ENTITIES = 1000000
EMB_DIM = 16
NUM_PAIRS = NUM_DOMAINS * (NUM_DOMAINS - 1) // 2
BATCH = 16384
NUM_NEG = 20


def _obtain_score(emb_x, pair_w, c):
    # emb_x: [B, NUM_DOMAINS, EMB_DIM]
    parts = [emb_x[:, i, :] for i in range(NUM_DOMAINS)]
    scores = []
    for i in range(NUM_DOMAINS):
        for j in range(i + 1, NUM_DOMAINS):
            r = jnp.sum(parts[i] * parts[j], axis=-1, keepdims=True)
            # Faithful to original: loop index k is never incremented inside
            # obtain_score, so pair_W[0] is used for every pair.
            r = r * jnp.exp(pair_w[0])
            scores.append(r)
    s = jnp.concatenate(scores, axis=-1)  # [B, NUM_PAIRS]
    return jnp.exp(jnp.sum(s, axis=-1) + c)  # [B]


def setup_inputs(seed: int = 0) -> dict:
    key = jax.random.key(seed)
    k1, k2, k3, k4, k5 = jax.random.split(key, 5)
    pos_x = jax.random.randint(k1, (BATCH, NUM_DOMAINS), 0, NUM_ENTITIES)
    neg_x = jax.random.randint(k2, (BATCH, NUM_NEG, NUM_DOMAINS), 0, NUM_ENTITIES)
    # learned parameters (nn.Embedding table, per-pair scalars, bias c)
    emb_table = jax.random.normal(k3, (NUM_ENTITIES, EMB_DIM), dtype=jnp.float32) * 0.05
    pair_w = jax.random.uniform(k4, (NUM_PAIRS,), dtype=jnp.float32)
    c = jax.random.uniform(k5, (), dtype=jnp.float32)
    return {"pos_x": pos_x, "neg_x": neg_x, "emb_table": emb_table, "pair_w": pair_w, "c": c}


def reference(pos_x, neg_x, emb_table, pair_w, c):
    # positive scores
    pos_emb = jnp.take(emb_table, pos_x, axis=0)  # [B, D, E]
    pos_score = _obtain_score(pos_emb, pair_w, c)  # [B]
    # negative scores: one score per negative sample, gathered per-sample as in
    # the torch loop over chunks of neg_x, then concatenated along last dim
    B, N, D = neg_x.shape
    neg_flat = neg_x.reshape(B * N, D)
    neg_emb = jnp.take(emb_table, neg_flat, axis=0)  # [B*N, D, E]
    neg_score = _obtain_score(neg_emb, pair_w, c).reshape(B, N)  # [B, N]
    return pos_score, neg_score

if __name__ == "__main__":
    import jax
    _d = setup_inputs()
    print(jax.jit(kernel)(*tuple(_d.values())))

</pallas_src>

<mosaic_0001>
#map = affine_map<(d0, d1) -> (0, 0)>
#map1 = affine_map<(d0, d1) -> (0)>
module attributes {stable_mosaic.version = 14 : i64} {
  func.func @scorer(%arg0: i32, %arg1: i32, %arg2: memref<1000000x16xf32, #tpu.memory_space<hbm>>, %arg3: memref<1720320xi32, #tpu.memory_space<hbm>>, %arg4: memref<16xf32, #tpu.memory_space<hbm>>, %arg5: memref<344064xf32, #tpu.memory_space<hbm>>, %arg6: memref<2560xi32, #tpu.memory_space<vmem>>, %arg7: memref<2560xi32, #tpu.memory_space<vmem>>, %arg8: memref<2560x16xf32, #tpu.memory_space<vmem>>, %arg9: memref<2560x16xf32, #tpu.memory_space<vmem>>, %arg10: memref<512xf32, #tpu.memory_space<vmem>>, %arg11: memref<16xf32, #tpu.memory_space<vmem>>, %arg12: memref<!tpu.dma_semaphore, #tpu.memory_space<semaphore_mem>>, %arg13: memref<!tpu.dma_semaphore, #tpu.memory_space<semaphore_mem>>, %arg14: memref<!tpu.dma_semaphore, #tpu.memory_space<semaphore_mem>>, %arg15: memref<!tpu.dma_semaphore, #tpu.memory_space<semaphore_mem>>) attributes {dimension_semantics = [#tpu.dimension_semantics<core_parallel>, #tpu.dimension_semantics<subcore_parallel>], iteration_bounds = array<i64: 2, 16>, scalar_prefetch = 0 : i64, scratch_operands = 10 : i64, tpu.core_type = #tpu.core_type<sc_vector_subcore>, window_params = [{transform_indices = #map}, {transform_indices = #map1}, {transform_indices = #map1}, {transform_indices = #map1}]} {
    %mul3A = arith.constant 2 : i32
    %mul3A_0 = arith.muli %arg1, %mul3A : i32
    %add3A = arith.addi %mul3A_0, %arg0 : i32
    %mul3A_1 = arith.constant 10752 : i32
    %mul3A_2 = arith.muli %add3A, %mul3A_1 : i32
    "tpu.region"() ({
      %run_scoped3A = tpu.sem_alloc : memref<!tpu.dma_semaphore, #tpu.memory_space<semaphore_mem>>
      tpu.enqueue_dma source(%arg4 : memref<16xf32, #tpu.memory_space<hbm>>) target(%arg11 : memref<16xf32, #tpu.memory_space<vmem>>) target_semaphore(%run_scoped3A : memref<!tpu.dma_semaphore, #tpu.memory_space<semaphore_mem>>)
      tpu.wait_dma2 semaphore(%run_scoped3A : memref<!tpu.dma_semaphore, #tpu.memory_space<semaphore_mem>>) src(%arg4 : memref<16xf32, #tpu.memory_space<hbm>>) dst(%arg11 : memref<16xf32, #tpu.memory_space<vmem>>)
      tpu.yield
    }) : () -> ()
    %get3A = arith.constant 0 : index
    %get3A_3 = tpu.vector_load %arg11[%get3A] {strides = array<i32>} : memref<16xf32, #tpu.memory_space<vmem>>, vector<16xf32>,
    %exp3A = math.exp %get3A_3 : vector<16xf32>
    %slice3A = vector.extract_strided_slice %exp3A {offsets = [0], sizes = [1], strides = [1]} : vector<16xf32> to vector<1xf32>
    %squeeze3A = vector.extract %slice3A[0] : f32 from vector<1xf32>
    %slice3A_4 = vector.extract_strided_slice %exp3A {offsets = [1], sizes = [1], strides = [1]} : vector<16xf32> to vector<1xf32>
    %squeeze3A_5 = vector.extract %slice3A_4[0] : f32 from vector<1xf32>
    %iota3A = tpu.iota {dimensions = array<i32: 0>} : vector<16xi32>
    %jit3A = arith.constant 512 : i32
    %div3A = arith.divsi %mul3A_2, %jit3A : i32
    %sign3A = arith.constant 0 : i32
    %sign3A_6 = arith.cmpi sgt, %mul3A_2, %sign3A : i32
    %sign3A_7 = arith.extui %sign3A_6 : i1 to i32
    %sign3A_8 = arith.constant 0 : i32
    %sign3A_9 = arith.cmpi slt, %mul3A_2, %sign3A_8 : i32
    %sign3A_10 = arith.extui %sign3A_9 : i1 to i32
    %sign3A_11 = arith.subi %sign3A_7, %sign3A_10 : i32
    %sign3A_12 = arith.constant 0 : i32
    %sign3A_13 = arith.cmpi sgt, %jit3A, %sign3A_12 : i32
    %sign3A_14 = arith.extui %sign3A_13 : i1 to i32
    %sign3A_15 = arith.constant 0 : i32
    %sign3A_16 = arith.cmpi slt, %jit3A, %sign3A_15 : i32
    %sign3A_17 = arith.extui %sign3A_16 : i1 to i32
    %sign3A_18 = arith.subi %sign3A_14, %sign3A_17 : i32
    %ne3A = arith.cmpi ne, %sign3A_11, %sign3A_18 : i32
    %rem3A = arith.remsi %mul3A_2, %jit3A : i32
    %ne3A_19 = arith.constant 0 : i32
    %ne3A_20 = arith.cmpi ne, %rem3A, %ne3A_19 : i32
    %and3A = arith.andi %ne3A, %ne3A_20 : i1
    %sub3A = arith.constant 1 : i32
    %sub3A_21 = arith.subi %div3A, %sub3A : i32
    %select_n3A = arith.select %and3A, %sub3A_21, %div3A : i32
    %add3A_22 = arith.constant 0 : i32
    %add3A_23 = arith.addi %select_n3A, %add3A_22 : i32
    %lt3A = arith.constant 32 : i32
    %lt3A_24 = arith.cmpi slt, %add3A_23, %lt3A : i32
    %mul3A_25 = arith.constant 512 : i32
    %mul3A_26 = arith.muli %add3A_23, %mul3A_25 : i32
    %add3A_27 = arith.constant 0 : i32
    %add3A_28 = arith.addi %add3A_27, %mul3A_26 : i32
    %sub3A_29 = arith.constant 32 : i32
    %sub3A_30 = arith.subi %add3A_23, %sub3A_29 : i32
    %mul3A_31 = arith.constant 512 : i32
    %mul3A_32 = arith.muli %sub3A_30, %mul3A_31 : i32
    %add3A_33 = arith.constant 81920 : i32
    %add3A_34 = arith.addi %add3A_33, %mul3A_32 : i32
    %select_n3A_35 = arith.select %lt3A_24, %add3A_28, %add3A_34 : i32
    %dma_start3A = arith.constant 0 : i32
    %dma_start3A_36 = tpu.memref_slice %arg6[%dma_start3A] : memref<2560xi32, #tpu.memory_space<vmem>> -> memref<512xi32, #tpu.memory_space<vmem>>
    %dma_start3A_37 = tpu.memref_slice %arg3[%select_n3A_35] : memref<1720320xi32, #tpu.memory_space<hbm>> -> memref<512xi32, #tpu.memory_space<hbm>>
    %dma_start3A_38 = arith.constant 0 : i32
    %dma_start3A_39 = tpu.memref_slice %arg6[%dma_start3A_38] : memref<2560xi32, #tpu.memory_space<vmem>> -> memref<512xi32, #tpu.memory_space<vmem>>
    %dma_start3A_40 = tpu.memref_slice %arg3[%select_n3A_35] : memref<1720320xi32, #tpu.memory_space<hbm>> -> memref<512xi32, #tpu.memory_space<hbm>>
    tpu.enqueue_dma source(%dma_start3A_40 : memref<512xi32, #tpu.memory_space<hbm>>) target(%dma_start3A_39 : memref<512xi32, #tpu.memory_space<vmem>>) target_semaphore(%arg14 : memref<!tpu.dma_semaphore, #tpu.memory_space<semaphore_mem>>)
    %lt3A_41 = arith.constant 32 : i32
    %lt3A_42 = arith.cmpi slt, %add3A_23, %lt3A_41 : i32
    %mul3A_43 = arith.constant 512 : i32
    %mul3A_44 = arith.muli %add3A_23, %mul3A_43 : i32
    %add3A_45 = arith.constant 16384 : i32
    %add3A_46 = arith.addi %add3A_45, %mul3A_44 : i32
    %sub3A_47 = arith.constant 32 : i32
    %sub3A_48 = arith.subi %add3A_23, %sub3A_47 : i32
    %mul3A_49 = arith.constant 512 : i32
    %mul3A_50 = arith.muli %sub3A_48, %mul3A_49 : i32
    %add3A_51 = arith.constant 409600 : i32
    %add3A_52 = arith.addi %add3A_51, %mul3A_50 : i32
    %select_n3A_53 = arith.select %lt3A_42, %add3A_46, %add3A_52 : i32
    %dma_start3A_54 = arith.constant 512 : i32
    %dma_start3A_55 = tpu.memref_slice %arg6[%dma_start3A_54] : memref<2560xi32, #tpu.memory_space<vmem>> -> memref<512xi32, #tpu.memory_space<vmem>>
    %dma_start3A_56 = tpu.memref_slice %arg3[%select_n3A_53] : memref<1720320xi32, #tpu.memory_space<hbm>> -> memref<512xi32, #tpu.memory_space<hbm>>
    %dma_start3A_57 = arith.constant 512 : i32
    %dma_start3A_58 = tpu.memref_slice %arg6[%dma_start3A_57] : memref<2560xi32, #tpu.memory_space<vmem>> -> memref<512xi32, #tpu.memory_space<vmem>>
    %dma_start3A_59 = tpu.memref_slice %arg3[%select_n3A_53] : memref<1720320xi32, #tpu.memory_space<hbm>> -> memref<512xi32, #tpu.memory_space<hbm>>
    tpu.enqueue_dma source(%dma_start3A_59 : memref<512xi32, #tpu.memory_space<hbm>>) target(%dma_start3A_58 : memref<512xi32, #tpu.memory_space<vmem>>) target_semaphore(%arg14 : memref<!tpu.dma_semaphore, #tpu.memory_space<semaphore_mem>>)
    %lt3A_60 = arith.constant 32 : i32
    %lt3A_61 = arith.cmpi slt, %add3A_23, %lt3A_60 : i32
    %mul3A_62 = arith.constant 512 : i32
    %mul3A_63 = arith.muli %add3A_23, %mul3A_62 : i32
    %add3A_64 = arith.constant 32768 : i32
    %add3A_65 = arith.addi %add3A_64, %mul3A_63 : i32
    %sub3A_66 = arith.constant 32 : i32
    %sub3A_67 = arith.subi %add3A_23, %sub3A_66 : i32
    %mul3A_68 = arith.constant 512 : i32
    %mul3A_69 = arith.muli %sub3A_67, %mul3A_68 : i32
    %add3A_70 = arith.constant 737280 : i32
    %add3A_71 = arith.addi %add3A_70, %mul3A_69 : i32
    %select_n3A_72 = arith.select %lt3A_61, %add3A_65, %add3A_71 : i32
    %dma_start3A_73 = arith.constant 1024 : i32
    %dma_start3A_74 = tpu.memref_slice %arg6[%dma_start3A_73] : memref<2560xi32, #tpu.memory_space<vmem>> -> memref<512xi32, #tpu.memory_space<vmem>>
    %dma_start3A_75 = tpu.memref_slice %arg3[%select_n3A_72] : memref<1720320xi32, #tpu.memory_space<hbm>> -> memref<512xi32, #tpu.memory_space<hbm>>
    %dma_start3A_76 = arith.constant 1024 : i32
    %dma_start3A_77 = tpu.memref_slice %arg6[%dma_start3A_76] : memref<2560xi32, #tpu.memory_space<vmem>> -> memref<512xi32, #tpu.memory_space<vmem>>
    %dma_start3A_78 = tpu.memref_slice %arg3[%select_n3A_72] : memref<1720320xi32, #tpu.memory_space<hbm>> -> memref<512xi32, #tpu.memory_space<hbm>>
    tpu.enqueue_dma source(%dma_start3A_78 : memref<512xi32, #tpu.memory_space<hbm>>) target(%dma_start3A_77 : memref<512xi32, #tpu.memory_space<vmem>>) target_semaphore(%arg14 : memref<!tpu.dma_semaphore, #tpu.memory_space<semaphore_mem>>)
    %lt3A_79 = arith.constant 32 : i32
    %lt3A_80 = arith.cmpi slt, %add3A_23, %lt3A_79 : i32
    %mul3A_81 = arith.constant 512 : i32
    %mul3A_82 = arith.muli %add3A_23, %mul3A_81 : i32
    %add3A_83 = arith.constant 49152 : i32
    %add3A_84 = arith.addi %add3A_83, %mul3A_82 : i32
    %sub3A_85 = arith.constant 32 : i32
    %sub3A_86 = arith.subi %add3A_23, %sub3A_85 : i32
    %mul3A_87 = arith.constant 512 : i32
    %mul3A_88 = arith.muli %sub3A_86, %mul3A_87 : i32
    %add3A_89 = arith.constant 1064960 : i32
    %add3A_90 = arith.addi %add3A_89, %mul3A_88 : i32
    %select_n3A_91 = arith.select %lt3A_80, %add3A_84, %add3A_90 : i32
    %dma_start3A_92 = arith.constant 1536 : i32
    %dma_start3A_93 = tpu.memref_slice %arg6[%dma_start3A_92] : memref<2560xi32, #tpu.memory_space<vmem>> -> memref<512xi32, #tpu.memory_space<vmem>>
    %dma_start3A_94 = tpu.memref_slice %arg3[%select_n3A_91] : memref<1720320xi32, #tpu.memory_space<hbm>> -> memref<512xi32, #tpu.memory_space<hbm>>
    %dma_start3A_95 = arith.constant 1536 : i32
    %dma_start3A_96 = tpu.memref_slice %arg6[%dma_start3A_95] : memref<2560xi32, #tpu.memory_space<vmem>> -> memref<512xi32, #tpu.memory_space<vmem>>
    %dma_start3A_97 = tpu.memref_slice %arg3[%select_n3A_91] : memref<1720320xi32, #tpu.memory_space<hbm>> -> memref<512xi32, #tpu.memory_space<hbm>>
    tpu.enqueue_dma source(%dma_start3A_97 : memref<512xi32, #tpu.memory_space<hbm>>) target(%dma_start3A_96 : memref<512xi32, #tpu.memory_space<vmem>>) target_semaphore(%arg14 : memref<!tpu.dma_semaphore, #tpu.memory_space<semaphore_mem>>)
    %lt3A_98 = arith.constant 32 : i32
    %lt3A_99 = arith.cmpi slt, %add3A_23, %lt3A_98 : i32
    %mul3A_100 = arith.constant 512 : i32
    %mul3A_101 = arith.muli %add3A_23, %mul3A_100 : i32
    %add3A_102 = arith.constant 65536 : i32
    %add3A_103 = arith.addi %add3A_102, %mul3A_101 : i32
    %sub3A_104 = arith.constant 32 : i32
    %sub3A_105 = arith.subi %add3A_23, %sub3A_104 : i32
    %mul3A_106 = arith.constant 512 : i32
    %mul3A_107 = arith.muli %sub3A_105, %mul3A_106 : i32
    %add3A_108 = arith.constant 1392640 : i32
    %add3A_109 = arith.addi %add3A_108, %mul3A_107 : i32
    %select_n3A_110 = arith.select %lt3A_99, %add3A_103, %add3A_109 : i32
    %dma_start3A_111 = arith.constant 2048 : i32
    %dma_start3A_112 = tpu.memref_slice %arg6[%dma_start3A_111] : memref<2560xi32, #tpu.memory_space<vmem>> -> memref<512xi32, #tpu.memory_space<vmem>>
    %dma_start3A_113 = tpu.memref_slice %arg3[%select_n3A_110] : memref<1720320xi32, #tpu.memory_space<hbm>> -> memref<512xi32, #tpu.memory_space<hbm>>
    %dma_start3A_114 = arith.constant 2048 : i32
    %dma_start3A_115 = tpu.memref_slice %arg6[%dma_start3A_114] : memref<2560xi32, #tpu.memory_space<vmem>> -> memref<512xi32, #tpu.memory_space<vmem>>
    %dma_start3A_116 = tpu.memref_slice %arg3[%select_n3A_110] : memref<1720320xi32, #tpu.memory_space<hbm>> -> memref<512xi32, #tpu.memory_space<hbm>>
    tpu.enqueue_dma source(%dma_start3A_116 : memref<512xi32, #tpu.memory_space<hbm>>) target(%dma_start3A_115 : memref<512xi32, #tpu.memory_space<vmem>>) target_semaphore(%arg14 : memref<!tpu.dma_semaphore, #tpu.memory_space<semaphore_mem>>)
    %dma_wait3A = arith.constant 0 : i32
    %dma_wait3A_117 = tpu.memref_slice %arg3[%dma_wait3A] : memref<1720320xi32, #tpu.memory_space<hbm>> -> memref<2560xi32, #tpu.memory_space<hbm>>
    %dma_wait3A_118 = arith.constant 0 : i32
    %dma_wait3A_119 = tpu.memref_slice %arg3[%dma_wait3A_118] : memref<1720320xi32, #tpu.memory_space<hbm>> -> memref<2560xi32, #tpu.memory_space<hbm>>
    tpu.wait_dma2 semaphore(%arg14 : memref<!tpu.dma_semaphore, #tpu.memory_space<semaphore_mem>>) src(%dma_wait3A_119 : memref<2560xi32, #tpu.memory_space<hbm>>) dst(%arg6 : memref<2560xi32, #tpu.memory_space<vmem>>)
    %dma_start3A_120 = arith.constant 0 : i32
    %dma_start3A_121 = arith.constant 0 : i32
    %dma_start3A_122 = tpu.memref_slice %arg8[%dma_start3A_120, %dma_start3A_121] : memref<2560x16xf32, #tpu.memory_space<vmem>> -> memref<128x16xf32, #tpu.memory_space<vmem>>
    %dma_start3A_123 = arith.constant 0 : i32
    %dma_start3A_124 = tpu.memref_slice %arg6[%dma_start3A_123] : memref<2560xi32, #tpu.memory_space<vmem>> -> memref<128xi32, #tpu.memory_space<vmem>>
    %dma_start3A_125 = arith.constant 0 : i32
    %dma_start3A_126 = arith.constant 0 : i32
    %dma_start3A_127 = tpu.memref_slice %arg2[%dma_start3A_125, %dma_start3A_126] : memref<1000000x16xf32, #tpu.memory_space<hbm>> -> memref<1000000x16xf32, #tpu.memory_space<hbm>>
    tpu.enqueue_indirect_dma source(%dma_start3A_127 : memref<1000000x16xf32, #tpu.memory_space<hbm>>) target(%dma_start3A_122 : memref<128x16xf32, #tpu.memory_space<vmem>>) offsets(%dma_start3A_124 : memref<128xi32, #tpu.memory_space<vmem>>) semaphore(%arg12 : memref<!tpu.dma_semaphore, #tpu.memory_space<semaphore_mem>>)
    %dma_start3A_128 = arith.constant 128 : i32
    %dma_start3A_129 = arith.constant 0 : i32
    %dma_start3A_130 = tpu.memref_slice %arg8[%dma_start3A_128, %dma_start3A_129] : memref<2560x16xf32, #tpu.memory_space<vmem>> -> memref<128x16xf32, #tpu.memory_space<vmem>>
    %dma_start3A_131 = arith.constant 128 : i32
    %dma_start3A_132 = tpu.memref_slice %arg6[%dma_start3A_131] : memref<2560xi32, #tpu.memory_space<vmem>> -> memref<128xi32, #tpu.memory_space<vmem>>
    %dma_start3A_133 = arith.constant 0 : i32
    %dma_start3A_134 = arith.constant 0 : i32
    %dma_start3A_135 = tpu.memref_slice %arg2[%dma_start3A_133, %dma_start3A_134] : memref<1000000x16xf32, #tpu.memory_space<hbm>> -> memref<1000000x16xf32, #tpu.memory_space<hbm>>
    tpu.enqueue_indirect_dma source(%dma_start3A_135 : memref<1000000x16xf32, #tpu.memory_space<hbm>>) target(%dma_start3A_130 : memref<128x16xf32, #tpu.memory_space<vmem>>) offsets(%dma_start3A_132 : memref<128xi32, #tpu.memory_space<vmem>>) semaphore(%arg12 : memref<!tpu.dma_semaphore, #tpu.memory_space<semaphore_mem>>)
    %dma_start3A_136 = arith.constant 256 : i32
    %dma_start3A_137 = arith.constant 0 : i32
    %dma_start3A_138 = tpu.memref_slice %arg8[%dma_start3A_136, %dma_start3A_137] : memref<2560x16xf32, #tpu.memory_space<vmem>> -> memref<128x16xf32, #tpu.memory_space<vmem>>
    %dma_start3A_139 = arith.constant 256 : i32
    %dma_start3A_140 = tpu.memref_slice %arg6[%dma_start3A_139] : memref<2560xi32, #tpu.memory_space<vmem>> -> memref<128xi32, #tpu.memory_space<vmem>>
    %dma_start3A_141 = arith.constant 0 : i32
    %dma_start3A_142 = arith.constant 0 : i32
    %dma_start3A_143 = tpu.memref_slice %arg2[%dma_start3A_141, %dma_start3A_142] : memref<1000000x16xf32, #tpu.memory_space<hbm>> -> memref<1000000x16xf32, #tpu.memory_space<hbm>>
    tpu.enqueue_indirect_dma source(%dma_start3A_143 : memref<1000000x16xf32, #tpu.memory_space<hbm>>) target(%dma_start3A_138 : memref<128x16xf32, #tpu.memory_space<vmem>>) offsets(%dma_start3A_140 : memref<128xi32, #tpu.memory_space<vmem>>) semaphore(%arg12 : memref<!tpu.dma_semaphore, #tpu.memory_space<semaphore_mem>>)
    %dma_start3A_144 = arith.constant 384 : i32
    %dma_start3A_145 = arith.constant 0 : i32
    %dma_start3A_146 = tpu.memref_slice %arg8[%dma_start3A_144, %dma_start3A_145] : memref<2560x16xf32, #tpu.memory_space<vmem>> -> memref<128x16xf32, #tpu.memory_space<vmem>>
    %dma_start3A_147 = arith.constant 384 : i32
    %dma_start3A_148 = tpu.memref_slice %arg6[%dma_start3A_147] : memref<2560xi32, #tpu.memory_space<vmem>> -> memref<128xi32, #tpu.memory_space<vmem>>
    %dma_start3A_149 = arith.constant 0 : i32
    %dma_start3A_150 = arith.constant 0 : i32
    %dma_start3A_151 = tpu.memref_slice %arg2[%dma_start3A_149, %dma_start3A_150] : memref<1000000x16xf32, #tpu.memory_space<hbm>> -> memref<1000000x16xf32, #tpu.memory_space<hbm>>
    tpu.enqueue_indirect_dma source(%dma_start3A_151 : memref<1000000x16xf32, #tpu.memory_space<hbm>>) target(%dma_start3A_146 : memref<128x16xf32, #tpu.memory_space<vmem>>) offsets(%dma_start3A_148 : memref<128xi32, #tpu.memory_space<vmem>>) semaphore(%arg12 : memref<!tpu.dma_semaphore, #tpu.memory_space<semaphore_mem>>)
    %dma_start3A_152 = arith.constant 512 : i32
    %dma_start3A_153 = arith.constant 0 : i32
    %dma_start3A_154 = tpu.memref_slice %arg8[%dma_start3A_152, %dma_start3A_153] : memref<2560x16xf32, #tpu.memory_space<vmem>> -> memref<128x16xf32, #tpu.memory_space<vmem>>
    %dma_start3A_155 = arith.constant 512 : i32
    %dma_start3A_156 = tpu.memref_slice %arg6[%dma_start3A_155] : memref<2560xi32, #tpu.memory_space<vmem>> -> memref<128xi32, #tpu.memory_space<vmem>>
    %dma_start3A_157 = arith.constant 0 : i32
    %dma_start3A_158 = arith.constant 0 : i32
    %dma_start3A_159 = tpu.memref_slice %arg2[%dma_start3A_157, %dma_start3A_158] : memref<1000000x16xf32, #tpu.memory_space<hbm>> -> memref<1000000x16xf32, #tpu.memory_space<hbm>>
    tpu.enqueue_indirect_dma source(%dma_start3A_159 : memref<1000000x16xf32, #tpu.memory_space<hbm>>) target(%dma_start3A_154 : memref<128x16xf32, #tpu.memory_space<vmem>>) offsets(%dma_start3A_156 : memref<128xi32, #tpu.memory_space<vmem>>) semaphore(%arg12 : memref<!tpu.dma_semaphore, #tpu.memory_space<semaphore_mem>>)
    %dma_start3A_160 = arith.constant 640 : i32
    %dma_start3A_161 = arith.constant 0 : i32
    %dma_start3A_162 = tpu.memref_slice %arg8[%dma_start3A_160, %dma_start3A_161] : memref<2560x16xf32, #tpu.memory_space<vmem>> -> memref<128x16xf32, #tpu.memory_space<vmem>>
    %dma_start3A_163 = arith.constant 640 : i32
    %dma_start3A_164 = tpu.memref_slice %arg6[%dma_start3A_163] : memref<2560xi32, #tpu.memory_space<vmem>> -> memref<128xi32, #tpu.memory_space<vmem>>
    %dma_start3A_165 = arith.constant 0 : i32
    %dma_start3A_166 = arith.constant 0 : i32
    %dma_start3A_167 = tpu.memref_slice %arg2[%dma_start3A_165, %dma_start3A_166] : memref<1000000x16xf32, #tpu.memory_space<hbm>> -> memref<1000000x16xf32, #tpu.memory_space<hbm>>
    tpu.enqueue_indirect_dma source(%dma_start3A_167 : memref<1000000x16xf32, #tpu.memory_space<hbm>>) target(%dma_start3A_162 : memref<128x16xf32, #tpu.memory_space<vmem>>) offsets(%dma_start3A_164 : memref<128xi32, #tpu.memory_space<vmem>>) semaphore(%arg12 : memref<!tpu.dma_semaphore, #tpu.memory_space<semaphore_mem>>)
    %dma_start3A_168 = arith.constant 768 : i32
    %dma_start3A_169 = arith.constant 0 : i32
    %dma_start3A_170 = tpu.memref_slice %arg8[%dma_start3A_168, %dma_start3A_169] : memref<2560x16xf32, #tpu.memory_space<vmem>> -> memref<128x16xf32, #tpu.memory_space<vmem>>
    %dma_start3A_171 = arith.constant 768 : i32
    %dma_start3A_172 = tpu.memref_slice %arg6[%dma_start3A_171] : memref<2560xi32, #tpu.memory_space<vmem>> -> memref<128xi32, #tpu.memory_space<vmem>>
    %dma_start3A_173 = arith.constant 0 : i32
    %dma_start3A_174 = arith.constant 0 : i32
    %dma_start3A_175 = tpu.memref_slice %arg2[%dma_start3A_173, %dma_start3A_174] : memref<1000000x16xf32, #tpu.memory_space<hbm>> -> memref<1000000x16xf32, #tpu.memory_space<hbm>>
    tpu.enqueue_indirect_dma source(%dma_start3A_175 : memref<1000000x16xf32, #tpu.memory_space<hbm>>) target(%dma_start3A_170 : memref<128x16xf32, #tpu.memory_space<vmem>>) offsets(%dma_start3A_172 : memref<128xi32, #tpu.memory_space<vmem>>) semaphore(%arg12 : memref<!tpu.dma_semaphore, #tpu.memory_space<semaphore_mem>>)
    %dma_start3A_176 = arith.constant 896 : i32
    %dma_start3A_177 = arith.constant 0 : i32
    %dma_start3A_178 = tpu.memref_slice %arg8[%dma_start3A_176, %dma_start3A_177] : memref<2560x16xf32, #tpu.memory_space<vmem>> -> memref<128x16xf32, #tpu.memory_space<vmem>>
    %dma_start3A_179 = arith.constant 896 : i32
    %dma_start3A_180 = tpu.memref_slice %arg6[%dma_start3A_179] : memref<2560xi32, #tpu.memory_space<vmem>> -> memref<128xi32, #tpu.memory_space<vmem>>
    %dma_start3A_181 = arith.constant 0 : i32
    %dma_start3A_182 = arith.constant 0 : i32
    %dma_start3A_183 = tpu.memref_slice %arg2[%dma_start3A_181, %dma_start3A_182] : memref<1000000x16xf32, #tpu.memory_space<hbm>> -> memref<1000000x16xf32, #tpu.memory_space<hbm>>
    tpu.enqueue_indirect_dma source(%dma_start3A_183 : memref<1000000x16xf32, #tpu.memory_space<hbm>>) target(%dma_start3A_178 : memref<128x16xf32, #tpu.memory_space<vmem>>) offsets(%dma_start3A_180 : memref<128xi32, #tpu.memory_space<vmem>>) semaphore(%arg12 : memref<!tpu.dma_semaphore, #tpu.memory_space<semaphore_mem>>)
    %dma_start3A_184 = arith.constant 1024 : i32
    %dma_start3A_185 = arith.constant 0 : i32
    %dma_start3A_186 = tpu.memref_slice %arg8[%dma_start3A_184, %dma_start3A_185] : memref<2560x16xf32, #tpu.memory_space<vmem>> -> memref<128x16xf32, #tpu.memory_space<vmem>>
    %dma_start3A_187 = arith.constant 1024 : i32
    %dma_start3A_188 = tpu.memref_slice %arg6[%dma_start3A_187] : memref<2560xi32, #tpu.memory_space<vmem>> -> memref<128xi32, #tpu.memory_space<vmem>>
    %dma_start3A_189 = arith.constant 0 : i32
    %dma_start3A_190 = arith.constant 0 : i32
    %dma_start3A_191 = tpu.memref_slice %arg2[%dma_start3A_189, %dma_start3A_190] : memref<1000000x16xf32, #tpu.memory_space<hbm>> -> memref<1000000x16xf32, #tpu.memory_space<hbm>>
    tpu.enqueue_indirect_dma source(%dma_start3A_191 : memref<1000000x16xf32, #tpu.memory_space<hbm>>) target(%dma_start3A_186 : memref<128x16xf32, #tpu.memory_space<vmem>>) offsets(%dma_start3A_188 : memref<128xi32, #tpu.memory_space<vmem>>) semaphore(%arg12 : memref<!tpu.dma_semaphore, #tpu.memory_space<semaphore_mem>>)
    %dma_start3A_192 = arith.constant 1152 : i32
    %dma_start3A_193 = arith.constant 0 : i32
    %dma_start3A_194 = tpu.memref_slice %arg8[%dma_start3A_192, %dma_start3A_193] : memref<2560x16xf32, #tpu.memory_space<vmem>> -> memref<128x16xf32, #tpu.memory_space<vmem>>
    %dma_start3A_195 = arith.constant 1152 : i32
    %dma_start3A_196 = tpu.memref_slice %arg6[%dma_start3A_195] : memref<2560xi32, #tpu.memory_space<vmem>> -> memref<128xi32, #tpu.memory_space<vmem>>
    %dma_start3A_197 = arith.constant 0 : i32
    %dma_start3A_198 = arith.constant 0 : i32
    %dma_start3A_199 = tpu.memref_slice %arg2[%dma_start3A_197, %dma_start3A_198] : memref<1000000x16xf32, #tpu.memory_space<hbm>> -> memref<1000000x16xf32, #tpu.memory_space<hbm>>
    tpu.enqueue_indirect_dma source(%dma_start3A_199 : memref<1000000x16xf32, #tpu.memory_space<hbm>>) target(%dma_start3A_194 : memref<128x16xf32, #tpu.memory_space<vmem>>) offsets(%dma_start3A_196 : memref<128xi32, #tpu.memory_space<vmem>>) semaphore(%arg12 : memref<!tpu.dma_semaphore, #tpu.memory_space<semaphore_mem>>)
    %dma_start3A_200 = arith.constant 1280 : i32
    %dma_start3A_201 = arith.constant 0 : i32
    %dma_start3A_202 = tpu.memref_slice %arg8[%dma_start3A_200, %dma_start3A_201] : memref<2560x16xf32, #tpu.memory_space<vmem>> -> memref<128x16xf32, #tpu.memory_space<vmem>>
    %dma_start3A_203 = arith.constant 1280 : i32
    %dma_start3A_204 = tpu.memref_slice %arg6[%dma_start3A_203] : memref<2560xi32, #tpu.memory_space<vmem>> -> memref<128xi32, #tpu.memory_space<vmem>>
    %dma_start3A_205 = arith.constant 0 : i32
    %dma_start3A_206 = arith.constant 0 : i32
    %dma_start3A_207 = tpu.memref_slice %arg2[%dma_start3A_205, %dma_start3A_206] : memref<1000000x16xf32, #tpu.memory_space<hbm>> -> memref<1000000x16xf32, #tpu.memory_space<hbm>>
    tpu.enqueue_indirect_dma source(%dma_start3A_207 : memref<1000000x16xf32, #tpu.memory_space<hbm>>) target(%dma_start3A_202 : memref<128x16xf32, #tpu.memory_space<vmem>>) offsets(%dma_start3A_204 : memref<128xi32, #tpu.memory_space<vmem>>) semaphore(%arg12 : memref<!tpu.dma_semaphore, #tpu.memory_space<semaphore_mem>>)
    %dma_start3A_208 = arith.constant 1408 : i32
    %dma_start3A_209 = arith.constant 0 : i32
    %dma_start3A_210 = tpu.memref_slice %arg8[%dma_start3A_208, %dma_start3A_209] : memref<2560x16xf32, #tpu.memory_space<vmem>> -> memref<128x16xf32, #tpu.memory_space<vmem>>
    %dma_start3A_211 = arith.constant 1408 : i32
    %dma_start3A_212 = tpu.memref_slice %arg6[%dma_start3A_211] : memref<2560xi32, #tpu.memory_space<vmem>> -> memref<128xi32, #tpu.memory_space<vmem>>
    %dma_start3A_213 = arith.constant 0 : i32
    %dma_start3A_214 = arith.constant 0 : i32
    %dma_start3A_215 = tpu.memref_slice %arg2[%dma_start3A_213, %dma_start3A_214] : memref<1000000x16xf32, #tpu.memory_space<hbm>> -> memref<1000000x16xf32, #tpu.memory_space<hbm>>
    tpu.enqueue_indirect_dma source(%dma_start3A_215 : memref<1000000x16xf32, #tpu.memory_space<hbm>>) target(%dma_start3A_210 : memref<128x16xf32, #tpu.memory_space<vmem>>) offsets(%dma_start3A_212 : memref<128xi32, #tpu.memory_space<vmem>>) semaphore(%arg12 : memref<!tpu.dma_semaphore, #tpu.memory_space<semaphore_mem>>)
    %dma_start3A_216 = arith.constant 1536 : i32
    %dma_start3A_217 = arith.constant 0 : i32
    %dma_start3A_218 = tpu.memref_slice %arg8[%dma_start3A_216, %dma_start3A_217] : memref<2560x16xf32, #tpu.memory_space<vmem>> -> memref<128x16xf32, #tpu.memory_space<vmem>>
    %dma_start3A_219 = arith.constant 1536 : i32
    %dma_start3A_220 = tpu.memref_slice %arg6[%dma_start3A_219] : memref<2560xi32, #tpu.memory_space<vmem>> -> memref<128xi32, #tpu.memory_space<vmem>>
    %dma_start3A_221 = arith.constant 0 : i32
    %dma_start3A_222 = arith.constant 0 : i32
    %dma_start3A_223 = tpu.memref_slice %arg2[%dma_start3A_221, %dma_start3A_222] : memref<1000000x16xf32, #tpu.memory_space<hbm>> -> memref<1000000x16xf32, #tpu.memory_space<hbm>>
    tpu.enqueue_indirect_dma source(%dma_start3A_223 : memref<1000000x16xf32, #tpu.memory_space<hbm>>) target(%dma_start3A_218 : memref<128x16xf32, #tpu.memory_space<vmem>>) offsets(%dma_start3A_220 : memref<128xi32, #tpu.memory_space<vmem>>) semaphore(%arg12 : memref<!tpu.dma_semaphore, #tpu.memory_space<semaphore_mem>>)
    %dma_start3A_224 = arith.constant 1664 : i32
    %dma_start3A_225 = arith.constant 0 : i32
    %dma_start3A_226 = tpu.memref_slice %arg8[%dma_start3A_224, %dma_start3A_225] : memref<2560x16xf32, #tpu.memory_space<vmem>> -> memref<128x16xf32, #tpu.memory_space<vmem>>
    %dma_start3A_227 = arith.constant 1664 : i32
    %dma_start3A_228 = tpu.memref_slice %arg6[%dma_start3A_227] : memref<2560xi32, #tpu.memory_space<vmem>> -> memref<128xi32, #tpu.memory_space<vmem>>
    %dma_start3A_229 = arith.constant 0 : i32
    %dma_start3A_230 = arith.constant 0 : i32
    %dma_start3A_231 = tpu.memref_slice %arg2[%dma_start3A_229, %dma_start3A_230] : memref<1000000x16xf32, #tpu.memory_space<hbm>> -> memref<1000000x16xf32, #tpu.memory_space<hbm>>
    tpu.enqueue_indirect_dma source(%dma_start3A_231 : memref<1000000x16xf32, #tpu.memory_space<hbm>>) target(%dma_start3A_226 : memref<128x16xf32, #tpu.memory_space<vmem>>) offsets(%dma_start3A_228 : memref<128xi32, #tpu.memory_space<vmem>>) semaphore(%arg12 : memref<!tpu.dma_semaphore, #tpu.memory_space<semaphore_mem>>)
    %dma_start3A_232 = arith.constant 1792 : i32
    %dma_start3A_233 = arith.constant 0 : i32
    %dma_start3A_234 = tpu.memref_slice %arg8[%dma_start3A_232, %dma_start3A_233] : memref<2560x16xf32, #tpu.memory_space<vmem>> -> memref<128x16xf32, #tpu.memory_space<vmem>>
    %dma_start3A_235 = arith.constant 1792 : i32
    %dma_start3A_236 = tpu.memref_slice %arg6[%dma_start3A_235] : memref<2560xi32, #tpu.memory_space<vmem>> -> memref<128xi32, #tpu.memory_space<vmem>>
    %dma_start3A_237 = arith.constant 0 : i32
    %dma_start3A_238 = arith.constant 0 : i32
    %dma_start3A_239 = tpu.memref_slice %arg2[%dma_start3A_237, %dma_start3A_238] : memref<1000000x16xf32, #tpu.memory_space<hbm>> -> memref<1000000x16xf32, #tpu.memory_space<hbm>>
    tpu.enqueue_indirect_dma source(%dma_start3A_239 : memref<1000000x16xf32, #tpu.memory_space<hbm>>) target(%dma_start3A_234 : memref<128x16xf32, #tpu.memory_space<vmem>>) offsets(%dma_start3A_236 : memref<128xi32, #tpu.memory_space<vmem>>) semaphore(%arg12 : memref<!tpu.dma_semaphore, #tpu.memory_space<semaphore_mem>>)
    %dma_start3A_240 = arith.constant 1920 : i32
    %dma_start3A_241 = arith.constant 0 : i32
    %dma_start3A_242 = tpu.memref_slice %arg8[%dma_start3A_240, %dma_start3A_241] : memref<2560x16xf32, #tpu.memory_space<vmem>> -> memref<128x16xf32, #tpu.memory_space<vmem>>
    %dma_start3A_243 = arith.constant 1920 : i32
    %dma_start3A_244 = tpu.memref_slice %arg6[%dma_start3A_243] : memref<2560xi32, #tpu.memory_space<vmem>> -> memref<128xi32, #tpu.memory_space<vmem>>
    %dma_start3A_245 = arith.constant 0 : i32
    %dma_start3A_246 = arith.constant 0 : i32
    %dma_start3A_247 = tpu.memref_slice %arg2[%dma_start3A_245, %dma_start3A_246] : memref<1000000x16xf32, #tpu.memory_space<hbm>> -> memref<1000000x16xf32, #tpu.memory_space<hbm>>
    tpu.enqueue_indirect_dma source(%dma_start3A_247 : memref<1000000x16xf32, #tpu.memory_space<hbm>>) target(%dma_start3A_242 : memref<128x16xf32, #tpu.memory_space<vmem>>) offsets(%dma_start3A_244 : memref<128xi32, #tpu.memory_space<vmem>>) semaphore(%arg12 : memref<!tpu.dma_semaphore, #tpu.memory_space<semaphore_mem>>)
    %dma_start3A_248 = arith.constant 2048 : i32
    %dma_start3A_249 = arith.constant 0 : i32
    %dma_start3A_250 = tpu.memref_slice %arg8[%dma_start3A_248, %dma_start3A_249] : memref<2560x16xf32, #tpu.memory_space<vmem>> -> memref<128x16xf32, #tpu.memory_space<vmem>>
    %dma_start3A_251 = arith.constant 2048 : i32
    %dma_start3A_252 = tpu.memref_slice %arg6[%dma_start3A_251] : memref<2560xi32, #tpu.memory_space<vmem>> -> memref<128xi32, #tpu.memory_space<vmem>>
    %dma_start3A_253 = arith.constant 0 : i32
    %dma_start3A_254 = arith.constant 0 : i32
    %dma_start3A_255 = tpu.memref_slice %arg2[%dma_start3A_253, %dma_start3A_254] : memref<1000000x16xf32, #tpu.memory_space<hbm>> -> memref<1000000x16xf32, #tpu.memory_space<hbm>>
    tpu.enqueue_indirect_dma source(%dma_start3A_255 : memref<1000000x16xf32, #tpu.memory_space<hbm>>) target(%dma_start3A_250 : memref<128x16xf32, #tpu.memory_space<vmem>>) offsets(%dma_start3A_252 : memref<128xi32, #tpu.memory_space<vmem>>) semaphore(%arg12 : memref<!tpu.dma_semaphore, #tpu.memory_space<semaphore_mem>>)
    %dma_start3A_256 = arith.constant 2176 : i32
    %dma_start3A_257 = arith.constant 0 : i32
    %dma_start3A_258 = tpu.memref_slice %arg8[%dma_start3A_256, %dma_start3A_257] : memref<2560x16xf32, #tpu.memory_space<vmem>> -> memref<128x16xf32, #tpu.memory_space<vmem>>
    %dma_start3A_259 = arith.constant 2176 : i32
    %dma_start3A_260 = tpu.memref_slice %arg6[%dma_start3A_259] : memref<2560xi32, #tpu.memory_space<vmem>> -> memref<128xi32, #tpu.memory_space<vmem>>
    %dma_start3A_261 = arith.constant 0 : i32
    %dma_start3A_262 = arith.constant 0 : i32
    %dma_start3A_263 = tpu.memref_slice %arg2[%dma_start3A_261, %dma_start3A_262] : memref<1000000x16xf32, #tpu.memory_space<hbm>> -> memref<1000000x16xf32, #tpu.memory_space<hbm>>
    tpu.enqueue_indirect_dma source(%dma_start3A_263 : memref<1000000x16xf32, #tpu.memory_space<hbm>>) target(%dma_start3A_258 : memref<128x16xf32, #tpu.memory_space<vmem>>) offsets(%dma_start3A_260 : memref<128xi32, #tpu.memory_space<vmem>>) semaphore(%arg12 : memref<!tpu.dma_semaphore, #tpu.memory_space<semaphore_mem>>)
    %dma_start3A_264 = arith.constant 2304 : i32
    %dma_start3A_265 = arith.constant 0 : i32
    %dma_start3A_266 = tpu.memref_slice %arg8[%dma_start3A_264, %dma_start3A_265] : memref<2560x16xf32, #tpu.memory_space<vmem>> -> memref<128x16xf32, #tpu.memory_space<vmem>>
    %dma_start3A_267 = arith.constant 2304 : i32
    %dma_start3A_268 = tpu.memref_slice %arg6[%dma_start3A_267] : memref<2560xi32, #tpu.memory_space<vmem>> -> memref<128xi32, #tpu.memory_space<vmem>>
    %dma_start3A_269 = arith.constant 0 : i32
    %dma_start3A_270 = arith.constant 0 : i32
    %dma_start3A_271 = tpu.memref_slice %arg2[%dma_start3A_269, %dma_start3A_270] : memref<1000000x16xf32, #tpu.memory_space<hbm>> -> memref<1000000x16xf32, #tpu.memory_space<hbm>>
    tpu.enqueue_indirect_dma source(%dma_start3A_271 : memref<1000000x16xf32, #tpu.memory_space<hbm>>) target(%dma_start3A_266 : memref<128x16xf32, #tpu.memory_space<vmem>>) offsets(%dma_start3A_268 : memref<128xi32, #tpu.memory_space<vmem>>) semaphore(%arg12 : memref<!tpu.dma_semaphore, #tpu.memory_space<semaphore_mem>>)
    %dma_start3A_272 = arith.constant 2432 : i32
    %dma_start3A_273 = arith.constant 0 : i32
    %dma_start3A_274 = tpu.memref_slice %arg8[%dma_start3A_272, %dma_start3A_273] : memref<2560x16xf32, #tpu.memory_space<vmem>> -> memref<128x16xf32, #tpu.memory_space<vmem>>
    %dma_start3A_275 = arith.constant 2432 : i32
    %dma_start3A_276 = tpu.memref_slice %arg6[%dma_start3A_275] : memref<2560xi32, #tpu.memory_space<vmem>> -> memref<128xi32, #tpu.memory_space<vmem>>
    %dma_start3A_277 = arith.constant 0 : i32
    %dma_start3A_278 = arith.constant 0 : i32
    %dma_start3A_279 = tpu.memref_slice %arg2[%dma_start3A_277, %dma_start3A_278] : memref<1000000x16xf32, #tpu.memory_space<hbm>> -> memref<1000000x16xf32, #tpu.memory_space<hbm>>
    tpu.enqueue_indirect_dma source(%dma_start3A_279 : memref<1000000x16xf32, #tpu.memory_space<hbm>>) target(%dma_start3A_274 : memref<128x16xf32, #tpu.memory_space<vmem>>) offsets(%dma_start3A_276 : memref<128xi32, #tpu.memory_space<vmem>>) semaphore(%arg12 : memref<!tpu.dma_semaphore, #tpu.memory_space<semaphore_mem>>)
    %jit3A_280 = arith.constant 512 : i32
    %div3A_281 = arith.divsi %mul3A_2, %jit3A_280 : i32
    %sign3A_282 = arith.constant 0 : i32
    %sign3A_283 = arith.cmpi sgt, %mul3A_2, %sign3A_282 : i32
    %sign3A_284 = arith.extui %sign3A_283 : i1 to i32
    %sign3A_285 = arith.constant 0 : i32
    %sign3A_286 = arith.cmpi slt, %mul3A_2, %sign3A_285 : i32
    %sign3A_287 = arith.extui %sign3A_286 : i1 to i32
    %sign3A_288 = arith.subi %sign3A_284, %sign3A_287 : i32
    %sign3A_289 = arith.constant 0 : i32
    %sign3A_290 = arith.cmpi sgt, %jit3A_280, %sign3A_289 : i32
    %sign3A_291 = arith.extui %sign3A_290 : i1 to i32
    %sign3A_292 = arith.constant 0 : i32
    %sign3A_293 = arith.cmpi slt, %jit3A_280, %sign3A_292 : i32
    %sign3A_294 = arith.extui %sign3A_293 : i1 to i32
    %sign3A_295 = arith.subi %sign3A_291, %sign3A_294 : i32
    %ne3A_296 = arith.cmpi ne, %sign3A_288, %sign3A_295 : i32
    %rem3A_297 = arith.remsi %mul3A_2, %jit3A_280 : i32
    %ne3A_298 = arith.constant 0 : i32
    %ne3A_299 = arith.cmpi ne, %rem3A_297, %ne3A_298 : i32
    %and3A_300 = arith.andi %ne3A_296, %ne3A_299 : i1
    %sub3A_301 = arith.constant 1 : i32
    %sub3A_302 = arith.subi %div3A_281, %sub3A_301 : i32
    %select_n3A_303 = arith.select %and3A_300, %sub3A_302, %div3A_281 : i32
    %add3A_304 = arith.constant 1 : i32
    %add3A_305 = arith.addi %select_n3A_303, %add3A_304 : i32
    %lt3A_306 = arith.constant 32 : i32
    %lt3A_307 = arith.cmpi slt, %add3A_305, %lt3A_306 : i32
    %mul3A_308 = arith.constant 512 : i32
    %mul3A_309 = arith.muli %add3A_305, %mul3A_308 : i32
    %add3A_310 = arith.constant 0 : i32
    %add3A_311 = arith.addi %add3A_310, %mul3A_309 : i32
    %sub3A_312 = arith.constant 32 : i32
    %sub3A_313 = arith.subi %add3A_305, %sub3A_312 : i32
    %mul3A_314 = arith.constant 512 : i32
    %mul3A_315 = arith.muli %sub3A_313, %mul3A_314 : i32
    %add3A_316 = arith.constant 81920 : i32
    %add3A_317 = arith.addi %add3A_316, %mul3A_315 : i32
    %select_n3A_318 = arith.select %lt3A_307, %add3A_311, %add3A_317 : i32
    %dma_start3A_319 = arith.constant 0 : i32
    %dma_start3A_320 = tpu.memref_slice %arg7[%dma_start3A_319] : memref<2560xi32, #tpu.memory_space<vmem>> -> memref<512xi32, #tpu.memory_space<vmem>>
    %dma_start3A_321 = tpu.memref_slice %arg3[%select_n3A_318] : memref<1720320xi32, #tpu.memory_space<hbm>> -> memref<512xi32, #tpu.memory_space<hbm>>
    %dma_start3A_322 = arith.constant 0 : i32
    %dma_start3A_323 = tpu.memref_slice %arg7[%dma_start3A_322] : memref<2560xi32, #tpu.memory_space<vmem>> -> memref<512xi32, #tpu.memory_space<vmem>>
    %dma_start3A_324 = tpu.memref_slice %arg3[%select_n3A_318] : memref<1720320xi32, #tpu.memory_space<hbm>> -> memref<512xi32, #tpu.memory_space<hbm>>
    tpu.enqueue_dma source(%dma_start3A_324 : memref<512xi32, #tpu.memory_space<hbm>>) target(%dma_start3A_323 : memref<512xi32, #tpu.memory_space<vmem>>) target_semaphore(%arg15 : memref<!tpu.dma_semaphore, #tpu.memory_space<semaphore_mem>>)
    %lt3A_325 = arith.constant 32 : i32
    %lt3A_326 = arith.cmpi slt, %add3A_305, %lt3A_325 : i32
    %mul3A_327 = arith.constant 512 : i32
    %mul3A_328 = arith.muli %add3A_305, %mul3A_327 : i32
    %add3A_329 = arith.constant 16384 : i32
    %add3A_330 = arith.addi %add3A_329, %mul3A_328 : i32
    %sub3A_331 = arith.constant 32 : i32
    %sub3A_332 = arith.subi %add3A_305, %sub3A_331 : i32
    %mul3A_333 = arith.constant 512 : i32
    %mul3A_334 = arith.muli %sub3A_332, %mul3A_333 : i32
    %add3A_335 = arith.constant 409600 : i32
    %add3A_336 = arith.addi %add3A_335, %mul3A_334 : i32
    %select_n3A_337 = arith.select %lt3A_326, %add3A_330, %add3A_336 : i32
    %dma_start3A_338 = arith.constant 512 : i32
    %dma_start3A_339 = tpu.memref_slice %arg7[%dma_start3A_338] : memref<2560xi32, #tpu.memory_space<vmem>> -> memref<512xi32, #tpu.memory_space<vmem>>
    %dma_start3A_340 = tpu.memref_slice %arg3[%select_n3A_337] : memref<1720320xi32, #tpu.memory_space<hbm>> -> memref<512xi32, #tpu.memory_space<hbm>>
    %dma_start3A_341 = arith.constant 512 : i32
    %dma_start3A_342 = tpu.memref_slice %arg7[%dma_start3A_341] : memref<2560xi32, #tpu.memory_space<vmem>> -> memref<512xi32, #tpu.memory_space<vmem>>
    %dma_start3A_343 = tpu.memref_slice %arg3[%select_n3A_337] : memref<1720320xi32, #tpu.memory_space<hbm>> -> memref<512xi32, #tpu.memory_space<hbm>>
    tpu.enqueue_dma source(%dma_start3A_343 : memref<512xi32, #tpu.memory_space<hbm>>) target(%dma_start3A_342 : memref<512xi32, #tpu.memory_space<vmem>>) target_semaphore(%arg15 : memref<!tpu.dma_semaphore, #tpu.memory_space<semaphore_mem>>)
    %lt3A_344 = arith.constant 32 : i32
    %lt3A_345 = arith.cmpi slt, %add3A_305, %lt3A_344 : i32
    %mul3A_346 = arith.constant 512 : i32
    %mul3A_347 = arith.muli %add3A_305, %mul3A_346 : i32
    %add3A_348 = arith.constant 32768 : i32
    %add3A_349 = arith.addi %add3A_348, %mul3A_347 : i32
    %sub3A_350 = arith.constant 32 : i32
    %sub3A_351 = arith.subi %add3A_305, %sub3A_350 : i32
    %mul3A_352 = arith.constant 512 : i32
    %mul3A_353 = arith.muli %sub3A_351, %mul3A_352 : i32
    %add3A_354 = arith.constant 737280 : i32
    %add3A_355 = arith.addi %add3A_354, %mul3A_353 : i32
    %select_n3A_356 = arith.select %lt3A_345, %add3A_349, %add3A_355 : i32
    %dma_start3A_357 = arith.constant 1024 : i32
    %dma_start3A_358 = tpu.memref_slice %arg7[%dma_start3A_357] : memref<2560xi32, #tpu.memory_space<vmem>> -> memref<512xi32, #tpu.memory_space<vmem>>
    %dma_start3A_359 = tpu.memref_slice %arg3[%select_n3A_356] : memref<1720320xi32, #tpu.memory_space<hbm>> -> memref<512xi32, #tpu.memory_space<hbm>>
    %dma_start3A_360 = arith.constant 1024 : i32
    %dma_start3A_361 = tpu.memref_slice %arg7[%dma_start3A_360] : memref<2560xi32, #tpu.memory_space<vmem>> -> memref<512xi32, #tpu.memory_space<vmem>>
    %dma_start3A_362 = tpu.memref_slice %arg3[%select_n3A_356] : memref<1720320xi32, #tpu.memory_space<hbm>> -> memref<512xi32, #tpu.memory_space<hbm>>
    tpu.enqueue_dma source(%dma_start3A_362 : memref<512xi32, #tpu.memory_space<hbm>>) target(%dma_start3A_361 : memref<512xi32, #tpu.memory_space<vmem>>) target_semaphore(%arg15 : memref<!tpu.dma_semaphore, #tpu.memory_space<semaphore_mem>>)
    %lt3A_363 = arith.constant 32 : i32
    %lt3A_364 = arith.cmpi slt, %add3A_305, %lt3A_363 : i32
    %mul3A_365 = arith.constant 512 : i32
    %mul3A_366 = arith.muli %add3A_305, %mul3A_365 : i32
    %add3A_367 = arith.constant 49152 : i32
    %add3A_368 = arith.addi %add3A_367, %mul3A_366 : i32
    %sub3A_369 = arith.constant 32 : i32
    %sub3A_370 = arith.subi %add3A_305, %sub3A_369 : i32
    %mul3A_371 = arith.constant 512 : i32
    %mul3A_372 = arith.muli %sub3A_370, %mul3A_371 : i32
    %add3A_373 = arith.constant 1064960 : i32
    %add3A_374 = arith.addi %add3A_373, %mul3A_372 : i32
    %select_n3A_375 = arith.select %lt3A_364, %add3A_368, %add3A_374 : i32
    %dma_start3A_376 = arith.constant 1536 : i32
    %dma_start3A_377 = tpu.memref_slice %arg7[%dma_start3A_376] : memref<2560xi32, #tpu.memory_space<vmem>> -> memref<512xi32, #tpu.memory_space<vmem>>
    %dma_start3A_378 = tpu.memref_slice %arg3[%select_n3A_375] : memref<1720320xi32, #tpu.memory_space<hbm>> -> memref<512xi32, #tpu.memory_space<hbm>>
    %dma_start3A_379 = arith.constant 1536 : i32
    %dma_start3A_380 = tpu.memref_slice %arg7[%dma_start3A_379] : memref<2560xi32, #tpu.memory_space<vmem>> -> memref<512xi32, #tpu.memory_space<vmem>>
    %dma_start3A_381 = tpu.memref_slice %arg3[%select_n3A_375] : memref<1720320xi32, #tpu.memory_space<hbm>> -> memref<512xi32, #tpu.memory_space<hbm>>
    tpu.enqueue_dma source(%dma_start3A_381 : memref<512xi32, #tpu.memory_space<hbm>>) target(%dma_start3A_380 : memref<512xi32, #tpu.memory_space<vmem>>) target_semaphore(%arg15 : memref<!tpu.dma_semaphore, #tpu.memory_space<semaphore_mem>>)
    %lt3A_382 = arith.constant 32 : i32
    %lt3A_383 = arith.cmpi slt, %add3A_305, %lt3A_382 : i32
    %mul3A_384 = arith.constant 512 : i32
    %mul3A_385 = arith.muli %add3A_305, %mul3A_384 : i32
    %add3A_386 = arith.constant 65536 : i32
    %add3A_387 = arith.addi %add3A_386, %mul3A_385 : i32
    %sub3A_388 = arith.constant 32 : i32
    %sub3A_389 = arith.subi %add3A_305, %sub3A_388 : i32
    %mul3A_390 = arith.constant 512 : i32
    %mul3A_391 = arith.muli %sub3A_389, %mul3A_390 : i32
    %add3A_392 = arith.constant 1392640 : i32
    %add3A_393 = arith.addi %add3A_392, %mul3A_391 : i32
    %select_n3A_394 = arith.select %lt3A_383, %add3A_387, %add3A_393 : i32
    %dma_start3A_395 = arith.constant 2048 : i32
    %dma_start3A_396 = tpu.memref_slice %arg7[%dma_start3A_395] : memref<2560xi32, #tpu.memory_space<vmem>> -> memref<512xi32, #tpu.memory_space<vmem>>
    %dma_start3A_397 = tpu.memref_slice %arg3[%select_n3A_394] : memref<1720320xi32, #tpu.memory_space<hbm>> -> memref<512xi32, #tpu.memory_space<hbm>>
    %dma_start3A_398 = arith.constant 2048 : i32
    %dma_start3A_399 = tpu.memref_slice %arg7[%dma_start3A_398] : memref<2560xi32, #tpu.memory_space<vmem>> -> memref<512xi32, #tpu.memory_space<vmem>>
    %dma_start3A_400 = tpu.memref_slice %arg3[%select_n3A_394] : memref<1720320xi32, #tpu.memory_space<hbm>> -> memref<512xi32, #tpu.memory_space<hbm>>
    tpu.enqueue_dma source(%dma_start3A_400 : memref<512xi32, #tpu.memory_space<hbm>>) target(%dma_start3A_399 : memref<512xi32, #tpu.memory_space<vmem>>) target_semaphore(%arg15 : memref<!tpu.dma_semaphore, #tpu.memory_space<semaphore_mem>>)
    %scan3A = arith.constant 0 : i32
    %scan3A_401 = arith.constant 0 : i32
    %scan3A_402 = arith.constant 10 : i32
    %scan3A_403 = arith.addi %scan3A_401, %scan3A_402 : i32
    %scan3A_404 = arith.constant 1 : i32
    scf.for %scan3A_420 = %scan3A_401 to %scan3A_403 step %scan3A_404  : i32 {
      %mul3A_421 = arith.constant 2 : i32
      %mul3A_422 = arith.muli %scan3A_420, %mul3A_421 : i32
      %add3A_423 = arith.constant 0 : i32
      %add3A_424 = arith.addi %mul3A_422, %add3A_423 : i32
      %dma_wait3A_425 = arith.constant 0 : i32
      %dma_wait3A_426 = arith.constant 0 : i32
      %dma_wait3A_427 = tpu.memref_slice %arg2[%dma_wait3A_425, %dma_wait3A_426] : memref<1000000x16xf32, #tpu.memory_space<hbm>> -> memref<2560x16xf32, #tpu.memory_space<hbm>>
      %dma_wait3A_428 = arith.constant 0 : i32
      %dma_wait3A_429 = arith.constant 0 : i32
      %dma_wait3A_430 = tpu.memref_slice %arg2[%dma_wait3A_428, %dma_wait3A_429] : memref<1000000x16xf32, #tpu.memory_space<hbm>> -> memref<2560x16xf32, #tpu.memory_space<hbm>>
      tpu.wait_dma2 semaphore(%arg12 : memref<!tpu.dma_semaphore, #tpu.memory_space<semaphore_mem>>) src(%dma_wait3A_430 : memref<2560x16xf32, #tpu.memory_space<hbm>>) dst(%arg8 : memref<2560x16xf32, #tpu.memory_space<vmem>>)
      %dma_wait3A_431 = arith.constant 0 : i32
      %dma_wait3A_432 = tpu.memref_slice %arg3[%dma_wait3A_431] : memref<1720320xi32, #tpu.memory_space<hbm>> -> memref<2560xi32, #tpu.memory_space<hbm>>
      %dma_wait3A_433 = arith.constant 0 : i32
      %dma_wait3A_434 = tpu.memref_slice %arg3[%dma_wait3A_433] : memref<1720320xi32, #tpu.memory_space<hbm>> -> memref<2560xi32, #tpu.memory_space<hbm>>
      tpu.wait_dma2 semaphore(%arg15 : memref<!tpu.dma_semaphore, #tpu.memory_space<semaphore_mem>>) src(%dma_wait3A_434 : memref<2560xi32, #tpu.memory_space<hbm>>) dst(%arg7 : memref<2560xi32, #tpu.memory_space<vmem>>)
      %add3A_435 = arith.constant 1 : i32
      %add3A_436 = arith.addi %add3A_424, %add3A_435 : i32
      %dma_start3A_437 = arith.constant 0 : i32
      %dma_start3A_438 = arith.constant 0 : i32
      %dma_start3A_439 = tpu.memref_slice %arg9[%dma_start3A_437, %dma_start3A_438] : memref<2560x16xf32, #tpu.memory_space<vmem>> -> memref<128x16xf32, #tpu.memory_space<vmem>>
      %dma_start3A_440 = arith.constant 0 : i32
      %dma_start3A_441 = tpu.memref_slice %arg7[%dma_start3A_440] : memref<2560xi32, #tpu.memory_space<vmem>> -> memref<128xi32, #tpu.memory_space<vmem>>
      %dma_start3A_442 = arith.constant 0 : i32
      %dma_start3A_443 = arith.constant 0 : i32
      %dma_start3A_444 = tpu.memref_slice %arg2[%dma_start3A_442, %dma_start3A_443] : memref<1000000x16xf32, #tpu.memory_space<hbm>> -> memref<1000000x16xf32, #tpu.memory_space<hbm>>
      tpu.enqueue_indirect_dma source(%dma_start3A_444 : memref<1000000x16xf32, #tpu.memory_space<hbm>>) target(%dma_start3A_439 : memref<128x16xf32, #tpu.memory_space<vmem>>) offsets(%dma_start3A_441 : memref<128xi32, #tpu.memory_space<vmem>>) semaphore(%arg13 : memref<!tpu.dma_semaphore, #tpu.memory_space<semaphore_mem>>)
      %dma_start3A_445 = arith.constant 128 : i32
      %dma_start3A_446 = arith.constant 0 : i32
      %dma_start3A_447 = tpu.memref_slice %arg9[%dma_start3A_445, %dma_start3A_446] : memref<2560x16xf32, #tpu.memory_space<vmem>> -> memref<128x16xf32, #tpu.memory_space<vmem>>
      %dma_start3A_448 = arith.constant 128 : i32
      %dma_start3A_449 = tpu.memref_slice %arg7[%dma_start3A_448] : memref<2560xi32, #tpu.memory_space<vmem>> -> memref<128xi32, #tpu.memory_space<vmem>>
      %dma_start3A_450 = arith.constant 0 : i32
      %dma_start3A_451 = arith.constant 0 : i32
      %dma_start3A_452 = tpu.memref_slice %arg2[%dma_start3A_450, %dma_start3A_451] : memref<1000000x16xf32, #tpu.memory_space<hbm>> -> memref<1000000x16xf32, #tpu.memory_space<hbm>>
      tpu.enqueue_indirect_dma source(%dma_start3A_452 : memref<1000000x16xf32, #tpu.memory_space<hbm>>) target(%dma_start3A_447 : memref<128x16xf32, #tpu.memory_space<vmem>>) offsets(%dma_start3A_449 : memref<128xi32, #tpu.memory_space<vmem>>) semaphore(%arg13 : memref<!tpu.dma_semaphore, #tpu.memory_space<semaphore_mem>>)
      %dma_start3A_453 = arith.constant 256 : i32
      %dma_start3A_454 = arith.constant 0 : i32
      %dma_start3A_455 = tpu.memref_slice %arg9[%dma_start3A_453, %dma_start3A_454] : memref<2560x16xf32, #tpu.memory_space<vmem>> -> memref<128x16xf32, #tpu.memory_space<vmem>>
      %dma_start3A_456 = arith.constant 256 : i32
      %dma_start3A_457 = tpu.memref_slice %arg7[%dma_start3A_456] : memref<2560xi32, #tpu.memory_space<vmem>> -> memref<128xi32, #tpu.memory_space<vmem>>
      %dma_start3A_458 = arith.constant 0 : i32
      %dma_start3A_459 = arith.constant 0 : i32
      %dma_start3A_460 = tpu.memref_slice %arg2[%dma_start3A_458, %dma_start3A_459] : memref<1000000x16xf32, #tpu.memory_space<hbm>> -> memref<1000000x16xf32, #tpu.memory_space<hbm>>
      tpu.enqueue_indirect_dma source(%dma_start3A_460 : memref<1000000x16xf32, #tpu.memory_space<hbm>>) target(%dma_start3A_455 : memref<128x16xf32, #tpu.memory_space<vmem>>) offsets(%dma_start3A_457 : memref<128xi32, #tpu.memory_space<vmem>>) semaphore(%arg13 : memref<!tpu.dma_semaphore, #tpu.memory_space<semaphore_mem>>)
      %dma_start3A_461 = arith.constant 384 : i32
      %dma_start3A_462 = arith.constant 0 : i32
      %dma_start3A_463 = tpu.memref_slice %arg9[%dma_start3A_461, %dma_start3A_462] : memref<2560x16xf32, #tpu.memory_space<vmem>> -> memref<128x16xf32, #tpu.memory_space<vmem>>
      %dma_start3A_464 = arith.constant 384 : i32
      %dma_start3A_465 = tpu.memref_slice %arg7[%dma_start3A_464] : memref<2560xi32, #tpu.memory_space<vmem>> -> memref<128xi32, #tpu.memory_space<vmem>>
      %dma_start3A_466 = arith.constant 0 : i32
      %dma_start3A_467 = arith.constant 0 : i32
      %dma_start3A_468 = tpu.memref_slice %arg2[%dma_start3A_466, %dma_start3A_467] : memref<1000000x16xf32, #tpu.memory_space<hbm>> -> memref<1000000x16xf32, #tpu.memory_space<hbm>>
      tpu.enqueue_indirect_dma source(%dma_start3A_468 : memref<1000000x16xf32, #tpu.memory_space<hbm>>) target(%dma_start3A_463 : memref<128x16xf32, #tpu.memory_space<vmem>>) offsets(%dma_start3A_465 : memref<128xi32, #tpu.memory_space<vmem>>) semaphore(%arg13 : memref<!tpu.dma_semaphore, #tpu.memory_space<semaphore_mem>>)
      %dma_start3A_469 = arith.constant 512 : i32
      %dma_start3A_470 = arith.constant 0 : i32
      %dma_start3A_471 = tpu.memref_slice %arg9[%dma_start3A_469, %dma_start3A_470] : memref<2560x16xf32, #tpu.memory_space<vmem>> -> memref<128x16xf32, #tpu.memory_space<vmem>>
      %dma_start3A_472 = arith.constant 512 : i32
      %dma_start3A_473 = tpu.memref_slice %arg7[%dma_start3A_472] : memref<2560xi32, #tpu.memory_space<vmem>> -> memref<128xi32, #tpu.memory_space<vmem>>
      %dma_start3A_474 = arith.constant 0 : i32
      %dma_start3A_475 = arith.constant 0 : i32
      %dma_start3A_476 = tpu.memref_slice %arg2[%dma_start3A_474, %dma_start3A_475] : memref<1000000x16xf32, #tpu.memory_space<hbm>> -> memref<1000000x16xf32, #tpu.memory_space<hbm>>
      tpu.enqueue_indirect_dma source(%dma_start3A_476 : memref<1000000x16xf32, #tpu.memory_space<hbm>>) target(%dma_start3A_471 : memref<128x16xf32, #tpu.memory_space<vmem>>) offsets(%dma_start3A_473 : memref<128xi32, #tpu.memory_space<vmem>>) semaphore(%arg13 : memref<!tpu.dma_semaphore, #tpu.memory_space<semaphore_mem>>)
      %dma_start3A_477 = arith.constant 640 : i32
      %dma_start3A_478 = arith.constant 0 : i32
      %dma_start3A_479 = tpu.memref_slice %arg9[%dma_start3A_477, %dma_start3A_478] : memref<2560x16xf32, #tpu.memory_space<vmem>> -> memref<128x16xf32, #tpu.memory_space<vmem>>
      %dma_start3A_480 = arith.constant 640 : i32
      %dma_start3A_481 = tpu.memref_slice %arg7[%dma_start3A_480] : memref<2560xi32, #tpu.memory_space<vmem>> -> memref<128xi32, #tpu.memory_space<vmem>>
      %dma_start3A_482 = arith.constant 0 : i32
      %dma_start3A_483 = arith.constant 0 : i32
      %dma_start3A_484 = tpu.memref_slice %arg2[%dma_start3A_482, %dma_start3A_483] : memref<1000000x16xf32, #tpu.memory_space<hbm>> -> memref<1000000x16xf32, #tpu.memory_space<hbm>>
      tpu.enqueue_indirect_dma source(%dma_start3A_484 : memref<1000000x16xf32, #tpu.memory_space<hbm>>) target(%dma_start3A_479 : memref<128x16xf32, #tpu.memory_space<vmem>>) offsets(%dma_start3A_481 : memref<128xi32, #tpu.memory_space<vmem>>) semaphore(%arg13 : memref<!tpu.dma_semaphore, #tpu.memory_space<semaphore_mem>>)
      %dma_start3A_485 = arith.constant 768 : i32
      %dma_start3A_486 = arith.constant 0 : i32
      %dma_start3A_487 = tpu.memref_slice %arg9[%dma_start3A_485, %dma_start3A_486] : memref<2560x16xf32, #tpu.memory_space<vmem>> -> memref<128x16xf32, #tpu.memory_space<vmem>>
      %dma_start3A_488 = arith.constant 768 : i32
      %dma_start3A_489 = tpu.memref_slice %arg7[%dma_start3A_488] : memref<2560xi32, #tpu.memory_space<vmem>> -> memref<128xi32, #tpu.memory_space<vmem>>
      %dma_start3A_490 = arith.constant 0 : i32
      %dma_start3A_491 = arith.constant 0 : i32
      %dma_start3A_492 = tpu.memref_slice %arg2[%dma_start3A_490, %dma_start3A_491] : memref<1000000x16xf32, #tpu.memory_space<hbm>> -> memref<1000000x16xf32, #tpu.memory_space<hbm>>
      tpu.enqueue_indirect_dma source(%dma_start3A_492 : memref<1000000x16xf32, #tpu.memory_space<hbm>>) target(%dma_start3A_487 : memref<128x16xf32, #tpu.memory_space<vmem>>) offsets(%dma_start3A_489 : memref<128xi32, #tpu.memory_space<vmem>>) semaphore(%arg13 : memref<!tpu.dma_semaphore, #tpu.memory_space<semaphore_mem>>)
      %dma_start3A_493 = arith.constant 896 : i32
      %dma_start3A_494 = arith.constant 0 : i32
      %dma_start3A_495 = tpu.memref_slice %arg9[%dma_start3A_493, %dma_start3A_494] : memref<2560x16xf32, #tpu.memory_space<vmem>> -> memref<128x16xf32, #tpu.memory_space<vmem>>
      %dma_start3A_496 = arith.constant 896 : i32
      %dma_start3A_497 = tpu.memref_slice %arg7[%dma_start3A_496] : memref<2560xi32, #tpu.memory_space<vmem>> -> memref<128xi32, #tpu.memory_space<vmem>>
      %dma_start3A_498 = arith.constant 0 : i32
      %dma_start3A_499 = arith.constant 0 : i32
      %dma_start3A_500 = tpu.memref_slice %arg2[%dma_start3A_498, %dma_start3A_499] : memref<1000000x16xf32, #tpu.memory_space<hbm>> -> memref<1000000x16xf32, #tpu.memory_space<hbm>>
      tpu.enqueue_indirect_dma source(%dma_start3A_500 : memref<1000000x16xf32, #tpu.memory_space<hbm>>) target(%dma_start3A_495 : memref<128x16xf32, #tpu.memory_space<vmem>>) offsets(%dma_start3A_497 : memref<128xi32, #tpu.memory_space<vmem>>) semaphore(%arg13 : memref<!tpu.dma_semaphore, #tpu.memory_space<semaphore_mem>>)
      %dma_start3A_501 = arith.constant 1024 : i32
      %dma_start3A_502 = arith.constant 0 : i32
      %dma_start3A_503 = tpu.memref_slice %arg9[%dma_start3A_501, %dma_start3A_502] : memref<2560x16xf32, #tpu.memory_space<vmem>> -> memref<128x16xf32, #tpu.memory_space<vmem>>
      %dma_start3A_504 = arith.constant 1024 : i32
      %dma_start3A_505 = tpu.memref_slice %arg7[%dma_start3A_504] : memref<2560xi32, #tpu.memory_space<vmem>> -> memref<128xi32, #tpu.memory_space<vmem>>
      %dma_start3A_506 = arith.constant 0 : i32
      %dma_start3A_507 = arith.constant 0 : i32
      %dma_start3A_508 = tpu.memref_slice %arg2[%dma_start3A_506, %dma_start3A_507] : memref<1000000x16xf32, #tpu.memory_space<hbm>> -> memref<1000000x16xf32, #tpu.memory_space<hbm>>
      tpu.enqueue_indirect_dma source(%dma_start3A_508 : memref<1000000x16xf32, #tpu.memory_space<hbm>>) target(%dma_start3A_503 : memref<128x16xf32, #tpu.memory_space<vmem>>) offsets(%dma_start3A_505 : memref<128xi32, #tpu.memory_space<vmem>>) semaphore(%arg13 : memref<!tpu.dma_semaphore, #tpu.memory_space<semaphore_mem>>)
      %dma_start3A_509 = arith.constant 1152 : i32
      %dma_start3A_510 = arith.constant 0 : i32
      %dma_start3A_511 = tpu.memref_slice %arg9[%dma_start3A_509, %dma_start3A_510] : memref<2560x16xf32, #tpu.memory_space<vmem>> -> memref<128x16xf32, #tpu.memory_space<vmem>>
      %dma_start3A_512 = arith.constant 1152 : i32
      %dma_start3A_513 = tpu.memref_slice %arg7[%dma_start3A_512] : memref<2560xi32, #tpu.memory_space<vmem>> -> memref<128xi32, #tpu.memory_space<vmem>>
      %dma_start3A_514 = arith.constant 0 : i32
      %dma_start3A_515 = arith.constant 0 : i32
      %dma_start3A_516 = tpu.memref_slice %arg2[%dma_start3A_514, %dma_start3A_515] : memref<1000000x16xf32, #tpu.memory_space<hbm>> -> memref<1000000x16xf32, #tpu.memory_space<hbm>>
      tpu.enqueue_indirect_dma source(%dma_start3A_516 : memref<1000000x16xf32, #tpu.memory_space<hbm>>) target(%dma_start3A_511 : memref<128x16xf32, #tpu.memory_space<vmem>>) offsets(%dma_start3A_513 : memref<128xi32, #tpu.memory_space<vmem>>) semaphore(%arg13 : memref<!tpu.dma_semaphore, #tpu.memory_space<semaphore_mem>>)
      %dma_start3A_517 = arith.constant 1280 : i32
      %dma_start3A_518 = arith.constant 0 : i32
      %dma_start3A_519 = tpu.memref_slice %arg9[%dma_start3A_517, %dma_start3A_518] : memref<2560x16xf32, #tpu.memory_space<vmem>> -> memref<128x16xf32, #tpu.memory_space<vmem>>
      %dma_start3A_520 = arith.constant 1280 : i32
      %dma_start3A_521 = tpu.memref_slice %arg7[%dma_start3A_520] : memref<2560xi32, #tpu.memory_space<vmem>> -> memref<128xi32, #tpu.memory_space<vmem>>
      %dma_start3A_522 = arith.constant 0 : i32
      %dma_start3A_523 = arith.constant 0 : i32
      %dma_start3A_524 = tpu.memref_slice %arg2[%dma_start3A_522, %dma_start3A_523] : memref<1000000x16xf32, #tpu.memory_space<hbm>> -> memref<1000000x16xf32, #tpu.memory_space<hbm>>
      tpu.enqueue_indirect_dma source(%dma_start3A_524 : memref<1000000x16xf32, #tpu.memory_space<hbm>>) target(%dma_start3A_519 : memref<128x16xf32, #tpu.memory_space<vmem>>) offsets(%dma_start3A_521 : memref<128xi32, #tpu.memory_space<vmem>>) semaphore(%arg13 : memref<!tpu.dma_semaphore, #tpu.memory_space<semaphore_mem>>)
      %dma_start3A_525 = arith.constant 1408 : i32
      %dma_start3A_526 = arith.constant 0 : i32
      %dma_start3A_527 = tpu.memref_slice %arg9[%dma_start3A_525, %dma_start3A_526] : memref<2560x16xf32, #tpu.memory_space<vmem>> -> memref<128x16xf32, #tpu.memory_space<vmem>>
      %dma_start3A_528 = arith.constant 1408 : i32
      %dma_start3A_529 = tpu.memref_slice %arg7[%dma_start3A_528] : memref<2560xi32, #tpu.memory_space<vmem>> -> memref<128xi32, #tpu.memory_space<vmem>>
      %dma_start3A_530 = arith.constant 0 : i32
      %dma_start3A_531 = arith.constant 0 : i32
      %dma_start3A_532 = tpu.memref_slice %arg2[%dma_start3A_530, %dma_start3A_531] : memref<1000000x16xf32, #tpu.memory_space<hbm>> -> memref<1000000x16xf32, #tpu.memory_space<hbm>>
      tpu.enqueue_indirect_dma source(%dma_start3A_532 : memref<1000000x16xf32, #tpu.memory_space<hbm>>) target(%dma_start3A_527 : memref<128x16xf32, #tpu.memory_space<vmem>>) offsets(%dma_start3A_529 : memref<128xi32, #tpu.memory_space<vmem>>) semaphore(%arg13 : memref<!tpu.dma_semaphore, #tpu.memory_space<semaphore_mem>>)
      %dma_start3A_533 = arith.constant 1536 : i32
      %dma_start3A_534 = arith.constant 0 : i32
      %dma_start3A_535 = tpu.memref_slice %arg9[%dma_start3A_533, %dma_start3A_534] : memref<2560x16xf32, #tpu.memory_space<vmem>> -> memref<128x16xf32, #tpu.memory_space<vmem>>
      %dma_start3A_536 = arith.constant 1536 : i32
      %dma_start3A_537 = tpu.memref_slice %arg7[%dma_start3A_536] : memref<2560xi32, #tpu.memory_space<vmem>> -> memref<128xi32, #tpu.memory_space<vmem>>
      %dma_start3A_538 = arith.constant 0 : i32
      %dma_start3A_539 = arith.constant 0 : i32
      %dma_start3A_540 = tpu.memref_slice %arg2[%dma_start3A_538, %dma_start3A_539] : memref<1000000x16xf32, #tpu.memory_space<hbm>> -> memref<1000000x16xf32, #tpu.memory_space<hbm>>
      tpu.enqueue_indirect_dma source(%dma_start3A_540 : memref<1000000x16xf32, #tpu.memory_space<hbm>>) target(%dma_start3A_535 : memref<128x16xf32, #tpu.memory_space<vmem>>) offsets(%dma_start3A_537 : memref<128xi32, #tpu.memory_space<vmem>>) semaphore(%arg13 : memref<!tpu.dma_semaphore, #tpu.memory_space<semaphore_mem>>)
      %dma_start3A_541 = arith.constant 1664 : i32
      %dma_start3A_542 = arith.constant 0 : i32
      %dma_start3A_543 = tpu.memref_slice %arg9[%dma_start3A_541, %dma_start3A_542] : memref<2560x16xf32, #tpu.memory_space<vmem>> -> memref<128x16xf32, #tpu.memory_space<vmem>>
      %dma_start3A_544 = arith.constant 1664 : i32
      %dma_start3A_545 = tpu.memref_slice %arg7[%dma_start3A_544] : memref<2560xi32, #tpu.memory_space<vmem>> -> memref<128xi32, #tpu.memory_space<vmem>>
      %dma_start3A_546 = arith.constant 0 : i32
      %dma_start3A_547 = arith.constant 0 : i32
      %dma_start3A_548 = tpu.memref_slice %arg2[%dma_start3A_546, %dma_start3A_547] : memref<1000000x16xf32, #tpu.memory_space<hbm>> -> memref<1000000x16xf32, #tpu.memory_space<hbm>>
      tpu.enqueue_indirect_dma source(%dma_start3A_548 : memref<1000000x16xf32, #tpu.memory_space<hbm>>) target(%dma_start3A_543 : memref<128x16xf32, #tpu.memory_space<vmem>>) offsets(%dma_start3A_545 : memref<128xi32, #tpu.memory_space<vmem>>) semaphore(%arg13 : memref<!tpu.dma_semaphore, #tpu.memory_space<semaphore_mem>>)
      %dma_start3A_549 = arith.constant 1792 : i32
      %dma_start3A_550 = arith.constant 0 : i32
      %dma_start3A_551 = tpu.memref_slice %arg9[%dma_start3A_549, %dma_start3A_550] : memref<2560x16xf32, #tpu.memory_space<vmem>> -> memref<128x16xf32, #tpu.memory_space<vmem>>
      %dma_start3A_552 = arith.constant 1792 : i32
      %dma_start3A_553 = tpu.memref_slice %arg7[%dma_start3A_552] : memref<2560xi32, #tpu.memory_space<vmem>> -> memref<128xi32, #tpu.memory_space<vmem>>
      %dma_start3A_554 = arith.constant 0 : i32
      %dma_start3A_555 = arith.constant 0 : i32
      %dma_start3A_556 = tpu.memref_slice %arg2[%dma_start3A_554, %dma_start3A_555] : memref<1000000x16xf32, #tpu.memory_space<hbm>> -> memref<1000000x16xf32, #tpu.memory_space<hbm>>
      tpu.enqueue_indirect_dma source(%dma_start3A_556 : memref<1000000x16xf32, #tpu.memory_space<hbm>>) target(%dma_start3A_551 : memref<128x16xf32, #tpu.memory_space<vmem>>) offsets(%dma_start3A_553 : memref<128xi32, #tpu.memory_space<vmem>>) semaphore(%arg13 : memref<!tpu.dma_semaphore, #tpu.memory_space<semaphore_mem>>)
      %dma_start3A_557 = arith.constant 1920 : i32
      %dma_start3A_558 = arith.constant 0 : i32
      %dma_start3A_559 = tpu.memref_slice %arg9[%dma_start3A_557, %dma_start3A_558] : memref<2560x16xf32, #tpu.memory_space<vmem>> -> memref<128x16xf32, #tpu.memory_space<vmem>>
      %dma_start3A_560 = arith.constant 1920 : i32
      %dma_start3A_561 = tpu.memref_slice %arg7[%dma_start3A_560] : memref<2560xi32, #tpu.memory_space<vmem>> -> memref<128xi32, #tpu.memory_space<vmem>>
      %dma_start3A_562 = arith.constant 0 : i32
      %dma_start3A_563 = arith.constant 0 : i32
      %dma_start3A_564 = tpu.memref_slice %arg2[%dma_start3A_562, %dma_start3A_563] : memref<1000000x16xf32, #tpu.memory_space<hbm>> -> memref<1000000x16xf32, #tpu.memory_space<hbm>>
      tpu.enqueue_indirect_dma source(%dma_start3A_564 : memref<1000000x16xf32, #tpu.memory_space<hbm>>) target(%dma_start3A_559 : memref<128x16xf32, #tpu.memory_space<vmem>>) offsets(%dma_start3A_561 : memref<128xi32, #tpu.memory_space<vmem>>) semaphore(%arg13 : memref<!tpu.dma_semaphore, #tpu.memory_space<semaphore_mem>>)
      %dma_start3A_565 = arith.constant 2048 : i32
      %dma_start3A_566 = arith.constant 0 : i32
      %dma_start3A_567 = tpu.memref_slice %arg9[%dma_start3A_565, %dma_start3A_566] : memref<2560x16xf32, #tpu.memory_space<vmem>> -> memref<128x16xf32, #tpu.memory_space<vmem>>
      %dma_start3A_568 = arith.constant 2048 : i32
      %dma_start3A_569 = tpu.memref_slice %arg7[%dma_start3A_568] : memref<2560xi32, #tpu.memory_space<vmem>> -> memref<128xi32, #tpu.memory_space<vmem>>
      %dma_start3A_570 = arith.constant 0 : i32
      %dma_start3A_571 = arith.constant 0 : i32
      %dma_start3A_572 = tpu.memref_slice %arg2[%dma_start3A_570, %dma_start3A_571] : memref<1000000x16xf32, #tpu.memory_space<hbm>> -> memref<1000000x16xf32, #tpu.memory_space<hbm>>
      tpu.enqueue_indirect_dma source(%dma_start3A_572 : memref<1000000x16xf32, #tpu.memory_space<hbm>>) target(%dma_start3A_567 : memref<128x16xf32, #tpu.memory_space<vmem>>) offsets(%dma_start3A_569 : memref<128xi32, #tpu.memory_space<vmem>>) semaphore(%arg13 : memref<!tpu.dma_semaphore, #tpu.memory_space<semaphore_mem>>)
      %dma_start3A_573 = arith.constant 2176 : i32
      %dma_start3A_574 = arith.constant 0 : i32
      %dma_start3A_575 = tpu.memref_slice %arg9[%dma_start3A_573, %dma_start3A_574] : memref<2560x16xf32, #tpu.memory_space<vmem>> -> memref<128x16xf32, #tpu.memory_space<vmem>>
      %dma_start3A_576 = arith.constant 2176 : i32
      %dma_start3A_577 = tpu.memref_slice %arg7[%dma_start3A_576] : memref<2560xi32, #tpu.memory_space<vmem>> -> memref<128xi32, #tpu.memory_space<vmem>>
      %dma_start3A_578 = arith.constant 0 : i32
      %dma_start3A_579 = arith.constant 0 : i32
      %dma_start3A_580 = tpu.memref_slice %arg2[%dma_start3A_578, %dma_start3A_579] : memref<1000000x16xf32, #tpu.memory_space<hbm>> -> memref<1000000x16xf32, #tpu.memory_space<hbm>>
      tpu.enqueue_indirect_dma source(%dma_start3A_580 : memref<1000000x16xf32, #tpu.memory_space<hbm>>) target(%dma_start3A_575 : memref<128x16xf32, #tpu.memory_space<vmem>>) offsets(%dma_start3A_577 : memref<128xi32, #tpu.memory_space<vmem>>) semaphore(%arg13 : memref<!tpu.dma_semaphore, #tpu.memory_space<semaphore_mem>>)
      %dma_start3A_581 = arith.constant 2304 : i32
      %dma_start3A_582 = arith.constant 0 : i32
      %dma_start3A_583 = tpu.memref_slice %arg9[%dma_start3A_581, %dma_start3A_582] : memref<2560x16xf32, #tpu.memory_space<vmem>> -> memref<128x16xf32, #tpu.memory_space<vmem>>
      %dma_start3A_584 = arith.constant 2304 : i32
      %dma_start3A_585 = tpu.memref_slice %arg7[%dma_start3A_584] : memref<2560xi32, #tpu.memory_space<vmem>> -> memref<128xi32, #tpu.memory_space<vmem>>
      %dma_start3A_586 = arith.constant 0 : i32
      %dma_start3A_587 = arith.constant 0 : i32
      %dma_start3A_588 = tpu.memref_slice %arg2[%dma_start3A_586, %dma_start3A_587] : memref<1000000x16xf32, #tpu.memory_space<hbm>> -> memref<1000000x16xf32, #tpu.memory_space<hbm>>
      tpu.enqueue_indirect_dma source(%dma_start3A_588 : memref<1000000x16xf32, #tpu.memory_space<hbm>>) target(%dma_start3A_583 : memref<128x16xf32, #tpu.memory_space<vmem>>) offsets(%dma_start3A_585 : memref<128xi32, #tpu.memory_space<vmem>>) semaphore(%arg13 : memref<!tpu.dma_semaphore, #tpu.memory_space<semaphore_mem>>)
      %dma_start3A_589 = arith.constant 2432 : i32
      %dma_start3A_590 = arith.constant 0 : i32
      %dma_start3A_591 = tpu.memref_slice %arg9[%dma_start3A_589, %dma_start3A_590] : memref<2560x16xf32, #tpu.memory_space<vmem>> -> memref<128x16xf32, #tpu.memory_space<vmem>>
      %dma_start3A_592 = arith.constant 2432 : i32
      %dma_start3A_593 = tpu.memref_slice %arg7[%dma_start3A_592] : memref<2560xi32, #tpu.memory_space<vmem>> -> memref<128xi32, #tpu.memory_space<vmem>>
      %dma_start3A_594 = arith.constant 0 : i32
      %dma_start3A_595 = arith.constant 0 : i32
      %dma_start3A_596 = tpu.memref_slice %arg2[%dma_start3A_594, %dma_start3A_595] : memref<1000000x16xf32, #tpu.memory_space<hbm>> -> memref<1000000x16xf32, #tpu.memory_space<hbm>>
      tpu.enqueue_indirect_dma source(%dma_start3A_596 : memref<1000000x16xf32, #tpu.memory_space<hbm>>) target(%dma_start3A_591 : memref<128x16xf32, #tpu.memory_space<vmem>>) offsets(%dma_start3A_593 : memref<128xi32, #tpu.memory_space<vmem>>) semaphore(%arg13 : memref<!tpu.dma_semaphore, #tpu.memory_space<semaphore_mem>>)
      %add3A_597 = arith.constant 2 : i32
      %add3A_598 = arith.addi %add3A_424, %add3A_597 : i32
      %lt3A_599 = arith.constant 21 : i32
      %lt3A_600 = arith.cmpi slt, %add3A_598, %lt3A_599 : i32
      %convert_element_type3A = arith.extui %lt3A_600 : i1 to i32
      %cond3A = arith.constant 0 : i32
      %cond3A_601 = arith.cmpi ne, %convert_element_type3A, %cond3A : i32
      scf.if %cond3A_601 {
        %add3A_803 = arith.constant 2 : i32
        %add3A_804 = arith.addi %add3A_424, %add3A_803 : i32
        %jit3A_805 = arith.constant 512 : i32
        %div3A_806 = arith.divsi %mul3A_2, %jit3A_805 : i32
        %sign3A_807 = arith.constant 0 : i32
        %sign3A_808 = arith.cmpi sgt, %mul3A_2, %sign3A_807 : i32
        %sign3A_809 = arith.extui %sign3A_808 : i1 to i32
        %sign3A_810 = arith.constant 0 : i32
        %sign3A_811 = arith.cmpi slt, %mul3A_2, %sign3A_810 : i32
        %sign3A_812 = arith.extui %sign3A_811 : i1 to i32
        %sign3A_813 = arith.subi %sign3A_809, %sign3A_812 : i32
        %sign3A_814 = arith.constant 0 : i32
        %sign3A_815 = arith.cmpi sgt, %jit3A_805, %sign3A_814 : i32
        %sign3A_816 = arith.extui %sign3A_815 : i1 to i32
        %sign3A_817 = arith.constant 0 : i32
        %sign3A_818 = arith.cmpi slt, %jit3A_805, %sign3A_817 : i32
        %sign3A_819 = arith.extui %sign3A_818 : i1 to i32
        %sign3A_820 = arith.subi %sign3A_816, %sign3A_819 : i32
        %ne3A_821 = arith.cmpi ne, %sign3A_813, %sign3A_820 : i32
        %rem3A_822 = arith.remsi %mul3A_2, %jit3A_805 : i32
        %ne3A_823 = arith.constant 0 : i32
        %ne3A_824 = arith.cmpi ne, %rem3A_822, %ne3A_823 : i32
        %and3A_825 = arith.andi %ne3A_821, %ne3A_824 : i1
        %sub3A_826 = arith.constant 1 : i32
        %sub3A_827 = arith.subi %div3A_806, %sub3A_826 : i32
        %select_n3A_828 = arith.select %and3A_825, %sub3A_827, %div3A_806 : i32
        %add3A_829 = arith.addi %select_n3A_828, %add3A_804 : i32
        %lt3A_830 = arith.constant 32 : i32
        %lt3A_831 = arith.cmpi slt, %add3A_829, %lt3A_830 : i32
        %mul3A_832 = arith.constant 512 : i32
        %mul3A_833 = arith.muli %add3A_829, %mul3A_832 : i32
        %add3A_834 = arith.constant 0 : i32
        %add3A_835 = arith.addi %add3A_834, %mul3A_833 : i32
        %sub3A_836 = arith.constant 32 : i32
        %sub3A_837 = arith.subi %add3A_829, %sub3A_836 : i32
        %mul3A_838 = arith.constant 512 : i32
        %mul3A_839 = arith.muli %sub3A_837, %mul3A_838 : i32
        %add3A_840 = arith.constant 81920 : i32
        %add3A_841 = arith.addi %add3A_840, %mul3A_839 : i32
        %select_n3A_842 = arith.select %lt3A_831, %add3A_835, %add3A_841 : i32
        %dma_start3A_843 = arith.constant 0 : i32
        %dma_start3A_844 = tpu.memref_slice %arg6[%dma_start3A_843] : memref<2560xi32, #tpu.memory_space<vmem>> -> memref<512xi32, #tpu.memory_space<vmem>>
        %dma_start3A_845 = tpu.memref_slice %arg3[%select_n3A_842] : memref<1720320xi32, #tpu.memory_space<hbm>> -> memref<512xi32, #tpu.memory_space<hbm>>
        %dma_start3A_846 = arith.constant 0 : i32
        %dma_start3A_847 = tpu.memref_slice %arg6[%dma_start3A_846] : memref<2560xi32, #tpu.memory_space<vmem>> -> memref<512xi32, #tpu.memory_space<vmem>>
        %dma_start3A_848 = tpu.memref_slice %arg3[%select_n3A_842] : memref<1720320xi32, #tpu.memory_space<hbm>> -> memref<512xi32, #tpu.memory_space<hbm>>
        tpu.enqueue_dma source(%dma_start3A_848 : memref<512xi32, #tpu.memory_space<hbm>>) target(%dma_start3A_847 : memref<512xi32, #tpu.memory_space<vmem>>) target_semaphore(%arg14 : memref<!tpu.dma_semaphore, #tpu.memory_space<semaphore_mem>>)
        %lt3A_849 = arith.constant 32 : i32
        %lt3A_850 = arith.cmpi slt, %add3A_829, %lt3A_849 : i32
        %mul3A_851 = arith.constant 512 : i32
        %mul3A_852 = arith.muli %add3A_829, %mul3A_851 : i32
        %add3A_853 = arith.constant 16384 : i32
        %add3A_854 = arith.addi %add3A_853, %mul3A_852 : i32
        %sub3A_855 = arith.constant 32 : i32
        %sub3A_856 = arith.subi %add3A_829, %sub3A_855 : i32
        %mul3A_857 = arith.constant 512 : i32
        %mul3A_858 = arith.muli %sub3A_856, %mul3A_857 : i32
        %add3A_859 = arith.constant 409600 : i32
        %add3A_860 = arith.addi %add3A_859, %mul3A_858 : i32
        %select_n3A_861 = arith.select %lt3A_850, %add3A_854, %add3A_860 : i32
        %dma_start3A_862 = arith.constant 512 : i32
        %dma_start3A_863 = tpu.memref_slice %arg6[%dma_start3A_862] : memref<2560xi32, #tpu.memory_space<vmem>> -> memref<512xi32, #tpu.memory_space<vmem>>
        %dma_start3A_864 = tpu.memref_slice %arg3[%select_n3A_861] : memref<1720320xi32, #tpu.memory_space<hbm>> -> memref<512xi32, #tpu.memory_space<hbm>>
        %dma_start3A_865 = arith.constant 512 : i32
        %dma_start3A_866 = tpu.memref_slice %arg6[%dma_start3A_865] : memref<2560xi32, #tpu.memory_space<vmem>> -> memref<512xi32, #tpu.memory_space<vmem>>
        %dma_start3A_867 = tpu.memref_slice %arg3[%select_n3A_861] : memref<1720320xi32, #tpu.memory_space<hbm>> -> memref<512xi32, #tpu.memory_space<hbm>>
        tpu.enqueue_dma source(%dma_start3A_867 : memref<512xi32, #tpu.memory_space<hbm>>) target(%dma_start3A_866 : memref<512xi32, #tpu.memory_space<vmem>>) target_semaphore(%arg14 : memref<!tpu.dma_semaphore, #tpu.memory_space<semaphore_mem>>)
        %lt3A_868 = arith.constant 32 : i32
        %lt3A_869 = arith.cmpi slt, %add3A_829, %lt3A_868 : i32
        %mul3A_870 = arith.constant 512 : i32
        %mul3A_871 = arith.muli %add3A_829, %mul3A_870 : i32
        %add3A_872 = arith.constant 32768 : i32
        %add3A_873 = arith.addi %add3A_872, %mul3A_871 : i32
        %sub3A_874 = arith.constant 32 : i32
        %sub3A_875 = arith.subi %add3A_829, %sub3A_874 : i32
        %mul3A_876 = arith.constant 512 : i32
        %mul3A_877 = arith.muli %sub3A_875, %mul3A_876 : i32
        %add3A_878 = arith.constant 737280 : i32
        %add3A_879 = arith.addi %add3A_878, %mul3A_877 : i32
        %select_n3A_880 = arith.select %lt3A_869, %add3A_873, %add3A_879 : i32
        %dma_start3A_881 = arith.constant 1024 : i32
        %dma_start3A_882 = tpu.memref_slice %arg6[%dma_start3A_881] : memref<2560xi32, #tpu.memory_space<vmem>> -> memref<512xi32, #tpu.memory_space<vmem>>
        %dma_start3A_883 = tpu.memref_slice %arg3[%select_n3A_880] : memref<1720320xi32, #tpu.memory_space<hbm>> -> memref<512xi32, #tpu.memory_space<hbm>>
        %dma_start3A_884 = arith.constant 1024 : i32
        %dma_start3A_885 = tpu.memref_slice %arg6[%dma_start3A_884] : memref<2560xi32, #tpu.memory_space<vmem>> -> memref<512xi32, #tpu.memory_space<vmem>>
        %dma_start3A_886 = tpu.memref_slice %arg3[%select_n3A_880] : memref<1720320xi32, #tpu.memory_space<hbm>> -> memref<512xi32, #tpu.memory_space<hbm>>
        tpu.enqueue_dma source(%dma_start3A_886 : memref<512xi32, #tpu.memory_space<hbm>>) target(%dma_start3A_885 : memref<512xi32, #tpu.memory_space<vmem>>) target_semaphore(%arg14 : memref<!tpu.dma_semaphore, #tpu.memory_space<semaphore_mem>>)
        %lt3A_887 = arith.constant 32 : i32
        %lt3A_888 = arith.cmpi slt, %add3A_829, %lt3A_887 : i32
        %mul3A_889 = arith.constant 512 : i32
        %mul3A_890 = arith.muli %add3A_829, %mul3A_889 : i32
        %add3A_891 = arith.constant 49152 : i32
        %add3A_892 = arith.addi %add3A_891, %mul3A_890 : i32
        %sub3A_893 = arith.constant 32 : i32
        %sub3A_894 = arith.subi %add3A_829, %sub3A_893 : i32
        %mul3A_895 = arith.constant 512 : i32
        %mul3A_896 = arith.muli %sub3A_894, %mul3A_895 : i32
        %add3A_897 = arith.constant 1064960 : i32
        %add3A_898 = arith.addi %add3A_897, %mul3A_896 : i32
        %select_n3A_899 = arith.select %lt3A_888, %add3A_892, %add3A_898 : i32
        %dma_start3A_900 = arith.constant 1536 : i32
        %dma_start3A_901 = tpu.memref_slice %arg6[%dma_start3A_900] : memref<2560xi32, #tpu.memory_space<vmem>> -> memref<512xi32, #tpu.memory_space<vmem>>
        %dma_start3A_902 = tpu.memref_slice %arg3[%select_n3A_899] : memref<1720320xi32, #tpu.memory_space<hbm>> -> memref<512xi32, #tpu.memory_space<hbm>>
        %dma_start3A_903 = arith.constant 1536 : i32
        %dma_start3A_904 = tpu.memref_slice %arg6[%dma_start3A_903] : memref<2560xi32, #tpu.memory_space<vmem>> -> memref<512xi32, #tpu.memory_space<vmem>>
        %dma_start3A_905 = tpu.memref_slice %arg3[%select_n3A_899] : memref<1720320xi32, #tpu.memory_space<hbm>> -> memref<512xi32, #tpu.memory_space<hbm>>
        tpu.enqueue_dma source(%dma_start3A_905 : memref<512xi32, #tpu.memory_space<hbm>>) target(%dma_start3A_904 : memref<512xi32, #tpu.memory_space<vmem>>) target_semaphore(%arg14 : memref<!tpu.dma_semaphore, #tpu.memory_space<semaphore_mem>>)
        %lt3A_906 = arith.constant 32 : i32
        %lt3A_907 = arith.cmpi slt, %add3A_829, %lt3A_906 : i32
        %mul3A_908 = arith.constant 512 : i32
        %mul3A_909 = arith.muli %add3A_829, %mul3A_908 : i32
        %add3A_910 = arith.constant 65536 : i32
        %add3A_911 = arith.addi %add3A_910, %mul3A_909 : i32
        %sub3A_912 = arith.constant 32 : i32
        %sub3A_913 = arith.subi %add3A_829, %sub3A_912 : i32
        %mul3A_914 = arith.constant 512 : i32
        %mul3A_915 = arith.muli %sub3A_913, %mul3A_914 : i32
        %add3A_916 = arith.constant 1392640 : i32
        %add3A_917 = arith.addi %add3A_916, %mul3A_915 : i32
        %select_n3A_918 = arith.select %lt3A_907, %add3A_911, %add3A_917 : i32
        %dma_start3A_919 = arith.constant 2048 : i32
        %dma_start3A_920 = tpu.memref_slice %arg6[%dma_start3A_919] : memref<2560xi32, #tpu.memory_space<vmem>> -> memref<512xi32, #tpu.memory_space<vmem>>
        %dma_start3A_921 = tpu.memref_slice %arg3[%select_n3A_918] : memref<1720320xi32, #tpu.memory_space<hbm>> -> memref<512xi32, #tpu.memory_space<hbm>>
        %dma_start3A_922 = arith.constant 2048 : i32
        %dma_start3A_923 = tpu.memref_slice %arg6[%dma_start3A_922] : memref<2560xi32, #tpu.memory_space<vmem>> -> memref<512xi32, #tpu.memory_space<vmem>>
        %dma_start3A_924 = tpu.memref_slice %arg3[%select_n3A_918] : memref<1720320xi32, #tpu.memory_space<hbm>> -> memref<512xi32, #tpu.memory_space<hbm>>
        tpu.enqueue_dma source(%dma_start3A_924 : memref<512xi32, #tpu.memory_space<hbm>>) target(%dma_start3A_923 : memref<512xi32, #tpu.memory_space<vmem>>) target_semaphore(%arg14 : memref<!tpu.dma_semaphore, #tpu.memory_space<semaphore_mem>>)
      } else {
      }
      %scan3A_602 = arith.constant 0 : i32
      %scan3A_603 = arith.constant 0 : i32
      %scan3A_604 = arith.constant 32 : i32
      %scan3A_605 = arith.addi %scan3A_603, %scan3A_604 : i32
      %scan3A_606 = arith.constant 1 : i32
      scf.for %scan3A_803 = %scan3A_603 to %scan3A_605 step %scan3A_606  : i32 {
        %mul3A_804 = arith.constant 16 : i32
        %mul3A_805 = arith.muli %scan3A_803, %mul3A_804 : i32
        %broadcast_in_dim3A = arith.constant 0.000000e+00 : f32
        %broadcast_in_dim3A_806 = vector.broadcast %broadcast_in_dim3A : f32 to vector<16xf32>
        %add3A_807 = arith.constant 0 : i32
        %add3A_808 = arith.addi %mul3A_805, %add3A_807 : i32
        %get3A_809 = arith.index_cast %add3A_808 : i32 to index
        %get3A_810 = arith.constant 0 : index
        %get3A_811 = tpu.vector_load %arg8[%get3A_809, %get3A_810] {strides = array<i32>} : memref<2560x16xf32, #tpu.memory_space<vmem>>, vector<16xf32>,
        %add3A_812 = arith.constant 512 : i32
        %add3A_813 = arith.addi %add3A_808, %add3A_812 : i32
        %get3A_814 = arith.index_cast %add3A_813 : i32 to index
        %get3A_815 = arith.constant 0 : index
        %get3A_816 = tpu.vector_load %arg8[%get3A_814, %get3A_815] {strides = array<i32>} : memref<2560x16xf32, #tpu.memory_space<vmem>>, vector<16xf32>,
        %add3A_817 = arith.constant 1024 : i32
        %add3A_818 = arith.addi %add3A_808, %add3A_817 : i32
        %get3A_819 = arith.index_cast %add3A_818 : i32 to index
        %get3A_820 = arith.constant 0 : index
        %get3A_821 = tpu.vector_load %arg8[%get3A_819, %get3A_820] {strides = array<i32>} : memref<2560x16xf32, #tpu.memory_space<vmem>>, vector<16xf32>,
        %add3A_822 = arith.constant 1536 : i32
        %add3A_823 = arith.addi %add3A_808, %add3A_822 : i32
        %get3A_824 = arith.index_cast %add3A_823 : i32 to index
        %get3A_825 = arith.constant 0 : index
        %get3A_826 = tpu.vector_load %arg8[%get3A_824, %get3A_825] {strides = array<i32>} : memref<2560x16xf32, #tpu.memory_space<vmem>>, vector<16xf32>,
        %add3A_827 = arith.constant 2048 : i32
        %add3A_828 = arith.addi %add3A_808, %add3A_827 : i32
        %get3A_829 = arith.index_cast %add3A_828 : i32 to index
        %get3A_830 = arith.constant 0 : index
        %get3A_831 = tpu.vector_load %arg8[%get3A_829, %get3A_830] {strides = array<i32>} : memref<2560x16xf32, #tpu.memory_space<vmem>>, vector<16xf32>,
        %add3A_832 = arith.addf %get3A_826, %get3A_831 : vector<16xf32>
        %add3A_833 = arith.addf %get3A_821, %add3A_832 : vector<16xf32>
        %add3A_834 = arith.addf %get3A_816, %add3A_833 : vector<16xf32>
        %mul3A_835 = arith.mulf %get3A_811, %add3A_834 : vector<16xf32>
        %mul3A_836 = arith.mulf %get3A_816, %add3A_833 : vector<16xf32>
        %add3A_837 = arith.addf %mul3A_835, %mul3A_836 : vector<16xf32>
        %mul3A_838 = arith.mulf %get3A_821, %add3A_832 : vector<16xf32>
        %add3A_839 = arith.addf %add3A_837, %mul3A_838 : vector<16xf32>
        %mul3A_840 = arith.mulf %get3A_826, %get3A_831 : vector<16xf32>
        %add3A_841 = arith.addf %add3A_839, %mul3A_840 : vector<16xf32>
        %eq3A = arith.constant 0 : i32
        %eq3A_842 = vector.broadcast %eq3A : i32 to vector<16xi32>
        %eq3A_843 = arith.cmpi eq, %iota3A, %eq3A_842 : vector<16xi32>
        %reduce_sum3A = arith.constant true
        %reduce_sum3A_844 = vector.broadcast %reduce_sum3A : i1 to vector<16xi1>
        %reduce_sum3A_845 = tpu.scan <sum>, %add3A_841 masked %reduce_sum3A_844 : vector<16xf32>, vector<16xi1> -> vector<16xf32>
        %reduce_sum3A_846 = vector.extract %reduce_sum3A_845[15] : f32 from vector<16xf32>
        %broadcast_in_dim3A_847 = vector.broadcast %reduce_sum3A_846 : f32 to vector<16xf32>
        %select_n3A_848 = arith.select %eq3A_843, %broadcast_in_dim3A_847, %broadcast_in_dim3A_806 : vector<16xi1>, vector<16xf32>
        %add3A_849 = arith.constant 1 : i32
        %add3A_850 = arith.addi %mul3A_805, %add3A_849 : i32
        %get3A_851 = arith.index_cast %add3A_850 : i32 to index
        %get3A_852 = arith.constant 0 : index
        %get3A_853 = tpu.vector_load %arg8[%get3A_851, %get3A_852] {strides = array<i32>} : memref<2560x16xf32, #tpu.memory_space<vmem>>, vector<16xf32>,
        %add3A_854 = arith.constant 512 : i32
        %add3A_855 = arith.addi %add3A_850, %add3A_854 : i32
        %get3A_856 = arith.index_cast %add3A_855 : i32 to index
        %get3A_857 = arith.constant 0 : index
        %get3A_858 = tpu.vector_load %arg8[%get3A_856, %get3A_857] {strides = array<i32>} : memref<2560x16xf32, #tpu.memory_space<vmem>>, vector<16xf32>,
        %add3A_859 = arith.constant 1024 : i32
        %add3A_860 = arith.addi %add3A_850, %add3A_859 : i32
        %get3A_861 = arith.index_cast %add3A_860 : i32 to index
        %get3A_862 = arith.constant 0 : index
        %get3A_863 = tpu.vector_load %arg8[%get3A_861, %get3A_862] {strides = array<i32>} : memref<2560x16xf32, #tpu.memory_space<vmem>>, vector<16xf32>,
        %add3A_864 = arith.constant 1536 : i32
        %add3A_865 = arith.addi %add3A_850, %add3A_864 : i32
        %get3A_866 = arith.index_cast %add3A_865 : i32 to index
        %get3A_867 = arith.constant 0 : index
        %get3A_868 = tpu.vector_load %arg8[%get3A_866, %get3A_867] {strides = array<i32>} : memref<2560x16xf32, #tpu.memory_space<vmem>>, vector<16xf32>,
        %add3A_869 = arith.constant 2048 : i32
        %add3A_870 = arith.addi %add3A_850, %add3A_869 : i32
        %get3A_871 = arith.index_cast %add3A_870 : i32 to index
        %get3A_872 = arith.constant 0 : index
        %get3A_873 = tpu.vector_load %arg8[%get3A_871, %get3A_872] {strides = array<i32>} : memref<2560x16xf32, #tpu.memory_space<vmem>>, vector<16xf32>,
        %add3A_874 = arith.addf %get3A_868, %get3A_873 : vector<16xf32>
        %add3A_875 = arith.addf %get3A_863, %add3A_874 : vector<16xf32>
        %add3A_876 = arith.addf %get3A_858, %add3A_875 : vector<16xf32>
        %mul3A_877 = arith.mulf %get3A_853, %add3A_876 : vector<16xf32>
        %mul3A_878 = arith.mulf %get3A_858, %add3A_875 : vector<16xf32>
        %add3A_879 = arith.addf %mul3A_877, %mul3A_878 : vector<16xf32>
        %mul3A_880 = arith.mulf %get3A_863, %add3A_874 : vector<16xf32>
        %add3A_881 = arith.addf %add3A_879, %mul3A_880 : vector<16xf32>
        %mul3A_882 = arith.mulf %get3A_868, %get3A_873 : vector<16xf32>
        %add3A_883 = arith.addf %add3A_881, %mul3A_882 : vector<16xf32>
        %eq3A_884 = arith.constant 1 : i32
        %eq3A_885 = vector.broadcast %eq3A_884 : i32 to vector<16xi32>
        %eq3A_886 = arith.cmpi eq, %iota3A, %eq3A_885 : vector<16xi32>
        %reduce_sum3A_887 = arith.constant true
        %reduce_sum3A_888 = vector.broadcast %reduce_sum3A_887 : i1 to vector<16xi1>
        %reduce_sum3A_889 = tpu.scan <sum>, %add3A_883 masked %reduce_sum3A_888 : vector<16xf32>, vector<16xi1> -> vector<16xf32>
        %reduce_sum3A_890 = vector.extract %reduce_sum3A_889[15] : f32 from vector<16xf32>
        %broadcast_in_dim3A_891 = vector.broadcast %reduce_sum3A_890 : f32 to vector<16xf32>
        %select_n3A_892 = arith.select %eq3A_886, %broadcast_in_dim3A_891, %select_n3A_848 : vector<16xi1>, vector<16xf32>
        %add3A_893 = arith.constant 2 : i32
        %add3A_894 = arith.addi %mul3A_805, %add3A_893 : i32
        %get3A_895 = arith.index_cast %add3A_894 : i32 to index
        %get3A_896 = arith.constant 0 : index
        %get3A_897 = tpu.vector_load %arg8[%get3A_895, %get3A_896] {strides = array<i32>} : memref<2560x16xf32, #tpu.memory_space<vmem>>, vector<16xf32>,
        %add3A_898 = arith.constant 512 : i32
        %add3A_899 = arith.addi %add3A_894, %add3A_898 : i32
        %get3A_900 = arith.index_cast %add3A_899 : i32 to index
        %get3A_901 = arith.constant 0 : index
        %get3A_902 = tpu.vector_load %arg8[%get3A_900, %get3A_901] {strides = array<i32>} : memref<2560x16xf32, #tpu.memory_space<vmem>>, vector<16xf32>,
        %add3A_903 = arith.constant 1024 : i32
        %add3A_904 = arith.addi %add3A_894, %add3A_903 : i32
        %get3A_905 = arith.index_cast %add3A_904 : i32 to index
        %get3A_906 = arith.constant 0 : index
        %get3A_907 = tpu.vector_load %arg8[%get3A_905, %get3A_906] {strides = array<i32>} : memref<2560x16xf32, #tpu.memory_space<vmem>>, vector<16xf32>,
        %add3A_908 = arith.constant 1536 : i32
        %add3A_909 = arith.addi %add3A_894, %add3A_908 : i32
        %get3A_910 = arith.index_cast %add3A_909 : i32 to index
        %get3A_911 = arith.constant 0 : index
        %get3A_912 = tpu.vector_load %arg8[%get3A_910, %get3A_911] {strides = array<i32>} : memref<2560x16xf32, #tpu.memory_space<vmem>>, vector<16xf32>,
        %add3A_913 = arith.constant 2048 : i32
        %add3A_914 = arith.addi %add3A_894, %add3A_913 : i32
        %get3A_915 = arith.index_cast %add3A_914 : i32 to index
        %get3A_916 = arith.constant 0 : index
        %get3A_917 = tpu.vector_load %arg8[%get3A_915, %get3A_916] {strides = array<i32>} : memref<2560x16xf32, #tpu.memory_space<vmem>>, vector<16xf32>,
        %add3A_918 = arith.addf %get3A_912, %get3A_917 : vector<16xf32>
        %add3A_919 = arith.addf %get3A_907, %add3A_918 : vector<16xf32>
        %add3A_920 = arith.addf %get3A_902, %add3A_919 : vector<16xf32>
        %mul3A_921 = arith.mulf %get3A_897, %add3A_920 : vector<16xf32>
        %mul3A_922 = arith.mulf %get3A_902, %add3A_919 : vector<16xf32>
        %add3A_923 = arith.addf %mul3A_921, %mul3A_922 : vector<16xf32>
        %mul3A_924 = arith.mulf %get3A_907, %add3A_918 : vector<16xf32>
        %add3A_925 = arith.addf %add3A_923, %mul3A_924 : vector<16xf32>
        %mul3A_926 = arith.mulf %get3A_912, %get3A_917 : vector<16xf32>
        %add3A_927 = arith.addf %add3A_925, %mul3A_926 : vector<16xf32>
        %eq3A_928 = arith.constant 2 : i32
        %eq3A_929 = vector.broadcast %eq3A_928 : i32 to vector<16xi32>
        %eq3A_930 = arith.cmpi eq, %iota3A, %eq3A_929 : vector<16xi32>
        %reduce_sum3A_931 = arith.constant true
        %reduce_sum3A_932 = vector.broadcast %reduce_sum3A_931 : i1 to vector<16xi1>
        %reduce_sum3A_933 = tpu.scan <sum>, %add3A_927 masked %reduce_sum3A_932 : vector<16xf32>, vector<16xi1> -> vector<16xf32>
        %reduce_sum3A_934 = vector.extract %reduce_sum3A_933[15] : f32 from vector<16xf32>
        %broadcast_in_dim3A_935 = vector.broadcast %reduce_sum3A_934 : f32 to vector<16xf32>
        %select_n3A_936 = arith.select %eq3A_930, %broadcast_in_dim3A_935, %select_n3A_892 : vector<16xi1>, vector<16xf32>
        %add3A_937 = arith.constant 3 : i32
        %add3A_938 = arith.addi %mul3A_805, %add3A_937 : i32
        %get3A_939 = arith.index_cast %add3A_938 : i32 to index
        %get3A_940 = arith.constant 0 : index
        %get3A_941 = tpu.vector_load %arg8[%get3A_939, %get3A_940] {strides = array<i32>} : memref<2560x16xf32, #tpu.memory_space<vmem>>, vector<16xf32>,
        %add3A_942 = arith.constant 512 : i32
        %add3A_943 = arith.addi %add3A_938, %add3A_942 : i32
        %get3A_944 = arith.index_cast %add3A_943 : i32 to index
        %get3A_945 = arith.constant 0 : index
        %get3A_946 = tpu.vector_load %arg8[%get3A_944, %get3A_945] {strides = array<i32>} : memref<2560x16xf32, #tpu.memory_space<vmem>>, vector<16xf32>,
        %add3A_947 = arith.constant 1024 : i32
        %add3A_948 = arith.addi %add3A_938, %add3A_947 : i32
        %get3A_949 = arith.index_cast %add3A_948 : i32 to index
        %get3A_950 = arith.constant 0 : index
        %get3A_951 = tpu.vector_load %arg8[%get3A_949, %get3A_950] {strides = array<i32>} : memref<2560x16xf32, #tpu.memory_space<vmem>>, vector<16xf32>,
        %add3A_952 = arith.constant 1536 : i32
        %add3A_953 = arith.addi %add3A_938, %add3A_952 : i32
        %get3A_954 = arith.index_cast %add3A_953 : i32 to index
        %get3A_955 = arith.constant 0 : index
        %get3A_956 = tpu.vector_load %arg8[%get3A_954, %get3A_955] {strides = array<i32>} : memref<2560x16xf32, #tpu.memory_space<vmem>>, vector<16xf32>,
        %add3A_957 = arith.constant 2048 : i32
        %add3A_958 = arith.addi %add3A_938, %add3A_957 : i32
        %get3A_959 = arith.index_cast %add3A_958 : i32 to index
        %get3A_960 = arith.constant 0 : index
        %get3A_961 = tpu.vector_load %arg8[%get3A_959, %get3A_960] {strides = array<i32>} : memref<2560x16xf32, #tpu.memory_space<vmem>>, vector<16xf32>,
        %add3A_962 = arith.addf %get3A_956, %get3A_961 : vector<16xf32>
        %add3A_963 = arith.addf %get3A_951, %add3A_962 : vector<16xf32>
        %add3A_964 = arith.addf %get3A_946, %add3A_963 : vector<16xf32>
        %mul3A_965 = arith.mulf %get3A_941, %add3A_964 : vector<16xf32>
        %mul3A_966 = arith.mulf %get3A_946, %add3A_963 : vector<16xf32>
        %add3A_967 = arith.addf %mul3A_965, %mul3A_966 : vector<16xf32>
        %mul3A_968 = arith.mulf %get3A_951, %add3A_962 : vector<16xf32>
        %add3A_969 = arith.addf %add3A_967, %mul3A_968 : vector<16xf32>
        %mul3A_970 = arith.mulf %get3A_956, %get3A_961 : vector<16xf32>
        %add3A_971 = arith.addf %add3A_969, %mul3A_970 : vector<16xf32>
        %eq3A_972 = arith.constant 3 : i32
        %eq3A_973 = vector.broadcast %eq3A_972 : i32 to vector<16xi32>
        %eq3A_974 = arith.cmpi eq, %iota3A, %eq3A_973 : vector<16xi32>
        %reduce_sum3A_975 = arith.constant true
        %reduce_sum3A_976 = vector.broadcast %reduce_sum3A_975 : i1 to vector<16xi1>
        %reduce_sum3A_977 = tpu.scan <sum>, %add3A_971 masked %reduce_sum3A_976 : vector<16xf32>, vector<16xi1> -> vector<16xf32>
        %reduce_sum3A_978 = vector.extract %reduce_sum3A_977[15] : f32 from vector<16xf32>
        %broadcast_in_dim3A_979 = vector.broadcast %reduce_sum3A_978 : f32 to vector<16xf32>
        %select_n3A_980 = arith.select %eq3A_974, %broadcast_in_dim3A_979, %select_n3A_936 : vector<16xi1>, vector<16xf32>
        %add3A_981 = arith.constant 4 : i32
        %add3A_982 = arith.addi %mul3A_805, %add3A_981 : i32
        %get3A_983 = arith.index_cast %add3A_982 : i32 to index
        %get3A_984 = arith.constant 0 : index
        %get3A_985 = tpu.vector_load %arg8[%get3A_983, %get3A_984] {strides = array<i32>} : memref<2560x16xf32, #tpu.memory_space<vmem>>, vector<16xf32>,
        %add3A_986 = arith.constant 512 : i32
        %add3A_987 = arith.addi %add3A_982, %add3A_986 : i32
        %get3A_988 = arith.index_cast %add3A_987 : i32 to index
        %get3A_989 = arith.constant 0 : index
        %get3A_990 = tpu.vector_load %arg8[%get3A_988, %get3A_989] {strides = array<i32>} : memref<2560x16xf32, #tpu.memory_space<vmem>>, vector<16xf32>,
        %add3A_991 = arith.constant 1024 : i32
        %add3A_992 = arith.addi %add3A_982, %add3A_991 : i32
        %get3A_993 = arith.index_cast %add3A_992 : i32 to index
        %get3A_994 = arith.constant 0 : index
        %get3A_995 = tpu.vector_load %arg8[%get3A_993, %get3A_994] {strides = array<i32>} : memref<2560x16xf32, #tpu.memory_space<vmem>>, vector<16xf32>,
        %add3A_996 = arith.constant 1536 : i32
        %add3A_997 = arith.addi %add3A_982, %add3A_996 : i32
        %get3A_998 = arith.index_cast %add3A_997 : i32 to index
        %get3A_999 = arith.constant 0 : index
        %get3A_1000 = tpu.vector_load %arg8[%get3A_998, %get3A_999] {strides = array<i32>} : memref<2560x16xf32, #tpu.memory_space<vmem>>, vector<16xf32>,
        %add3A_1001 = arith.constant 2048 : i32
        %add3A_1002 = arith.addi %add3A_982, %add3A_1001 : i32
        %get3A_1003 = arith.index_cast %add3A_1002 : i32 to index
        %get3A_1004 = arith.constant 0 : index
        %get3A_1005 = tpu.vector_load %arg8[%get3A_1003, %get3A_1004] {strides = array<i32>} : memref<2560x16xf32, #tpu.memory_space<vmem>>, vector<16xf32>,
        %add3A_1006 = arith.addf %get3A_1000, %get3A_1005 : vector<16xf32>
        %add3A_1007 = arith.addf %get3A_995, %add3A_1006 : vector<16xf32>
        %add3A_1008 = arith.addf %get3A_990, %add3A_1007 : vector<16xf32>
        %mul3A_1009 = arith.mulf %get3A_985, %add3A_1008 : vector<16xf32>
        %mul3A_1010 = arith.mulf %get3A_990, %add3A_1007 : vector<16xf32>
        %add3A_1011 = arith.addf %mul3A_1009, %mul3A_1010 : vector<16xf32>
        %mul3A_1012 = arith.mulf %get3A_995, %add3A_1006 : vector<16xf32>
        %add3A_1013 = arith.addf %add3A_1011, %mul3A_1012 : vector<16xf32>
        %mul3A_1014 = arith.mulf %get3A_1000, %get3A_1005 : vector<16xf32>
        %add3A_1015 = arith.addf %add3A_1013, %mul3A_1014 : vector<16xf32>
        %eq3A_1016 = arith.constant 4 : i32
        %eq3A_1017 = vector.broadcast %eq3A_1016 : i32 to vector<16xi32>
        %eq3A_1018 = arith.cmpi eq, %iota3A, %eq3A_1017 : vector<16xi32>
        %reduce_sum3A_1019 = arith.constant true
        %reduce_sum3A_1020 = vector.broadcast %reduce_sum3A_1019 : i1 to vector<16xi1>
        %reduce_sum3A_1021 = tpu.scan <sum>, %add3A_1015 masked %reduce_sum3A_1020 : vector<16xf32>, vector<16xi1> -> vector<16xf32>
        %reduce_sum3A_1022 = vector.extract %reduce_sum3A_1021[15] : f32 from vector<16xf32>
        %broadcast_in_dim3A_1023 = vector.broadcast %reduce_sum3A_1022 : f32 to vector<16xf32>
        %select_n3A_1024 = arith.select %eq3A_1018, %broadcast_in_dim3A_1023, %select_n3A_980 : vector<16xi1>, vector<16xf32>
        %add3A_1025 = arith.constant 5 : i32
        %add3A_1026 = arith.addi %mul3A_805, %add3A_1025 : i32
        %get3A_1027 = arith.index_cast %add3A_1026 : i32 to index
        %get3A_1028 = arith.constant 0 : index
        %get3A_1029 = tpu.vector_load %arg8[%get3A_1027, %get3A_1028] {strides = array<i32>} : memref<2560x16xf32, #tpu.memory_space<vmem>>, vector<16xf32>,
        %add3A_1030 = arith.constant 512 : i32
        %add3A_1031 = arith.addi %add3A_1026, %add3A_1030 : i32
        %get3A_1032 = arith.index_cast %add3A_1031 : i32 to index
        %get3A_1033 = arith.constant 0 : index
        %get3A_1034 = tpu.vector_load %arg8[%get3A_1032, %get3A_1033] {strides = array<i32>} : memref<2560x16xf32, #tpu.memory_space<vmem>>, vector<16xf32>,
        %add3A_1035 = arith.constant 1024 : i32
        %add3A_1036 = arith.addi %add3A_1026, %add3A_1035 : i32
        %get3A_1037 = arith.index_cast %add3A_1036 : i32 to index
        %get3A_1038 = arith.constant 0 : index
        %get3A_1039 = tpu.vector_load %arg8[%get3A_1037, %get3A_1038] {strides = array<i32>} : memref<2560x16xf32, #tpu.memory_space<vmem>>, vector<16xf32>,
        %add3A_1040 = arith.constant 1536 : i32
        %add3A_1041 = arith.addi %add3A_1026, %add3A_1040 : i32
        %get3A_1042 = arith.index_cast %add3A_1041 : i32 to index
        %get3A_1043 = arith.constant 0 : index
        %get3A_1044 = tpu.vector_load %arg8[%get3A_1042, %get3A_1043] {strides = array<i32>} : memref<2560x16xf32, #tpu.memory_space<vmem>>, vector<16xf32>,
        %add3A_1045 = arith.constant 2048 : i32
        %add3A_1046 = arith.addi %add3A_1026, %add3A_1045 : i32
        %get3A_1047 = arith.index_cast %add3A_1046 : i32 to index
        %get3A_1048 = arith.constant 0 : index
        %get3A_1049 = tpu.vector_load %arg8[%get3A_1047, %get3A_1048] {strides = array<i32>} : memref<2560x16xf32, #tpu.memory_space<vmem>>, vector<16xf32>,
        %add3A_1050 = arith.addf %get3A_1044, %get3A_1049 : vector<16xf32>
        %add3A_1051 = arith.addf %get3A_1039, %add3A_1050 : vector<16xf32>
        %add3A_1052 = arith.addf %get3A_1034, %add3A_1051 : vector<16xf32>
        %mul3A_1053 = arith.mulf %get3A_1029, %add3A_1052 : vector<16xf32>
        %mul3A_1054 = arith.mulf %get3A_1034, %add3A_1051 : vector<16xf32>
        %add3A_1055 = arith.addf %mul3A_1053, %mul3A_1054 : vector<16xf32>
        %mul3A_1056 = arith.mulf %get3A_1039, %add3A_1050 : vector<16xf32>
        %add3A_1057 = arith.addf %add3A_1055, %mul3A_1056 : vector<16xf32>
        %mul3A_1058 = arith.mulf %get3A_1044, %get3A_1049 : vector<16xf32>
        %add3A_1059 = arith.addf %add3A_1057, %mul3A_1058 : vector<16xf32>
        %eq3A_1060 = arith.constant 5 : i32
        %eq3A_1061 = vector.broadcast %eq3A_1060 : i32 to vector<16xi32>
        %eq3A_1062 = arith.cmpi eq, %iota3A, %eq3A_1061 : vector<16xi32>
        %reduce_sum3A_1063 = arith.constant true
        %reduce_sum3A_1064 = vector.broadcast %reduce_sum3A_1063 : i1 to vector<16xi1>
        %reduce_sum3A_1065 = tpu.scan <sum>, %add3A_1059 masked %reduce_sum3A_1064 : vector<16xf32>, vector<16xi1> -> vector<16xf32>
        %reduce_sum3A_1066 = vector.extract %reduce_sum3A_1065[15] : f32 from vector<16xf32>
        %broadcast_in_dim3A_1067 = vector.broadcast %reduce_sum3A_1066 : f32 to vector<16xf32>
        %select_n3A_1068 = arith.select %eq3A_1062, %broadcast_in_dim3A_1067, %select_n3A_1024 : vector<16xi1>, vector<16xf32>
        %add3A_1069 = arith.constant 6 : i32
        %add3A_1070 = arith.addi %mul3A_805, %add3A_1069 : i32
        %get3A_1071 = arith.index_cast %add3A_1070 : i32 to index
        %get3A_1072 = arith.constant 0 : index
        %get3A_1073 = tpu.vector_load %arg8[%get3A_1071, %get3A_1072] {strides = array<i32>} : memref<2560x16xf32, #tpu.memory_space<vmem>>, vector<16xf32>,
        %add3A_1074 = arith.constant 512 : i32
        %add3A_1075 = arith.addi %add3A_1070, %add3A_1074 : i32
        %get3A_1076 = arith.index_cast %add3A_1075 : i32 to index
        %get3A_1077 = arith.constant 0 : index
        %get3A_1078 = tpu.vector_load %arg8[%get3A_1076, %get3A_1077] {strides = array<i32>} : memref<2560x16xf32, #tpu.memory_space<vmem>>, vector<16xf32>,
        %add3A_1079 = arith.constant 1024 : i32
        %add3A_1080 = arith.addi %add3A_1070, %add3A_1079 : i32
        %get3A_1081 = arith.index_cast %add3A_1080 : i32 to index
        %get3A_1082 = arith.constant 0 : index
        %get3A_1083 = tpu.vector_load %arg8[%get3A_1081, %get3A_1082] {strides = array<i32>} : memref<2560x16xf32, #tpu.memory_space<vmem>>, vector<16xf32>,
        %add3A_1084 = arith.constant 1536 : i32
        %add3A_1085 = arith.addi %add3A_1070, %add3A_1084 : i32
        %get3A_1086 = arith.index_cast %add3A_1085 : i32 to index
        %get3A_1087 = arith.constant 0 : index
        %get3A_1088 = tpu.vector_load %arg8[%get3A_1086, %get3A_1087] {strides = array<i32>} : memref<2560x16xf32, #tpu.memory_space<vmem>>, vector<16xf32>,
        %add3A_1089 = arith.constant 2048 : i32
        %add3A_1090 = arith.addi %add3A_1070, %add3A_1089 : i32
        %get3A_1091 = arith.index_cast %add3A_1090 : i32 to index
        %get3A_1092 = arith.constant 0 : index
        %get3A_1093 = tpu.vector_load %arg8[%get3A_1091, %get3A_1092] {strides = array<i32>} : memref<2560x16xf32, #tpu.memory_space<vmem>>, vector<16xf32>,
        %add3A_1094 = arith.addf %get3A_1088, %get3A_1093 : vector<16xf32>
        %add3A_1095 = arith.addf %get3A_1083, %add3A_1094 : vector<16xf32>
        %add3A_1096 = arith.addf %get3A_1078, %add3A_1095 : vector<16xf32>
        %mul3A_1097 = arith.mulf %get3A_1073, %add3A_1096 : vector<16xf32>
        %mul3A_1098 = arith.mulf %get3A_1078, %add3A_1095 : vector<16xf32>
        %add3A_1099 = arith.addf %mul3A_1097, %mul3A_1098 : vector<16xf32>
        %mul3A_1100 = arith.mulf %get3A_1083, %add3A_1094 : vector<16xf32>
        %add3A_1101 = arith.addf %add3A_1099, %mul3A_1100 : vector<16xf32>
        %mul3A_1102 = arith.mulf %get3A_1088, %get3A_1093 : vector<16xf32>
        %add3A_1103 = arith.addf %add3A_1101, %mul3A_1102 : vector<16xf32>
        %eq3A_1104 = arith.constant 6 : i32
        %eq3A_1105 = vector.broadcast %eq3A_1104 : i32 to vector<16xi32>
        %eq3A_1106 = arith.cmpi eq, %iota3A, %eq3A_1105 : vector<16xi32>
        %reduce_sum3A_1107 = arith.constant true
        %reduce_sum3A_1108 = vector.broadcast %reduce_sum3A_1107 : i1 to vector<16xi1>
        %reduce_sum3A_1109 = tpu.scan <sum>, %add3A_1103 masked %reduce_sum3A_1108 : vector<16xf32>, vector<16xi1> -> vector<16xf32>
        %reduce_sum3A_1110 = vector.extract %reduce_sum3A_1109[15] : f32 from vector<16xf32>
        %broadcast_in_dim3A_1111 = vector.broadcast %reduce_sum3A_1110 : f32 to vector<16xf32>
        %select_n3A_1112 = arith.select %eq3A_1106, %broadcast_in_dim3A_1111, %select_n3A_1068 : vector<16xi1>, vector<16xf32>
        %add3A_1113 = arith.constant 7 : i32
        %add3A_1114 = arith.addi %mul3A_805, %add3A_1113 : i32
        %get3A_1115 = arith.index_cast %add3A_1114 : i32 to index
        %get3A_1116 = arith.constant 0 : index
        %get3A_1117 = tpu.vector_load %arg8[%get3A_1115, %get3A_1116] {strides = array<i32>} : memref<2560x16xf32, #tpu.memory_space<vmem>>, vector<16xf32>,
        %add3A_1118 = arith.constant 512 : i32
        %add3A_1119 = arith.addi %add3A_1114, %add3A_1118 : i32
        %get3A_1120 = arith.index_cast %add3A_1119 : i32 to index
        %get3A_1121 = arith.constant 0 : index
        %get3A_1122 = tpu.vector_load %arg8[%get3A_1120, %get3A_1121] {strides = array<i32>} : memref<2560x16xf32, #tpu.memory_space<vmem>>, vector<16xf32>,
        %add3A_1123 = arith.constant 1024 : i32
        %add3A_1124 = arith.addi %add3A_1114, %add3A_1123 : i32
        %get3A_1125 = arith.index_cast %add3A_1124 : i32 to index
        %get3A_1126 = arith.constant 0 : index
        %get3A_1127 = tpu.vector_load %arg8[%get3A_1125, %get3A_1126] {strides = array<i32>} : memref<2560x16xf32, #tpu.memory_space<vmem>>, vector<16xf32>,
        %add3A_1128 = arith.constant 1536 : i32
        %add3A_1129 = arith.addi %add3A_1114, %add3A_1128 : i32
        %get3A_1130 = arith.index_cast %add3A_1129 : i32 to index
        %get3A_1131 = arith.constant 0 : index
        %get3A_1132 = tpu.vector_load %arg8[%get3A_1130, %get3A_1131] {strides = array<i32>} : memref<2560x16xf32, #tpu.memory_space<vmem>>, vector<16xf32>,
        %add3A_1133 = arith.constant 2048 : i32
        %add3A_1134 = arith.addi %add3A_1114, %add3A_1133 : i32
        %get3A_1135 = arith.index_cast %add3A_1134 : i32 to index
        %get3A_1136 = arith.constant 0 : index
        %get3A_1137 = tpu.vector_load %arg8[%get3A_1135, %get3A_1136] {strides = array<i32>} : memref<2560x16xf32, #tpu.memory_space<vmem>>, vector<16xf32>,
        %add3A_1138 = arith.addf %get3A_1132, %get3A_1137 : vector<16xf32>
        %add3A_1139 = arith.addf %get3A_1127, %add3A_1138 : vector<16xf32>
        %add3A_1140 = arith.addf %get3A_1122, %add3A_1139 : vector<16xf32>
        %mul3A_1141 = arith.mulf %get3A_1117, %add3A_1140 : vector<16xf32>
        %mul3A_1142 = arith.mulf %get3A_1122, %add3A_1139 : vector<16xf32>
        %add3A_1143 = arith.addf %mul3A_1141, %mul3A_1142 : vector<16xf32>
        %mul3A_1144 = arith.mulf %get3A_1127, %add3A_1138 : vector<16xf32>
        %add3A_1145 = arith.addf %add3A_1143, %mul3A_1144 : vector<16xf32>
        %mul3A_1146 = arith.mulf %get3A_1132, %get3A_1137 : vector<16xf32>
        %add3A_1147 = arith.addf %add3A_1145, %mul3A_1146 : vector<16xf32>
        %eq3A_1148 = arith.constant 7 : i32
        %eq3A_1149 = vector.broadcast %eq3A_1148 : i32 to vector<16xi32>
        %eq3A_1150 = arith.cmpi eq, %iota3A, %eq3A_1149 : vector<16xi32>
        %reduce_sum3A_1151 = arith.constant true
        %reduce_sum3A_1152 = vector.broadcast %reduce_sum3A_1151 : i1 to vector<16xi1>
        %reduce_sum3A_1153 = tpu.scan <sum>, %add3A_1147 masked %reduce_sum3A_1152 : vector<16xf32>, vector<16xi1> -> vector<16xf32>
        %reduce_sum3A_1154 = vector.extract %reduce_sum3A_1153[15] : f32 from vector<16xf32>
        %broadcast_in_dim3A_1155 = vector.broadcast %reduce_sum3A_1154 : f32 to vector<16xf32>
        %select_n3A_1156 = arith.select %eq3A_1150, %broadcast_in_dim3A_1155, %select_n3A_1112 : vector<16xi1>, vector<16xf32>
        %add3A_1157 = arith.constant 8 : i32
        %add3A_1158 = arith.addi %mul3A_805, %add3A_1157 : i32
        %get3A_1159 = arith.index_cast %add3A_1158 : i32 to index
        %get3A_1160 = arith.constant 0 : index
        %get3A_1161 = tpu.vector_load %arg8[%get3A_1159, %get3A_1160] {strides = array<i32>} : memref<2560x16xf32, #tpu.memory_space<vmem>>, vector<16xf32>,
        %add3A_1162 = arith.constant 512 : i32
        %add3A_1163 = arith.addi %add3A_1158, %add3A_1162 : i32
        %get3A_1164 = arith.index_cast %add3A_1163 : i32 to index
        %get3A_1165 = arith.constant 0 : index
        %get3A_1166 = tpu.vector_load %arg8[%get3A_1164, %get3A_1165] {strides = array<i32>} : memref<2560x16xf32, #tpu.memory_space<vmem>>, vector<16xf32>,
        %add3A_1167 = arith.constant 1024 : i32
        %add3A_1168 = arith.addi %add3A_1158, %add3A_1167 : i32
        %get3A_1169 = arith.index_cast %add3A_1168 : i32 to index
        %get3A_1170 = arith.constant 0 : index
        %get3A_1171 = tpu.vector_load %arg8[%get3A_1169, %get3A_1170] {strides = array<i32>} : memref<2560x16xf32, #tpu.memory_space<vmem>>, vector<16xf32>,
        %add3A_1172 = arith.constant 1536 : i32
        %add3A_1173 = arith.addi %add3A_1158, %add3A_1172 : i32
        %get3A_1174 = arith.index_cast %add3A_1173 : i32 to index
        %get3A_1175 = arith.constant 0 : index
        %get3A_1176 = tpu.vector_load %arg8[%get3A_1174, %get3A_1175] {strides = array<i32>} : memref<2560x16xf32, #tpu.memory_space<vmem>>, vector<16xf32>,
        %add3A_1177 = arith.constant 2048 : i32
        %add3A_1178 = arith.addi %add3A_1158, %add3A_1177 : i32
        %get3A_1179 = arith.index_cast %add3A_1178 : i32 to index
        %get3A_1180 = arith.constant 0 : index
        %get3A_1181 = tpu.vector_load %arg8[%get3A_1179, %get3A_1180] {strides = array<i32>} : memref<2560x16xf32, #tpu.memory_space<vmem>>, vector<16xf32>,
        %add3A_1182 = arith.addf %get3A_1176, %get3A_1181 : vector<16xf32>
        %add3A_1183 = arith.addf %get3A_1171, %add3A_1182 : vector<16xf32>
        %add3A_1184 = arith.addf %get3A_1166, %add3A_1183 : vector<16xf32>
        %mul3A_1185 = arith.mulf %get3A_1161, %add3A_1184 : vector<16xf32>
        %mul3A_1186 = arith.mulf %get3A_1166, %add3A_1183 : vector<16xf32>
        %add3A_1187 = arith.addf %mul3A_1185, %mul3A_1186 : vector<16xf32>
        %mul3A_1188 = arith.mulf %get3A_1171, %add3A_1182 : vector<16xf32>
        %add3A_1189 = arith.addf %add3A_1187, %mul3A_1188 : vector<16xf32>
        %mul3A_1190 = arith.mulf %get3A_1176, %get3A_1181 : vector<16xf32>
        %add3A_1191 = arith.addf %add3A_1189, %mul3A_1190 : vector<16xf32>
        %eq3A_1192 = arith.constant 8 : i32
        %eq3A_1193 = vector.broadcast %eq3A_1192 : i32 to vector<16xi32>
        %eq3A_1194 = arith.cmpi eq, %iota3A, %eq3A_1193 : vector<16xi32>
        %reduce_sum3A_1195 = arith.constant true
        %reduce_sum3A_1196 = vector.broadcast %reduce_sum3A_1195 : i1 to vector<16xi1>
        %reduce_sum3A_1197 = tpu.scan <sum>, %add3A_1191 masked %reduce_sum3A_1196 : vector<16xf32>, vector<16xi1> -> vector<16xf32>
        %reduce_sum3A_1198 = vector.extract %reduce_sum3A_1197[15] : f32 from vector<16xf32>
        %broadcast_in_dim3A_1199 = vector.broadcast %reduce_sum3A_1198 : f32 to vector<16xf32>
        %select_n3A_1200 = arith.select %eq3A_1194, %broadcast_in_dim3A_1199, %select_n3A_1156 : vector<16xi1>, vector<16xf32>
        %add3A_1201 = arith.constant 9 : i32
        %add3A_1202 = arith.addi %mul3A_805, %add3A_1201 : i32
        %get3A_1203 = arith.index_cast %add3A_1202 : i32 to index
        %get3A_1204 = arith.constant 0 : index
        %get3A_1205 = tpu.vector_load %arg8[%get3A_1203, %get3A_1204] {strides = array<i32>} : memref<2560x16xf32, #tpu.memory_space<vmem>>, vector<16xf32>,
        %add3A_1206 = arith.constant 512 : i32
        %add3A_1207 = arith.addi %add3A_1202, %add3A_1206 : i32
        %get3A_1208 = arith.index_cast %add3A_1207 : i32 to index
        %get3A_1209 = arith.constant 0 : index
        %get3A_1210 = tpu.vector_load %arg8[%get3A_1208, %get3A_1209] {strides = array<i32>} : memref<2560x16xf32, #tpu.memory_space<vmem>>, vector<16xf32>,
        %add3A_1211 = arith.constant 1024 : i32
        %add3A_1212 = arith.addi %add3A_1202, %add3A_1211 : i32
        %get3A_1213 = arith.index_cast %add3A_1212 : i32 to index
        %get3A_1214 = arith.constant 0 : index
        %get3A_1215 = tpu.vector_load %arg8[%get3A_1213, %get3A_1214] {strides = array<i32>} : memref<2560x16xf32, #tpu.memory_space<vmem>>, vector<16xf32>,
        %add3A_1216 = arith.constant 1536 : i32
        %add3A_1217 = arith.addi %add3A_1202, %add3A_1216 : i32
        %get3A_1218 = arith.index_cast %add3A_1217 : i32 to index
        %get3A_1219 = arith.constant 0 : index
        %get3A_1220 = tpu.vector_load %arg8[%get3A_1218, %get3A_1219] {strides = array<i32>} : memref<2560x16xf32, #tpu.memory_space<vmem>>, vector<16xf32>,
        %add3A_1221 = arith.constant 2048 : i32
        %add3A_1222 = arith.addi %add3A_1202, %add3A_1221 : i32
        %get3A_1223 = arith.index_cast %add3A_1222 : i32 to index
        %get3A_1224 = arith.constant 0 : index
        %get3A_1225 = tpu.vector_load %arg8[%get3A_1223, %get3A_1224] {strides = array<i32>} : memref<2560x16xf32, #tpu.memory_space<vmem>>, vector<16xf32>,
        %add3A_1226 = arith.addf %get3A_1220, %get3A_1225 : vector<16xf32>
        %add3A_1227 = arith.addf %get3A_1215, %add3A_1226 : vector<16xf32>
        %add3A_1228 = arith.addf %get3A_1210, %add3A_1227 : vector<16xf32>
        %mul3A_1229 = arith.mulf %get3A_1205, %add3A_1228 : vector<16xf32>
        %mul3A_1230 = arith.mulf %get3A_1210, %add3A_1227 : vector<16xf32>
        %add3A_1231 = arith.addf %mul3A_1229, %mul3A_1230 : vector<16xf32>
        %mul3A_1232 = arith.mulf %get3A_1215, %add3A_1226 : vector<16xf32>
        %add3A_1233 = arith.addf %add3A_1231, %mul3A_1232 : vector<16xf32>
        %mul3A_1234 = arith.mulf %get3A_1220, %get3A_1225 : vector<16xf32>
        %add3A_1235 = arith.addf %add3A_1233, %mul3A_1234 : vector<16xf32>
        %eq3A_1236 = arith.constant 9 : i32
        %eq3A_1237 = vector.broadcast %eq3A_1236 : i32 to vector<16xi32>
        %eq3A_1238 = arith.cmpi eq, %iota3A, %eq3A_1237 : vector<16xi32>
        %reduce_sum3A_1239 = arith.constant true
        %reduce_sum3A_1240 = vector.broadcast %reduce_sum3A_1239 : i1 to vector<16xi1>
        %reduce_sum3A_1241 = tpu.scan <sum>, %add3A_1235 masked %reduce_sum3A_1240 : vector<16xf32>, vector<16xi1> -> vector<16xf32>
        %reduce_sum3A_1242 = vector.extract %reduce_sum3A_1241[15] : f32 from vector<16xf32>
        %broadcast_in_dim3A_1243 = vector.broadcast %reduce_sum3A_1242 : f32 to vector<16xf32>
        %select_n3A_1244 = arith.select %eq3A_1238, %broadcast_in_dim3A_1243, %select_n3A_1200 : vector<16xi1>, vector<16xf32>
        %add3A_1245 = arith.constant 10 : i32
        %add3A_1246 = arith.addi %mul3A_805, %add3A_1245 : i32
        %get3A_1247 = arith.index_cast %add3A_1246 : i32 to index
        %get3A_1248 = arith.constant 0 : index
        %get3A_1249 = tpu.vector_load %arg8[%get3A_1247, %get3A_1248] {strides = array<i32>} : memref<2560x16xf32, #tpu.memory_space<vmem>>, vector<16xf32>,
        %add3A_1250 = arith.constant 512 : i32
        %add3A_1251 = arith.addi %add3A_1246, %add3A_1250 : i32
        %get3A_1252 = arith.index_cast %add3A_1251 : i32 to index
        %get3A_1253 = arith.constant 0 : index
        %get3A_1254 = tpu.vector_load %arg8[%get3A_1252, %get3A_1253] {strides = array<i32>} : memref<2560x16xf32, #tpu.memory_space<vmem>>, vector<16xf32>,
        %add3A_1255 = arith.constant 1024 : i32
        %add3A_1256 = arith.addi %add3A_1246, %add3A_1255 : i32
        %get3A_1257 = arith.index_cast %add3A_1256 : i32 to index
        %get3A_1258 = arith.constant 0 : index
        %get3A_1259 = tpu.vector_load %arg8[%get3A_1257, %get3A_1258] {strides = array<i32>} : memref<2560x16xf32, #tpu.memory_space<vmem>>, vector<16xf32>,
        %add3A_1260 = arith.constant 1536 : i32
        %add3A_1261 = arith.addi %add3A_1246, %add3A_1260 : i32
        %get3A_1262 = arith.index_cast %add3A_1261 : i32 to index
        %get3A_1263 = arith.constant 0 : index
        %get3A_1264 = tpu.vector_load %arg8[%get3A_1262, %get3A_1263] {strides = array<i32>} : memref<2560x16xf32, #tpu.memory_space<vmem>>, vector<16xf32>,
        %add3A_1265 = arith.constant 2048 : i32
        %add3A_1266 = arith.addi %add3A_1246, %add3A_1265 : i32
        %get3A_1267 = arith.index_cast %add3A_1266 : i32 to index
        %get3A_1268 = arith.constant 0 : index
        %get3A_1269 = tpu.vector_load %arg8[%get3A_1267, %get3A_1268] {strides = array<i32>} : memref<2560x16xf32, #tpu.memory_space<vmem>>, vector<16xf32>,
        %add3A_1270 = arith.addf %get3A_1264, %get3A_1269 : vector<16xf32>
        %add3A_1271 = arith.addf %get3A_1259, %add3A_1270 : vector<16xf32>
        %add3A_1272 = arith.addf %get3A_1254, %add3A_1271 : vector<16xf32>
        %mul3A_1273 = arith.mulf %get3A_1249, %add3A_1272 : vector<16xf32>
        %mul3A_1274 = arith.mulf %get3A_1254, %add3A_1271 : vector<16xf32>
        %add3A_1275 = arith.addf %mul3A_1273, %mul3A_1274 : vector<16xf32>
        %mul3A_1276 = arith.mulf %get3A_1259, %add3A_1270 : vector<16xf32>
        %add3A_1277 = arith.addf %add3A_1275, %mul3A_1276 : vector<16xf32>
        %mul3A_1278 = arith.mulf %get3A_1264, %get3A_1269 : vector<16xf32>
        %add3A_1279 = arith.addf %add3A_1277, %mul3A_1278 : vector<16xf32>
        %eq3A_1280 = arith.constant 10 : i32
        %eq3A_1281 = vector.broadcast %eq3A_1280 : i32 to vector<16xi32>
        %eq3A_1282 = arith.cmpi eq, %iota3A, %eq3A_1281 : vector<16xi32>
        %reduce_sum3A_1283 = arith.constant true
        %reduce_sum3A_1284 = vector.broadcast %reduce_sum3A_1283 : i1 to vector<16xi1>
        %reduce_sum3A_1285 = tpu.scan <sum>, %add3A_1279 masked %reduce_sum3A_1284 : vector<16xf32>, vector<16xi1> -> vector<16xf32>
        %reduce_sum3A_1286 = vector.extract %reduce_sum3A_1285[15] : f32 from vector<16xf32>
        %broadcast_in_dim3A_1287 = vector.broadcast %reduce_sum3A_1286 : f32 to vector<16xf32>
        %select_n3A_1288 = arith.select %eq3A_1282, %broadcast_in_dim3A_1287, %select_n3A_1244 : vector<16xi1>, vector<16xf32>
        %add3A_1289 = arith.constant 11 : i32
        %add3A_1290 = arith.addi %mul3A_805, %add3A_1289 : i32
        %get3A_1291 = arith.index_cast %add3A_1290 : i32 to index
        %get3A_1292 = arith.constant 0 : index
        %get3A_1293 = tpu.vector_load %arg8[%get3A_1291, %get3A_1292] {strides = array<i32>} : memref<2560x16xf32, #tpu.memory_space<vmem>>, vector<16xf32>,
        %add3A_1294 = arith.constant 512 : i32
        %add3A_1295 = arith.addi %add3A_1290, %add3A_1294 : i32
        %get3A_1296 = arith.index_cast %add3A_1295 : i32 to index
        %get3A_1297 = arith.constant 0 : index
        %get3A_1298 = tpu.vector_load %arg8[%get3A_1296, %get3A_1297] {strides = array<i32>} : memref<2560x16xf32, #tpu.memory_space<vmem>>, vector<16xf32>,
        %add3A_1299 = arith.constant 1024 : i32
        %add3A_1300 = arith.addi %add3A_1290, %add3A_1299 : i32
        %get3A_1301 = arith.index_cast %add3A_1300 : i32 to index
        %get3A_1302 = arith.constant 0 : index
        %get3A_1303 = tpu.vector_load %arg8[%get3A_1301, %get3A_1302] {strides = array<i32>} : memref<2560x16xf32, #tpu.memory_space<vmem>>, vector<16xf32>,
        %add3A_1304 = arith.constant 1536 : i32
        %add3A_1305 = arith.addi %add3A_1290, %add3A_1304 : i32
        %get3A_1306 = arith.index_cast %add3A_1305 : i32 to index
        %get3A_1307 = arith.constant 0 : index
        %get3A_1308 = tpu.vector_load %arg8[%get3A_1306, %get3A_1307] {strides = array<i32>} : memref<2560x16xf32, #tpu.memory_space<vmem>>, vector<16xf32>,
        %add3A_1309 = arith.constant 2048 : i32
        %add3A_1310 = arith.addi %add3A_1290, %add3A_1309 : i32
        %get3A_1311 = arith.index_cast %add3A_1310 : i32 to index
        %get3A_1312 = arith.constant 0 : index
        %get3A_1313 = tpu.vector_load %arg8[%get3A_1311, %get3A_1312] {strides = array<i32>} : memref<2560x16xf32, #tpu.memory_space<vmem>>, vector<16xf32>,
        %add3A_1314 = arith.addf %get3A_1308, %get3A_1313 : vector<16xf32>
        %add3A_1315 = arith.addf %get3A_1303, %add3A_1314 : vector<16xf32>
        %add3A_1316 = arith.addf %get3A_1298, %add3A_1315 : vector<16xf32>
        %mul3A_1317 = arith.mulf %get3A_1293, %add3A_1316 : vector<16xf32>
        %mul3A_1318 = arith.mulf %get3A_1298, %add3A_1315 : vector<16xf32>
        %add3A_1319 = arith.addf %mul3A_1317, %mul3A_1318 : vector<16xf32>
        %mul3A_1320 = arith.mulf %get3A_1303, %add3A_1314 : vector<16xf32>
        %add3A_1321 = arith.addf %add3A_1319, %mul3A_1320 : vector<16xf32>
        %mul3A_1322 = arith.mulf %get3A_1308, %get3A_1313 : vector<16xf32>
        %add3A_1323 = arith.addf %add3A_1321, %mul3A_1322 : vector<16xf32>
        %eq3A_1324 = arith.constant 11 : i32
        %eq3A_1325 = vector.broadcast %eq3A_1324 : i32 to vector<16xi32>
        %eq3A_1326 = arith.cmpi eq, %iota3A, %eq3A_1325 : vector<16xi32>
        %reduce_sum3A_1327 = arith.constant true
        %reduce_sum3A_1328 = vector.broadcast %reduce_sum3A_1327 : i1 to vector<16xi1>
        %reduce_sum3A_1329 = tpu.scan <sum>, %add3A_1323 masked %reduce_sum3A_1328 : vector<16xf32>, vector<16xi1> -> vector<16xf32>
        %reduce_sum3A_1330 = vector.extract %reduce_sum3A_1329[15] : f32 from vector<16xf32>
        %broadcast_in_dim3A_1331 = vector.broadcast %reduce_sum3A_1330 : f32 to vector<16xf32>
        %select_n3A_1332 = arith.select %eq3A_1326, %broadcast_in_dim3A_1331, %select_n3A_1288 : vector<16xi1>, vector<16xf32>
        %add3A_1333 = arith.constant 12 : i32
        %add3A_1334 = arith.addi %mul3A_805, %add3A_1333 : i32
        %get3A_1335 = arith.index_cast %add3A_1334 : i32 to index
        %get3A_1336 = arith.constant 0 : index
        %get3A_1337 = tpu.vector_load %arg8[%get3A_1335, %get3A_1336] {strides = array<i32>} : memref<2560x16xf32, #tpu.memory_space<vmem>>, vector<16xf32>,
        %add3A_1338 = arith.constant 512 : i32
        %add3A_1339 = arith.addi %add3A_1334, %add3A_1338 : i32
        %get3A_1340 = arith.index_cast %add3A_1339 : i32 to index
        %get3A_1341 = arith.constant 0 : index
        %get3A_1342 = tpu.vector_load %arg8[%get3A_1340, %get3A_1341] {strides = array<i32>} : memref<2560x16xf32, #tpu.memory_space<vmem>>, vector<16xf32>,
        %add3A_1343 = arith.constant 1024 : i32
        %add3A_1344 = arith.addi %add3A_1334, %add3A_1343 : i32
        %get3A_1345 = arith.index_cast %add3A_1344 : i32 to index
        %get3A_1346 = arith.constant 0 : index
        %get3A_1347 = tpu.vector_load %arg8[%get3A_1345, %get3A_1346] {strides = array<i32>} : memref<2560x16xf32, #tpu.memory_space<vmem>>, vector<16xf32>,
        %add3A_1348 = arith.constant 1536 : i32
        %add3A_1349 = arith.addi %add3A_1334, %add3A_1348 : i32
        %get3A_1350 = arith.index_cast %add3A_1349 : i32 to index
        %get3A_1351 = arith.constant 0 : index
        %get3A_1352 = tpu.vector_load %arg8[%get3A_1350, %get3A_1351] {strides = array<i32>} : memref<2560x16xf32, #tpu.memory_space<vmem>>, vector<16xf32>,
        %add3A_1353 = arith.constant 2048 : i32
        %add3A_1354 = arith.addi %add3A_1334, %add3A_1353 : i32
        %get3A_1355 = arith.index_cast %add3A_1354 : i32 to index
        %get3A_1356 = arith.constant 0 : index
        %get3A_1357 = tpu.vector_load %arg8[%get3A_1355, %get3A_1356] {strides = array<i32>} : memref<2560x16xf32, #tpu.memory_space<vmem>>, vector<16xf32>,
        %add3A_1358 = arith.addf %get3A_1352, %get3A_1357 : vector<16xf32>
        %add3A_1359 = arith.addf %get3A_1347, %add3A_1358 : vector<16xf32>
        %add3A_1360 = arith.addf %get3A_1342, %add3A_1359 : vector<16xf32>
        %mul3A_1361 = arith.mulf %get3A_1337, %add3A_1360 : vector<16xf32>
        %mul3A_1362 = arith.mulf %get3A_1342, %add3A_1359 : vector<16xf32>
        %add3A_1363 = arith.addf %mul3A_1361, %mul3A_1362 : vector<16xf32>
        %mul3A_1364 = arith.mulf %get3A_1347, %add3A_1358 : vector<16xf32>
        %add3A_1365 = arith.addf %add3A_1363, %mul3A_1364 : vector<16xf32>
        %mul3A_1366 = arith.mulf %get3A_1352, %get3A_1357 : vector<16xf32>
        %add3A_1367 = arith.addf %add3A_1365, %mul3A_1366 : vector<16xf32>
        %eq3A_1368 = arith.constant 12 : i32
        %eq3A_1369 = vector.broadcast %eq3A_1368 : i32 to vector<16xi32>
        %eq3A_1370 = arith.cmpi eq, %iota3A, %eq3A_1369 : vector<16xi32>
        %reduce_sum3A_1371 = arith.constant true
        %reduce_sum3A_1372 = vector.broadcast %reduce_sum3A_1371 : i1 to vector<16xi1>
        %reduce_sum3A_1373 = tpu.scan <sum>, %add3A_1367 masked %reduce_sum3A_1372 : vector<16xf32>, vector<16xi1> -> vector<16xf32>
        %reduce_sum3A_1374 = vector.extract %reduce_sum3A_1373[15] : f32 from vector<16xf32>
        %broadcast_in_dim3A_1375 = vector.broadcast %reduce_sum3A_1374 : f32 to vector<16xf32>
        %select_n3A_1376 = arith.select %eq3A_1370, %broadcast_in_dim3A_1375, %select_n3A_1332 : vector<16xi1>, vector<16xf32>
        %add3A_1377 = arith.constant 13 : i32
        %add3A_1378 = arith.addi %mul3A_805, %add3A_1377 : i32
        %get3A_1379 = arith.index_cast %add3A_1378 : i32 to index
        %get3A_1380 = arith.constant 0 : index
        %get3A_1381 = tpu.vector_load %arg8[%get3A_1379, %get3A_1380] {strides = array<i32>} : memref<2560x16xf32, #tpu.memory_space<vmem>>, vector<16xf32>,
        %add3A_1382 = arith.constant 512 : i32
        %add3A_1383 = arith.addi %add3A_1378, %add3A_1382 : i32
        %get3A_1384 = arith.index_cast %add3A_1383 : i32 to index
        %get3A_1385 = arith.constant 0 : index
        %get3A_1386 = tpu.vector_load %arg8[%get3A_1384, %get3A_1385] {strides = array<i32>} : memref<2560x16xf32, #tpu.memory_space<vmem>>, vector<16xf32>,
        %add3A_1387 = arith.constant 1024 : i32
        %add3A_1388 = arith.addi %add3A_1378, %add3A_1387 : i32
        %get3A_1389 = arith.index_cast %add3A_1388 : i32 to index
        %get3A_1390 = arith.constant 0 : index
        %get3A_1391 = tpu.vector_load %arg8[%get3A_1389, %get3A_1390] {strides = array<i32>} : memref<2560x16xf32, #tpu.memory_space<vmem>>, vector<16xf32>,
        %add3A_1392 = arith.constant 1536 : i32
        %add3A_1393 = arith.addi %add3A_1378, %add3A_1392 : i32
        %get3A_1394 = arith.index_cast %add3A_1393 : i32 to index
        %get3A_1395 = arith.constant 0 : index
        %get3A_1396 = tpu.vector_load %arg8[%get3A_1394, %get3A_1395] {strides = array<i32>} : memref<2560x16xf32, #tpu.memory_space<vmem>>, vector<16xf32>,
        %add3A_1397 = arith.constant 2048 : i32
        %add3A_1398 = arith.addi %add3A_1378, %add3A_1397 : i32
        %get3A_1399 = arith.index_cast %add3A_1398 : i32 to index
        %get3A_1400 = arith.constant 0 : index
        %get3A_1401 = tpu.vector_load %arg8[%get3A_1399, %get3A_1400] {strides = array<i32>} : memref<2560x16xf32, #tpu.memory_space<vmem>>, vector<16xf32>,
        %add3A_1402 = arith.addf %get3A_1396, %get3A_1401 : vector<16xf32>
        %add3A_1403 = arith.addf %get3A_1391, %add3A_1402 : vector<16xf32>
        %add3A_1404 = arith.addf %get3A_1386, %add3A_1403 : vector<16xf32>
        %mul3A_1405 = arith.mulf %get3A_1381, %add3A_1404 : vector<16xf32>
        %mul3A_1406 = arith.mulf %get3A_1386, %add3A_1403 : vector<16xf32>
        %add3A_1407 = arith.addf %mul3A_1405, %mul3A_1406 : vector<16xf32>
        %mul3A_1408 = arith.mulf %get3A_1391, %add3A_1402 : vector<16xf32>
        %add3A_1409 = arith.addf %add3A_1407, %mul3A_1408 : vector<16xf32>
        %mul3A_1410 = arith.mulf %get3A_1396, %get3A_1401 : vector<16xf32>
        %add3A_1411 = arith.addf %add3A_1409, %mul3A_1410 : vector<16xf32>
        %eq3A_1412 = arith.constant 13 : i32
        %eq3A_1413 = vector.broadcast %eq3A_1412 : i32 to vector<16xi32>
        %eq3A_1414 = arith.cmpi eq, %iota3A, %eq3A_1413 : vector<16xi32>
        %reduce_sum3A_1415 = arith.constant true
        %reduce_sum3A_1416 = vector.broadcast %reduce_sum3A_1415 : i1 to vector<16xi1>
        %reduce_sum3A_1417 = tpu.scan <sum>, %add3A_1411 masked %reduce_sum3A_1416 : vector<16xf32>, vector<16xi1> -> vector<16xf32>
        %reduce_sum3A_1418 = vector.extract %reduce_sum3A_1417[15] : f32 from vector<16xf32>
        %broadcast_in_dim3A_1419 = vector.broadcast %reduce_sum3A_1418 : f32 to vector<16xf32>
        %select_n3A_1420 = arith.select %eq3A_1414, %broadcast_in_dim3A_1419, %select_n3A_1376 : vector<16xi1>, vector<16xf32>
        %add3A_1421 = arith.constant 14 : i32
        %add3A_1422 = arith.addi %mul3A_805, %add3A_1421 : i32
        %get3A_1423 = arith.index_cast %add3A_1422 : i32 to index
        %get3A_1424 = arith.constant 0 : index
        %get3A_1425 = tpu.vector_load %arg8[%get3A_1423, %get3A_1424] {strides = array<i32>} : memref<2560x16xf32, #tpu.memory_space<vmem>>, vector<16xf32>,
        %add3A_1426 = arith.constant 512 : i32
        %add3A_1427 = arith.addi %add3A_1422, %add3A_1426 : i32
        %get3A_1428 = arith.index_cast %add3A_1427 : i32 to index
        %get3A_1429 = arith.constant 0 : index
        %get3A_1430 = tpu.vector_load %arg8[%get3A_1428, %get3A_1429] {strides = array<i32>} : memref<2560x16xf32, #tpu.memory_space<vmem>>, vector<16xf32>,
        %add3A_1431 = arith.constant 1024 : i32
        %add3A_1432 = arith.addi %add3A_1422, %add3A_1431 : i32
        %get3A_1433 = arith.index_cast %add3A_1432 : i32 to index
        %get3A_1434 = arith.constant 0 : index
        %get3A_1435 = tpu.vector_load %arg8[%get3A_1433, %get3A_1434] {strides = array<i32>} : memref<2560x16xf32, #tpu.memory_space<vmem>>, vector<16xf32>,
        %add3A_1436 = arith.constant 1536 : i32
        %add3A_1437 = arith.addi %add3A_1422, %add3A_1436 : i32
        %get3A_1438 = arith.index_cast %add3A_1437 : i32 to index
        %get3A_1439 = arith.constant 0 : index
        %get3A_1440 = tpu.vector_load %arg8[%get3A_1438, %get3A_1439] {strides = array<i32>} : memref<2560x16xf32, #tpu.memory_space<vmem>>, vector<16xf32>,
        %add3A_1441 = arith.constant 2048 : i32
        %add3A_1442 = arith.addi %add3A_1422, %add3A_1441 : i32
        %get3A_1443 = arith.index_cast %add3A_1442 : i32 to index
        %get3A_1444 = arith.constant 0 : index
        %get3A_1445 = tpu.vector_load %arg8[%get3A_1443, %get3A_1444] {strides = array<i32>} : memref<2560x16xf32, #tpu.memory_space<vmem>>, vector<16xf32>,
        %add3A_1446 = arith.addf %get3A_1440, %get3A_1445 : vector<16xf32>
        %add3A_1447 = arith.addf %get3A_1435, %add3A_1446 : vector<16xf32>
        %add3A_1448 = arith.addf %get3A_1430, %add3A_1447 : vector<16xf32>
        %mul3A_1449 = arith.mulf %get3A_1425, %add3A_1448 : vector<16xf32>
        %mul3A_1450 = arith.mulf %get3A_1430, %add3A_1447 : vector<16xf32>
        %add3A_1451 = arith.addf %mul3A_1449, %mul3A_1450 : vector<16xf32>
        %mul3A_1452 = arith.mulf %get3A_1435, %add3A_1446 : vector<16xf32>
        %add3A_1453 = arith.addf %add3A_1451, %mul3A_1452 : vector<16xf32>
        %mul3A_1454 = arith.mulf %get3A_1440, %get3A_1445 : vector<16xf32>
        %add3A_1455 = arith.addf %add3A_1453, %mul3A_1454 : vector<16xf32>
        %eq3A_1456 = arith.constant 14 : i32
        %eq3A_1457 = vector.broadcast %eq3A_1456 : i32 to vector<16xi32>
        %eq3A_1458 = arith.cmpi eq, %iota3A, %eq3A_1457 : vector<16xi32>
        %reduce_sum3A_1459 = arith.constant true
        %reduce_sum3A_1460 = vector.broadcast %reduce_sum3A_1459 : i1 to vector<16xi1>
        %reduce_sum3A_1461 = tpu.scan <sum>, %add3A_1455 masked %reduce_sum3A_1460 : vector<16xf32>, vector<16xi1> -> vector<16xf32>
        %reduce_sum3A_1462 = vector.extract %reduce_sum3A_1461[15] : f32 from vector<16xf32>
        %broadcast_in_dim3A_1463 = vector.broadcast %reduce_sum3A_1462 : f32 to vector<16xf32>
        %select_n3A_1464 = arith.select %eq3A_1458, %broadcast_in_dim3A_1463, %select_n3A_1420 : vector<16xi1>, vector<16xf32>
        %add3A_1465 = arith.constant 15 : i32
        %add3A_1466 = arith.addi %mul3A_805, %add3A_1465 : i32
        %get3A_1467 = arith.index_cast %add3A_1466 : i32 to index
        %get3A_1468 = arith.constant 0 : index
        %get3A_1469 = tpu.vector_load %arg8[%get3A_1467, %get3A_1468] {strides = array<i32>} : memref<2560x16xf32, #tpu.memory_space<vmem>>, vector<16xf32>,
        %add3A_1470 = arith.constant 512 : i32
        %add3A_1471 = arith.addi %add3A_1466, %add3A_1470 : i32
        %get3A_1472 = arith.index_cast %add3A_1471 : i32 to index
        %get3A_1473 = arith.constant 0 : index
        %get3A_1474 = tpu.vector_load %arg8[%get3A_1472, %get3A_1473] {strides = array<i32>} : memref<2560x16xf32, #tpu.memory_space<vmem>>, vector<16xf32>,
        %add3A_1475 = arith.constant 1024 : i32
        %add3A_1476 = arith.addi %add3A_1466, %add3A_1475 : i32
        %get3A_1477 = arith.index_cast %add3A_1476 : i32 to index
        %get3A_1478 = arith.constant 0 : index
        %get3A_1479 = tpu.vector_load %arg8[%get3A_1477, %get3A_1478] {strides = array<i32>} : memref<2560x16xf32, #tpu.memory_space<vmem>>, vector<16xf32>,
        %add3A_1480 = arith.constant 1536 : i32
        %add3A_1481 = arith.addi %add3A_1466, %add3A_1480 : i32
        %get3A_1482 = arith.index_cast %add3A_1481 : i32 to index
        %get3A_1483 = arith.constant 0 : index
        %get3A_1484 = tpu.vector_load %arg8[%get3A_1482, %get3A_1483] {strides = array<i32>} : memref<2560x16xf32, #tpu.memory_space<vmem>>, vector<16xf32>,
        %add3A_1485 = arith.constant 2048 : i32
        %add3A_1486 = arith.addi %add3A_1466, %add3A_1485 : i32
        %get3A_1487 = arith.index_cast %add3A_1486 : i32 to index
        %get3A_1488 = arith.constant 0 : index
        %get3A_1489 = tpu.vector_load %arg8[%get3A_1487, %get3A_1488] {strides = array<i32>} : memref<2560x16xf32, #tpu.memory_space<vmem>>, vector<16xf32>,
        %add3A_1490 = arith.addf %get3A_1484, %get3A_1489 : vector<16xf32>
        %add3A_1491 = arith.addf %get3A_1479, %add3A_1490 : vector<16xf32>
        %add3A_1492 = arith.addf %get3A_1474, %add3A_1491 : vector<16xf32>
        %mul3A_1493 = arith.mulf %get3A_1469, %add3A_1492 : vector<16xf32>
        %mul3A_1494 = arith.mulf %get3A_1474, %add3A_1491 : vector<16xf32>
        %add3A_1495 = arith.addf %mul3A_1493, %mul3A_1494 : vector<16xf32>
        %mul3A_1496 = arith.mulf %get3A_1479, %add3A_1490 : vector<16xf32>
        %add3A_1497 = arith.addf %add3A_1495, %mul3A_1496 : vector<16xf32>
        %mul3A_1498 = arith.mulf %get3A_1484, %get3A_1489 : vector<16xf32>
        %add3A_1499 = arith.addf %add3A_1497, %mul3A_1498 : vector<16xf32>
        %eq3A_1500 = arith.constant 15 : i32
        %eq3A_1501 = vector.broadcast %eq3A_1500 : i32 to vector<16xi32>
        %eq3A_1502 = arith.cmpi eq, %iota3A, %eq3A_1501 : vector<16xi32>
        %reduce_sum3A_1503 = arith.constant true
        %reduce_sum3A_1504 = vector.broadcast %reduce_sum3A_1503 : i1 to vector<16xi1>
        %reduce_sum3A_1505 = tpu.scan <sum>, %add3A_1499 masked %reduce_sum3A_1504 : vector<16xf32>, vector<16xi1> -> vector<16xf32>
        %reduce_sum3A_1506 = vector.extract %reduce_sum3A_1505[15] : f32 from vector<16xf32>
        %broadcast_in_dim3A_1507 = vector.broadcast %reduce_sum3A_1506 : f32 to vector<16xf32>
        %select_n3A_1508 = arith.select %eq3A_1502, %broadcast_in_dim3A_1507, %select_n3A_1464 : vector<16xi1>, vector<16xf32>
        %mul3A_1509 = vector.broadcast %squeeze3A : f32 to vector<16xf32>
        %mul3A_1510 = arith.mulf %select_n3A_1508, %mul3A_1509 : vector<16xf32>
        %exp3A_1511 = math.exp %mul3A_1510 : vector<16xf32>
        %mul3A_1512 = vector.broadcast %squeeze3A_5 : f32 to vector<16xf32>
        %mul3A_1513 = arith.mulf %exp3A_1511, %mul3A_1512 : vector<16xf32>
        %mul3A_1514 = arith.constant 16 : i32
        %mul3A_1515 = arith.muli %scan3A_803, %mul3A_1514 : i32
        %swap3A = arith.index_cast %mul3A_1515 : i32 to index
        %swap3A_1516 = tpu.vector_load %arg10[%swap3A] {strides = array<i32>} : memref<512xf32, #tpu.memory_space<vmem>>, vector<16xf32>,
        tpu.vector_store %arg10[%swap3A], %mul3A_1513 {strides = array<i32>} : memref<512xf32, #tpu.memory_space<vmem>>, vector<16xf32>,
      }
      %scan3A_607 = arith.constant 32 : i32
      %mul3A_608 = arith.constant 512 : i32
      %mul3A_609 = arith.muli %add3A_424, %mul3A_608 : i32
      %add3A_610 = arith.addi %mul3A_2, %mul3A_609 : i32
      "tpu.region"() ({
        %run_scoped3A = tpu.sem_alloc : memref<!tpu.dma_semaphore, #tpu.memory_space<semaphore_mem>>
        %dma_start3A_803 = tpu.memref_slice %arg5[%add3A_610] : memref<344064xf32, #tpu.memory_space<hbm>> -> memref<512xf32, #tpu.memory_space<hbm>>
        %dma_start3A_804 = tpu.memref_slice %arg5[%add3A_610] : memref<344064xf32, #tpu.memory_space<hbm>> -> memref<512xf32, #tpu.memory_space<hbm>>
        tpu.enqueue_dma source(%arg10 : memref<512xf32, #tpu.memory_space<vmem>>) target(%dma_start3A_804 : memref<512xf32, #tpu.memory_space<hbm>>) target_semaphore(%run_scoped3A : memref<!tpu.dma_semaphore, #tpu.memory_space<semaphore_mem>>)
        %dma_wait3A_805 = tpu.memref_slice %arg5[%add3A_610] : memref<344064xf32, #tpu.memory_space<hbm>> -> memref<512xf32, #tpu.memory_space<hbm>>
        %dma_wait3A_806 = tpu.memref_slice %arg5[%add3A_610] : memref<344064xf32, #tpu.memory_space<hbm>> -> memref<512xf32, #tpu.memory_space<hbm>>
        tpu.wait_dma2 semaphore(%run_scoped3A : memref<!tpu.dma_semaphore, #tpu.memory_space<semaphore_mem>>) src(%arg10 : memref<512xf32, #tpu.memory_space<vmem>>) dst(%dma_wait3A_806 : memref<512xf32, #tpu.memory_space<hbm>>)
        tpu.yield
      }) : () -> ()
      %mul3A_611 = arith.constant 2 : i32
      %mul3A_612 = arith.muli %scan3A_420, %mul3A_611 : i32
      %add3A_613 = arith.constant 1 : i32
      %add3A_614 = arith.addi %mul3A_612, %add3A_613 : i32
      %dma_wait3A_615 = arith.constant 0 : i32
      %dma_wait3A_616 = arith.constant 0 : i32
      %dma_wait3A_617 = tpu.memref_slice %arg2[%dma_wait3A_615, %dma_wait3A_616] : memref<1000000x16xf32, #tpu.memory_space<hbm>> -> memref<2560x16xf32, #tpu.memory_space<hbm>>
      %dma_wait3A_618 = arith.constant 0 : i32
      %dma_wait3A_619 = arith.constant 0 : i32
      %dma_wait3A_620 = tpu.memref_slice %arg2[%dma_wait3A_618, %dma_wait3A_619] : memref<1000000x16xf32, #tpu.memory_space<hbm>> -> memref<2560x16xf32, #tpu.memory_space<hbm>>
      tpu.wait_dma2 semaphore(%arg13 : memref<!tpu.dma_semaphore, #tpu.memory_space<semaphore_mem>>) src(%dma_wait3A_620 : memref<2560x16xf32, #tpu.memory_space<hbm>>) dst(%arg9 : memref<2560x16xf32, #tpu.memory_space<vmem>>)
      %dma_wait3A_621 = arith.constant 0 : i32
      %dma_wait3A_622 = tpu.memref_slice %arg3[%dma_wait3A_621] : memref<1720320xi32, #tpu.memory_space<hbm>> -> memref<2560xi32, #tpu.memory_space<hbm>>
      %dma_wait3A_623 = arith.constant 0 : i32
      %dma_wait3A_624 = tpu.memref_slice %arg3[%dma_wait3A_623] : memref<1720320xi32, #tpu.memory_space<hbm>> -> memref<2560xi32, #tpu.memory_space<hbm>>
      tpu.wait_dma2 semaphore(%arg14 : memref<!tpu.dma_semaphore, #tpu.memory_space<semaphore_mem>>) src(%dma_wait3A_624 : memref<2560xi32, #tpu.memory_space<hbm>>) dst(%arg6 : memref<2560xi32, #tpu.memory_space<vmem>>)
      %add3A_625 = arith.constant 1 : i32
      %add3A_626 = arith.addi %add3A_614, %add3A_625 : i32
      %dma_start3A_627 = arith.constant 0 : i32
      %dma_start3A_628 = arith.constant 0 : i32
      %dma_start3A_629 = tpu.memref_slice %arg8[%dma_start3A_627, %dma_start3A_628] : memref<2560x16xf32, #tpu.memory_space<vmem>> -> memref<128x16xf32, #tpu.memory_space<vmem>>
      %dma_start3A_630 = arith.constant 0 : i32
      %dma_start3A_631 = tpu.memref_slice %arg6[%dma_start3A_630] : memref<2560xi32, #tpu.memory_space<vmem>> -> memref<128xi32, #tpu.memory_space<vmem>>
      %dma_start3A_632 = arith.constant 0 : i32
      %dma_start3A_633 = arith.constant 0 : i32
      %dma_start3A_634 = tpu.memref_slice %arg2[%dma_start3A_632, %dma_start3A_633] : memref<1000000x16xf32, #tpu.memory_space<hbm>> -> memref<1000000x16xf32, #tpu.memory_space<hbm>>
      tpu.enqueue_indirect_dma source(%dma_start3A_634 : memref<1000000x16xf32, #tpu.memory_space<hbm>>) target(%dma_start3A_629 : memref<128x16xf32, #tpu.memory_space<vmem>>) offsets(%dma_start3A_631 : memref<128xi32, #tpu.memory_space<vmem>>) semaphore(%arg12 : memref<!tpu.dma_semaphore, #tpu.memory_space<semaphore_mem>>)
      %dma_start3A_635 = arith.constant 128 : i32
      %dma_start3A_636 = arith.constant 0 : i32
      %dma_start3A_637 = tpu.memref_slice %arg8[%dma_start3A_635, %dma_start3A_636] : memref<2560x16xf32, #tpu.memory_space<vmem>> -> memref<128x16xf32, #tpu.memory_space<vmem>>
      %dma_start3A_638 = arith.constant 128 : i32
      %dma_start3A_639 = tpu.memref_slice %arg6[%dma_start3A_638] : memref<2560xi32, #tpu.memory_space<vmem>> -> memref<128xi32, #tpu.memory_space<vmem>>
      %dma_start3A_640 = arith.constant 0 : i32
      %dma_start3A_641 = arith.constant 0 : i32
      %dma_start3A_642 = tpu.memref_slice %arg2[%dma_start3A_640, %dma_start3A_641] : memref<1000000x16xf32, #tpu.memory_space<hbm>> -> memref<1000000x16xf32, #tpu.memory_space<hbm>>
      tpu.enqueue_indirect_dma source(%dma_start3A_642 : memref<1000000x16xf32, #tpu.memory_space<hbm>>) target(%dma_start3A_637 : memref<128x16xf32, #tpu.memory_space<vmem>>) offsets(%dma_start3A_639 : memref<128xi32, #tpu.memory_space<vmem>>) semaphore(%arg12 : memref<!tpu.dma_semaphore, #tpu.memory_space<semaphore_mem>>)
      %dma_start3A_643 = arith.constant 256 : i32
      %dma_start3A_644 = arith.constant 0 : i32
      %dma_start3A_645 = tpu.memref_slice %arg8[%dma_start3A_643, %dma_start3A_644] : memref<2560x16xf32, #tpu.memory_space<vmem>> -> memref<128x16xf32, #tpu.memory_space<vmem>>
      %dma_start3A_646 = arith.constant 256 : i32
      %dma_start3A_647 = tpu.memref_slice %arg6[%dma_start3A_646] : memref<2560xi32, #tpu.memory_space<vmem>> -> memref<128xi32, #tpu.memory_space<vmem>>
      %dma_start3A_648 = arith.constant 0 : i32
      %dma_start3A_649 = arith.constant 0 : i32
      %dma_start3A_650 = tpu.memref_slice %arg2[%dma_start3A_648, %dma_start3A_649] : memref<1000000x16xf32, #tpu.memory_space<hbm>> -> memref<1000000x16xf32, #tpu.memory_space<hbm>>
      tpu.enqueue_indirect_dma source(%dma_start3A_650 : memref<1000000x16xf32, #tpu.memory_space<hbm>>) target(%dma_start3A_645 : memref<128x16xf32, #tpu.memory_space<vmem>>) offsets(%dma_start3A_647 : memref<128xi32, #tpu.memory_space<vmem>>) semaphore(%arg12 : memref<!tpu.dma_semaphore, #tpu.memory_space<semaphore_mem>>)
      %dma_start3A_651 = arith.constant 384 : i32
      %dma_start3A_652 = arith.constant 0 : i32
      %dma_start3A_653 = tpu.memref_slice %arg8[%dma_start3A_651, %dma_start3A_652] : memref<2560x16xf32, #tpu.memory_space<vmem>> -> memref<128x16xf32, #tpu.memory_space<vmem>>
      %dma_start3A_654 = arith.constant 384 : i32
      %dma_start3A_655 = tpu.memref_slice %arg6[%dma_start3A_654] : memref<2560xi32, #tpu.memory_space<vmem>> -> memref<128xi32, #tpu.memory_space<vmem>>
      %dma_start3A_656 = arith.constant 0 : i32
      %dma_start3A_657 = arith.constant 0 : i32
      %dma_start3A_658 = tpu.memref_slice %arg2[%dma_start3A_656, %dma_start3A_657] : memref<1000000x16xf32, #tpu.memory_space<hbm>> -> memref<1000000x16xf32, #tpu.memory_space<hbm>>
      tpu.enqueue_indirect_dma source(%dma_start3A_658 : memref<1000000x16xf32, #tpu.memory_space<hbm>>) target(%dma_start3A_653 : memref<128x16xf32, #tpu.memory_space<vmem>>) offsets(%dma_start3A_655 : memref<128xi32, #tpu.memory_space<vmem>>) semaphore(%arg12 : memref<!tpu.dma_semaphore, #tpu.memory_space<semaphore_mem>>)
      %dma_start3A_659 = arith.constant 512 : i32
      %dma_start3A_660 = arith.constant 0 : i32
      %dma_start3A_661 = tpu.memref_slice %arg8[%dma_start3A_659, %dma_start3A_660] : memref<2560x16xf32, #tpu.memory_space<vmem>> -> memref<128x16xf32, #tpu.memory_space<vmem>>
      %dma_start3A_662 = arith.constant 512 : i32
      %dma_start3A_663 = tpu.memref_slice %arg6[%dma_start3A_662] : memref<2560xi32, #tpu.memory_space<vmem>> -> memref<128xi32, #tpu.memory_space<vmem>>
      %dma_start3A_664 = arith.constant 0 : i32
      %dma_start3A_665 = arith.constant 0 : i32
      %dma_start3A_666 = tpu.memref_slice %arg2[%dma_start3A_664, %dma_start3A_665] : memref<1000000x16xf32, #tpu.memory_space<hbm>> -> memref<1000000x16xf32, #tpu.memory_space<hbm>>
      tpu.enqueue_indirect_dma source(%dma_start3A_666 : memref<1000000x16xf32, #tpu.memory_space<hbm>>) target(%dma_start3A_661 : memref<128x16xf32, #tpu.memory_space<vmem>>) offsets(%dma_start3A_663 : memref<128xi32, #tpu.memory_space<vmem>>) semaphore(%arg12 : memref<!tpu.dma_semaphore, #tpu.memory_space<semaphore_mem>>)
      %dma_start3A_667 = arith.constant 640 : i32
      %dma_start3A_668 = arith.constant 0 : i32
      %dma_start3A_669 = tpu.memref_slice %arg8[%dma_start3A_667, %dma_start3A_668] : memref<2560x16xf32, #tpu.memory_space<vmem>> -> memref<128x16xf32, #tpu.memory_space<vmem>>
      %dma_start3A_670 = arith.constant 640 : i32
      %dma_start3A_671 = tpu.memref_slice %arg6[%dma_start3A_670] : memref<2560xi32, #tpu.memory_space<vmem>> -> memref<128xi32, #tpu.memory_space<vmem>>
      %dma_start3A_672 = arith.constant 0 : i32
      %dma_start3A_673 = arith.constant 0 : i32
      %dma_start3A_674 = tpu.memref_slice %arg2[%dma_start3A_672, %dma_start3A_673] : memref<1000000x16xf32, #tpu.memory_space<hbm>> -> memref<1000000x16xf32, #tpu.memory_space<hbm>>
      tpu.enqueue_indirect_dma source(%dma_start3A_674 : memref<1000000x16xf32, #tpu.memory_space<hbm>>) target(%dma_start3A_669 : memref<128x16xf32, #tpu.memory_space<vmem>>) offsets(%dma_start3A_671 : memref<128xi32, #tpu.memory_space<vmem>>) semaphore(%arg12 : memref<!tpu.dma_semaphore, #tpu.memory_space<semaphore_mem>>)
      %dma_start3A_675 = arith.constant 768 : i32
      %dma_start3A_676 = arith.constant 0 : i32
      %dma_start3A_677 = tpu.memref_slice %arg8[%dma_start3A_675, %dma_start3A_676] : memref<2560x16xf32, #tpu.memory_space<vmem>> -> memref<128x16xf32, #tpu.memory_space<vmem>>
      %dma_start3A_678 = arith.constant 768 : i32
      %dma_start3A_679 = tpu.memref_slice %arg6[%dma_start3A_678] : memref<2560xi32, #tpu.memory_space<vmem>> -> memref<128xi32, #tpu.memory_space<vmem>>
      %dma_start3A_680 = arith.constant 0 : i32
      %dma_start3A_681 = arith.constant 0 : i32
      %dma_start3A_682 = tpu.memref_slice %arg2[%dma_start3A_680, %dma_start3A_681] : memref<1000000x16xf32, #tpu.memory_space<hbm>> -> memref<1000000x16xf32, #tpu.memory_space<hbm>>
      tpu.enqueue_indirect_dma source(%dma_start3A_682 : memref<1000000x16xf32, #tpu.memory_space<hbm>>) target(%dma_start3A_677 : memref<128x16xf32, #tpu.memory_space<vmem>>) offsets(%dma_start3A_679 : memref<128xi32, #tpu.memory_space<vmem>>) semaphore(%arg12 : memref<!tpu.dma_semaphore, #tpu.memory_space<semaphore_mem>>)
      %dma_start3A_683 = arith.constant 896 : i32
      %dma_start3A_684 = arith.constant 0 : i32
      %dma_start3A_685 = tpu.memref_slice %arg8[%dma_start3A_683, %dma_start3A_684] : memref<2560x16xf32, #tpu.memory_space<vmem>> -> memref<128x16xf32, #tpu.memory_space<vmem>>
      %dma_start3A_686 = arith.constant 896 : i32
      %dma_start3A_687 = tpu.memref_slice %arg6[%dma_start3A_686] : memref<2560xi32, #tpu.memory_space<vmem>> -> memref<128xi32, #tpu.memory_space<vmem>>
      %dma_start3A_688 = arith.constant 0 : i32
      %dma_start3A_689 = arith.constant 0 : i32
      %dma_start3A_690 = tpu.memref_slice %arg2[%dma_start3A_688, %dma_start3A_689] : memref<1000000x16xf32, #tpu.memory_space<hbm>> -> memref<1000000x16xf32, #tpu.memory_space<hbm>>
      tpu.enqueue_indirect_dma source(%dma_start3A_690 : memref<1000000x16xf32, #tpu.memory_space<hbm>>) target(%dma_start3A_685 : memref<128x16xf32, #tpu.memory_space<vmem>>) offsets(%dma_start3A_687 : memref<128xi32, #tpu.memory_space<vmem>>) semaphore(%arg12 : memref<!tpu.dma_semaphore, #tpu.memory_space<semaphore_mem>>)
      %dma_start3A_691 = arith.constant 1024 : i32
      %dma_start3A_692 = arith.constant 0 : i32
      %dma_start3A_693 = tpu.memref_slice %arg8[%dma_start3A_691, %dma_start3A_692] : memref<2560x16xf32, #tpu.memory_space<vmem>> -> memref<128x16xf32, #tpu.memory_space<vmem>>
      %dma_start3A_694 = arith.constant 1024 : i32
      %dma_start3A_695 = tpu.memref_slice %arg6[%dma_start3A_694] : memref<2560xi32, #tpu.memory_space<vmem>> -> memref<128xi32, #tpu.memory_space<vmem>>
      %dma_start3A_696 = arith.constant 0 : i32
      %dma_start3A_697 = arith.constant 0 : i32
      %dma_start3A_698 = tpu.memref_slice %arg2[%dma_start3A_696, %dma_start3A_697] : memref<1000000x16xf32, #tpu.memory_space<hbm>> -> memref<1000000x16xf32, #tpu.memory_space<hbm>>
      tpu.enqueue_indirect_dma source(%dma_start3A_698 : memref<1000000x16xf32, #tpu.memory_space<hbm>>) target(%dma_start3A_693 : memref<128x16xf32, #tpu.memory_space<vmem>>) offsets(%dma_start3A_695 : memref<128xi32, #tpu.memory_space<vmem>>) semaphore(%arg12 : memref<!tpu.dma_semaphore, #tpu.memory_space<semaphore_mem>>)
      %dma_start3A_699 = arith.constant 1152 : i32
      %dma_start3A_700 = arith.constant 0 : i32
      %dma_start3A_701 = tpu.memref_slice %arg8[%dma_start3A_699, %dma_start3A_700] : memref<2560x16xf32, #tpu.memory_space<vmem>> -> memref<128x16xf32, #tpu.memory_space<vmem>>
      %dma_start3A_702 = arith.constant 1152 : i32
      %dma_start3A_703 = tpu.memref_slice %arg6[%dma_start3A_702] : memref<2560xi32, #tpu.memory_space<vmem>> -> memref<128xi32, #tpu.memory_space<vmem>>
      %dma_start3A_704 = arith.constant 0 : i32
      %dma_start3A_705 = arith.constant 0 : i32
      %dma_start3A_706 = tpu.memref_slice %arg2[%dma_start3A_704, %dma_start3A_705] : memref<1000000x16xf32, #tpu.memory_space<hbm>> -> memref<1000000x16xf32, #tpu.memory_space<hbm>>
      tpu.enqueue_indirect_dma source(%dma_start3A_706 : memref<1000000x16xf32, #tpu.memory_space<hbm>>) target(%dma_start3A_701 : memref<128x16xf32, #tpu.memory_space<vmem>>) offsets(%dma_start3A_703 : memref<128xi32, #tpu.memory_space<vmem>>) semaphore(%arg12 : memref<!tpu.dma_semaphore, #tpu.memory_space<semaphore_mem>>)
      %dma_start3A_707 = arith.constant 1280 : i32
      %dma_start3A_708 = arith.constant 0 : i32
      %dma_start3A_709 = tpu.memref_slice %arg8[%dma_start3A_707, %dma_start3A_708] : memref<2560x16xf32, #tpu.memory_space<vmem>> -> memref<128x16xf32, #tpu.memory_space<vmem>>
      %dma_start3A_710 = arith.constant 1280 : i32
      %dma_start3A_711 = tpu.memref_slice %arg6[%dma_start3A_710] : memref<2560xi32, #tpu.memory_space<vmem>> -> memref<128xi32, #tpu.memory_space<vmem>>
      %dma_start3A_712 = arith.constant 0 : i32
      %dma_start3A_713 = arith.constant 0 : i32
      %dma_start3A_714 = tpu.memref_slice %arg2[%dma_start3A_712, %dma_start3A_713] : memref<1000000x16xf32, #tpu.memory_space<hbm>> -> memref<1000000x16xf32, #tpu.memory_space<hbm>>
      tpu.enqueue_indirect_dma source(%dma_start3A_714 : memref<1000000x16xf32, #tpu.memory_space<hbm>>) target(%dma_start3A_709 : memref<128x16xf32, #tpu.memory_space<vmem>>) offsets(%dma_start3A_711 : memref<128xi32, #tpu.memory_space<vmem>>) semaphore(%arg12 : memref<!tpu.dma_semaphore, #tpu.memory_space<semaphore_mem>>)
      %dma_start3A_715 = arith.constant 1408 : i32
      %dma_start3A_716 = arith.constant 0 : i32
      %dma_start3A_717 = tpu.memref_slice %arg8[%dma_start3A_715, %dma_start3A_716] : memref<2560x16xf32, #tpu.memory_space<vmem>> -> memref<128x16xf32, #tpu.memory_space<vmem>>
      %dma_start3A_718 = arith.constant 1408 : i32
      %dma_start3A_719 = tpu.memref_slice %arg6[%dma_start3A_718] : memref<2560xi32, #tpu.memory_space<vmem>> -> memref<128xi32, #tpu.memory_space<vmem>>
      %dma_start3A_720 = arith.constant 0 : i32
      %dma_start3A_721 = arith.constant 0 : i32
      %dma_start3A_722 = tpu.memref_slice %arg2[%dma_start3A_720, %dma_start3A_721] : memref<1000000x16xf32, #tpu.memory_space<hbm>> -> memref<1000000x16xf32, #tpu.memory_space<hbm>>
      tpu.enqueue_indirect_dma source(%dma_start3A_722 : memref<1000000x16xf32, #tpu.memory_space<hbm>>) target(%dma_start3A_717 : memref<128x16xf32, #tpu.memory_space<vmem>>) offsets(%dma_start3A_719 : memref<128xi32, #tpu.memory_space<vmem>>) semaphore(%arg12 : memref<!tpu.dma_semaphore, #tpu.memory_space<semaphore_mem>>)
      %dma_start3A_723 = arith.constant 1536 : i32
      %dma_start3A_724 = arith.constant 0 : i32
      %dma_start3A_725 = tpu.memref_slice %arg8[%dma_start3A_723, %dma_start3A_724] : memref<2560x16xf32, #tpu.memory_space<vmem>> -> memref<128x16xf32, #tpu.memory_space<vmem>>
      %dma_start3A_726 = arith.constant 1536 : i32
      %dma_start3A_727 = tpu.memref_slice %arg6[%dma_start3A_726] : memref<2560xi32, #tpu.memory_space<vmem>> -> memref<128xi32, #tpu.memory_space<vmem>>
      %dma_start3A_728 = arith.constant 0 : i32
      %dma_start3A_729 = arith.constant 0 : i32
      %dma_start3A_730 = tpu.memref_slice %arg2[%dma_start3A_728, %dma_start3A_729] : memref<1000000x16xf32, #tpu.memory_space<hbm>> -> memref<1000000x16xf32, #tpu.memory_space<hbm>>
      tpu.enqueue_indirect_dma source(%dma_start3A_730 : memref<1000000x16xf32, #tpu.memory_space<hbm>>) target(%dma_start3A_725 : memref<128x16xf32, #tpu.memory_space<vmem>>) offsets(%dma_start3A_727 : memref<128xi32, #tpu.memory_space<vmem>>) semaphore(%arg12 : memref<!tpu.dma_semaphore, #tpu.memory_space<semaphore_mem>>)
      %dma_start3A_731 = arith.constant 1664 : i32
      %dma_start3A_732 = arith.constant 0 : i32
      %dma_start3A_733 = tpu.memref_slice %arg8[%dma_start3A_731, %dma_start3A_732] : memref<2560x16xf32, #tpu.memory_space<vmem>> -> memref<128x16xf32, #tpu.memory_space<vmem>>
      %dma_start3A_734 = arith.constant 1664 : i32
      %dma_start3A_735 = tpu.memref_slice %arg6[%dma_start3A_734] : memref<2560xi32, #tpu.memory_space<vmem>> -> memref<128xi32, #tpu.memory_space<vmem>>
      %dma_start3A_736 = arith.constant 0 : i32
      %dma_start3A_737 = arith.constant 0 : i32
      %dma_start3A_738 = tpu.memref_slice %arg2[%dma_start3A_736, %dma_start3A_737] : memref<1000000x16xf32, #tpu.memory_space<hbm>> -> memref<1000000x16xf32, #tpu.memory_space<hbm>>
      tpu.enqueue_indirect_dma source(%dma_start3A_738 : memref<1000000x16xf32, #tpu.memory_space<hbm>>) target(%dma_start3A_733 : memref<128x16xf32, #tpu.memory_space<vmem>>) offsets(%dma_start3A_735 : memref<128xi32, #tpu.memory_space<vmem>>) semaphore(%arg12 : memref<!tpu.dma_semaphore, #tpu.memory_space<semaphore_mem>>)
      %dma_start3A_739 = arith.constant 1792 : i32
      %dma_start3A_740 = arith.constant 0 : i32
      %dma_start3A_741 = tpu.memref_slice %arg8[%dma_start3A_739, %dma_start3A_740] : memref<2560x16xf32, #tpu.memory_space<vmem>> -> memref<128x16xf32, #tpu.memory_space<vmem>>
      %dma_start3A_742 = arith.constant 1792 : i32
      %dma_start3A_743 = tpu.memref_slice %arg6[%dma_start3A_742] : memref<2560xi32, #tpu.memory_space<vmem>> -> memref<128xi32, #tpu.memory_space<vmem>>
      %dma_start3A_744 = arith.constant 0 : i32
      %dma_start3A_745 = arith.constant 0 : i32
      %dma_start3A_746 = tpu.memref_slice %arg2[%dma_start3A_744, %dma_start3A_745] : memref<1000000x16xf32, #tpu.memory_space<hbm>> -> memref<1000000x16xf32, #tpu.memory_space<hbm>>
      tpu.enqueue_indirect_dma source(%dma_start3A_746 : memref<1000000x16xf32, #tpu.memory_space<hbm>>) target(%dma_start3A_741 : memref<128x16xf32, #tpu.memory_space<vmem>>) offsets(%dma_start3A_743 : memref<128xi32, #tpu.memory_space<vmem>>) semaphore(%arg12 : memref<!tpu.dma_semaphore, #tpu.memory_space<semaphore_mem>>)
      %dma_start3A_747 = arith.constant 1920 : i32
      %dma_start3A_748 = arith.constant 0 : i32
      %dma_start3A_749 = tpu.memref_slice %arg8[%dma_start3A_747, %dma_start3A_748] : memref<2560x16xf32, #tpu.memory_space<vmem>> -> memref<128x16xf32, #tpu.memory_space<vmem>>
      %dma_start3A_750 = arith.constant 1920 : i32
      %dma_start3A_751 = tpu.memref_slice %arg6[%dma_start3A_750] : memref<2560xi32, #tpu.memory_space<vmem>> -> memref<128xi32, #tpu.memory_space<vmem>>
      %dma_start3A_752 = arith.constant 0 : i32
      %dma_start3A_753 = arith.constant 0 : i32
      %dma_start3A_754 = tpu.memref_slice %arg2[%dma_start3A_752, %dma_start3A_753] : memref<1000000x16xf32, #tpu.memory_space<hbm>> -> memref<1000000x16xf32, #tpu.memory_space<hbm>>
      tpu.enqueue_indirect_dma source(%dma_start3A_754 : memref<1000000x16xf32, #tpu.memory_space<hbm>>) target(%dma_start3A_749 : memref<128x16xf32, #tpu.memory_space<vmem>>) offsets(%dma_start3A_751 : memref<128xi32, #tpu.memory_space<vmem>>) semaphore(%arg12 : memref<!tpu.dma_semaphore, #tpu.memory_space<semaphore_mem>>)
      %dma_start3A_755 = arith.constant 2048 : i32
      %dma_start3A_756 = arith.constant 0 : i32
      %dma_start3A_757 = tpu.memref_slice %arg8[%dma_start3A_755, %dma_start3A_756] : memref<2560x16xf32, #tpu.memory_space<vmem>> -> memref<128x16xf32, #tpu.memory_space<vmem>>
      %dma_start3A_758 = arith.constant 2048 : i32
      %dma_start3A_759 = tpu.memref_slice %arg6[%dma_start3A_758] : memref<2560xi32, #tpu.memory_space<vmem>> -> memref<128xi32, #tpu.memory_space<vmem>>
      %dma_start3A_760 = arith.constant 0 : i32
      %dma_start3A_761 = arith.constant 0 : i32
      %dma_start3A_762 = tpu.memref_slice %arg2[%dma_start3A_760, %dma_start3A_761] : memref<1000000x16xf32, #tpu.memory_space<hbm>> -> memref<1000000x16xf32, #tpu.memory_space<hbm>>
      tpu.enqueue_indirect_dma source(%dma_start3A_762 : memref<1000000x16xf32, #tpu.memory_space<hbm>>) target(%dma_start3A_757 : memref<128x16xf32, #tpu.memory_space<vmem>>) offsets(%dma_start3A_759 : memref<128xi32, #tpu.memory_space<vmem>>) semaphore(%arg12 : memref<!tpu.dma_semaphore, #tpu.memory_space<semaphore_mem>>)
      %dma_start3A_763 = arith.constant 2176 : i32
      %dma_start3A_764 = arith.constant 0 : i32
      %dma_start3A_765 = tpu.memref_slice %arg8[%dma_start3A_763, %dma_start3A_764] : memref<2560x16xf32, #tpu.memory_space<vmem>> -> memref<128x16xf32, #tpu.memory_space<vmem>>
      %dma_start3A_766 = arith.constant 2176 : i32
      %dma_start3A_767 = tpu.memref_slice %arg6[%dma_start3A_766] : memref<2560xi32, #tpu.memory_space<vmem>> -> memref<128xi32, #tpu.memory_space<vmem>>
      %dma_start3A_768 = arith.constant 0 : i32
      %dma_start3A_769 = arith.constant 0 : i32
      %dma_start3A_770 = tpu.memref_slice %arg2[%dma_start3A_768, %dma_start3A_769] : memref<1000000x16xf32, #tpu.memory_space<hbm>> -> memref<1000000x16xf32, #tpu.memory_space<hbm>>
      tpu.enqueue_indirect_dma source(%dma_start3A_770 : memref<1000000x16xf32, #tpu.memory_space<hbm>>) target(%dma_start3A_765 : memref<128x16xf32, #tpu.memory_space<vmem>>) offsets(%dma_start3A_767 : memref<128xi32, #tpu.memory_space<vmem>>) semaphore(%arg12 : memref<!tpu.dma_semaphore, #tpu.memory_space<semaphore_mem>>)
      %dma_start3A_771 = arith.constant 2304 : i32
      %dma_start3A_772 = arith.constant 0 : i32
      %dma_start3A_773 = tpu.memref_slice %arg8[%dma_start3A_771, %dma_start3A_772] : memref<2560x16xf32, #tpu.memory_space<vmem>> -> memref<128x16xf32, #tpu.memory_space<vmem>>
      %dma_start3A_774 = arith.constant 2304 : i32
      %dma_start3A_775 = tpu.memref_slice %arg6[%dma_start3A_774] : memref<2560xi32, #tpu.memory_space<vmem>> -> memref<128xi32, #tpu.memory_space<vmem>>
      %dma_start3A_776 = arith.constant 0 : i32
      %dma_start3A_777 = arith.constant 0 : i32
      %dma_start3A_778 = tpu.memref_slice %arg2[%dma_start3A_776, %dma_start3A_777] : memref<1000000x16xf32, #tpu.memory_space<hbm>> -> memref<1000000x16xf32, #tpu.memory_space<hbm>>
      tpu.enqueue_indirect_dma source(%dma_start3A_778 : memref<1000000x16xf32, #tpu.memory_space<hbm>>) target(%dma_start3A_773 : memref<128x16xf32, #tpu.memory_space<vmem>>) offsets(%dma_start3A_775 : memref<128xi32, #tpu.memory_space<vmem>>) semaphore(%arg12 : memref<!tpu.dma_semaphore, #tpu.memory_space<semaphore_mem>>)
      %dma_start3A_779 = arith.constant 2432 : i32
      %dma_start3A_780 = arith.constant 0 : i32
      %dma_start3A_781 = tpu.memref_slice %arg8[%dma_start3A_779, %dma_start3A_780] : memref<2560x16xf32, #tpu.memory_space<vmem>> -> memref<128x16xf32, #tpu.memory_space<vmem>>
      %dma_start3A_782 = arith.constant 2432 : i32
      %dma_start3A_783 = tpu.memref_slice %arg6[%dma_start3A_782] : memref<2560xi32, #tpu.memory_space<vmem>> -> memref<128xi32, #tpu.memory_space<vmem>>
      %dma_start3A_784 = arith.constant 0 : i32
      %dma_start3A_785 = arith.constant 0 : i32
      %dma_start3A_786 = tpu.memref_slice %arg2[%dma_start3A_784, %dma_start3A_785] : memref<1000000x16xf32, #tpu.memory_space<hbm>> -> memref<1000000x16xf32, #tpu.memory_space<hbm>>
      tpu.enqueue_indirect_dma source(%dma_start3A_786 : memref<1000000x16xf32, #tpu.memory_space<hbm>>) target(%dma_start3A_781 : memref<128x16xf32, #tpu.memory_space<vmem>>) offsets(%dma_start3A_783 : memref<128xi32, #tpu.memory_space<vmem>>) semaphore(%arg12 : memref<!tpu.dma_semaphore, #tpu.memory_space<semaphore_mem>>)
      %add3A_787 = arith.constant 2 : i32
      %add3A_788 = arith.addi %add3A_614, %add3A_787 : i32
      %lt3A_789 = arith.constant 21 : i32
      %lt3A_790 = arith.cmpi slt, %add3A_788, %lt3A_789 : i32
      %convert_element_type3A_791 = arith.extui %lt3A_790 : i1 to i32
      %cond3A_792 = arith.constant 0 : i32
      %cond3A_793 = arith.cmpi ne, %convert_element_type3A_791, %cond3A_792 : i32
      scf.if %cond3A_793 {
        %add3A_803 = arith.constant 2 : i32
        %add3A_804 = arith.addi %add3A_614, %add3A_803 : i32
        %jit3A_805 = arith.constant 512 : i32
        %div3A_806 = arith.divsi %mul3A_2, %jit3A_805 : i32
        %sign3A_807 = arith.constant 0 : i32
        %sign3A_808 = arith.cmpi sgt, %mul3A_2, %sign3A_807 : i32
        %sign3A_809 = arith.extui %sign3A_808 : i1 to i32
        %sign3A_810 = arith.constant 0 : i32
        %sign3A_811 = arith.cmpi slt, %mul3A_2, %sign3A_810 : i32
        %sign3A_812 = arith.extui %sign3A_811 : i1 to i32
        %sign3A_813 = arith.subi %sign3A_809, %sign3A_812 : i32
        %sign3A_814 = arith.constant 0 : i32
        %sign3A_815 = arith.cmpi sgt, %jit3A_805, %sign3A_814 : i32
        %sign3A_816 = arith.extui %sign3A_815 : i1 to i32
        %sign3A_817 = arith.constant 0 : i32
        %sign3A_818 = arith.cmpi slt, %jit3A_805, %sign3A_817 : i32
        %sign3A_819 = arith.extui %sign3A_818 : i1 to i32
        %sign3A_820 = arith.subi %sign3A_816, %sign3A_819 : i32
        %ne3A_821 = arith.cmpi ne, %sign3A_813, %sign3A_820 : i32
        %rem3A_822 = arith.remsi %mul3A_2, %jit3A_805 : i32
        %ne3A_823 = arith.constant 0 : i32
        %ne3A_824 = arith.cmpi ne, %rem3A_822, %ne3A_823 : i32
        %and3A_825 = arith.andi %ne3A_821, %ne3A_824 : i1
        %sub3A_826 = arith.constant 1 : i32
        %sub3A_827 = arith.subi %div3A_806, %sub3A_826 : i32
        %select_n3A_828 = arith.select %and3A_825, %sub3A_827, %div3A_806 : i32
        %add3A_829 = arith.addi %select_n3A_828, %add3A_804 : i32
        %lt3A_830 = arith.constant 32 : i32
        %lt3A_831 = arith.cmpi slt, %add3A_829, %lt3A_830 : i32
        %mul3A_832 = arith.constant 512 : i32
        %mul3A_833 = arith.muli %add3A_829, %mul3A_832 : i32
        %add3A_834 = arith.constant 0 : i32
        %add3A_835 = arith.addi %add3A_834, %mul3A_833 : i32
        %sub3A_836 = arith.constant 32 : i32
        %sub3A_837 = arith.subi %add3A_829, %sub3A_836 : i32
        %mul3A_838 = arith.constant 512 : i32
        %mul3A_839 = arith.muli %sub3A_837, %mul3A_838 : i32
        %add3A_840 = arith.constant 81920 : i32
        %add3A_841 = arith.addi %add3A_840, %mul3A_839 : i32
        %select_n3A_842 = arith.select %lt3A_831, %add3A_835, %add3A_841 : i32
        %dma_start3A_843 = arith.constant 0 : i32
        %dma_start3A_844 = tpu.memref_slice %arg7[%dma_start3A_843] : memref<2560xi32, #tpu.memory_space<vmem>> -> memref<512xi32, #tpu.memory_space<vmem>>
        %dma_start3A_845 = tpu.memref_slice %arg3[%select_n3A_842] : memref<1720320xi32, #tpu.memory_space<hbm>> -> memref<512xi32, #tpu.memory_space<hbm>>
        %dma_start3A_846 = arith.constant 0 : i32
        %dma_start3A_847 = tpu.memref_slice %arg7[%dma_start3A_846] : memref<2560xi32, #tpu.memory_space<vmem>> -> memref<512xi32, #tpu.memory_space<vmem>>
        %dma_start3A_848 = tpu.memref_slice %arg3[%select_n3A_842] : memref<1720320xi32, #tpu.memory_space<hbm>> -> memref<512xi32, #tpu.memory_space<hbm>>
        tpu.enqueue_dma source(%dma_start3A_848 : memref<512xi32, #tpu.memory_space<hbm>>) target(%dma_start3A_847 : memref<512xi32, #tpu.memory_space<vmem>>) target_semaphore(%arg15 : memref<!tpu.dma_semaphore, #tpu.memory_space<semaphore_mem>>)
        %lt3A_849 = arith.constant 32 : i32
        %lt3A_850 = arith.cmpi slt, %add3A_829, %lt3A_849 : i32
        %mul3A_851 = arith.constant 512 : i32
        %mul3A_852 = arith.muli %add3A_829, %mul3A_851 : i32
        %add3A_853 = arith.constant 16384 : i32
        %add3A_854 = arith.addi %add3A_853, %mul3A_852 : i32
        %sub3A_855 = arith.constant 32 : i32
        %sub3A_856 = arith.subi %add3A_829, %sub3A_855 : i32
        %mul3A_857 = arith.constant 512 : i32
        %mul3A_858 = arith.muli %sub3A_856, %mul3A_857 : i32
        %add3A_859 = arith.constant 409600 : i32
        %add3A_860 = arith.addi %add3A_859, %mul3A_858 : i32
        %select_n3A_861 = arith.select %lt3A_850, %add3A_854, %add3A_860 : i32
        %dma_start3A_862 = arith.constant 512 : i32
        %dma_start3A_863 = tpu.memref_slice %arg7[%dma_start3A_862] : memref<2560xi32, #tpu.memory_space<vmem>> -> memref<512xi32, #tpu.memory_space<vmem>>
        %dma_start3A_864 = tpu.memref_slice %arg3[%select_n3A_861] : memref<1720320xi32, #tpu.memory_space<hbm>> -> memref<512xi32, #tpu.memory_space<hbm>>
        %dma_start3A_865 = arith.constant 512 : i32
        %dma_start3A_866 = tpu.memref_slice %arg7[%dma_start3A_865] : memref<2560xi32, #tpu.memory_space<vmem>> -> memref<512xi32, #tpu.memory_space<vmem>>
        %dma_start3A_867 = tpu.memref_slice %arg3[%select_n3A_861] : memref<1720320xi32, #tpu.memory_space<hbm>> -> memref<512xi32, #tpu.memory_space<hbm>>
        tpu.enqueue_dma source(%dma_start3A_867 : memref<512xi32, #tpu.memory_space<hbm>>) target(%dma_start3A_866 : memref<512xi32, #tpu.memory_space<vmem>>) target_semaphore(%arg15 : memref<!tpu.dma_semaphore, #tpu.memory_space<semaphore_mem>>)
        %lt3A_868 = arith.constant 32 : i32
        %lt3A_869 = arith.cmpi slt, %add3A_829, %lt3A_868 : i32
        %mul3A_870 = arith.constant 512 : i32
        %mul3A_871 = arith.muli %add3A_829, %mul3A_870 : i32
        %add3A_872 = arith.constant 32768 : i32
        %add3A_873 = arith.addi %add3A_872, %mul3A_871 : i32
        %sub3A_874 = arith.constant 32 : i32
        %sub3A_875 = arith.subi %add3A_829, %sub3A_874 : i32
        %mul3A_876 = arith.constant 512 : i32
        %mul3A_877 = arith.muli %sub3A_875, %mul3A_876 : i32
        %add3A_878 = arith.constant 737280 : i32
        %add3A_879 = arith.addi %add3A_878, %mul3A_877 : i32
        %select_n3A_880 = arith.select %lt3A_869, %add3A_873, %add3A_879 : i32
        %dma_start3A_881 = arith.constant 1024 : i32
        %dma_start3A_882 = tpu.memref_slice %arg7[%dma_start3A_881] : memref<2560xi32, #tpu.memory_space<vmem>> -> memref<512xi32, #tpu.memory_space<vmem>>
        %dma_start3A_883 = tpu.memref_slice %arg3[%select_n3A_880] : memref<1720320xi32, #tpu.memory_space<hbm>> -> memref<512xi32, #tpu.memory_space<hbm>>
        %dma_start3A_884 = arith.constant 1024 : i32
        %dma_start3A_885 = tpu.memref_slice %arg7[%dma_start3A_884] : memref<2560xi32, #tpu.memory_space<vmem>> -> memref<512xi32, #tpu.memory_space<vmem>>
        %dma_start3A_886 = tpu.memref_slice %arg3[%select_n3A_880] : memref<1720320xi32, #tpu.memory_space<hbm>> -> memref<512xi32, #tpu.memory_space<hbm>>
        tpu.enqueue_dma source(%dma_start3A_886 : memref<512xi32, #tpu.memory_space<hbm>>) target(%dma_start3A_885 : memref<512xi32, #tpu.memory_space<vmem>>) target_semaphore(%arg15 : memref<!tpu.dma_semaphore, #tpu.memory_space<semaphore_mem>>)
        %lt3A_887 = arith.constant 32 : i32
        %lt3A_888 = arith.cmpi slt, %add3A_829, %lt3A_887 : i32
        %mul3A_889 = arith.constant 512 : i32
        %mul3A_890 = arith.muli %add3A_829, %mul3A_889 : i32
        %add3A_891 = arith.constant 49152 : i32
        %add3A_892 = arith.addi %add3A_891, %mul3A_890 : i32
        %sub3A_893 = arith.constant 32 : i32
        %sub3A_894 = arith.subi %add3A_829, %sub3A_893 : i32
        %mul3A_895 = arith.constant 512 : i32
        %mul3A_896 = arith.muli %sub3A_894, %mul3A_895 : i32
        %add3A_897 = arith.constant 1064960 : i32
        %add3A_898 = arith.addi %add3A_897, %mul3A_896 : i32
        %select_n3A_899 = arith.select %lt3A_888, %add3A_892, %add3A_898 : i32
        %dma_start3A_900 = arith.constant 1536 : i32
        %dma_start3A_901 = tpu.memref_slice %arg7[%dma_start3A_900] : memref<2560xi32, #tpu.memory_space<vmem>> -> memref<512xi32, #tpu.memory_space<vmem>>
        %dma_start3A_902 = tpu.memref_slice %arg3[%select_n3A_899] : memref<1720320xi32, #tpu.memory_space<hbm>> -> memref<512xi32, #tpu.memory_space<hbm>>
        %dma_start3A_903 = arith.constant 1536 : i32
        %dma_start3A_904 = tpu.memref_slice %arg7[%dma_start3A_903] : memref<2560xi32, #tpu.memory_space<vmem>> -> memref<512xi32, #tpu.memory_space<vmem>>
        %dma_start3A_905 = tpu.memref_slice %arg3[%select_n3A_899] : memref<1720320xi32, #tpu.memory_space<hbm>> -> memref<512xi32, #tpu.memory_space<hbm>>
        tpu.enqueue_dma source(%dma_start3A_905 : memref<512xi32, #tpu.memory_space<hbm>>) target(%dma_start3A_904 : memref<512xi32, #tpu.memory_space<vmem>>) target_semaphore(%arg15 : memref<!tpu.dma_semaphore, #tpu.memory_space<semaphore_mem>>)
        %lt3A_906 = arith.constant 32 : i32
        %lt3A_907 = arith.cmpi slt, %add3A_829, %lt3A_906 : i32
        %mul3A_908 = arith.constant 512 : i32
        %mul3A_909 = arith.muli %add3A_829, %mul3A_908 : i32
        %add3A_910 = arith.constant 65536 : i32
        %add3A_911 = arith.addi %add3A_910, %mul3A_909 : i32
        %sub3A_912 = arith.constant 32 : i32
        %sub3A_913 = arith.subi %add3A_829, %sub3A_912 : i32
        %mul3A_914 = arith.constant 512 : i32
        %mul3A_915 = arith.muli %sub3A_913, %mul3A_914 : i32
        %add3A_916 = arith.constant 1392640 : i32
        %add3A_917 = arith.addi %add3A_916, %mul3A_915 : i32
        %select_n3A_918 = arith.select %lt3A_907, %add3A_911, %add3A_917 : i32
        %dma_start3A_919 = arith.constant 2048 : i32
        %dma_start3A_920 = tpu.memref_slice %arg7[%dma_start3A_919] : memref<2560xi32, #tpu.memory_space<vmem>> -> memref<512xi32, #tpu.memory_space<vmem>>
        %dma_start3A_921 = tpu.memref_slice %arg3[%select_n3A_918] : memref<1720320xi32, #tpu.memory_space<hbm>> -> memref<512xi32, #tpu.memory_space<hbm>>
        %dma_start3A_922 = arith.constant 2048 : i32
        %dma_start3A_923 = tpu.memref_slice %arg7[%dma_start3A_922] : memref<2560xi32, #tpu.memory_space<vmem>> -> memref<512xi32, #tpu.memory_space<vmem>>
        %dma_start3A_924 = tpu.memref_slice %arg3[%select_n3A_918] : memref<1720320xi32, #tpu.memory_space<hbm>> -> memref<512xi32, #tpu.memory_space<hbm>>
        tpu.enqueue_dma source(%dma_start3A_924 : memref<512xi32, #tpu.memory_space<hbm>>) target(%dma_start3A_923 : memref<512xi32, #tpu.memory_space<vmem>>) target_semaphore(%arg15 : memref<!tpu.dma_semaphore, #tpu.memory_space<semaphore_mem>>)
      } else {
      }
      %scan3A_794 = arith.constant 0 : i32
      %scan3A_795 = arith.constant 0 : i32
      %scan3A_796 = arith.constant 32 : i32
      %scan3A_797 = arith.addi %scan3A_795, %scan3A_796 : i32
      %scan3A_798 = arith.constant 1 : i32
      scf.for %scan3A_803 = %scan3A_795 to %scan3A_797 step %scan3A_798  : i32 {
        %mul3A_804 = arith.constant 16 : i32
        %mul3A_805 = arith.muli %scan3A_803, %mul3A_804 : i32
        %broadcast_in_dim3A = arith.constant 0.000000e+00 : f32
        %broadcast_in_dim3A_806 = vector.broadcast %broadcast_in_dim3A : f32 to vector<16xf32>
        %add3A_807 = arith.constant 0 : i32
        %add3A_808 = arith.addi %mul3A_805, %add3A_807 : i32
        %get3A_809 = arith.index_cast %add3A_808 : i32 to index
        %get3A_810 = arith.constant 0 : index
        %get3A_811 = tpu.vector_load %arg9[%get3A_809, %get3A_810] {strides = array<i32>} : memref<2560x16xf32, #tpu.memory_space<vmem>>, vector<16xf32>,
        %add3A_812 = arith.constant 512 : i32
        %add3A_813 = arith.addi %add3A_808, %add3A_812 : i32
        %get3A_814 = arith.index_cast %add3A_813 : i32 to index
        %get3A_815 = arith.constant 0 : index
        %get3A_816 = tpu.vector_load %arg9[%get3A_814, %get3A_815] {strides = array<i32>} : memref<2560x16xf32, #tpu.memory_space<vmem>>, vector<16xf32>,
        %add3A_817 = arith.constant 1024 : i32
        %add3A_818 = arith.addi %add3A_808, %add3A_817 : i32
        %get3A_819 = arith.index_cast %add3A_818 : i32 to index
        %get3A_820 = arith.constant 0 : index
        %get3A_821 = tpu.vector_load %arg9[%get3A_819, %get3A_820] {strides = array<i32>} : memref<2560x16xf32, #tpu.memory_space<vmem>>, vector<16xf32>,
        %add3A_822 = arith.constant 1536 : i32
        %add3A_823 = arith.addi %add3A_808, %add3A_822 : i32
        %get3A_824 = arith.index_cast %add3A_823 : i32 to index
        %get3A_825 = arith.constant 0 : index
        %get3A_826 = tpu.vector_load %arg9[%get3A_824, %get3A_825] {strides = array<i32>} : memref<2560x16xf32, #tpu.memory_space<vmem>>, vector<16xf32>,
        %add3A_827 = arith.constant 2048 : i32
        %add3A_828 = arith.addi %add3A_808, %add3A_827 : i32
        %get3A_829 = arith.index_cast %add3A_828 : i32 to index
        %get3A_830 = arith.constant 0 : index
        %get3A_831 = tpu.vector_load %arg9[%get3A_829, %get3A_830] {strides = array<i32>} : memref<2560x16xf32, #tpu.memory_space<vmem>>, vector<16xf32>,
        %add3A_832 = arith.addf %get3A_826, %get3A_831 : vector<16xf32>
        %add3A_833 = arith.addf %get3A_821, %add3A_832 : vector<16xf32>
        %add3A_834 = arith.addf %get3A_816, %add3A_833 : vector<16xf32>
        %mul3A_835 = arith.mulf %get3A_811, %add3A_834 : vector<16xf32>
        %mul3A_836 = arith.mulf %get3A_816, %add3A_833 : vector<16xf32>
        %add3A_837 = arith.addf %mul3A_835, %mul3A_836 : vector<16xf32>
        %mul3A_838 = arith.mulf %get3A_821, %add3A_832 : vector<16xf32>
        %add3A_839 = arith.addf %add3A_837, %mul3A_838 : vector<16xf32>
        %mul3A_840 = arith.mulf %get3A_826, %get3A_831 : vector<16xf32>
        %add3A_841 = arith.addf %add3A_839, %mul3A_840 : vector<16xf32>
        %eq3A = arith.constant 0 : i32
        %eq3A_842 = vector.broadcast %eq3A : i32 to vector<16xi32>
        %eq3A_843 = arith.cmpi eq, %iota3A, %eq3A_842 : vector<16xi32>
        %reduce_sum3A = arith.constant true
        %reduce_sum3A_844 = vector.broadcast %reduce_sum3A : i1 to vector<16xi1>
        %reduce_sum3A_845 = tpu.scan <sum>, %add3A_841 masked %reduce_sum3A_844 : vector<16xf32>, vector<16xi1> -> vector<16xf32>
        %reduce_sum3A_846 = vector.extract %reduce_sum3A_845[15] : f32 from vector<16xf32>
        %broadcast_in_dim3A_847 = vector.broadcast %reduce_sum3A_846 : f32 to vector<16xf32>
        %select_n3A_848 = arith.select %eq3A_843, %broadcast_in_dim3A_847, %broadcast_in_dim3A_806 : vector<16xi1>, vector<16xf32>
        %add3A_849 = arith.constant 1 : i32
        %add3A_850 = arith.addi %mul3A_805, %add3A_849 : i32
        %get3A_851 = arith.index_cast %add3A_850 : i32 to index
        %get3A_852 = arith.constant 0 : index
        %get3A_853 = tpu.vector_load %arg9[%get3A_851, %get3A_852] {strides = array<i32>} : memref<2560x16xf32, #tpu.memory_space<vmem>>, vector<16xf32>,
        %add3A_854 = arith.constant 512 : i32
        %add3A_855 = arith.addi %add3A_850, %add3A_854 : i32
        %get3A_856 = arith.index_cast %add3A_855 : i32 to index
        %get3A_857 = arith.constant 0 : index
        %get3A_858 = tpu.vector_load %arg9[%get3A_856, %get3A_857] {strides = array<i32>} : memref<2560x16xf32, #tpu.memory_space<vmem>>, vector<16xf32>,
        %add3A_859 = arith.constant 1024 : i32
        %add3A_860 = arith.addi %add3A_850, %add3A_859 : i32
        %get3A_861 = arith.index_cast %add3A_860 : i32 to index
        %get3A_862 = arith.constant 0 : index
        %get3A_863 = tpu.vector_load %arg9[%get3A_861, %get3A_862] {strides = array<i32>} : memref<2560x16xf32, #tpu.memory_space<vmem>>, vector<16xf32>,
        %add3A_864 = arith.constant 1536 : i32
        %add3A_865 = arith.addi %add3A_850, %add3A_864 : i32
        %get3A_866 = arith.index_cast %add3A_865 : i32 to index
        %get3A_867 = arith.constant 0 : index
        %get3A_868 = tpu.vector_load %arg9[%get3A_866, %get3A_867] {strides = array<i32>} : memref<2560x16xf32, #tpu.memory_space<vmem>>, vector<16xf32>,
        %add3A_869 = arith.constant 2048 : i32
        %add3A_870 = arith.addi %add3A_850, %add3A_869 : i32
        %get3A_871 = arith.index_cast %add3A_870 : i32 to index
        %get3A_872 = arith.constant 0 : index
        %get3A_873 = tpu.vector_load %arg9[%get3A_871, %get3A_872] {strides = array<i32>} : memref<2560x16xf32, #tpu.memory_space<vmem>>, vector<16xf32>,
        %add3A_874 = arith.addf %get3A_868, %get3A_873 : vector<16xf32>
        %add3A_875 = arith.addf %get3A_863, %add3A_874 : vector<16xf32>
        %add3A_876 = arith.addf %get3A_858, %add3A_875 : vector<16xf32>
        %mul3A_877 = arith.mulf %get3A_853, %add3A_876 : vector<16xf32>
        %mul3A_878 = arith.mulf %get3A_858, %add3A_875 : vector<16xf32>
        %add3A_879 = arith.addf %mul3A_877, %mul3A_878 : vector<16xf32>
        %mul3A_880 = arith.mulf %get3A_863, %add3A_874 : vector<16xf32>
        %add3A_881 = arith.addf %add3A_879, %mul3A_880 : vector<16xf32>
        %mul3A_882 = arith.mulf %get3A_868, %get3A_873 : vector<16xf32>
        %add3A_883 = arith.addf %add3A_881, %mul3A_882 : vector<16xf32>
        %eq3A_884 = arith.constant 1 : i32
        %eq3A_885 = vector.broadcast %eq3A_884 : i32 to vector<16xi32>
        %eq3A_886 = arith.cmpi eq, %iota3A, %eq3A_885 : vector<16xi32>
        %reduce_sum3A_887 = arith.constant true
        %reduce_sum3A_888 = vector.broadcast %reduce_sum3A_887 : i1 to vector<16xi1>
        %reduce_sum3A_889 = tpu.scan <sum>, %add3A_883 masked %reduce_sum3A_888 : vector<16xf32>, vector<16xi1> -> vector<16xf32>
        %reduce_sum3A_890 = vector.extract %reduce_sum3A_889[15] : f32 from vector<16xf32>
        %broadcast_in_dim3A_891 = vector.broadcast %reduce_sum3A_890 : f32 to vector<16xf32>
        %select_n3A_892 = arith.select %eq3A_886, %broadcast_in_dim3A_891, %select_n3A_848 : vector<16xi1>, vector<16xf32>
        %add3A_893 = arith.constant 2 : i32
        %add3A_894 = arith.addi %mul3A_805, %add3A_893 : i32
        %get3A_895 = arith.index_cast %add3A_894 : i32 to index
        %get3A_896 = arith.constant 0 : index
        %get3A_897 = tpu.vector_load %arg9[%get3A_895, %get3A_896] {strides = array<i32>} : memref<2560x16xf32, #tpu.memory_space<vmem>>, vector<16xf32>,
        %add3A_898 = arith.constant 512 : i32
        %add3A_899 = arith.addi %add3A_894, %add3A_898 : i32
        %get3A_900 = arith.index_cast %add3A_899 : i32 to index
        %get3A_901 = arith.constant 0 : index
        %get3A_902 = tpu.vector_load %arg9[%get3A_900, %get3A_901] {strides = array<i32>} : memref<2560x16xf32, #tpu.memory_space<vmem>>, vector<16xf32>,
        %add3A_903 = arith.constant 1024 : i32
        %add3A_904 = arith.addi %add3A_894, %add3A_903 : i32
        %get3A_905 = arith.index_cast %add3A_904 : i32 to index
        %get3A_906 = arith.constant 0 : index
        %get3A_907 = tpu.vector_load %arg9[%get3A_905, %get3A_906] {strides = array<i32>} : memref<2560x16xf32, #tpu.memory_space<vmem>>, vector<16xf32>,
        %add3A_908 = arith.constant 1536 : i32
        %add3A_909 = arith.addi %add3A_894, %add3A_908 : i32
        %get3A_910 = arith.index_cast %add3A_909 : i32 to index
        %get3A_911 = arith.constant 0 : index
        %get3A_912 = tpu.vector_load %arg9[%get3A_910, %get3A_911] {strides = array<i32>} : memref<2560x16xf32, #tpu.memory_space<vmem>>, vector<16xf32>,
        %add3A_913 = arith.constant 2048 : i32
        %add3A_914 = arith.addi %add3A_894, %add3A_913 : i32
        %get3A_915 = arith.index_cast %add3A_914 : i32 to index
        %get3A_916 = arith.constant 0 : index
        %get3A_917 = tpu.vector_load %arg9[%get3A_915, %get3A_916] {strides = array<i32>} : memref<2560x16xf32, #tpu.memory_space<vmem>>, vector<16xf32>,
        %add3A_918 = arith.addf %get3A_912, %get3A_917 : vector<16xf32>
        %add3A_919 = arith.addf %get3A_907, %add3A_918 : vector<16xf32>
        %add3A_920 = arith.addf %get3A_902, %add3A_919 : vector<16xf32>
        %mul3A_921 = arith.mulf %get3A_897, %add3A_920 : vector<16xf32>
        %mul3A_922 = arith.mulf %get3A_902, %add3A_919 : vector<16xf32>
        %add3A_923 = arith.addf %mul3A_921, %mul3A_922 : vector<16xf32>
        %mul3A_924 = arith.mulf %get3A_907, %add3A_918 : vector<16xf32>
        %add3A_925 = arith.addf %add3A_923, %mul3A_924 : vector<16xf32>
        %mul3A_926 = arith.mulf %get3A_912, %get3A_917 : vector<16xf32>
        %add3A_927 = arith.addf %add3A_925, %mul3A_926 : vector<16xf32>
        %eq3A_928 = arith.constant 2 : i32
        %eq3A_929 = vector.broadcast %eq3A_928 : i32 to vector<16xi32>
        %eq3A_930 = arith.cmpi eq, %iota3A, %eq3A_929 : vector<16xi32>
        %reduce_sum3A_931 = arith.constant true
        %reduce_sum3A_932 = vector.broadcast %reduce_sum3A_931 : i1 to vector<16xi1>
        %reduce_sum3A_933 = tpu.scan <sum>, %add3A_927 masked %reduce_sum3A_932 : vector<16xf32>, vector<16xi1> -> vector<16xf32>
        %reduce_sum3A_934 = vector.extract %reduce_sum3A_933[15] : f32 from vector<16xf32>
        %broadcast_in_dim3A_935 = vector.broadcast %reduce_sum3A_934 : f32 to vector<16xf32>
        %select_n3A_936 = arith.select %eq3A_930, %broadcast_in_dim3A_935, %select_n3A_892 : vector<16xi1>, vector<16xf32>
        %add3A_937 = arith.constant 3 : i32
        %add3A_938 = arith.addi %mul3A_805, %add3A_937 : i32
        %get3A_939 = arith.index_cast %add3A_938 : i32 to index
        %get3A_940 = arith.constant 0 : index
        %get3A_941 = tpu.vector_load %arg9[%get3A_939, %get3A_940] {strides = array<i32>} : memref<2560x16xf32, #tpu.memory_space<vmem>>, vector<16xf32>,
        %add3A_942 = arith.constant 512 : i32
        %add3A_943 = arith.addi %add3A_938, %add3A_942 : i32
        %get3A_944 = arith.index_cast %add3A_943 : i32 to index
        %get3A_945 = arith.constant 0 : index
        %get3A_946 = tpu.vector_load %arg9[%get3A_944, %get3A_945] {strides = array<i32>} : memref<2560x16xf32, #tpu.memory_space<vmem>>, vector<16xf32>,
        %add3A_947 = arith.constant 1024 : i32
        %add3A_948 = arith.addi %add3A_938, %add3A_947 : i32
        %get3A_949 = arith.index_cast %add3A_948 : i32 to index
        %get3A_950 = arith.constant 0 : index
        %get3A_951 = tpu.vector_load %arg9[%get3A_949, %get3A_950] {strides = array<i32>} : memref<2560x16xf32, #tpu.memory_space<vmem>>, vector<16xf32>,
        %add3A_952 = arith.constant 1536 : i32
        %add3A_953 = arith.addi %add3A_938, %add3A_952 : i32
        %get3A_954 = arith.index_cast %add3A_953 : i32 to index
        %get3A_955 = arith.constant 0 : index
        %get3A_956 = tpu.vector_load %arg9[%get3A_954, %get3A_955] {strides = array<i32>} : memref<2560x16xf32, #tpu.memory_space<vmem>>, vector<16xf32>,
        %add3A_957 = arith.constant 2048 : i32
        %add3A_958 = arith.addi %add3A_938, %add3A_957 : i32
        %get3A_959 = arith.index_cast %add3A_958 : i32 to index
        %get3A_960 = arith.constant 0 : index
        %get3A_961 = tpu.vector_load %arg9[%get3A_959, %get3A_960] {strides = array<i32>} : memref<2560x16xf32, #tpu.memory_space<vmem>>, vector<16xf32>,
        %add3A_962 = arith.addf %get3A_956, %get3A_961 : vector<16xf32>
        %add3A_963 = arith.addf %get3A_951, %add3A_962 : vector<16xf32>
        %add3A_964 = arith.addf %get3A_946, %add3A_963 : vector<16xf32>
        %mul3A_965 = arith.mulf %get3A_941, %add3A_964 : vector<16xf32>
        %mul3A_966 = arith.mulf %get3A_946, %add3A_963 : vector<16xf32>
        %add3A_967 = arith.addf %mul3A_965, %mul3A_966 : vector<16xf32>
        %mul3A_968 = arith.mulf %get3A_951, %add3A_962 : vector<16xf32>
        %add3A_969 = arith.addf %add3A_967, %mul3A_968 : vector<16xf32>
        %mul3A_970 = arith.mulf %get3A_956, %get3A_961 : vector<16xf32>
        %add3A_971 = arith.addf %add3A_969, %mul3A_970 : vector<16xf32>
        %eq3A_972 = arith.constant 3 : i32
        %eq3A_973 = vector.broadcast %eq3A_972 : i32 to vector<16xi32>
        %eq3A_974 = arith.cmpi eq, %iota3A, %eq3A_973 : vector<16xi32>
        %reduce_sum3A_975 = arith.constant true
        %reduce_sum3A_976 = vector.broadcast %reduce_sum3A_975 : i1 to vector<16xi1>
        %reduce_sum3A_977 = tpu.scan <sum>, %add3A_971 masked %reduce_sum3A_976 : vector<16xf32>, vector<16xi1> -> vector<16xf32>
        %reduce_sum3A_978 = vector.extract %reduce_sum3A_977[15] : f32 from vector<16xf32>
        %broadcast_in_dim3A_979 = vector.broadcast %reduce_sum3A_978 : f32 to vector<16xf32>
        %select_n3A_980 = arith.select %eq3A_974, %broadcast_in_dim3A_979, %select_n3A_936 : vector<16xi1>, vector<16xf32>
        %add3A_981 = arith.constant 4 : i32
        %add3A_982 = arith.addi %mul3A_805, %add3A_981 : i32
        %get3A_983 = arith.index_cast %add3A_982 : i32 to index
        %get3A_984 = arith.constant 0 : index
        %get3A_985 = tpu.vector_load %arg9[%get3A_983, %get3A_984] {strides = array<i32>} : memref<2560x16xf32, #tpu.memory_space<vmem>>, vector<16xf32>,
        %add3A_986 = arith.constant 512 : i32
        %add3A_987 = arith.addi %add3A_982, %add3A_986 : i32
        %get3A_988 = arith.index_cast %add3A_987 : i32 to index
        %get3A_989 = arith.constant 0 : index
        %get3A_990 = tpu.vector_load %arg9[%get3A_988, %get3A_989] {strides = array<i32>} : memref<2560x16xf32, #tpu.memory_space<vmem>>, vector<16xf32>,
        %add3A_991 = arith.constant 1024 : i32
        %add3A_992 = arith.addi %add3A_982, %add3A_991 : i32
        %get3A_993 = arith.index_cast %add3A_992 : i32 to index
        %get3A_994 = arith.constant 0 : index
        %get3A_995 = tpu.vector_load %arg9[%get3A_993, %get3A_994] {strides = array<i32>} : memref<2560x16xf32, #tpu.memory_space<vmem>>, vector<16xf32>,
        %add3A_996 = arith.constant 1536 : i32
        %add3A_997 = arith.addi %add3A_982, %add3A_996 : i32
        %get3A_998 = arith.index_cast %add3A_997 : i32 to index
        %get3A_999 = arith.constant 0 : index
        %get3A_1000 = tpu.vector_load %arg9[%get3A_998, %get3A_999] {strides = array<i32>} : memref<2560x16xf32, #tpu.memory_space<vmem>>, vector<16xf32>,
        %add3A_1001 = arith.constant 2048 : i32
        %add3A_1002 = arith.addi %add3A_982, %add3A_1001 : i32
        %get3A_1003 = arith.index_cast %add3A_1002 : i32 to index
        %get3A_1004 = arith.constant 0 : index
        %get3A_1005 = tpu.vector_load %arg9[%get3A_1003, %get3A_1004] {strides = array<i32>} : memref<2560x16xf32, #tpu.memory_space<vmem>>, vector<16xf32>,
        %add3A_1006 = arith.addf %get3A_1000, %get3A_1005 : vector<16xf32>
        %add3A_1007 = arith.addf %get3A_995, %add3A_1006 : vector<16xf32>
        %add3A_1008 = arith.addf %get3A_990, %add3A_1007 : vector<16xf32>
        %mul3A_1009 = arith.mulf %get3A_985, %add3A_1008 : vector<16xf32>
        %mul3A_1010 = arith.mulf %get3A_990, %add3A_1007 : vector<16xf32>
        %add3A_1011 = arith.addf %mul3A_1009, %mul3A_1010 : vector<16xf32>
        %mul3A_1012 = arith.mulf %get3A_995, %add3A_1006 : vector<16xf32>
        %add3A_1013 = arith.addf %add3A_1011, %mul3A_1012 : vector<16xf32>
        %mul3A_1014 = arith.mulf %get3A_1000, %get3A_1005 : vector<16xf32>
        %add3A_1015 = arith.addf %add3A_1013, %mul3A_1014 : vector<16xf32>
        %eq3A_1016 = arith.constant 4 : i32
        %eq3A_1017 = vector.broadcast %eq3A_1016 : i32 to vector<16xi32>
        %eq3A_1018 = arith.cmpi eq, %iota3A, %eq3A_1017 : vector<16xi32>
        %reduce_sum3A_1019 = arith.constant true
        %reduce_sum3A_1020 = vector.broadcast %reduce_sum3A_1019 : i1 to vector<16xi1>
        %reduce_sum3A_1021 = tpu.scan <sum>, %add3A_1015 masked %reduce_sum3A_1020 : vector<16xf32>, vector<16xi1> -> vector<16xf32>
        %reduce_sum3A_1022 = vector.extract %reduce_sum3A_1021[15] : f32 from vector<16xf32>
        %broadcast_in_dim3A_1023 = vector.broadcast %reduce_sum3A_1022 : f32 to vector<16xf32>
        %select_n3A_1024 = arith.select %eq3A_1018, %broadcast_in_dim3A_1023, %select_n3A_980 : vector<16xi1>, vector<16xf32>
        %add3A_1025 = arith.constant 5 : i32
        %add3A_1026 = arith.addi %mul3A_805, %add3A_1025 : i32
        %get3A_1027 = arith.index_cast %add3A_1026 : i32 to index
        %get3A_1028 = arith.constant 0 : index
        %get3A_1029 = tpu.vector_load %arg9[%get3A_1027, %get3A_1028] {strides = array<i32>} : memref<2560x16xf32, #tpu.memory_space<vmem>>, vector<16xf32>,
        %add3A_1030 = arith.constant 512 : i32
        %add3A_1031 = arith.addi %add3A_1026, %add3A_1030 : i32
        %get3A_1032 = arith.index_cast %add3A_1031 : i32 to index
        %get3A_1033 = arith.constant 0 : index
        %get3A_1034 = tpu.vector_load %arg9[%get3A_1032, %get3A_1033] {strides = array<i32>} : memref<2560x16xf32, #tpu.memory_space<vmem>>, vector<16xf32>,
        %add3A_1035 = arith.constant 1024 : i32
        %add3A_1036 = arith.addi %add3A_1026, %add3A_1035 : i32
        %get3A_1037 = arith.index_cast %add3A_1036 : i32 to index
        %get3A_1038 = arith.constant 0 : index
        %get3A_1039 = tpu.vector_load %arg9[%get3A_1037, %get3A_1038] {strides = array<i32>} : memref<2560x16xf32, #tpu.memory_space<vmem>>, vector<16xf32>,
        %add3A_1040 = arith.constant 1536 : i32
        %add3A_1041 = arith.addi %add3A_1026, %add3A_1040 : i32
        %get3A_1042 = arith.index_cast %add3A_1041 : i32 to index
        %get3A_1043 = arith.constant 0 : index
        %get3A_1044 = tpu.vector_load %arg9[%get3A_1042, %get3A_1043] {strides = array<i32>} : memref<2560x16xf32, #tpu.memory_space<vmem>>, vector<16xf32>,
        %add3A_1045 = arith.constant 2048 : i32
        %add3A_1046 = arith.addi %add3A_1026, %add3A_1045 : i32
        %get3A_1047 = arith.index_cast %add3A_1046 : i32 to index
        %get3A_1048 = arith.constant 0 : index
        %get3A_1049 = tpu.vector_load %arg9[%get3A_1047, %get3A_1048] {strides = array<i32>} : memref<2560x16xf32, #tpu.memory_space<vmem>>, vector<16xf32>,
        %add3A_1050 = arith.addf %get3A_1044, %get3A_1049 : vector<16xf32>
        %add3A_1051 = arith.addf %get3A_1039, %add3A_1050 : vector<16xf32>
        %add3A_1052 = arith.addf %get3A_1034, %add3A_1051 : vector<16xf32>
        %mul3A_1053 = arith.mulf %get3A_1029, %add3A_1052 : vector<16xf32>
        %mul3A_1054 = arith.mulf %get3A_1034, %add3A_1051 : vector<16xf32>
        %add3A_1055 = arith.addf %mul3A_1053, %mul3A_1054 : vector<16xf32>
        %mul3A_1056 = arith.mulf %get3A_1039, %add3A_1050 : vector<16xf32>
        %add3A_1057 = arith.addf %add3A_1055, %mul3A_1056 : vector<16xf32>
        %mul3A_1058 = arith.mulf %get3A_1044, %get3A_1049 : vector<16xf32>
        %add3A_1059 = arith.addf %add3A_1057, %mul3A_1058 : vector<16xf32>
        %eq3A_1060 = arith.constant 5 : i32
        %eq3A_1061 = vector.broadcast %eq3A_1060 : i32 to vector<16xi32>
        %eq3A_1062 = arith.cmpi eq, %iota3A, %eq3A_1061 : vector<16xi32>
        %reduce_sum3A_1063 = arith.constant true
        %reduce_sum3A_1064 = vector.broadcast %reduce_sum3A_1063 : i1 to vector<16xi1>
        %reduce_sum3A_1065 = tpu.scan <sum>, %add3A_1059 masked %reduce_sum3A_1064 : vector<16xf32>, vector<16xi1> -> vector<16xf32>
        %reduce_sum3A_1066 = vector.extract %reduce_sum3A_1065[15] : f32 from vector<16xf32>
        %broadcast_in_dim3A_1067 = vector.broadcast %reduce_sum3A_1066 : f32 to vector<16xf32>
        %select_n3A_1068 = arith.select %eq3A_1062, %broadcast_in_dim3A_1067, %select_n3A_1024 : vector<16xi1>, vector<16xf32>
        %add3A_1069 = arith.constant 6 : i32
        %add3A_1070 = arith.addi %mul3A_805, %add3A_1069 : i32
        %get3A_1071 = arith.index_cast %add3A_1070 : i32 to index
        %get3A_1072 = arith.constant 0 : index
        %get3A_1073 = tpu.vector_load %arg9[%get3A_1071, %get3A_1072] {strides = array<i32>} : memref<2560x16xf32, #tpu.memory_space<vmem>>, vector<16xf32>,
        %add3A_1074 = arith.constant 512 : i32
        %add3A_1075 = arith.addi %add3A_1070, %add3A_1074 : i32
        %get3A_1076 = arith.index_cast %add3A_1075 : i32 to index
        %get3A_1077 = arith.constant 0 : index
        %get3A_1078 = tpu.vector_load %arg9[%get3A_1076, %get3A_1077] {strides = array<i32>} : memref<2560x16xf32, #tpu.memory_space<vmem>>, vector<16xf32>,
        %add3A_1079 = arith.constant 1024 : i32
        %add3A_1080 = arith.addi %add3A_1070, %add3A_1079 : i32
        %get3A_1081 = arith.index_cast %add3A_1080 : i32 to index
        %get3A_1082 = arith.constant 0 : index
        %get3A_1083 = tpu.vector_load %arg9[%get3A_1081, %get3A_1082] {strides = array<i32>} : memref<2560x16xf32, #tpu.memory_space<vmem>>, vector<16xf32>,
        %add3A_1084 = arith.constant 1536 : i32
        %add3A_1085 = arith.addi %add3A_1070, %add3A_1084 : i32
        %get3A_1086 = arith.index_cast %add3A_1085 : i32 to index
        %get3A_1087 = arith.constant 0 : index
        %get3A_1088 = tpu.vector_load %arg9[%get3A_1086, %get3A_1087] {strides = array<i32>} : memref<2560x16xf32, #tpu.memory_space<vmem>>, vector<16xf32>,
        %add3A_1089 = arith.constant 2048 : i32
        %add3A_1090 = arith.addi %add3A_1070, %add3A_1089 : i32
        %get3A_1091 = arith.index_cast %add3A_1090 : i32 to index
        %get3A_1092 = arith.constant 0 : index
        %get3A_1093 = tpu.vector_load %arg9[%get3A_1091, %get3A_1092] {strides = array<i32>} : memref<2560x16xf32, #tpu.memory_space<vmem>>, vector<16xf32>,
        %add3A_1094 = arith.addf %get3A_1088, %get3A_1093 : vector<16xf32>
        %add3A_1095 = arith.addf %get3A_1083, %add3A_1094 : vector<16xf32>
        %add3A_1096 = arith.addf %get3A_1078, %add3A_1095 : vector<16xf32>
        %mul3A_1097 = arith.mulf %get3A_1073, %add3A_1096 : vector<16xf32>
        %mul3A_1098 = arith.mulf %get3A_1078, %add3A_1095 : vector<16xf32>
        %add3A_1099 = arith.addf %mul3A_1097, %mul3A_1098 : vector<16xf32>
        %mul3A_1100 = arith.mulf %get3A_1083, %add3A_1094 : vector<16xf32>
        %add3A_1101 = arith.addf %add3A_1099, %mul3A_1100 : vector<16xf32>
        %mul3A_1102 = arith.mulf %get3A_1088, %get3A_1093 : vector<16xf32>
        %add3A_1103 = arith.addf %add3A_1101, %mul3A_1102 : vector<16xf32>
        %eq3A_1104 = arith.constant 6 : i32
        %eq3A_1105 = vector.broadcast %eq3A_1104 : i32 to vector<16xi32>
        %eq3A_1106 = arith.cmpi eq, %iota3A, %eq3A_1105 : vector<16xi32>
        %reduce_sum3A_1107 = arith.constant true
        %reduce_sum3A_1108 = vector.broadcast %reduce_sum3A_1107 : i1 to vector<16xi1>
        %reduce_sum3A_1109 = tpu.scan <sum>, %add3A_1103 masked %reduce_sum3A_1108 : vector<16xf32>, vector<16xi1> -> vector<16xf32>
        %reduce_sum3A_1110 = vector.extract %reduce_sum3A_1109[15] : f32 from vector<16xf32>
        %broadcast_in_dim3A_1111 = vector.broadcast %reduce_sum3A_1110 : f32 to vector<16xf32>
        %select_n3A_1112 = arith.select %eq3A_1106, %broadcast_in_dim3A_1111, %select_n3A_1068 : vector<16xi1>, vector<16xf32>
        %add3A_1113 = arith.constant 7 : i32
        %add3A_1114 = arith.addi %mul3A_805, %add3A_1113 : i32
        %get3A_1115 = arith.index_cast %add3A_1114 : i32 to index
        %get3A_1116 = arith.constant 0 : index
        %get3A_1117 = tpu.vector_load %arg9[%get3A_1115, %get3A_1116] {strides = array<i32>} : memref<2560x16xf32, #tpu.memory_space<vmem>>, vector<16xf32>,
        %add3A_1118 = arith.constant 512 : i32
        %add3A_1119 = arith.addi %add3A_1114, %add3A_1118 : i32
        %get3A_1120 = arith.index_cast %add3A_1119 : i32 to index
        %get3A_1121 = arith.constant 0 : index
        %get3A_1122 = tpu.vector_load %arg9[%get3A_1120, %get3A_1121] {strides = array<i32>} : memref<2560x16xf32, #tpu.memory_space<vmem>>, vector<16xf32>,
        %add3A_1123 = arith.constant 1024 : i32
        %add3A_1124 = arith.addi %add3A_1114, %add3A_1123 : i32
        %get3A_1125 = arith.index_cast %add3A_1124 : i32 to index
        %get3A_1126 = arith.constant 0 : index
        %get3A_1127 = tpu.vector_load %arg9[%get3A_1125, %get3A_1126] {strides = array<i32>} : memref<2560x16xf32, #tpu.memory_space<vmem>>, vector<16xf32>,
        %add3A_1128 = arith.constant 1536 : i32
        %add3A_1129 = arith.addi %add3A_1114, %add3A_1128 : i32
        %get3A_1130 = arith.index_cast %add3A_1129 : i32 to index
        %get3A_1131 = arith.constant 0 : index
        %get3A_1132 = tpu.vector_load %arg9[%get3A_1130, %get3A_1131] {strides = array<i32>} : memref<2560x16xf32, #tpu.memory_space<vmem>>, vector<16xf32>,
        %add3A_1133 = arith.constant 2048 : i32
        %add3A_1134 = arith.addi %add3A_1114, %add3A_1133 : i32
        %get3A_1135 = arith.index_cast %add3A_1134 : i32 to index
        %get3A_1136 = arith.constant 0 : index
        %get3A_1137 = tpu.vector_load %arg9[%get3A_1135, %get3A_1136] {strides = array<i32>} : memref<2560x16xf32, #tpu.memory_space<vmem>>, vector<16xf32>,
        %add3A_1138 = arith.addf %get3A_1132, %get3A_1137 : vector<16xf32>
        %add3A_1139 = arith.addf %get3A_1127, %add3A_1138 : vector<16xf32>
        %add3A_1140 = arith.addf %get3A_1122, %add3A_1139 : vector<16xf32>
        %mul3A_1141 = arith.mulf %get3A_1117, %add3A_1140 : vector<16xf32>
        %mul3A_1142 = arith.mulf %get3A_1122, %add3A_1139 : vector<16xf32>
        %add3A_1143 = arith.addf %mul3A_1141, %mul3A_1142 : vector<16xf32>
        %mul3A_1144 = arith.mulf %get3A_1127, %add3A_1138 : vector<16xf32>
        %add3A_1145 = arith.addf %add3A_1143, %mul3A_1144 : vector<16xf32>
        %mul3A_1146 = arith.mulf %get3A_1132, %get3A_1137 : vector<16xf32>
        %add3A_1147 = arith.addf %add3A_1145, %mul3A_1146 : vector<16xf32>
        %eq3A_1148 = arith.constant 7 : i32
        %eq3A_1149 = vector.broadcast %eq3A_1148 : i32 to vector<16xi32>
        %eq3A_1150 = arith.cmpi eq, %iota3A, %eq3A_1149 : vector<16xi32>
        %reduce_sum3A_1151 = arith.constant true
        %reduce_sum3A_1152 = vector.broadcast %reduce_sum3A_1151 : i1 to vector<16xi1>
        %reduce_sum3A_1153 = tpu.scan <sum>, %add3A_1147 masked %reduce_sum3A_1152 : vector<16xf32>, vector<16xi1> -> vector<16xf32>
        %reduce_sum3A_1154 = vector.extract %reduce_sum3A_1153[15] : f32 from vector<16xf32>
        %broadcast_in_dim3A_1155 = vector.broadcast %reduce_sum3A_1154 : f32 to vector<16xf32>
        %select_n3A_1156 = arith.select %eq3A_1150, %broadcast_in_dim3A_1155, %select_n3A_1112 : vector<16xi1>, vector<16xf32>
        %add3A_1157 = arith.constant 8 : i32
        %add3A_1158 = arith.addi %mul3A_805, %add3A_1157 : i32
        %get3A_1159 = arith.index_cast %add3A_1158 : i32 to index
        %get3A_1160 = arith.constant 0 : index
        %get3A_1161 = tpu.vector_load %arg9[%get3A_1159, %get3A_1160] {strides = array<i32>} : memref<2560x16xf32, #tpu.memory_space<vmem>>, vector<16xf32>,
        %add3A_1162 = arith.constant 512 : i32
        %add3A_1163 = arith.addi %add3A_1158, %add3A_1162 : i32
        %get3A_1164 = arith.index_cast %add3A_1163 : i32 to index
        %get3A_1165 = arith.constant 0 : index
        %get3A_1166 = tpu.vector_load %arg9[%get3A_1164, %get3A_1165] {strides = array<i32>} : memref<2560x16xf32, #tpu.memory_space<vmem>>, vector<16xf32>,
        %add3A_1167 = arith.constant 1024 : i32
        %add3A_1168 = arith.addi %add3A_1158, %add3A_1167 : i32
        %get3A_1169 = arith.index_cast %add3A_1168 : i32 to index
        %get3A_1170 = arith.constant 0 : index
        %get3A_1171 = tpu.vector_load %arg9[%get3A_1169, %get3A_1170] {strides = array<i32>} : memref<2560x16xf32, #tpu.memory_space<vmem>>, vector<16xf32>,
        %add3A_1172 = arith.constant 1536 : i32
        %add3A_1173 = arith.addi %add3A_1158, %add3A_1172 : i32
        %get3A_1174 = arith.index_cast %add3A_1173 : i32 to index
        %get3A_1175 = arith.constant 0 : index
        %get3A_1176 = tpu.vector_load %arg9[%get3A_1174, %get3A_1175] {strides = array<i32>} : memref<2560x16xf32, #tpu.memory_space<vmem>>, vector<16xf32>,
        %add3A_1177 = arith.constant 2048 : i32
        %add3A_1178 = arith.addi %add3A_1158, %add3A_1177 : i32
        %get3A_1179 = arith.index_cast %add3A_1178 : i32 to index
        %get3A_1180 = arith.constant 0 : index
        %get3A_1181 = tpu.vector_load %arg9[%get3A_1179, %get3A_1180] {strides = array<i32>} : memref<2560x16xf32, #tpu.memory_space<vmem>>, vector<16xf32>,
        %add3A_1182 = arith.addf %get3A_1176, %get3A_1181 : vector<16xf32>
        %add3A_1183 = arith.addf %get3A_1171, %add3A_1182 : vector<16xf32>
        %add3A_1184 = arith.addf %get3A_1166, %add3A_1183 : vector<16xf32>
        %mul3A_1185 = arith.mulf %get3A_1161, %add3A_1184 : vector<16xf32>
        %mul3A_1186 = arith.mulf %get3A_1166, %add3A_1183 : vector<16xf32>
        %add3A_1187 = arith.addf %mul3A_1185, %mul3A_1186 : vector<16xf32>
        %mul3A_1188 = arith.mulf %get3A_1171, %add3A_1182 : vector<16xf32>
        %add3A_1189 = arith.addf %add3A_1187, %mul3A_1188 : vector<16xf32>
        %mul3A_1190 = arith.mulf %get3A_1176, %get3A_1181 : vector<16xf32>
        %add3A_1191 = arith.addf %add3A_1189, %mul3A_1190 : vector<16xf32>
        %eq3A_1192 = arith.constant 8 : i32
        %eq3A_1193 = vector.broadcast %eq3A_1192 : i32 to vector<16xi32>
        %eq3A_1194 = arith.cmpi eq, %iota3A, %eq3A_1193 : vector<16xi32>
        %reduce_sum3A_1195 = arith.constant true
        %reduce_sum3A_1196 = vector.broadcast %reduce_sum3A_1195 : i1 to vector<16xi1>
        %reduce_sum3A_1197 = tpu.scan <sum>, %add3A_1191 masked %reduce_sum3A_1196 : vector<16xf32>, vector<16xi1> -> vector<16xf32>
        %reduce_sum3A_1198 = vector.extract %reduce_sum3A_1197[15] : f32 from vector<16xf32>
        %broadcast_in_dim3A_1199 = vector.broadcast %reduce_sum3A_1198 : f32 to vector<16xf32>
        %select_n3A_1200 = arith.select %eq3A_1194, %broadcast_in_dim3A_1199, %select_n3A_1156 : vector<16xi1>, vector<16xf32>
        %add3A_1201 = arith.constant 9 : i32
        %add3A_1202 = arith.addi %mul3A_805, %add3A_1201 : i32
        %get3A_1203 = arith.index_cast %add3A_1202 : i32 to index
        %get3A_1204 = arith.constant 0 : index
        %get3A_1205 = tpu.vector_load %arg9[%get3A_1203, %get3A_1204] {strides = array<i32>} : memref<2560x16xf32, #tpu.memory_space<vmem>>, vector<16xf32>,
        %add3A_1206 = arith.constant 512 : i32
        %add3A_1207 = arith.addi %add3A_1202, %add3A_1206 : i32
        %get3A_1208 = arith.index_cast %add3A_1207 : i32 to index
        %get3A_1209 = arith.constant 0 : index
        %get3A_1210 = tpu.vector_load %arg9[%get3A_1208, %get3A_1209] {strides = array<i32>} : memref<2560x16xf32, #tpu.memory_space<vmem>>, vector<16xf32>,
        %add3A_1211 = arith.constant 1024 : i32
        %add3A_1212 = arith.addi %add3A_1202, %add3A_1211 : i32
        %get3A_1213 = arith.index_cast %add3A_1212 : i32 to index
        %get3A_1214 = arith.constant 0 : index
        %get3A_1215 = tpu.vector_load %arg9[%get3A_1213, %get3A_1214] {strides = array<i32>} : memref<2560x16xf32, #tpu.memory_space<vmem>>, vector<16xf32>,
        %add3A_1216 = arith.constant 1536 : i32
        %add3A_1217 = arith.addi %add3A_1202, %add3A_1216 : i32
        %get3A_1218 = arith.index_cast %add3A_1217 : i32 to index
        %get3A_1219 = arith.constant 0 : index
        %get3A_1220 = tpu.vector_load %arg9[%get3A_1218, %get3A_1219] {strides = array<i32>} : memref<2560x16xf32, #tpu.memory_space<vmem>>, vector<16xf32>,
        %add3A_1221 = arith.constant 2048 : i32
        %add3A_1222 = arith.addi %add3A_1202, %add3A_1221 : i32
        %get3A_1223 = arith.index_cast %add3A_1222 : i32 to index
        %get3A_1224 = arith.constant 0 : index
        %get3A_1225 = tpu.vector_load %arg9[%get3A_1223, %get3A_1224] {strides = array<i32>} : memref<2560x16xf32, #tpu.memory_space<vmem>>, vector<16xf32>,
        %add3A_1226 = arith.addf %get3A_1220, %get3A_1225 : vector<16xf32>
        %add3A_1227 = arith.addf %get3A_1215, %add3A_1226 : vector<16xf32>
        %add3A_1228 = arith.addf %get3A_1210, %add3A_1227 : vector<16xf32>
        %mul3A_1229 = arith.mulf %get3A_1205, %add3A_1228 : vector<16xf32>
        %mul3A_1230 = arith.mulf %get3A_1210, %add3A_1227 : vector<16xf32>
        %add3A_1231 = arith.addf %mul3A_1229, %mul3A_1230 : vector<16xf32>
        %mul3A_1232 = arith.mulf %get3A_1215, %add3A_1226 : vector<16xf32>
        %add3A_1233 = arith.addf %add3A_1231, %mul3A_1232 : vector<16xf32>
        %mul3A_1234 = arith.mulf %get3A_1220, %get3A_1225 : vector<16xf32>
        %add3A_1235 = arith.addf %add3A_1233, %mul3A_1234 : vector<16xf32>
        %eq3A_1236 = arith.constant 9 : i32
        %eq3A_1237 = vector.broadcast %eq3A_1236 : i32 to vector<16xi32>
        %eq3A_1238 = arith.cmpi eq, %iota3A, %eq3A_1237 : vector<16xi32>
        %reduce_sum3A_1239 = arith.constant true
        %reduce_sum3A_1240 = vector.broadcast %reduce_sum3A_1239 : i1 to vector<16xi1>
        %reduce_sum3A_1241 = tpu.scan <sum>, %add3A_1235 masked %reduce_sum3A_1240 : vector<16xf32>, vector<16xi1> -> vector<16xf32>
        %reduce_sum3A_1242 = vector.extract %reduce_sum3A_1241[15] : f32 from vector<16xf32>
        %broadcast_in_dim3A_1243 = vector.broadcast %reduce_sum3A_1242 : f32 to vector<16xf32>
        %select_n3A_1244 = arith.select %eq3A_1238, %broadcast_in_dim3A_1243, %select_n3A_1200 : vector<16xi1>, vector<16xf32>
        %add3A_1245 = arith.constant 10 : i32
        %add3A_1246 = arith.addi %mul3A_805, %add3A_1245 : i32
        %get3A_1247 = arith.index_cast %add3A_1246 : i32 to index
        %get3A_1248 = arith.constant 0 : index
        %get3A_1249 = tpu.vector_load %arg9[%get3A_1247, %get3A_1248] {strides = array<i32>} : memref<2560x16xf32, #tpu.memory_space<vmem>>, vector<16xf32>,
        %add3A_1250 = arith.constant 512 : i32
        %add3A_1251 = arith.addi %add3A_1246, %add3A_1250 : i32
        %get3A_1252 = arith.index_cast %add3A_1251 : i32 to index
        %get3A_1253 = arith.constant 0 : index
        %get3A_1254 = tpu.vector_load %arg9[%get3A_1252, %get3A_1253] {strides = array<i32>} : memref<2560x16xf32, #tpu.memory_space<vmem>>, vector<16xf32>,
        %add3A_1255 = arith.constant 1024 : i32
        %add3A_1256 = arith.addi %add3A_1246, %add3A_1255 : i32
        %get3A_1257 = arith.index_cast %add3A_1256 : i32 to index
        %get3A_1258 = arith.constant 0 : index
        %get3A_1259 = tpu.vector_load %arg9[%get3A_1257, %get3A_1258] {strides = array<i32>} : memref<2560x16xf32, #tpu.memory_space<vmem>>, vector<16xf32>,
        %add3A_1260 = arith.constant 1536 : i32
        %add3A_1261 = arith.addi %add3A_1246, %add3A_1260 : i32
        %get3A_1262 = arith.index_cast %add3A_1261 : i32 to index
        %get3A_1263 = arith.constant 0 : index
        %get3A_1264 = tpu.vector_load %arg9[%get3A_1262, %get3A_1263] {strides = array<i32>} : memref<2560x16xf32, #tpu.memory_space<vmem>>, vector<16xf32>,
        %add3A_1265 = arith.constant 2048 : i32
        %add3A_1266 = arith.addi %add3A_1246, %add3A_1265 : i32
        %get3A_1267 = arith.index_cast %add3A_1266 : i32 to index
        %get3A_1268 = arith.constant 0 : index
        %get3A_1269 = tpu.vector_load %arg9[%get3A_1267, %get3A_1268] {strides = array<i32>} : memref<2560x16xf32, #tpu.memory_space<vmem>>, vector<16xf32>,
        %add3A_1270 = arith.addf %get3A_1264, %get3A_1269 : vector<16xf32>
        %add3A_1271 = arith.addf %get3A_1259, %add3A_1270 : vector<16xf32>
        %add3A_1272 = arith.addf %get3A_1254, %add3A_1271 : vector<16xf32>
        %mul3A_1273 = arith.mulf %get3A_1249, %add3A_1272 : vector<16xf32>
        %mul3A_1274 = arith.mulf %get3A_1254, %add3A_1271 : vector<16xf32>
        %add3A_1275 = arith.addf %mul3A_1273, %mul3A_1274 : vector<16xf32>
        %mul3A_1276 = arith.mulf %get3A_1259, %add3A_1270 : vector<16xf32>
        %add3A_1277 = arith.addf %add3A_1275, %mul3A_1276 : vector<16xf32>
        %mul3A_1278 = arith.mulf %get3A_1264, %get3A_1269 : vector<16xf32>
        %add3A_1279 = arith.addf %add3A_1277, %mul3A_1278 : vector<16xf32>
        %eq3A_1280 = arith.constant 10 : i32
        %eq3A_1281 = vector.broadcast %eq3A_1280 : i32 to vector<16xi32>
        %eq3A_1282 = arith.cmpi eq, %iota3A, %eq3A_1281 : vector<16xi32>
        %reduce_sum3A_1283 = arith.constant true
        %reduce_sum3A_1284 = vector.broadcast %reduce_sum3A_1283 : i1 to vector<16xi1>
        %reduce_sum3A_1285 = tpu.scan <sum>, %add3A_1279 masked %reduce_sum3A_1284 : vector<16xf32>, vector<16xi1> -> vector<16xf32>
        %reduce_sum3A_1286 = vector.extract %reduce_sum3A_1285[15] : f32 from vector<16xf32>
        %broadcast_in_dim3A_1287 = vector.broadcast %reduce_sum3A_1286 : f32 to vector<16xf32>
        %select_n3A_1288 = arith.select %eq3A_1282, %broadcast_in_dim3A_1287, %select_n3A_1244 : vector<16xi1>, vector<16xf32>
        %add3A_1289 = arith.constant 11 : i32
        %add3A_1290 = arith.addi %mul3A_805, %add3A_1289 : i32
        %get3A_1291 = arith.index_cast %add3A_1290 : i32 to index
        %get3A_1292 = arith.constant 0 : index
        %get3A_1293 = tpu.vector_load %arg9[%get3A_1291, %get3A_1292] {strides = array<i32>} : memref<2560x16xf32, #tpu.memory_space<vmem>>, vector<16xf32>,
        %add3A_1294 = arith.constant 512 : i32
        %add3A_1295 = arith.addi %add3A_1290, %add3A_1294 : i32
        %get3A_1296 = arith.index_cast %add3A_1295 : i32 to index
        %get3A_1297 = arith.constant 0 : index
        %get3A_1298 = tpu.vector_load %arg9[%get3A_1296, %get3A_1297] {strides = array<i32>} : memref<2560x16xf32, #tpu.memory_space<vmem>>, vector<16xf32>,
        %add3A_1299 = arith.constant 1024 : i32
        %add3A_1300 = arith.addi %add3A_1290, %add3A_1299 : i32
        %get3A_1301 = arith.index_cast %add3A_1300 : i32 to index
        %get3A_1302 = arith.constant 0 : index
        %get3A_1303 = tpu.vector_load %arg9[%get3A_1301, %get3A_1302] {strides = array<i32>} : memref<2560x16xf32, #tpu.memory_space<vmem>>, vector<16xf32>,
        %add3A_1304 = arith.constant 1536 : i32
        %add3A_1305 = arith.addi %add3A_1290, %add3A_1304 : i32
        %get3A_1306 = arith.index_cast %add3A_1305 : i32 to index
        %get3A_1307 = arith.constant 0 : index
        %get3A_1308 = tpu.vector_load %arg9[%get3A_1306, %get3A_1307] {strides = array<i32>} : memref<2560x16xf32, #tpu.memory_space<vmem>>, vector<16xf32>,
        %add3A_1309 = arith.constant 2048 : i32
        %add3A_1310 = arith.addi %add3A_1290, %add3A_1309 : i32
        %get3A_1311 = arith.index_cast %add3A_1310 : i32 to index
        %get3A_1312 = arith.constant 0 : index
        %get3A_1313 = tpu.vector_load %arg9[%get3A_1311, %get3A_1312] {strides = array<i32>} : memref<2560x16xf32, #tpu.memory_space<vmem>>, vector<16xf32>,
        %add3A_1314 = arith.addf %get3A_1308, %get3A_1313 : vector<16xf32>
        %add3A_1315 = arith.addf %get3A_1303, %add3A_1314 : vector<16xf32>
        %add3A_1316 = arith.addf %get3A_1298, %add3A_1315 : vector<16xf32>
        %mul3A_1317 = arith.mulf %get3A_1293, %add3A_1316 : vector<16xf32>
        %mul3A_1318 = arith.mulf %get3A_1298, %add3A_1315 : vector<16xf32>
        %add3A_1319 = arith.addf %mul3A_1317, %mul3A_1318 : vector<16xf32>
        %mul3A_1320 = arith.mulf %get3A_1303, %add3A_1314 : vector<16xf32>
        %add3A_1321 = arith.addf %add3A_1319, %mul3A_1320 : vector<16xf32>
        %mul3A_1322 = arith.mulf %get3A_1308, %get3A_1313 : vector<16xf32>
        %add3A_1323 = arith.addf %add3A_1321, %mul3A_1322 : vector<16xf32>
        %eq3A_1324 = arith.constant 11 : i32
        %eq3A_1325 = vector.broadcast %eq3A_1324 : i32 to vector<16xi32>
        %eq3A_1326 = arith.cmpi eq, %iota3A, %eq3A_1325 : vector<16xi32>
        %reduce_sum3A_1327 = arith.constant true
        %reduce_sum3A_1328 = vector.broadcast %reduce_sum3A_1327 : i1 to vector<16xi1>
        %reduce_sum3A_1329 = tpu.scan <sum>, %add3A_1323 masked %reduce_sum3A_1328 : vector<16xf32>, vector<16xi1> -> vector<16xf32>
        %reduce_sum3A_1330 = vector.extract %reduce_sum3A_1329[15] : f32 from vector<16xf32>
        %broadcast_in_dim3A_1331 = vector.broadcast %reduce_sum3A_1330 : f32 to vector<16xf32>
        %select_n3A_1332 = arith.select %eq3A_1326, %broadcast_in_dim3A_1331, %select_n3A_1288 : vector<16xi1>, vector<16xf32>
        %add3A_1333 = arith.constant 12 : i32
        %add3A_1334 = arith.addi %mul3A_805, %add3A_1333 : i32
        %get3A_1335 = arith.index_cast %add3A_1334 : i32 to index
        %get3A_1336 = arith.constant 0 : index
        %get3A_1337 = tpu.vector_load %arg9[%get3A_1335, %get3A_1336] {strides = array<i32>} : memref<2560x16xf32, #tpu.memory_space<vmem>>, vector<16xf32>,
        %add3A_1338 = arith.constant 512 : i32
        %add3A_1339 = arith.addi %add3A_1334, %add3A_1338 : i32
        %get3A_1340 = arith.index_cast %add3A_1339 : i32 to index
        %get3A_1341 = arith.constant 0 : index
        %get3A_1342 = tpu.vector_load %arg9[%get3A_1340, %get3A_1341] {strides = array<i32>} : memref<2560x16xf32, #tpu.memory_space<vmem>>, vector<16xf32>,
        %add3A_1343 = arith.constant 1024 : i32
        %add3A_1344 = arith.addi %add3A_1334, %add3A_1343 : i32
        %get3A_1345 = arith.index_cast %add3A_1344 : i32 to index
        %get3A_1346 = arith.constant 0 : index
        %get3A_1347 = tpu.vector_load %arg9[%get3A_1345, %get3A_1346] {strides = array<i32>} : memref<2560x16xf32, #tpu.memory_space<vmem>>, vector<16xf32>,
        %add3A_1348 = arith.constant 1536 : i32
        %add3A_1349 = arith.addi %add3A_1334, %add3A_1348 : i32
        %get3A_1350 = arith.index_cast %add3A_1349 : i32 to index
        %get3A_1351 = arith.constant 0 : index
        %get3A_1352 = tpu.vector_load %arg9[%get3A_1350, %get3A_1351] {strides = array<i32>} : memref<2560x16xf32, #tpu.memory_space<vmem>>, vector<16xf32>,
        %add3A_1353 = arith.constant 2048 : i32
        %add3A_1354 = arith.addi %add3A_1334, %add3A_1353 : i32
        %get3A_1355 = arith.index_cast %add3A_1354 : i32 to index
        %get3A_1356 = arith.constant 0 : index
        %get3A_1357 = tpu.vector_load %arg9[%get3A_1355, %get3A_1356] {strides = array<i32>} : memref<2560x16xf32, #tpu.memory_space<vmem>>, vector<16xf32>,
        %add3A_1358 = arith.addf %get3A_1352, %get3A_1357 : vector<16xf32>
        %add3A_1359 = arith.addf %get3A_1347, %add3A_1358 : vector<16xf32>
        %add3A_1360 = arith.addf %get3A_1342, %add3A_1359 : vector<16xf32>
        %mul3A_1361 = arith.mulf %get3A_1337, %add3A_1360 : vector<16xf32>
        %mul3A_1362 = arith.mulf %get3A_1342, %add3A_1359 : vector<16xf32>
        %add3A_1363 = arith.addf %mul3A_1361, %mul3A_1362 : vector<16xf32>
        %mul3A_1364 = arith.mulf %get3A_1347, %add3A_1358 : vector<16xf32>
        %add3A_1365 = arith.addf %add3A_1363, %mul3A_1364 : vector<16xf32>
        %mul3A_1366 = arith.mulf %get3A_1352, %get3A_1357 : vector<16xf32>
        %add3A_1367 = arith.addf %add3A_1365, %mul3A_1366 : vector<16xf32>
        %eq3A_1368 = arith.constant 12 : i32
        %eq3A_1369 = vector.broadcast %eq3A_1368 : i32 to vector<16xi32>
        %eq3A_1370 = arith.cmpi eq, %iota3A, %eq3A_1369 : vector<16xi32>
        %reduce_sum3A_1371 = arith.constant true
        %reduce_sum3A_1372 = vector.broadcast %reduce_sum3A_1371 : i1 to vector<16xi1>
        %reduce_sum3A_1373 = tpu.scan <sum>, %add3A_1367 masked %reduce_sum3A_1372 : vector<16xf32>, vector<16xi1> -> vector<16xf32>
        %reduce_sum3A_1374 = vector.extract %reduce_sum3A_1373[15] : f32 from vector<16xf32>
        %broadcast_in_dim3A_1375 = vector.broadcast %reduce_sum3A_1374 : f32 to vector<16xf32>
        %select_n3A_1376 = arith.select %eq3A_1370, %broadcast_in_dim3A_1375, %select_n3A_1332 : vector<16xi1>, vector<16xf32>
        %add3A_1377 = arith.constant 13 : i32
        %add3A_1378 = arith.addi %mul3A_805, %add3A_1377 : i32
        %get3A_1379 = arith.index_cast %add3A_1378 : i32 to index
        %get3A_1380 = arith.constant 0 : index
        %get3A_1381 = tpu.vector_load %arg9[%get3A_1379, %get3A_1380] {strides = array<i32>} : memref<2560x16xf32, #tpu.memory_space<vmem>>, vector<16xf32>,
        %add3A_1382 = arith.constant 512 : i32
        %add3A_1383 = arith.addi %add3A_1378, %add3A_1382 : i32
        %get3A_1384 = arith.index_cast %add3A_1383 : i32 to index
        %get3A_1385 = arith.constant 0 : index
        %get3A_1386 = tpu.vector_load %arg9[%get3A_1384, %get3A_1385] {strides = array<i32>} : memref<2560x16xf32, #tpu.memory_space<vmem>>, vector<16xf32>,
        %add3A_1387 = arith.constant 1024 : i32
        %add3A_1388 = arith.addi %add3A_1378, %add3A_1387 : i32
        %get3A_1389 = arith.index_cast %add3A_1388 : i32 to index
        %get3A_1390 = arith.constant 0 : index
        %get3A_1391 = tpu.vector_load %arg9[%get3A_1389, %get3A_1390] {strides = array<i32>} : memref<2560x16xf32, #tpu.memory_space<vmem>>, vector<16xf32>,
        %add3A_1392 = arith.constant 1536 : i32
        %add3A_1393 = arith.addi %add3A_1378, %add3A_1392 : i32
        %get3A_1394 = arith.index_cast %add3A_1393 : i32 to index
        %get3A_1395 = arith.constant 0 : index
        %get3A_1396 = tpu.vector_load %arg9[%get3A_1394, %get3A_1395] {strides = array<i32>} : memref<2560x16xf32, #tpu.memory_space<vmem>>, vector<16xf32>,
        %add3A_1397 = arith.constant 2048 : i32
        %add3A_1398 = arith.addi %add3A_1378, %add3A_1397 : i32
        %get3A_1399 = arith.index_cast %add3A_1398 : i32 to index
        %get3A_1400 = arith.constant 0 : index
        %get3A_1401 = tpu.vector_load %arg9[%get3A_1399, %get3A_1400] {strides = array<i32>} : memref<2560x16xf32, #tpu.memory_space<vmem>>, vector<16xf32>,
        %add3A_1402 = arith.addf %get3A_1396, %get3A_1401 : vector<16xf32>
        %add3A_1403 = arith.addf %get3A_1391, %add3A_1402 : vector<16xf32>
        %add3A_1404 = arith.addf %get3A_1386, %add3A_1403 : vector<16xf32>
        %mul3A_1405 = arith.mulf %get3A_1381, %add3A_1404 : vector<16xf32>
        %mul3A_1406 = arith.mulf %get3A_1386, %add3A_1403 : vector<16xf32>
        %add3A_1407 = arith.addf %mul3A_1405, %mul3A_1406 : vector<16xf32>
        %mul3A_1408 = arith.mulf %get3A_1391, %add3A_1402 : vector<16xf32>
        %add3A_1409 = arith.addf %add3A_1407, %mul3A_1408 : vector<16xf32>
        %mul3A_1410 = arith.mulf %get3A_1396, %get3A_1401 : vector<16xf32>
        %add3A_1411 = arith.addf %add3A_1409, %mul3A_1410 : vector<16xf32>
        %eq3A_1412 = arith.constant 13 : i32
        %eq3A_1413 = vector.broadcast %eq3A_1412 : i32 to vector<16xi32>
        %eq3A_1414 = arith.cmpi eq, %iota3A, %eq3A_1413 : vector<16xi32>
        %reduce_sum3A_1415 = arith.constant true
        %reduce_sum3A_1416 = vector.broadcast %reduce_sum3A_1415 : i1 to vector<16xi1>
        %reduce_sum3A_1417 = tpu.scan <sum>, %add3A_1411 masked %reduce_sum3A_1416 : vector<16xf32>, vector<16xi1> -> vector<16xf32>
        %reduce_sum3A_1418 = vector.extract %reduce_sum3A_1417[15] : f32 from vector<16xf32>
        %broadcast_in_dim3A_1419 = vector.broadcast %reduce_sum3A_1418 : f32 to vector<16xf32>
        %select_n3A_1420 = arith.select %eq3A_1414, %broadcast_in_dim3A_1419, %select_n3A_1376 : vector<16xi1>, vector<16xf32>
        %add3A_1421 = arith.constant 14 : i32
        %add3A_1422 = arith.addi %mul3A_805, %add3A_1421 : i32
        %get3A_1423 = arith.index_cast %add3A_1422 : i32 to index
        %get3A_1424 = arith.constant 0 : index
        %get3A_1425 = tpu.vector_load %arg9[%get3A_1423, %get3A_1424] {strides = array<i32>} : memref<2560x16xf32, #tpu.memory_space<vmem>>, vector<16xf32>,
        %add3A_1426 = arith.constant 512 : i32
        %add3A_1427 = arith.addi %add3A_1422, %add3A_1426 : i32
        %get3A_1428 = arith.index_cast %add3A_1427 : i32 to index
        %get3A_1429 = arith.constant 0 : index
        %get3A_1430 = tpu.vector_load %arg9[%get3A_1428, %get3A_1429] {strides = array<i32>} : memref<2560x16xf32, #tpu.memory_space<vmem>>, vector<16xf32>,
        %add3A_1431 = arith.constant 1024 : i32
        %add3A_1432 = arith.addi %add3A_1422, %add3A_1431 : i32
        %get3A_1433 = arith.index_cast %add3A_1432 : i32 to index
        %get3A_1434 = arith.constant 0 : index
        %get3A_1435 = tpu.vector_load %arg9[%get3A_1433, %get3A_1434] {strides = array<i32>} : memref<2560x16xf32, #tpu.memory_space<vmem>>, vector<16xf32>,
        %add3A_1436 = arith.constant 1536 : i32
        %add3A_1437 = arith.addi %add3A_1422, %add3A_1436 : i32
        %get3A_1438 = arith.index_cast %add3A_1437 : i32 to index
        %get3A_1439 = arith.constant 0 : index
        %get3A_1440 = tpu.vector_load %arg9[%get3A_1438, %get3A_1439] {strides = array<i32>} : memref<2560x16xf32, #tpu.memory_space<vmem>>, vector<16xf32>,
        %add3A_1441 = arith.constant 2048 : i32
        %add3A_1442 = arith.addi %add3A_1422, %add3A_1441 : i32
        %get3A_1443 = arith.index_cast %add3A_1442 : i32 to index
        %get3A_1444 = arith.constant 0 : index
        %get3A_1445 = tpu.vector_load %arg9[%get3A_1443, %get3A_1444] {strides = array<i32>} : memref<2560x16xf32, #tpu.memory_space<vmem>>, vector<16xf32>,
        %add3A_1446 = arith.addf %get3A_1440, %get3A_1445 : vector<16xf32>
        %add3A_1447 = arith.addf %get3A_1435, %add3A_1446 : vector<16xf32>
        %add3A_1448 = arith.addf %get3A_1430, %add3A_1447 : vector<16xf32>
        %mul3A_1449 = arith.mulf %get3A_1425, %add3A_1448 : vector<16xf32>
        %mul3A_1450 = arith.mulf %get3A_1430, %add3A_1447 : vector<16xf32>
        %add3A_1451 = arith.addf %mul3A_1449, %mul3A_1450 : vector<16xf32>
        %mul3A_1452 = arith.mulf %get3A_1435, %add3A_1446 : vector<16xf32>
        %add3A_1453 = arith.addf %add3A_1451, %mul3A_1452 : vector<16xf32>
        %mul3A_1454 = arith.mulf %get3A_1440, %get3A_1445 : vector<16xf32>
        %add3A_1455 = arith.addf %add3A_1453, %mul3A_1454 : vector<16xf32>
        %eq3A_1456 = arith.constant 14 : i32
        %eq3A_1457 = vector.broadcast %eq3A_1456 : i32 to vector<16xi32>
        %eq3A_1458 = arith.cmpi eq, %iota3A, %eq3A_1457 : vector<16xi32>
        %reduce_sum3A_1459 = arith.constant true
        %reduce_sum3A_1460 = vector.broadcast %reduce_sum3A_1459 : i1 to vector<16xi1>
        %reduce_sum3A_1461 = tpu.scan <sum>, %add3A_1455 masked %reduce_sum3A_1460 : vector<16xf32>, vector<16xi1> -> vector<16xf32>
        %reduce_sum3A_1462 = vector.extract %reduce_sum3A_1461[15] : f32 from vector<16xf32>
        %broadcast_in_dim3A_1463 = vector.broadcast %reduce_sum3A_1462 : f32 to vector<16xf32>
        %select_n3A_1464 = arith.select %eq3A_1458, %broadcast_in_dim3A_1463, %select_n3A_1420 : vector<16xi1>, vector<16xf32>
        %add3A_1465 = arith.constant 15 : i32
        %add3A_1466 = arith.addi %mul3A_805, %add3A_1465 : i32
        %get3A_1467 = arith.index_cast %add3A_1466 : i32 to index
        %get3A_1468 = arith.constant 0 : index
        %get3A_1469 = tpu.vector_load %arg9[%get3A_1467, %get3A_1468] {strides = array<i32>} : memref<2560x16xf32, #tpu.memory_space<vmem>>, vector<16xf32>,
        %add3A_1470 = arith.constant 512 : i32
        %add3A_1471 = arith.addi %add3A_1466, %add3A_1470 : i32
        %get3A_1472 = arith.index_cast %add3A_1471 : i32 to index
        %get3A_1473 = arith.constant 0 : index
        %get3A_1474 = tpu.vector_load %arg9[%get3A_1472, %get3A_1473] {strides = array<i32>} : memref<2560x16xf32, #tpu.memory_space<vmem>>, vector<16xf32>,
        %add3A_1475 = arith.constant 1024 : i32
        %add3A_1476 = arith.addi %add3A_1466, %add3A_1475 : i32
        %get3A_1477 = arith.index_cast %add3A_1476 : i32 to index
        %get3A_1478 = arith.constant 0 : index
        %get3A_1479 = tpu.vector_load %arg9[%get3A_1477, %get3A_1478] {strides = array<i32>} : memref<2560x16xf32, #tpu.memory_space<vmem>>, vector<16xf32>,
        %add3A_1480 = arith.constant 1536 : i32
        %add3A_1481 = arith.addi %add3A_1466, %add3A_1480 : i32
        %get3A_1482 = arith.index_cast %add3A_1481 : i32 to index
        %get3A_1483 = arith.constant 0 : index
        %get3A_1484 = tpu.vector_load %arg9[%get3A_1482, %get3A_1483] {strides = array<i32>} : memref<2560x16xf32, #tpu.memory_space<vmem>>, vector<16xf32>,
        %add3A_1485 = arith.constant 2048 : i32
        %add3A_1486 = arith.addi %add3A_1466, %add3A_1485 : i32
        %get3A_1487 = arith.index_cast %add3A_1486 : i32 to index
        %get3A_1488 = arith.constant 0 : index
        %get3A_1489 = tpu.vector_load %arg9[%get3A_1487, %get3A_1488] {strides = array<i32>} : memref<2560x16xf32, #tpu.memory_space<vmem>>, vector<16xf32>,
        %add3A_1490 = arith.addf %get3A_1484, %get3A_1489 : vector<16xf32>
        %add3A_1491 = arith.addf %get3A_1479, %add3A_1490 : vector<16xf32>
        %add3A_1492 = arith.addf %get3A_1474, %add3A_1491 : vector<16xf32>
        %mul3A_1493 = arith.mulf %get3A_1469, %add3A_1492 : vector<16xf32>
        %mul3A_1494 = arith.mulf %get3A_1474, %add3A_1491 : vector<16xf32>
        %add3A_1495 = arith.addf %mul3A_1493, %mul3A_1494 : vector<16xf32>
        %mul3A_1496 = arith.mulf %get3A_1479, %add3A_1490 : vector<16xf32>
        %add3A_1497 = arith.addf %add3A_1495, %mul3A_1496 : vector<16xf32>
        %mul3A_1498 = arith.mulf %get3A_1484, %get3A_1489 : vector<16xf32>
        %add3A_1499 = arith.addf %add3A_1497, %mul3A_1498 : vector<16xf32>
        %eq3A_1500 = arith.constant 15 : i32
        %eq3A_1501 = vector.broadcast %eq3A_1500 : i32 to vector<16xi32>
        %eq3A_1502 = arith.cmpi eq, %iota3A, %eq3A_1501 : vector<16xi32>
        %reduce_sum3A_1503 = arith.constant true
        %reduce_sum3A_1504 = vector.broadcast %reduce_sum3A_1503 : i1 to vector<16xi1>
        %reduce_sum3A_1505 = tpu.scan <sum>, %add3A_1499 masked %reduce_sum3A_1504 : vector<16xf32>, vector<16xi1> -> vector<16xf32>
        %reduce_sum3A_1506 = vector.extract %reduce_sum3A_1505[15] : f32 from vector<16xf32>
        %broadcast_in_dim3A_1507 = vector.broadcast %reduce_sum3A_1506 : f32 to vector<16xf32>
        %select_n3A_1508 = arith.select %eq3A_1502, %broadcast_in_dim3A_1507, %select_n3A_1464 : vector<16xi1>, vector<16xf32>
        %mul3A_1509 = vector.broadcast %squeeze3A : f32 to vector<16xf32>
        %mul3A_1510 = arith.mulf %select_n3A_1508, %mul3A_1509 : vector<16xf32>
        %exp3A_1511 = math.exp %mul3A_1510 : vector<16xf32>
        %mul3A_1512 = vector.broadcast %squeeze3A_5 : f32 to vector<16xf32>
        %mul3A_1513 = arith.mulf %exp3A_1511, %mul3A_1512 : vector<16xf32>
        %mul3A_1514 = arith.constant 16 : i32
        %mul3A_1515 = arith.muli %scan3A_803, %mul3A_1514 : i32
        %swap3A = arith.index_cast %mul3A_1515 : i32 to index
        %swap3A_1516 = tpu.vector_load %arg10[%swap3A] {strides = array<i32>} : memref<512xf32, #tpu.memory_space<vmem>>, vector<16xf32>,
        tpu.vector_store %arg10[%swap3A], %mul3A_1513 {strides = array<i32>} : memref<512xf32, #tpu.memory_space<vmem>>, vector<16xf32>,
      }
      %scan3A_799 = arith.constant 32 : i32
      %mul3A_800 = arith.constant 512 : i32
      %mul3A_801 = arith.muli %add3A_614, %mul3A_800 : i32
      %add3A_802 = arith.addi %mul3A_2, %mul3A_801 : i32
      "tpu.region"() ({
        %run_scoped3A = tpu.sem_alloc : memref<!tpu.dma_semaphore, #tpu.memory_space<semaphore_mem>>
        %dma_start3A_803 = tpu.memref_slice %arg5[%add3A_802] : memref<344064xf32, #tpu.memory_space<hbm>> -> memref<512xf32, #tpu.memory_space<hbm>>
        %dma_start3A_804 = tpu.memref_slice %arg5[%add3A_802] : memref<344064xf32, #tpu.memory_space<hbm>> -> memref<512xf32, #tpu.memory_space<hbm>>
        tpu.enqueue_dma source(%arg10 : memref<512xf32, #tpu.memory_space<vmem>>) target(%dma_start3A_804 : memref<512xf32, #tpu.memory_space<hbm>>) target_semaphore(%run_scoped3A : memref<!tpu.dma_semaphore, #tpu.memory_space<semaphore_mem>>)
        %dma_wait3A_805 = tpu.memref_slice %arg5[%add3A_802] : memref<344064xf32, #tpu.memory_space<hbm>> -> memref<512xf32, #tpu.memory_space<hbm>>
        %dma_wait3A_806 = tpu.memref_slice %arg5[%add3A_802] : memref<344064xf32, #tpu.memory_space<hbm>> -> memref<512xf32, #tpu.memory_space<hbm>>
        tpu.wait_dma2 semaphore(%run_scoped3A : memref<!tpu.dma_semaphore, #tpu.memory_space<semaphore_mem>>) src(%arg10 : memref<512xf32, #tpu.memory_space<vmem>>) dst(%dma_wait3A_806 : memref<512xf32, #tpu.memory_space<hbm>>)
        tpu.yield
      }) : () -> ()
    }
    %scan3A_405 = arith.constant 10 : i32
    %dma_wait3A_406 = arith.constant 0 : i32
    %dma_wait3A_407 = arith.constant 0 : i32
    %dma_wait3A_408 = tpu.memref_slice %arg2[%dma_wait3A_406, %dma_wait3A_407] : memref<1000000x16xf32, #tpu.memory_space<hbm>> -> memref<2560x16xf32, #tpu.memory_space<hbm>>
    %dma_wait3A_409 = arith.constant 0 : i32
    %dma_wait3A_410 = arith.constant 0 : i32
    %dma_wait3A_411 = tpu.memref_slice %arg2[%dma_wait3A_409, %dma_wait3A_410] : memref<1000000x16xf32, #tpu.memory_space<hbm>> -> memref<2560x16xf32, #tpu.memory_space<hbm>>
    tpu.wait_dma2 semaphore(%arg12 : memref<!tpu.dma_semaphore, #tpu.memory_space<semaphore_mem>>) src(%dma_wait3A_411 : memref<2560x16xf32, #tpu.memory_space<hbm>>) dst(%arg8 : memref<2560x16xf32, #tpu.memory_space<vmem>>)
    %scan3A_412 = arith.constant 0 : i32
    %scan3A_413 = arith.constant 0 : i32
    %scan3A_414 = arith.constant 32 : i32
    %scan3A_415 = arith.addi %scan3A_413, %scan3A_414 : i32
    %scan3A_416 = arith.constant 1 : i32
    scf.for %scan3A_420 = %scan3A_413 to %scan3A_415 step %scan3A_416  : i32 {
      %mul3A_421 = arith.constant 16 : i32
      %mul3A_422 = arith.muli %scan3A_420, %mul3A_421 : i32
      %broadcast_in_dim3A = arith.constant 0.000000e+00 : f32
      %broadcast_in_dim3A_423 = vector.broadcast %broadcast_in_dim3A : f32 to vector<16xf32>
      %add3A_424 = arith.constant 0 : i32
      %add3A_425 = arith.addi %mul3A_422, %add3A_424 : i32
      %get3A_426 = arith.index_cast %add3A_425 : i32 to index
      %get3A_427 = arith.constant 0 : index
      %get3A_428 = tpu.vector_load %arg8[%get3A_426, %get3A_427] {strides = array<i32>} : memref<2560x16xf32, #tpu.memory_space<vmem>>, vector<16xf32>,
      %add3A_429 = arith.constant 512 : i32
      %add3A_430 = arith.addi %add3A_425, %add3A_429 : i32
      %get3A_431 = arith.index_cast %add3A_430 : i32 to index
      %get3A_432 = arith.constant 0 : index
      %get3A_433 = tpu.vector_load %arg8[%get3A_431, %get3A_432] {strides = array<i32>} : memref<2560x16xf32, #tpu.memory_space<vmem>>, vector<16xf32>,
      %add3A_434 = arith.constant 1024 : i32
      %add3A_435 = arith.addi %add3A_425, %add3A_434 : i32
      %get3A_436 = arith.index_cast %add3A_435 : i32 to index
      %get3A_437 = arith.constant 0 : index
      %get3A_438 = tpu.vector_load %arg8[%get3A_436, %get3A_437] {strides = array<i32>} : memref<2560x16xf32, #tpu.memory_space<vmem>>, vector<16xf32>,
      %add3A_439 = arith.constant 1536 : i32
      %add3A_440 = arith.addi %add3A_425, %add3A_439 : i32
      %get3A_441 = arith.index_cast %add3A_440 : i32 to index
      %get3A_442 = arith.constant 0 : index
      %get3A_443 = tpu.vector_load %arg8[%get3A_441, %get3A_442] {strides = array<i32>} : memref<2560x16xf32, #tpu.memory_space<vmem>>, vector<16xf32>,
      %add3A_444 = arith.constant 2048 : i32
      %add3A_445 = arith.addi %add3A_425, %add3A_444 : i32
      %get3A_446 = arith.index_cast %add3A_445 : i32 to index
      %get3A_447 = arith.constant 0 : index
      %get3A_448 = tpu.vector_load %arg8[%get3A_446, %get3A_447] {strides = array<i32>} : memref<2560x16xf32, #tpu.memory_space<vmem>>, vector<16xf32>,
      %add3A_449 = arith.addf %get3A_443, %get3A_448 : vector<16xf32>
      %add3A_450 = arith.addf %get3A_438, %add3A_449 : vector<16xf32>
      %add3A_451 = arith.addf %get3A_433, %add3A_450 : vector<16xf32>
      %mul3A_452 = arith.mulf %get3A_428, %add3A_451 : vector<16xf32>
      %mul3A_453 = arith.mulf %get3A_433, %add3A_450 : vector<16xf32>
      %add3A_454 = arith.addf %mul3A_452, %mul3A_453 : vector<16xf32>
      %mul3A_455 = arith.mulf %get3A_438, %add3A_449 : vector<16xf32>
      %add3A_456 = arith.addf %add3A_454, %mul3A_455 : vector<16xf32>
      %mul3A_457 = arith.mulf %get3A_443, %get3A_448 : vector<16xf32>
      %add3A_458 = arith.addf %add3A_456, %mul3A_457 : vector<16xf32>
      %eq3A = arith.constant 0 : i32
      %eq3A_459 = vector.broadcast %eq3A : i32 to vector<16xi32>
      %eq3A_460 = arith.cmpi eq, %iota3A, %eq3A_459 : vector<16xi32>
      %reduce_sum3A = arith.constant true
      %reduce_sum3A_461 = vector.broadcast %reduce_sum3A : i1 to vector<16xi1>
      %reduce_sum3A_462 = tpu.scan <sum>, %add3A_458 masked %reduce_sum3A_461 : vector<16xf32>, vector<16xi1> -> vector<16xf32>
      %reduce_sum3A_463 = vector.extract %reduce_sum3A_462[15] : f32 from vector<16xf32>
      %broadcast_in_dim3A_464 = vector.broadcast %reduce_sum3A_463 : f32 to vector<16xf32>
      %select_n3A_465 = arith.select %eq3A_460, %broadcast_in_dim3A_464, %broadcast_in_dim3A_423 : vector<16xi1>, vector<16xf32>
      %add3A_466 = arith.constant 1 : i32
      %add3A_467 = arith.addi %mul3A_422, %add3A_466 : i32
      %get3A_468 = arith.index_cast %add3A_467 : i32 to index
      %get3A_469 = arith.constant 0 : index
      %get3A_470 = tpu.vector_load %arg8[%get3A_468, %get3A_469] {strides = array<i32>} : memref<2560x16xf32, #tpu.memory_space<vmem>>, vector<16xf32>,
      %add3A_471 = arith.constant 512 : i32
      %add3A_472 = arith.addi %add3A_467, %add3A_471 : i32
      %get3A_473 = arith.index_cast %add3A_472 : i32 to index
      %get3A_474 = arith.constant 0 : index
      %get3A_475 = tpu.vector_load %arg8[%get3A_473, %get3A_474] {strides = array<i32>} : memref<2560x16xf32, #tpu.memory_space<vmem>>, vector<16xf32>,
      %add3A_476 = arith.constant 1024 : i32
      %add3A_477 = arith.addi %add3A_467, %add3A_476 : i32
      %get3A_478 = arith.index_cast %add3A_477 : i32 to index
      %get3A_479 = arith.constant 0 : index
      %get3A_480 = tpu.vector_load %arg8[%get3A_478, %get3A_479] {strides = array<i32>} : memref<2560x16xf32, #tpu.memory_space<vmem>>, vector<16xf32>,
      %add3A_481 = arith.constant 1536 : i32
      %add3A_482 = arith.addi %add3A_467, %add3A_481 : i32
      %get3A_483 = arith.index_cast %add3A_482 : i32 to index
      %get3A_484 = arith.constant 0 : index
      %get3A_485 = tpu.vector_load %arg8[%get3A_483, %get3A_484] {strides = array<i32>} : memref<2560x16xf32, #tpu.memory_space<vmem>>, vector<16xf32>,
      %add3A_486 = arith.constant 2048 : i32
      %add3A_487 = arith.addi %add3A_467, %add3A_486 : i32
      %get3A_488 = arith.index_cast %add3A_487 : i32 to index
      %get3A_489 = arith.constant 0 : index
      %get3A_490 = tpu.vector_load %arg8[%get3A_488, %get3A_489] {strides = array<i32>} : memref<2560x16xf32, #tpu.memory_space<vmem>>, vector<16xf32>,
      %add3A_491 = arith.addf %get3A_485, %get3A_490 : vector<16xf32>
      %add3A_492 = arith.addf %get3A_480, %add3A_491 : vector<16xf32>
      %add3A_493 = arith.addf %get3A_475, %add3A_492 : vector<16xf32>
      %mul3A_494 = arith.mulf %get3A_470, %add3A_493 : vector<16xf32>
      %mul3A_495 = arith.mulf %get3A_475, %add3A_492 : vector<16xf32>
      %add3A_496 = arith.addf %mul3A_494, %mul3A_495 : vector<16xf32>
      %mul3A_497 = arith.mulf %get3A_480, %add3A_491 : vector<16xf32>
      %add3A_498 = arith.addf %add3A_496, %mul3A_497 : vector<16xf32>
      %mul3A_499 = arith.mulf %get3A_485, %get3A_490 : vector<16xf32>
      %add3A_500 = arith.addf %add3A_498, %mul3A_499 : vector<16xf32>
      %eq3A_501 = arith.constant 1 : i32
      %eq3A_502 = vector.broadcast %eq3A_501 : i32 to vector<16xi32>
      %eq3A_503 = arith.cmpi eq, %iota3A, %eq3A_502 : vector<16xi32>
      %reduce_sum3A_504 = arith.constant true
      %reduce_sum3A_505 = vector.broadcast %reduce_sum3A_504 : i1 to vector<16xi1>
      %reduce_sum3A_506 = tpu.scan <sum>, %add3A_500 masked %reduce_sum3A_505 : vector<16xf32>, vector<16xi1> -> vector<16xf32>
      %reduce_sum3A_507 = vector.extract %reduce_sum3A_506[15] : f32 from vector<16xf32>
      %broadcast_in_dim3A_508 = vector.broadcast %reduce_sum3A_507 : f32 to vector<16xf32>
      %select_n3A_509 = arith.select %eq3A_503, %broadcast_in_dim3A_508, %select_n3A_465 : vector<16xi1>, vector<16xf32>
      %add3A_510 = arith.constant 2 : i32
      %add3A_511 = arith.addi %mul3A_422, %add3A_510 : i32
      %get3A_512 = arith.index_cast %add3A_511 : i32 to index
      %get3A_513 = arith.constant 0 : index
      %get3A_514 = tpu.vector_load %arg8[%get3A_512, %get3A_513] {strides = array<i32>} : memref<2560x16xf32, #tpu.memory_space<vmem>>, vector<16xf32>,
      %add3A_515 = arith.constant 512 : i32
      %add3A_516 = arith.addi %add3A_511, %add3A_515 : i32
      %get3A_517 = arith.index_cast %add3A_516 : i32 to index
      %get3A_518 = arith.constant 0 : index
      %get3A_519 = tpu.vector_load %arg8[%get3A_517, %get3A_518] {strides = array<i32>} : memref<2560x16xf32, #tpu.memory_space<vmem>>, vector<16xf32>,
      %add3A_520 = arith.constant 1024 : i32
      %add3A_521 = arith.addi %add3A_511, %add3A_520 : i32
      %get3A_522 = arith.index_cast %add3A_521 : i32 to index
      %get3A_523 = arith.constant 0 : index
      %get3A_524 = tpu.vector_load %arg8[%get3A_522, %get3A_523] {strides = array<i32>} : memref<2560x16xf32, #tpu.memory_space<vmem>>, vector<16xf32>,
      %add3A_525 = arith.constant 1536 : i32
      %add3A_526 = arith.addi %add3A_511, %add3A_525 : i32
      %get3A_527 = arith.index_cast %add3A_526 : i32 to index
      %get3A_528 = arith.constant 0 : index
      %get3A_529 = tpu.vector_load %arg8[%get3A_527, %get3A_528] {strides = array<i32>} : memref<2560x16xf32, #tpu.memory_space<vmem>>, vector<16xf32>,
      %add3A_530 = arith.constant 2048 : i32
      %add3A_531 = arith.addi %add3A_511, %add3A_530 : i32
      %get3A_532 = arith.index_cast %add3A_531 : i32 to index
      %get3A_533 = arith.constant 0 : index
      %get3A_534 = tpu.vector_load %arg8[%get3A_532, %get3A_533] {strides = array<i32>} : memref<2560x16xf32, #tpu.memory_space<vmem>>, vector<16xf32>,
      %add3A_535 = arith.addf %get3A_529, %get3A_534 : vector<16xf32>
      %add3A_536 = arith.addf %get3A_524, %add3A_535 : vector<16xf32>
      %add3A_537 = arith.addf %get3A_519, %add3A_536 : vector<16xf32>
      %mul3A_538 = arith.mulf %get3A_514, %add3A_537 : vector<16xf32>
      %mul3A_539 = arith.mulf %get3A_519, %add3A_536 : vector<16xf32>
      %add3A_540 = arith.addf %mul3A_538, %mul3A_539 : vector<16xf32>
      %mul3A_541 = arith.mulf %get3A_524, %add3A_535 : vector<16xf32>
      %add3A_542 = arith.addf %add3A_540, %mul3A_541 : vector<16xf32>
      %mul3A_543 = arith.mulf %get3A_529, %get3A_534 : vector<16xf32>
      %add3A_544 = arith.addf %add3A_542, %mul3A_543 : vector<16xf32>
      %eq3A_545 = arith.constant 2 : i32
      %eq3A_546 = vector.broadcast %eq3A_545 : i32 to vector<16xi32>
      %eq3A_547 = arith.cmpi eq, %iota3A, %eq3A_546 : vector<16xi32>
      %reduce_sum3A_548 = arith.constant true
      %reduce_sum3A_549 = vector.broadcast %reduce_sum3A_548 : i1 to vector<16xi1>
      %reduce_sum3A_550 = tpu.scan <sum>, %add3A_544 masked %reduce_sum3A_549 : vector<16xf32>, vector<16xi1> -> vector<16xf32>
      %reduce_sum3A_551 = vector.extract %reduce_sum3A_550[15] : f32 from vector<16xf32>
      %broadcast_in_dim3A_552 = vector.broadcast %reduce_sum3A_551 : f32 to vector<16xf32>
      %select_n3A_553 = arith.select %eq3A_547, %broadcast_in_dim3A_552, %select_n3A_509 : vector<16xi1>, vector<16xf32>
      %add3A_554 = arith.constant 3 : i32
      %add3A_555 = arith.addi %mul3A_422, %add3A_554 : i32
      %get3A_556 = arith.index_cast %add3A_555 : i32 to index
      %get3A_557 = arith.constant 0 : index
      %get3A_558 = tpu.vector_load %arg8[%get3A_556, %get3A_557] {strides = array<i32>} : memref<2560x16xf32, #tpu.memory_space<vmem>>, vector<16xf32>,
      %add3A_559 = arith.constant 512 : i32
      %add3A_560 = arith.addi %add3A_555, %add3A_559 : i32
      %get3A_561 = arith.index_cast %add3A_560 : i32 to index
      %get3A_562 = arith.constant 0 : index
      %get3A_563 = tpu.vector_load %arg8[%get3A_561, %get3A_562] {strides = array<i32>} : memref<2560x16xf32, #tpu.memory_space<vmem>>, vector<16xf32>,
      %add3A_564 = arith.constant 1024 : i32
      %add3A_565 = arith.addi %add3A_555, %add3A_564 : i32
      %get3A_566 = arith.index_cast %add3A_565 : i32 to index
      %get3A_567 = arith.constant 0 : index
      %get3A_568 = tpu.vector_load %arg8[%get3A_566, %get3A_567] {strides = array<i32>} : memref<2560x16xf32, #tpu.memory_space<vmem>>, vector<16xf32>,
      %add3A_569 = arith.constant 1536 : i32
      %add3A_570 = arith.addi %add3A_555, %add3A_569 : i32
      %get3A_571 = arith.index_cast %add3A_570 : i32 to index
      %get3A_572 = arith.constant 0 : index
      %get3A_573 = tpu.vector_load %arg8[%get3A_571, %get3A_572] {strides = array<i32>} : memref<2560x16xf32, #tpu.memory_space<vmem>>, vector<16xf32>,
      %add3A_574 = arith.constant 2048 : i32
      %add3A_575 = arith.addi %add3A_555, %add3A_574 : i32
      %get3A_576 = arith.index_cast %add3A_575 : i32 to index
      %get3A_577 = arith.constant 0 : index
      %get3A_578 = tpu.vector_load %arg8[%get3A_576, %get3A_577] {strides = array<i32>} : memref<2560x16xf32, #tpu.memory_space<vmem>>, vector<16xf32>,
      %add3A_579 = arith.addf %get3A_573, %get3A_578 : vector<16xf32>
      %add3A_580 = arith.addf %get3A_568, %add3A_579 : vector<16xf32>
      %add3A_581 = arith.addf %get3A_563, %add3A_580 : vector<16xf32>
      %mul3A_582 = arith.mulf %get3A_558, %add3A_581 : vector<16xf32>
      %mul3A_583 = arith.mulf %get3A_563, %add3A_580 : vector<16xf32>
      %add3A_584 = arith.addf %mul3A_582, %mul3A_583 : vector<16xf32>
      %mul3A_585 = arith.mulf %get3A_568, %add3A_579 : vector<16xf32>
      %add3A_586 = arith.addf %add3A_584, %mul3A_585 : vector<16xf32>
      %mul3A_587 = arith.mulf %get3A_573, %get3A_578 : vector<16xf32>
      %add3A_588 = arith.addf %add3A_586, %mul3A_587 : vector<16xf32>
      %eq3A_589 = arith.constant 3 : i32
      %eq3A_590 = vector.broadcast %eq3A_589 : i32 to vector<16xi32>
      %eq3A_591 = arith.cmpi eq, %iota3A, %eq3A_590 : vector<16xi32>
      %reduce_sum3A_592 = arith.constant true
      %reduce_sum3A_593 = vector.broadcast %reduce_sum3A_592 : i1 to vector<16xi1>
      %reduce_sum3A_594 = tpu.scan <sum>, %add3A_588 masked %reduce_sum3A_593 : vector<16xf32>, vector<16xi1> -> vector<16xf32>
      %reduce_sum3A_595 = vector.extract %reduce_sum3A_594[15] : f32 from vector<16xf32>
      %broadcast_in_dim3A_596 = vector.broadcast %reduce_sum3A_595 : f32 to vector<16xf32>
      %select_n3A_597 = arith.select %eq3A_591, %broadcast_in_dim3A_596, %select_n3A_553 : vector<16xi1>, vector<16xf32>
      %add3A_598 = arith.constant 4 : i32
      %add3A_599 = arith.addi %mul3A_422, %add3A_598 : i32
      %get3A_600 = arith.index_cast %add3A_599 : i32 to index
      %get3A_601 = arith.constant 0 : index
      %get3A_602 = tpu.vector_load %arg8[%get3A_600, %get3A_601] {strides = array<i32>} : memref<2560x16xf32, #tpu.memory_space<vmem>>, vector<16xf32>,
      %add3A_603 = arith.constant 512 : i32
      %add3A_604 = arith.addi %add3A_599, %add3A_603 : i32
      %get3A_605 = arith.index_cast %add3A_604 : i32 to index
      %get3A_606 = arith.constant 0 : index
      %get3A_607 = tpu.vector_load %arg8[%get3A_605, %get3A_606] {strides = array<i32>} : memref<2560x16xf32, #tpu.memory_space<vmem>>, vector<16xf32>,
      %add3A_608 = arith.constant 1024 : i32
      %add3A_609 = arith.addi %add3A_599, %add3A_608 : i32
      %get3A_610 = arith.index_cast %add3A_609 : i32 to index
      %get3A_611 = arith.constant 0 : index
      %get3A_612 = tpu.vector_load %arg8[%get3A_610, %get3A_611] {strides = array<i32>} : memref<2560x16xf32, #tpu.memory_space<vmem>>, vector<16xf32>,
      %add3A_613 = arith.constant 1536 : i32
      %add3A_614 = arith.addi %add3A_599, %add3A_613 : i32
      %get3A_615 = arith.index_cast %add3A_614 : i32 to index
      %get3A_616 = arith.constant 0 : index
      %get3A_617 = tpu.vector_load %arg8[%get3A_615, %get3A_616] {strides = array<i32>} : memref<2560x16xf32, #tpu.memory_space<vmem>>, vector<16xf32>,
      %add3A_618 = arith.constant 2048 : i32
      %add3A_619 = arith.addi %add3A_599, %add3A_618 : i32
      %get3A_620 = arith.index_cast %add3A_619 : i32 to index
      %get3A_621 = arith.constant 0 : index
      %get3A_622 = tpu.vector_load %arg8[%get3A_620, %get3A_621] {strides = array<i32>} : memref<2560x16xf32, #tpu.memory_space<vmem>>, vector<16xf32>,
      %add3A_623 = arith.addf %get3A_617, %get3A_622 : vector<16xf32>
      %add3A_624 = arith.addf %get3A_612, %add3A_623 : vector<16xf32>
      %add3A_625 = arith.addf %get3A_607, %add3A_624 : vector<16xf32>
      %mul3A_626 = arith.mulf %get3A_602, %add3A_625 : vector<16xf32>
      %mul3A_627 = arith.mulf %get3A_607, %add3A_624 : vector<16xf32>
      %add3A_628 = arith.addf %mul3A_626, %mul3A_627 : vector<16xf32>
      %mul3A_629 = arith.mulf %get3A_612, %add3A_623 : vector<16xf32>
      %add3A_630 = arith.addf %add3A_628, %mul3A_629 : vector<16xf32>
      %mul3A_631 = arith.mulf %get3A_617, %get3A_622 : vector<16xf32>
      %add3A_632 = arith.addf %add3A_630, %mul3A_631 : vector<16xf32>
      %eq3A_633 = arith.constant 4 : i32
      %eq3A_634 = vector.broadcast %eq3A_633 : i32 to vector<16xi32>
      %eq3A_635 = arith.cmpi eq, %iota3A, %eq3A_634 : vector<16xi32>
      %reduce_sum3A_636 = arith.constant true
      %reduce_sum3A_637 = vector.broadcast %reduce_sum3A_636 : i1 to vector<16xi1>
      %reduce_sum3A_638 = tpu.scan <sum>, %add3A_632 masked %reduce_sum3A_637 : vector<16xf32>, vector<16xi1> -> vector<16xf32>
      %reduce_sum3A_639 = vector.extract %reduce_sum3A_638[15] : f32 from vector<16xf32>
      %broadcast_in_dim3A_640 = vector.broadcast %reduce_sum3A_639 : f32 to vector<16xf32>
      %select_n3A_641 = arith.select %eq3A_635, %broadcast_in_dim3A_640, %select_n3A_597 : vector<16xi1>, vector<16xf32>
      %add3A_642 = arith.constant 5 : i32
      %add3A_643 = arith.addi %mul3A_422, %add3A_642 : i32
      %get3A_644 = arith.index_cast %add3A_643 : i32 to index
      %get3A_645 = arith.constant 0 : index
      %get3A_646 = tpu.vector_load %arg8[%get3A_644, %get3A_645] {strides = array<i32>} : memref<2560x16xf32, #tpu.memory_space<vmem>>, vector<16xf32>,
      %add3A_647 = arith.constant 512 : i32
      %add3A_648 = arith.addi %add3A_643, %add3A_647 : i32
      %get3A_649 = arith.index_cast %add3A_648 : i32 to index
      %get3A_650 = arith.constant 0 : index
      %get3A_651 = tpu.vector_load %arg8[%get3A_649, %get3A_650] {strides = array<i32>} : memref<2560x16xf32, #tpu.memory_space<vmem>>, vector<16xf32>,
      %add3A_652 = arith.constant 1024 : i32
      %add3A_653 = arith.addi %add3A_643, %add3A_652 : i32
      %get3A_654 = arith.index_cast %add3A_653 : i32 to index
      %get3A_655 = arith.constant 0 : index
      %get3A_656 = tpu.vector_load %arg8[%get3A_654, %get3A_655] {strides = array<i32>} : memref<2560x16xf32, #tpu.memory_space<vmem>>, vector<16xf32>,
      %add3A_657 = arith.constant 1536 : i32
      %add3A_658 = arith.addi %add3A_643, %add3A_657 : i32
      %get3A_659 = arith.index_cast %add3A_658 : i32 to index
      %get3A_660 = arith.constant 0 : index
      %get3A_661 = tpu.vector_load %arg8[%get3A_659, %get3A_660] {strides = array<i32>} : memref<2560x16xf32, #tpu.memory_space<vmem>>, vector<16xf32>,
      %add3A_662 = arith.constant 2048 : i32
      %add3A_663 = arith.addi %add3A_643, %add3A_662 : i32
      %get3A_664 = arith.index_cast %add3A_663 : i32 to index
      %get3A_665 = arith.constant 0 : index
      %get3A_666 = tpu.vector_load %arg8[%get3A_664, %get3A_665] {strides = array<i32>} : memref<2560x16xf32, #tpu.memory_space<vmem>>, vector<16xf32>,
      %add3A_667 = arith.addf %get3A_661, %get3A_666 : vector<16xf32>
      %add3A_668 = arith.addf %get3A_656, %add3A_667 : vector<16xf32>
      %add3A_669 = arith.addf %get3A_651, %add3A_668 : vector<16xf32>
      %mul3A_670 = arith.mulf %get3A_646, %add3A_669 : vector<16xf32>
      %mul3A_671 = arith.mulf %get3A_651, %add3A_668 : vector<16xf32>
      %add3A_672 = arith.addf %mul3A_670, %mul3A_671 : vector<16xf32>
      %mul3A_673 = arith.mulf %get3A_656, %add3A_667 : vector<16xf32>
      %add3A_674 = arith.addf %add3A_672, %mul3A_673 : vector<16xf32>
      %mul3A_675 = arith.mulf %get3A_661, %get3A_666 : vector<16xf32>
      %add3A_676 = arith.addf %add3A_674, %mul3A_675 : vector<16xf32>
      %eq3A_677 = arith.constant 5 : i32
      %eq3A_678 = vector.broadcast %eq3A_677 : i32 to vector<16xi32>
      %eq3A_679 = arith.cmpi eq, %iota3A, %eq3A_678 : vector<16xi32>
      %reduce_sum3A_680 = arith.constant true
      %reduce_sum3A_681 = vector.broadcast %reduce_sum3A_680 : i1 to vector<16xi1>
      %reduce_sum3A_682 = tpu.scan <sum>, %add3A_676 masked %reduce_sum3A_681 : vector<16xf32>, vector<16xi1> -> vector<16xf32>
      %reduce_sum3A_683 = vector.extract %reduce_sum3A_682[15] : f32 from vector<16xf32>
      %broadcast_in_dim3A_684 = vector.broadcast %reduce_sum3A_683 : f32 to vector<16xf32>
      %select_n3A_685 = arith.select %eq3A_679, %broadcast_in_dim3A_684, %select_n3A_641 : vector<16xi1>, vector<16xf32>
      %add3A_686 = arith.constant 6 : i32
      %add3A_687 = arith.addi %mul3A_422, %add3A_686 : i32
      %get3A_688 = arith.index_cast %add3A_687 : i32 to index
      %get3A_689 = arith.constant 0 : index
      %get3A_690 = tpu.vector_load %arg8[%get3A_688, %get3A_689] {strides = array<i32>} : memref<2560x16xf32, #tpu.memory_space<vmem>>, vector<16xf32>,
      %add3A_691 = arith.constant 512 : i32
      %add3A_692 = arith.addi %add3A_687, %add3A_691 : i32
      %get3A_693 = arith.index_cast %add3A_692 : i32 to index
      %get3A_694 = arith.constant 0 : index
      %get3A_695 = tpu.vector_load %arg8[%get3A_693, %get3A_694] {strides = array<i32>} : memref<2560x16xf32, #tpu.memory_space<vmem>>, vector<16xf32>,
      %add3A_696 = arith.constant 1024 : i32
      %add3A_697 = arith.addi %add3A_687, %add3A_696 : i32
      %get3A_698 = arith.index_cast %add3A_697 : i32 to index
      %get3A_699 = arith.constant 0 : index
      %get3A_700 = tpu.vector_load %arg8[%get3A_698, %get3A_699] {strides = array<i32>} : memref<2560x16xf32, #tpu.memory_space<vmem>>, vector<16xf32>,
      %add3A_701 = arith.constant 1536 : i32
      %add3A_702 = arith.addi %add3A_687, %add3A_701 : i32
      %get3A_703 = arith.index_cast %add3A_702 : i32 to index
      %get3A_704 = arith.constant 0 : index
      %get3A_705 = tpu.vector_load %arg8[%get3A_703, %get3A_704] {strides = array<i32>} : memref<2560x16xf32, #tpu.memory_space<vmem>>, vector<16xf32>,
      %add3A_706 = arith.constant 2048 : i32
      %add3A_707 = arith.addi %add3A_687, %add3A_706 : i32
      %get3A_708 = arith.index_cast %add3A_707 : i32 to index
      %get3A_709 = arith.constant 0 : index
      %get3A_710 = tpu.vector_load %arg8[%get3A_708, %get3A_709] {strides = array<i32>} : memref<2560x16xf32, #tpu.memory_space<vmem>>, vector<16xf32>,
      %add3A_711 = arith.addf %get3A_705, %get3A_710 : vector<16xf32>
      %add3A_712 = arith.addf %get3A_700, %add3A_711 : vector<16xf32>
      %add3A_713 = arith.addf %get3A_695, %add3A_712 : vector<16xf32>
      %mul3A_714 = arith.mulf %get3A_690, %add3A_713 : vector<16xf32>
      %mul3A_715 = arith.mulf %get3A_695, %add3A_712 : vector<16xf32>
      %add3A_716 = arith.addf %mul3A_714, %mul3A_715 : vector<16xf32>
      %mul3A_717 = arith.mulf %get3A_700, %add3A_711 : vector<16xf32>
      %add3A_718 = arith.addf %add3A_716, %mul3A_717 : vector<16xf32>
      %mul3A_719 = arith.mulf %get3A_705, %get3A_710 : vector<16xf32>
      %add3A_720 = arith.addf %add3A_718, %mul3A_719 : vector<16xf32>
      %eq3A_721 = arith.constant 6 : i32
      %eq3A_722 = vector.broadcast %eq3A_721 : i32 to vector<16xi32>
      %eq3A_723 = arith.cmpi eq, %iota3A, %eq3A_722 : vector<16xi32>
      %reduce_sum3A_724 = arith.constant true
      %reduce_sum3A_725 = vector.broadcast %reduce_sum3A_724 : i1 to vector<16xi1>
      %reduce_sum3A_726 = tpu.scan <sum>, %add3A_720 masked %reduce_sum3A_725 : vector<16xf32>, vector<16xi1> -> vector<16xf32>
      %reduce_sum3A_727 = vector.extract %reduce_sum3A_726[15] : f32 from vector<16xf32>
      %broadcast_in_dim3A_728 = vector.broadcast %reduce_sum3A_727 : f32 to vector<16xf32>
      %select_n3A_729 = arith.select %eq3A_723, %broadcast_in_dim3A_728, %select_n3A_685 : vector<16xi1>, vector<16xf32>
      %add3A_730 = arith.constant 7 : i32
      %add3A_731 = arith.addi %mul3A_422, %add3A_730 : i32
      %get3A_732 = arith.index_cast %add3A_731 : i32 to index
      %get3A_733 = arith.constant 0 : index
      %get3A_734 = tpu.vector_load %arg8[%get3A_732, %get3A_733] {strides = array<i32>} : memref<2560x16xf32, #tpu.memory_space<vmem>>, vector<16xf32>,
      %add3A_735 = arith.constant 512 : i32
      %add3A_736 = arith.addi %add3A_731, %add3A_735 : i32
      %get3A_737 = arith.index_cast %add3A_736 : i32 to index
      %get3A_738 = arith.constant 0 : index
      %get3A_739 = tpu.vector_load %arg8[%get3A_737, %get3A_738] {strides = array<i32>} : memref<2560x16xf32, #tpu.memory_space<vmem>>, vector<16xf32>,
      %add3A_740 = arith.constant 1024 : i32
      %add3A_741 = arith.addi %add3A_731, %add3A_740 : i32
      %get3A_742 = arith.index_cast %add3A_741 : i32 to index
      %get3A_743 = arith.constant 0 : index
      %get3A_744 = tpu.vector_load %arg8[%get3A_742, %get3A_743] {strides = array<i32>} : memref<2560x16xf32, #tpu.memory_space<vmem>>, vector<16xf32>,
      %add3A_745 = arith.constant 1536 : i32
      %add3A_746 = arith.addi %add3A_731, %add3A_745 : i32
      %get3A_747 = arith.index_cast %add3A_746 : i32 to index
      %get3A_748 = arith.constant 0 : index
      %get3A_749 = tpu.vector_load %arg8[%get3A_747, %get3A_748] {strides = array<i32>} : memref<2560x16xf32, #tpu.memory_space<vmem>>, vector<16xf32>,
      %add3A_750 = arith.constant 2048 : i32
      %add3A_751 = arith.addi %add3A_731, %add3A_750 : i32
      %get3A_752 = arith.index_cast %add3A_751 : i32 to index
      %get3A_753 = arith.constant 0 : index
      %get3A_754 = tpu.vector_load %arg8[%get3A_752, %get3A_753] {strides = array<i32>} : memref<2560x16xf32, #tpu.memory_space<vmem>>, vector<16xf32>,
      %add3A_755 = arith.addf %get3A_749, %get3A_754 : vector<16xf32>
      %add3A_756 = arith.addf %get3A_744, %add3A_755 : vector<16xf32>
      %add3A_757 = arith.addf %get3A_739, %add3A_756 : vector<16xf32>
      %mul3A_758 = arith.mulf %get3A_734, %add3A_757 : vector<16xf32>
      %mul3A_759 = arith.mulf %get3A_739, %add3A_756 : vector<16xf32>
      %add3A_760 = arith.addf %mul3A_758, %mul3A_759 : vector<16xf32>
      %mul3A_761 = arith.mulf %get3A_744, %add3A_755 : vector<16xf32>
      %add3A_762 = arith.addf %add3A_760, %mul3A_761 : vector<16xf32>
      %mul3A_763 = arith.mulf %get3A_749, %get3A_754 : vector<16xf32>
      %add3A_764 = arith.addf %add3A_762, %mul3A_763 : vector<16xf32>
      %eq3A_765 = arith.constant 7 : i32
      %eq3A_766 = vector.broadcast %eq3A_765 : i32 to vector<16xi32>
      %eq3A_767 = arith.cmpi eq, %iota3A, %eq3A_766 : vector<16xi32>
      %reduce_sum3A_768 = arith.constant true
      %reduce_sum3A_769 = vector.broadcast %reduce_sum3A_768 : i1 to vector<16xi1>
      %reduce_sum3A_770 = tpu.scan <sum>, %add3A_764 masked %reduce_sum3A_769 : vector<16xf32>, vector<16xi1> -> vector<16xf32>
      %reduce_sum3A_771 = vector.extract %reduce_sum3A_770[15] : f32 from vector<16xf32>
      %broadcast_in_dim3A_772 = vector.broadcast %reduce_sum3A_771 : f32 to vector<16xf32>
      %select_n3A_773 = arith.select %eq3A_767, %broadcast_in_dim3A_772, %select_n3A_729 : vector<16xi1>, vector<16xf32>
      %add3A_774 = arith.constant 8 : i32
      %add3A_775 = arith.addi %mul3A_422, %add3A_774 : i32
      %get3A_776 = arith.index_cast %add3A_775 : i32 to index
      %get3A_777 = arith.constant 0 : index
      %get3A_778 = tpu.vector_load %arg8[%get3A_776, %get3A_777] {strides = array<i32>} : memref<2560x16xf32, #tpu.memory_space<vmem>>, vector<16xf32>,
      %add3A_779 = arith.constant 512 : i32
      %add3A_780 = arith.addi %add3A_775, %add3A_779 : i32
      %get3A_781 = arith.index_cast %add3A_780 : i32 to index
      %get3A_782 = arith.constant 0 : index
      %get3A_783 = tpu.vector_load %arg8[%get3A_781, %get3A_782] {strides = array<i32>} : memref<2560x16xf32, #tpu.memory_space<vmem>>, vector<16xf32>,
      %add3A_784 = arith.constant 1024 : i32
      %add3A_785 = arith.addi %add3A_775, %add3A_784 : i32
      %get3A_786 = arith.index_cast %add3A_785 : i32 to index
      %get3A_787 = arith.constant 0 : index
      %get3A_788 = tpu.vector_load %arg8[%get3A_786, %get3A_787] {strides = array<i32>} : memref<2560x16xf32, #tpu.memory_space<vmem>>, vector<16xf32>,
      %add3A_789 = arith.constant 1536 : i32
      %add3A_790 = arith.addi %add3A_775, %add3A_789 : i32
      %get3A_791 = arith.index_cast %add3A_790 : i32 to index
      %get3A_792 = arith.constant 0 : index
      %get3A_793 = tpu.vector_load %arg8[%get3A_791, %get3A_792] {strides = array<i32>} : memref<2560x16xf32, #tpu.memory_space<vmem>>, vector<16xf32>,
      %add3A_794 = arith.constant 2048 : i32
      %add3A_795 = arith.addi %add3A_775, %add3A_794 : i32
      %get3A_796 = arith.index_cast %add3A_795 : i32 to index
      %get3A_797 = arith.constant 0 : index
      %get3A_798 = tpu.vector_load %arg8[%get3A_796, %get3A_797] {strides = array<i32>} : memref<2560x16xf32, #tpu.memory_space<vmem>>, vector<16xf32>,
      %add3A_799 = arith.addf %get3A_793, %get3A_798 : vector<16xf32>
      %add3A_800 = arith.addf %get3A_788, %add3A_799 : vector<16xf32>
      %add3A_801 = arith.addf %get3A_783, %add3A_800 : vector<16xf32>
      %mul3A_802 = arith.mulf %get3A_778, %add3A_801 : vector<16xf32>
      %mul3A_803 = arith.mulf %get3A_783, %add3A_800 : vector<16xf32>
      %add3A_804 = arith.addf %mul3A_802, %mul3A_803 : vector<16xf32>
      %mul3A_805 = arith.mulf %get3A_788, %add3A_799 : vector<16xf32>
      %add3A_806 = arith.addf %add3A_804, %mul3A_805 : vector<16xf32>
      %mul3A_807 = arith.mulf %get3A_793, %get3A_798 : vector<16xf32>
      %add3A_808 = arith.addf %add3A_806, %mul3A_807 : vector<16xf32>
      %eq3A_809 = arith.constant 8 : i32
      %eq3A_810 = vector.broadcast %eq3A_809 : i32 to vector<16xi32>
      %eq3A_811 = arith.cmpi eq, %iota3A, %eq3A_810 : vector<16xi32>
      %reduce_sum3A_812 = arith.constant true
      %reduce_sum3A_813 = vector.broadcast %reduce_sum3A_812 : i1 to vector<16xi1>
      %reduce_sum3A_814 = tpu.scan <sum>, %add3A_808 masked %reduce_sum3A_813 : vector<16xf32>, vector<16xi1> -> vector<16xf32>
      %reduce_sum3A_815 = vector.extract %reduce_sum3A_814[15] : f32 from vector<16xf32>
      %broadcast_in_dim3A_816 = vector.broadcast %reduce_sum3A_815 : f32 to vector<16xf32>
      %select_n3A_817 = arith.select %eq3A_811, %broadcast_in_dim3A_816, %select_n3A_773 : vector<16xi1>, vector<16xf32>
      %add3A_818 = arith.constant 9 : i32
      %add3A_819 = arith.addi %mul3A_422, %add3A_818 : i32
      %get3A_820 = arith.index_cast %add3A_819 : i32 to index
      %get3A_821 = arith.constant 0 : index
      %get3A_822 = tpu.vector_load %arg8[%get3A_820, %get3A_821] {strides = array<i32>} : memref<2560x16xf32, #tpu.memory_space<vmem>>, vector<16xf32>,
      %add3A_823 = arith.constant 512 : i32
      %add3A_824 = arith.addi %add3A_819, %add3A_823 : i32
      %get3A_825 = arith.index_cast %add3A_824 : i32 to index
      %get3A_826 = arith.constant 0 : index
      %get3A_827 = tpu.vector_load %arg8[%get3A_825, %get3A_826] {strides = array<i32>} : memref<2560x16xf32, #tpu.memory_space<vmem>>, vector<16xf32>,
      %add3A_828 = arith.constant 1024 : i32
      %add3A_829 = arith.addi %add3A_819, %add3A_828 : i32
      %get3A_830 = arith.index_cast %add3A_829 : i32 to index
      %get3A_831 = arith.constant 0 : index
      %get3A_832 = tpu.vector_load %arg8[%get3A_830, %get3A_831] {strides = array<i32>} : memref<2560x16xf32, #tpu.memory_space<vmem>>, vector<16xf32>,
      %add3A_833 = arith.constant 1536 : i32
      %add3A_834 = arith.addi %add3A_819, %add3A_833 : i32
      %get3A_835 = arith.index_cast %add3A_834 : i32 to index
      %get3A_836 = arith.constant 0 : index
      %get3A_837 = tpu.vector_load %arg8[%get3A_835, %get3A_836] {strides = array<i32>} : memref<2560x16xf32, #tpu.memory_space<vmem>>, vector<16xf32>,
      %add3A_838 = arith.constant 2048 : i32
      %add3A_839 = arith.addi %add3A_819, %add3A_838 : i32
      %get3A_840 = arith.index_cast %add3A_839 : i32 to index
      %get3A_841 = arith.constant 0 : index
      %get3A_842 = tpu.vector_load %arg8[%get3A_840, %get3A_841] {strides = array<i32>} : memref<2560x16xf32, #tpu.memory_space<vmem>>, vector<16xf32>,
      %add3A_843 = arith.addf %get3A_837, %get3A_842 : vector<16xf32>
      %add3A_844 = arith.addf %get3A_832, %add3A_843 : vector<16xf32>
      %add3A_845 = arith.addf %get3A_827, %add3A_844 : vector<16xf32>
      %mul3A_846 = arith.mulf %get3A_822, %add3A_845 : vector<16xf32>
      %mul3A_847 = arith.mulf %get3A_827, %add3A_844 : vector<16xf32>
      %add3A_848 = arith.addf %mul3A_846, %mul3A_847 : vector<16xf32>
      %mul3A_849 = arith.mulf %get3A_832, %add3A_843 : vector<16xf32>
      %add3A_850 = arith.addf %add3A_848, %mul3A_849 : vector<16xf32>
      %mul3A_851 = arith.mulf %get3A_837, %get3A_842 : vector<16xf32>
      %add3A_852 = arith.addf %add3A_850, %mul3A_851 : vector<16xf32>
      %eq3A_853 = arith.constant 9 : i32
      %eq3A_854 = vector.broadcast %eq3A_853 : i32 to vector<16xi32>
      %eq3A_855 = arith.cmpi eq, %iota3A, %eq3A_854 : vector<16xi32>
      %reduce_sum3A_856 = arith.constant true
      %reduce_sum3A_857 = vector.broadcast %reduce_sum3A_856 : i1 to vector<16xi1>
      %reduce_sum3A_858 = tpu.scan <sum>, %add3A_852 masked %reduce_sum3A_857 : vector<16xf32>, vector<16xi1> -> vector<16xf32>
      %reduce_sum3A_859 = vector.extract %reduce_sum3A_858[15] : f32 from vector<16xf32>
      %broadcast_in_dim3A_860 = vector.broadcast %reduce_sum3A_859 : f32 to vector<16xf32>
      %select_n3A_861 = arith.select %eq3A_855, %broadcast_in_dim3A_860, %select_n3A_817 : vector<16xi1>, vector<16xf32>
      %add3A_862 = arith.constant 10 : i32
      %add3A_863 = arith.addi %mul3A_422, %add3A_862 : i32
      %get3A_864 = arith.index_cast %add3A_863 : i32 to index
      %get3A_865 = arith.constant 0 : index
      %get3A_866 = tpu.vector_load %arg8[%get3A_864, %get3A_865] {strides = array<i32>} : memref<2560x16xf32, #tpu.memory_space<vmem>>, vector<16xf32>,
      %add3A_867 = arith.constant 512 : i32
      %add3A_868 = arith.addi %add3A_863, %add3A_867 : i32
      %get3A_869 = arith.index_cast %add3A_868 : i32 to index
      %get3A_870 = arith.constant 0 : index
      %get3A_871 = tpu.vector_load %arg8[%get3A_869, %get3A_870] {strides = array<i32>} : memref<2560x16xf32, #tpu.memory_space<vmem>>, vector<16xf32>,
      %add3A_872 = arith.constant 1024 : i32
      %add3A_873 = arith.addi %add3A_863, %add3A_872 : i32
      %get3A_874 = arith.index_cast %add3A_873 : i32 to index
      %get3A_875 = arith.constant 0 : index
      %get3A_876 = tpu.vector_load %arg8[%get3A_874, %get3A_875] {strides = array<i32>} : memref<2560x16xf32, #tpu.memory_space<vmem>>, vector<16xf32>,
      %add3A_877 = arith.constant 1536 : i32
      %add3A_878 = arith.addi %add3A_863, %add3A_877 : i32
      %get3A_879 = arith.index_cast %add3A_878 : i32 to index
      %get3A_880 = arith.constant 0 : index
      %get3A_881 = tpu.vector_load %arg8[%get3A_879, %get3A_880] {strides = array<i32>} : memref<2560x16xf32, #tpu.memory_space<vmem>>, vector<16xf32>,
      %add3A_882 = arith.constant 2048 : i32
      %add3A_883 = arith.addi %add3A_863, %add3A_882 : i32
      %get3A_884 = arith.index_cast %add3A_883 : i32 to index
      %get3A_885 = arith.constant 0 : index
      %get3A_886 = tpu.vector_load %arg8[%get3A_884, %get3A_885] {strides = array<i32>} : memref<2560x16xf32, #tpu.memory_space<vmem>>, vector<16xf32>,
      %add3A_887 = arith.addf %get3A_881, %get3A_886 : vector<16xf32>
      %add3A_888 = arith.addf %get3A_876, %add3A_887 : vector<16xf32>
      %add3A_889 = arith.addf %get3A_871, %add3A_888 : vector<16xf32>
      %mul3A_890 = arith.mulf %get3A_866, %add3A_889 : vector<16xf32>
      %mul3A_891 = arith.mulf %get3A_871, %add3A_888 : vector<16xf32>
      %add3A_892 = arith.addf %mul3A_890, %mul3A_891 : vector<16xf32>
      %mul3A_893 = arith.mulf %get3A_876, %add3A_887 : vector<16xf32>
      %add3A_894 = arith.addf %add3A_892, %mul3A_893 : vector<16xf32>
      %mul3A_895 = arith.mulf %get3A_881, %get3A_886 : vector<16xf32>
      %add3A_896 = arith.addf %add3A_894, %mul3A_895 : vector<16xf32>
      %eq3A_897 = arith.constant 10 : i32
      %eq3A_898 = vector.broadcast %eq3A_897 : i32 to vector<16xi32>
      %eq3A_899 = arith.cmpi eq, %iota3A, %eq3A_898 : vector<16xi32>
      %reduce_sum3A_900 = arith.constant true
      %reduce_sum3A_901 = vector.broadcast %reduce_sum3A_900 : i1 to vector<16xi1>
      %reduce_sum3A_902 = tpu.scan <sum>, %add3A_896 masked %reduce_sum3A_901 : vector<16xf32>, vector<16xi1> -> vector<16xf32>
      %reduce_sum3A_903 = vector.extract %reduce_sum3A_902[15] : f32 from vector<16xf32>
      %broadcast_in_dim3A_904 = vector.broadcast %reduce_sum3A_903 : f32 to vector<16xf32>
      %select_n3A_905 = arith.select %eq3A_899, %broadcast_in_dim3A_904, %select_n3A_861 : vector<16xi1>, vector<16xf32>
      %add3A_906 = arith.constant 11 : i32
      %add3A_907 = arith.addi %mul3A_422, %add3A_906 : i32
      %get3A_908 = arith.index_cast %add3A_907 : i32 to index
      %get3A_909 = arith.constant 0 : index
      %get3A_910 = tpu.vector_load %arg8[%get3A_908, %get3A_909] {strides = array<i32>} : memref<2560x16xf32, #tpu.memory_space<vmem>>, vector<16xf32>,
      %add3A_911 = arith.constant 512 : i32
      %add3A_912 = arith.addi %add3A_907, %add3A_911 : i32
      %get3A_913 = arith.index_cast %add3A_912 : i32 to index
      %get3A_914 = arith.constant 0 : index
      %get3A_915 = tpu.vector_load %arg8[%get3A_913, %get3A_914] {strides = array<i32>} : memref<2560x16xf32, #tpu.memory_space<vmem>>, vector<16xf32>,
      %add3A_916 = arith.constant 1024 : i32
      %add3A_917 = arith.addi %add3A_907, %add3A_916 : i32
      %get3A_918 = arith.index_cast %add3A_917 : i32 to index
      %get3A_919 = arith.constant 0 : index
      %get3A_920 = tpu.vector_load %arg8[%get3A_918, %get3A_919] {strides = array<i32>} : memref<2560x16xf32, #tpu.memory_space<vmem>>, vector<16xf32>,
      %add3A_921 = arith.constant 1536 : i32
      %add3A_922 = arith.addi %add3A_907, %add3A_921 : i32
      %get3A_923 = arith.index_cast %add3A_922 : i32 to index
      %get3A_924 = arith.constant 0 : index
      %get3A_925 = tpu.vector_load %arg8[%get3A_923, %get3A_924] {strides = array<i32>} : memref<2560x16xf32, #tpu.memory_space<vmem>>, vector<16xf32>,
      %add3A_926 = arith.constant 2048 : i32
      %add3A_927 = arith.addi %add3A_907, %add3A_926 : i32
      %get3A_928 = arith.index_cast %add3A_927 : i32 to index
      %get3A_929 = arith.constant 0 : index
      %get3A_930 = tpu.vector_load %arg8[%get3A_928, %get3A_929] {strides = array<i32>} : memref<2560x16xf32, #tpu.memory_space<vmem>>, vector<16xf32>,
      %add3A_931 = arith.addf %get3A_925, %get3A_930 : vector<16xf32>
      %add3A_932 = arith.addf %get3A_920, %add3A_931 : vector<16xf32>
      %add3A_933 = arith.addf %get3A_915, %add3A_932 : vector<16xf32>
      %mul3A_934 = arith.mulf %get3A_910, %add3A_933 : vector<16xf32>
      %mul3A_935 = arith.mulf %get3A_915, %add3A_932 : vector<16xf32>
      %add3A_936 = arith.addf %mul3A_934, %mul3A_935 : vector<16xf32>
      %mul3A_937 = arith.mulf %get3A_920, %add3A_931 : vector<16xf32>
      %add3A_938 = arith.addf %add3A_936, %mul3A_937 : vector<16xf32>
      %mul3A_939 = arith.mulf %get3A_925, %get3A_930 : vector<16xf32>
      %add3A_940 = arith.addf %add3A_938, %mul3A_939 : vector<16xf32>
      %eq3A_941 = arith.constant 11 : i32
      %eq3A_942 = vector.broadcast %eq3A_941 : i32 to vector<16xi32>
      %eq3A_943 = arith.cmpi eq, %iota3A, %eq3A_942 : vector<16xi32>
      %reduce_sum3A_944 = arith.constant true
      %reduce_sum3A_945 = vector.broadcast %reduce_sum3A_944 : i1 to vector<16xi1>
      %reduce_sum3A_946 = tpu.scan <sum>, %add3A_940 masked %reduce_sum3A_945 : vector<16xf32>, vector<16xi1> -> vector<16xf32>
      %reduce_sum3A_947 = vector.extract %reduce_sum3A_946[15] : f32 from vector<16xf32>
      %broadcast_in_dim3A_948 = vector.broadcast %reduce_sum3A_947 : f32 to vector<16xf32>
      %select_n3A_949 = arith.select %eq3A_943, %broadcast_in_dim3A_948, %select_n3A_905 : vector<16xi1>, vector<16xf32>
      %add3A_950 = arith.constant 12 : i32
      %add3A_951 = arith.addi %mul3A_422, %add3A_950 : i32
      %get3A_952 = arith.index_cast %add3A_951 : i32 to index
      %get3A_953 = arith.constant 0 : index
      %get3A_954 = tpu.vector_load %arg8[%get3A_952, %get3A_953] {strides = array<i32>} : memref<2560x16xf32, #tpu.memory_space<vmem>>, vector<16xf32>,
      %add3A_955 = arith.constant 512 : i32
      %add3A_956 = arith.addi %add3A_951, %add3A_955 : i32
      %get3A_957 = arith.index_cast %add3A_956 : i32 to index
      %get3A_958 = arith.constant 0 : index
      %get3A_959 = tpu.vector_load %arg8[%get3A_957, %get3A_958] {strides = array<i32>} : memref<2560x16xf32, #tpu.memory_space<vmem>>, vector<16xf32>,
      %add3A_960 = arith.constant 1024 : i32
      %add3A_961 = arith.addi %add3A_951, %add3A_960 : i32
      %get3A_962 = arith.index_cast %add3A_961 : i32 to index
      %get3A_963 = arith.constant 0 : index
      %get3A_964 = tpu.vector_load %arg8[%get3A_962, %get3A_963] {strides = array<i32>} : memref<2560x16xf32, #tpu.memory_space<vmem>>, vector<16xf32>,
      %add3A_965 = arith.constant 1536 : i32
      %add3A_966 = arith.addi %add3A_951, %add3A_965 : i32
      %get3A_967 = arith.index_cast %add3A_966 : i32 to index
      %get3A_968 = arith.constant 0 : index
      %get3A_969 = tpu.vector_load %arg8[%get3A_967, %get3A_968] {strides = array<i32>} : memref<2560x16xf32, #tpu.memory_space<vmem>>, vector<16xf32>,
      %add3A_970 = arith.constant 2048 : i32
      %add3A_971 = arith.addi %add3A_951, %add3A_970 : i32
      %get3A_972 = arith.index_cast %add3A_971 : i32 to index
      %get3A_973 = arith.constant 0 : index
      %get3A_974 = tpu.vector_load %arg8[%get3A_972, %get3A_973] {strides = array<i32>} : memref<2560x16xf32, #tpu.memory_space<vmem>>, vector<16xf32>,
      %add3A_975 = arith.addf %get3A_969, %get3A_974 : vector<16xf32>
      %add3A_976 = arith.addf %get3A_964, %add3A_975 : vector<16xf32>
      %add3A_977 = arith.addf %get3A_959, %add3A_976 : vector<16xf32>
      %mul3A_978 = arith.mulf %get3A_954, %add3A_977 : vector<16xf32>
      %mul3A_979 = arith.mulf %get3A_959, %add3A_976 : vector<16xf32>
      %add3A_980 = arith.addf %mul3A_978, %mul3A_979 : vector<16xf32>
      %mul3A_981 = arith.mulf %get3A_964, %add3A_975 : vector<16xf32>
      %add3A_982 = arith.addf %add3A_980, %mul3A_981 : vector<16xf32>
      %mul3A_983 = arith.mulf %get3A_969, %get3A_974 : vector<16xf32>
      %add3A_984 = arith.addf %add3A_982, %mul3A_983 : vector<16xf32>
      %eq3A_985 = arith.constant 12 : i32
      %eq3A_986 = vector.broadcast %eq3A_985 : i32 to vector<16xi32>
      %eq3A_987 = arith.cmpi eq, %iota3A, %eq3A_986 : vector<16xi32>
      %reduce_sum3A_988 = arith.constant true
      %reduce_sum3A_989 = vector.broadcast %reduce_sum3A_988 : i1 to vector<16xi1>
      %reduce_sum3A_990 = tpu.scan <sum>, %add3A_984 masked %reduce_sum3A_989 : vector<16xf32>, vector<16xi1> -> vector<16xf32>
      %reduce_sum3A_991 = vector.extract %reduce_sum3A_990[15] : f32 from vector<16xf32>
      %broadcast_in_dim3A_992 = vector.broadcast %reduce_sum3A_991 : f32 to vector<16xf32>
      %select_n3A_993 = arith.select %eq3A_987, %broadcast_in_dim3A_992, %select_n3A_949 : vector<16xi1>, vector<16xf32>
      %add3A_994 = arith.constant 13 : i32
      %add3A_995 = arith.addi %mul3A_422, %add3A_994 : i32
      %get3A_996 = arith.index_cast %add3A_995 : i32 to index
      %get3A_997 = arith.constant 0 : index
      %get3A_998 = tpu.vector_load %arg8[%get3A_996, %get3A_997] {strides = array<i32>} : memref<2560x16xf32, #tpu.memory_space<vmem>>, vector<16xf32>,
      %add3A_999 = arith.constant 512 : i32
      %add3A_1000 = arith.addi %add3A_995, %add3A_999 : i32
      %get3A_1001 = arith.index_cast %add3A_1000 : i32 to index
      %get3A_1002 = arith.constant 0 : index
      %get3A_1003 = tpu.vector_load %arg8[%get3A_1001, %get3A_1002] {strides = array<i32>} : memref<2560x16xf32, #tpu.memory_space<vmem>>, vector<16xf32>,
      %add3A_1004 = arith.constant 1024 : i32
      %add3A_1005 = arith.addi %add3A_995, %add3A_1004 : i32
      %get3A_1006 = arith.index_cast %add3A_1005 : i32 to index
      %get3A_1007 = arith.constant 0 : index
      %get3A_1008 = tpu.vector_load %arg8[%get3A_1006, %get3A_1007] {strides = array<i32>} : memref<2560x16xf32, #tpu.memory_space<vmem>>, vector<16xf32>,
      %add3A_1009 = arith.constant 1536 : i32
      %add3A_1010 = arith.addi %add3A_995, %add3A_1009 : i32
      %get3A_1011 = arith.index_cast %add3A_1010 : i32 to index
      %get3A_1012 = arith.constant 0 : index
      %get3A_1013 = tpu.vector_load %arg8[%get3A_1011, %get3A_1012] {strides = array<i32>} : memref<2560x16xf32, #tpu.memory_space<vmem>>, vector<16xf32>,
      %add3A_1014 = arith.constant 2048 : i32
      %add3A_1015 = arith.addi %add3A_995, %add3A_1014 : i32
      %get3A_1016 = arith.index_cast %add3A_1015 : i32 to index
      %get3A_1017 = arith.constant 0 : index
      %get3A_1018 = tpu.vector_load %arg8[%get3A_1016, %get3A_1017] {strides = array<i32>} : memref<2560x16xf32, #tpu.memory_space<vmem>>, vector<16xf32>,
      %add3A_1019 = arith.addf %get3A_1013, %get3A_1018 : vector<16xf32>
      %add3A_1020 = arith.addf %get3A_1008, %add3A_1019 : vector<16xf32>
      %add3A_1021 = arith.addf %get3A_1003, %add3A_1020 : vector<16xf32>
      %mul3A_1022 = arith.mulf %get3A_998, %add3A_1021 : vector<16xf32>
      %mul3A_1023 = arith.mulf %get3A_1003, %add3A_1020 : vector<16xf32>
      %add3A_1024 = arith.addf %mul3A_1022, %mul3A_1023 : vector<16xf32>
      %mul3A_1025 = arith.mulf %get3A_1008, %add3A_1019 : vector<16xf32>
      %add3A_1026 = arith.addf %add3A_1024, %mul3A_1025 : vector<16xf32>
      %mul3A_1027 = arith.mulf %get3A_1013, %get3A_1018 : vector<16xf32>
      %add3A_1028 = arith.addf %add3A_1026, %mul3A_1027 : vector<16xf32>
      %eq3A_1029 = arith.constant 13 : i32
      %eq3A_1030 = vector.broadcast %eq3A_1029 : i32 to vector<16xi32>
      %eq3A_1031 = arith.cmpi eq, %iota3A, %eq3A_1030 : vector<16xi32>
      %reduce_sum3A_1032 = arith.constant true
      %reduce_sum3A_1033 = vector.broadcast %reduce_sum3A_1032 : i1 to vector<16xi1>
      %reduce_sum3A_1034 = tpu.scan <sum>, %add3A_1028 masked %reduce_sum3A_1033 : vector<16xf32>, vector<16xi1> -> vector<16xf32>
      %reduce_sum3A_1035 = vector.extract %reduce_sum3A_1034[15] : f32 from vector<16xf32>
      %broadcast_in_dim3A_1036 = vector.broadcast %reduce_sum3A_1035 : f32 to vector<16xf32>
      %select_n3A_1037 = arith.select %eq3A_1031, %broadcast_in_dim3A_1036, %select_n3A_993 : vector<16xi1>, vector<16xf32>
      %add3A_1038 = arith.constant 14 : i32
      %add3A_1039 = arith.addi %mul3A_422, %add3A_1038 : i32
      %get3A_1040 = arith.index_cast %add3A_1039 : i32 to index
      %get3A_1041 = arith.constant 0 : index
      %get3A_1042 = tpu.vector_load %arg8[%get3A_1040, %get3A_1041] {strides = array<i32>} : memref<2560x16xf32, #tpu.memory_space<vmem>>, vector<16xf32>,
      %add3A_1043 = arith.constant 512 : i32
      %add3A_1044 = arith.addi %add3A_1039, %add3A_1043 : i32
      %get3A_1045 = arith.index_cast %add3A_1044 : i32 to index
      %get3A_1046 = arith.constant 0 : index
      %get3A_1047 = tpu.vector_load %arg8[%get3A_1045, %get3A_1046] {strides = array<i32>} : memref<2560x16xf32, #tpu.memory_space<vmem>>, vector<16xf32>,
      %add3A_1048 = arith.constant 1024 : i32
      %add3A_1049 = arith.addi %add3A_1039, %add3A_1048 : i32
      %get3A_1050 = arith.index_cast %add3A_1049 : i32 to index
      %get3A_1051 = arith.constant 0 : index
      %get3A_1052 = tpu.vector_load %arg8[%get3A_1050, %get3A_1051] {strides = array<i32>} : memref<2560x16xf32, #tpu.memory_space<vmem>>, vector<16xf32>,
      %add3A_1053 = arith.constant 1536 : i32
      %add3A_1054 = arith.addi %add3A_1039, %add3A_1053 : i32
      %get3A_1055 = arith.index_cast %add3A_1054 : i32 to index
      %get3A_1056 = arith.constant 0 : index
      %get3A_1057 = tpu.vector_load %arg8[%get3A_1055, %get3A_1056] {strides = array<i32>} : memref<2560x16xf32, #tpu.memory_space<vmem>>, vector<16xf32>,
      %add3A_1058 = arith.constant 2048 : i32
      %add3A_1059 = arith.addi %add3A_1039, %add3A_1058 : i32
      %get3A_1060 = arith.index_cast %add3A_1059 : i32 to index
      %get3A_1061 = arith.constant 0 : index
      %get3A_1062 = tpu.vector_load %arg8[%get3A_1060, %get3A_1061] {strides = array<i32>} : memref<2560x16xf32, #tpu.memory_space<vmem>>, vector<16xf32>,
      %add3A_1063 = arith.addf %get3A_1057, %get3A_1062 : vector<16xf32>
      %add3A_1064 = arith.addf %get3A_1052, %add3A_1063 : vector<16xf32>
      %add3A_1065 = arith.addf %get3A_1047, %add3A_1064 : vector<16xf32>
      %mul3A_1066 = arith.mulf %get3A_1042, %add3A_1065 : vector<16xf32>
      %mul3A_1067 = arith.mulf %get3A_1047, %add3A_1064 : vector<16xf32>
      %add3A_1068 = arith.addf %mul3A_1066, %mul3A_1067 : vector<16xf32>
      %mul3A_1069 = arith.mulf %get3A_1052, %add3A_1063 : vector<16xf32>
      %add3A_1070 = arith.addf %add3A_1068, %mul3A_1069 : vector<16xf32>
      %mul3A_1071 = arith.mulf %get3A_1057, %get3A_1062 : vector<16xf32>
      %add3A_1072 = arith.addf %add3A_1070, %mul3A_1071 : vector<16xf32>
      %eq3A_1073 = arith.constant 14 : i32
      %eq3A_1074 = vector.broadcast %eq3A_1073 : i32 to vector<16xi32>
      %eq3A_1075 = arith.cmpi eq, %iota3A, %eq3A_1074 : vector<16xi32>
      %reduce_sum3A_1076 = arith.constant true
      %reduce_sum3A_1077 = vector.broadcast %reduce_sum3A_1076 : i1 to vector<16xi1>
      %reduce_sum3A_1078 = tpu.scan <sum>, %add3A_1072 masked %reduce_sum3A_1077 : vector<16xf32>, vector<16xi1> -> vector<16xf32>
      %reduce_sum3A_1079 = vector.extract %reduce_sum3A_1078[15] : f32 from vector<16xf32>
      %broadcast_in_dim3A_1080 = vector.broadcast %reduce_sum3A_1079 : f32 to vector<16xf32>
      %select_n3A_1081 = arith.select %eq3A_1075, %broadcast_in_dim3A_1080, %select_n3A_1037 : vector<16xi1>, vector<16xf32>
      %add3A_1082 = arith.constant 15 : i32
      %add3A_1083 = arith.addi %mul3A_422, %add3A_1082 : i32
      %get3A_1084 = arith.index_cast %add3A_1083 : i32 to index
      %get3A_1085 = arith.constant 0 : index
      %get3A_1086 = tpu.vector_load %arg8[%get3A_1084, %get3A_1085] {strides = array<i32>} : memref<2560x16xf32, #tpu.memory_space<vmem>>, vector<16xf32>,
      %add3A_1087 = arith.constant 512 : i32
      %add3A_1088 = arith.addi %add3A_1083, %add3A_1087 : i32
      %get3A_1089 = arith.index_cast %add3A_1088 : i32 to index
      %get3A_1090 = arith.constant 0 : index
      %get3A_1091 = tpu.vector_load %arg8[%get3A_1089, %get3A_1090] {strides = array<i32>} : memref<2560x16xf32, #tpu.memory_space<vmem>>, vector<16xf32>,
      %add3A_1092 = arith.constant 1024 : i32
      %add3A_1093 = arith.addi %add3A_1083, %add3A_1092 : i32
      %get3A_1094 = arith.index_cast %add3A_1093 : i32 to index
      %get3A_1095 = arith.constant 0 : index
      %get3A_1096 = tpu.vector_load %arg8[%get3A_1094, %get3A_1095] {strides = array<i32>} : memref<2560x16xf32, #tpu.memory_space<vmem>>, vector<16xf32>,
      %add3A_1097 = arith.constant 1536 : i32
      %add3A_1098 = arith.addi %add3A_1083, %add3A_1097 : i32
      %get3A_1099 = arith.index_cast %add3A_1098 : i32 to index
      %get3A_1100 = arith.constant 0 : index
      %get3A_1101 = tpu.vector_load %arg8[%get3A_1099, %get3A_1100] {strides = array<i32>} : memref<2560x16xf32, #tpu.memory_space<vmem>>, vector<16xf32>,
      %add3A_1102 = arith.constant 2048 : i32
      %add3A_1103 = arith.addi %add3A_1083, %add3A_1102 : i32
      %get3A_1104 = arith.index_cast %add3A_1103 : i32 to index
      %get3A_1105 = arith.constant 0 : index
      %get3A_1106 = tpu.vector_load %arg8[%get3A_1104, %get3A_1105] {strides = array<i32>} : memref<2560x16xf32, #tpu.memory_space<vmem>>, vector<16xf32>,
      %add3A_1107 = arith.addf %get3A_1101, %get3A_1106 : vector<16xf32>
      %add3A_1108 = arith.addf %get3A_1096, %add3A_1107 : vector<16xf32>
      %add3A_1109 = arith.addf %get3A_1091, %add3A_1108 : vector<16xf32>
      %mul3A_1110 = arith.mulf %get3A_1086, %add3A_1109 : vector<16xf32>
      %mul3A_1111 = arith.mulf %get3A_1091, %add3A_1108 : vector<16xf32>
      %add3A_1112 = arith.addf %mul3A_1110, %mul3A_1111 : vector<16xf32>
      %mul3A_1113 = arith.mulf %get3A_1096, %add3A_1107 : vector<16xf32>
      %add3A_1114 = arith.addf %add3A_1112, %mul3A_1113 : vector<16xf32>
      %mul3A_1115 = arith.mulf %get3A_1101, %get3A_1106 : vector<16xf32>
      %add3A_1116 = arith.addf %add3A_1114, %mul3A_1115 : vector<16xf32>
      %eq3A_1117 = arith.constant 15 : i32
      %eq3A_1118 = vector.broadcast %eq3A_1117 : i32 to vector<16xi32>
      %eq3A_1119 = arith.cmpi eq, %iota3A, %eq3A_1118 : vector<16xi32>
      %reduce_sum3A_1120 = arith.constant true
      %reduce_sum3A_1121 = vector.broadcast %reduce_sum3A_1120 : i1 to vector<16xi1>
      %reduce_sum3A_1122 = tpu.scan <sum>, %add3A_1116 masked %reduce_sum3A_1121 : vector<16xf32>, vector<16xi1> -> vector<16xf32>
      %reduce_sum3A_1123 = vector.extract %reduce_sum3A_1122[15] : f32 from vector<16xf32>
      %broadcast_in_dim3A_1124 = vector.broadcast %reduce_sum3A_1123 : f32 to vector<16xf32>
      %select_n3A_1125 = arith.select %eq3A_1119, %broadcast_in_dim3A_1124, %select_n3A_1081 : vector<16xi1>, vector<16xf32>
      %mul3A_1126 = vector.broadcast %squeeze3A : f32 to vector<16xf32>
      %mul3A_1127 = arith.mulf %select_n3A_1125, %mul3A_1126 : vector<16xf32>
      %exp3A_1128 = math.exp %mul3A_1127 : vector<16xf32>
      %mul3A_1129 = vector.broadcast %squeeze3A_5 : f32 to vector<16xf32>
      %mul3A_1130 = arith.mulf %exp3A_1128, %mul3A_1129 : vector<16xf32>
      %mul3A_1131 = arith.constant 16 : i32
      %mul3A_1132 = arith.muli %scan3A_420, %mul3A_1131 : i32
      %swap3A = arith.index_cast %mul3A_1132 : i32 to index
      %swap3A_1133 = tpu.vector_load %arg10[%swap3A] {strides = array<i32>} : memref<512xf32, #tpu.memory_space<vmem>>, vector<16xf32>,
      tpu.vector_store %arg10[%swap3A], %mul3A_1130 {strides = array<i32>} : memref<512xf32, #tpu.memory_space<vmem>>, vector<16xf32>,
    }
    %scan3A_417 = arith.constant 32 : i32
    %add3A_418 = arith.constant 10240 : i32
    %add3A_419 = arith.addi %mul3A_2, %add3A_418 : i32
    "tpu.region"() ({
      %run_scoped3A = tpu.sem_alloc : memref<!tpu.dma_semaphore, #tpu.memory_space<semaphore_mem>>
      %dma_start3A_420 = tpu.memref_slice %arg5[%add3A_419] : memref<344064xf32, #tpu.memory_space<hbm>> -> memref<512xf32, #tpu.memory_space<hbm>>
      %dma_start3A_421 = tpu.memref_slice %arg5[%add3A_419] : memref<344064xf32, #tpu.memory_space<hbm>> -> memref<512xf32, #tpu.memory_space<hbm>>
      tpu.enqueue_dma source(%arg10 : memref<512xf32, #tpu.memory_space<vmem>>) target(%dma_start3A_421 : memref<512xf32, #tpu.memory_space<hbm>>) target_semaphore(%run_scoped3A : memref<!tpu.dma_semaphore, #tpu.memory_space<semaphore_mem>>)
      %dma_wait3A_422 = tpu.memref_slice %arg5[%add3A_419] : memref<344064xf32, #tpu.memory_space<hbm>> -> memref<512xf32, #tpu.memory_space<hbm>>
      %dma_wait3A_423 = tpu.memref_slice %arg5[%add3A_419] : memref<344064xf32, #tpu.memory_space<hbm>> -> memref<512xf32, #tpu.memory_space<hbm>>
      tpu.wait_dma2 semaphore(%run_scoped3A : memref<!tpu.dma_semaphore, #tpu.memory_space<semaphore_mem>>) src(%arg10 : memref<512xf32, #tpu.memory_space<vmem>>) dst(%dma_wait3A_423 : memref<512xf32, #tpu.memory_space<hbm>>)
      tpu.yield
    }) : () -> ()
    return
  }
}

#map = affine_map<(d0, d1) -> (0, 0)>
module attributes {stable_mosaic.version = 14 : i64} {
  func.func @transpose_k(%arg0: i32, %arg1: i32, %arg2: memref<16x1000000xf32, #tpu.memory_space<hbm>>, %arg3: memref<125000x128xf32, #tpu.memory_space<hbm>>, %arg4: memref<16x1024xf32, #tpu.memory_space<vmem>>, %arg5: memref<16x1024xf32, #tpu.memory_space<vmem>>, %arg6: memref<128x128xf32, #tpu.memory_space<vmem>>, %arg7: memref<!tpu.dma_semaphore, #tpu.memory_space<semaphore_mem>>, %arg8: memref<!tpu.dma_semaphore, #tpu.memory_space<semaphore_mem>>) attributes {dimension_semantics = [#tpu.dimension_semantics<core_parallel>, #tpu.dimension_semantics<subcore_parallel>], iteration_bounds = array<i64: 2, 16>, scalar_prefetch = 0 : i64, scratch_operands = 5 : i64, tpu.core_type = #tpu.core_type<sc_vector_subcore>, window_params = [{transform_indices = #map}, {transform_indices = #map}]} {
    %mul3A = arith.constant 2 : i32
    %mul3A_0 = arith.muli %arg1, %mul3A : i32
    %add3A = arith.addi %mul3A_0, %arg0 : i32
    %iota3A = tpu.iota {dimensions = array<i32: 0>} : vector<16xi32>
    %mul3A_1 = arith.constant 1024 : i32
    %mul3A_2 = vector.broadcast %mul3A_1 : i32 to vector<16xi32>
    %mul3A_3 = arith.muli %iota3A, %mul3A_2 : vector<16xi32>
    %iota3A_4 = tpu.iota {dimensions = array<i32: 0>} : vector<16xi32>
    %add3A_5 = arith.constant 0 : i32
    %add3A_6 = arith.addi %add3A, %add3A_5 : i32
    %lt3A = arith.constant 976 : i32
    %lt3A_7 = arith.cmpi slt, %add3A_6, %lt3A : i32
    %convert_element_type3A = arith.extui %lt3A_7 : i1 to i32
    %cond3A = arith.constant 0 : i32
    %cond3A_8 = arith.cmpi ne, %convert_element_type3A, %cond3A : i32
    scf.if %cond3A_8 {
      %mul3A_18 = arith.constant 1024 : i32
      %mul3A_19 = arith.muli %add3A_6, %mul3A_18 : i32
      %multiple_of3A = tpu.assume_multiple %mul3A_19, 128 : i32
      %dma_start3A = arith.constant 0 : i32
      %dma_start3A_20 = arith.constant 0 : i32
      %dma_start3A_21 = tpu.memref_slice %arg4[%dma_start3A, %dma_start3A_20] : memref<16x1024xf32, #tpu.memory_space<vmem>> -> memref<16x1024xf32, #tpu.memory_space<vmem>>
      %dma_start3A_22 = arith.constant 0 : i32
      %dma_start3A_23 = tpu.memref_slice %arg2[%dma_start3A_22, %multiple_of3A] : memref<16x1000000xf32, #tpu.memory_space<hbm>> -> memref<16x1024xf32, #tpu.memory_space<hbm>>
      %dma_start3A_24 = arith.constant 0 : i32
      %dma_start3A_25 = arith.constant 0 : i32
      %dma_start3A_26 = tpu.memref_slice %arg4[%dma_start3A_24, %dma_start3A_25] : memref<16x1024xf32, #tpu.memory_space<vmem>> -> memref<16x1024xf32, #tpu.memory_space<vmem>>
      %dma_start3A_27 = arith.constant 0 : i32
      %dma_start3A_28 = tpu.memref_slice %arg2[%dma_start3A_27, %multiple_of3A] : memref<16x1000000xf32, #tpu.memory_space<hbm>> -> memref<16x1024xf32, #tpu.memory_space<hbm>>
      tpu.enqueue_dma source(%dma_start3A_28 : memref<16x1024xf32, #tpu.memory_space<hbm>>) target(%dma_start3A_26 : memref<16x1024xf32, #tpu.memory_space<vmem>>) target_semaphore(%arg7 : memref<!tpu.dma_semaphore, #tpu.memory_space<semaphore_mem>>)
    } else {
    }
    %scan3A = arith.constant 0 : i32
    %scan3A_9 = arith.constant 0 : i32
    %scan3A_10 = arith.constant 16 : i32
    %scan3A_11 = arith.addi %scan3A_9, %scan3A_10 : i32
    %scan3A_12 = arith.constant 1 : i32
    scf.for %scan3A_18 = %scan3A_9 to %scan3A_11 step %scan3A_12  : i32 {
      %mul3A_19 = arith.constant 2 : i32
      %mul3A_20 = arith.muli %scan3A_18, %mul3A_19 : i32
      %add3A_21 = arith.constant 0 : i32
      %add3A_22 = arith.addi %mul3A_20, %add3A_21 : i32
      %add3A_23 = arith.constant 1 : i32
      %add3A_24 = arith.addi %add3A_22, %add3A_23 : i32
      %mul3A_25 = arith.constant 32 : i32
      %mul3A_26 = arith.muli %mul3A_25, %add3A_24 : i32
      %add3A_27 = arith.addi %add3A, %mul3A_26 : i32
      %lt3A_28 = arith.constant 976 : i32
      %lt3A_29 = arith.cmpi slt, %add3A_27, %lt3A_28 : i32
      %convert_element_type3A_30 = arith.extui %lt3A_29 : i1 to i32
      %cond3A_31 = arith.constant 0 : i32
      %cond3A_32 = arith.cmpi ne, %convert_element_type3A_30, %cond3A_31 : i32
      scf.if %cond3A_32 {
        %mul3A_63 = arith.constant 1024 : i32
        %mul3A_64 = arith.muli %add3A_27, %mul3A_63 : i32
        %multiple_of3A = tpu.assume_multiple %mul3A_64, 128 : i32
        %dma_start3A = arith.constant 0 : i32
        %dma_start3A_65 = arith.constant 0 : i32
        %dma_start3A_66 = tpu.memref_slice %arg5[%dma_start3A, %dma_start3A_65] : memref<16x1024xf32, #tpu.memory_space<vmem>> -> memref<16x1024xf32, #tpu.memory_space<vmem>>
        %dma_start3A_67 = arith.constant 0 : i32
        %dma_start3A_68 = tpu.memref_slice %arg2[%dma_start3A_67, %multiple_of3A] : memref<16x1000000xf32, #tpu.memory_space<hbm>> -> memref<16x1024xf32, #tpu.memory_space<hbm>>
        %dma_start3A_69 = arith.constant 0 : i32
        %dma_start3A_70 = arith.constant 0 : i32
        %dma_start3A_71 = tpu.memref_slice %arg5[%dma_start3A_69, %dma_start3A_70] : memref<16x1024xf32, #tpu.memory_space<vmem>> -> memref<16x1024xf32, #tpu.memory_space<vmem>>
        %dma_start3A_72 = arith.constant 0 : i32
        %dma_start3A_73 = tpu.memref_slice %arg2[%dma_start3A_72, %multiple_of3A] : memref<16x1000000xf32, #tpu.memory_space<hbm>> -> memref<16x1024xf32, #tpu.memory_space<hbm>>
        tpu.enqueue_dma source(%dma_start3A_73 : memref<16x1024xf32, #tpu.memory_space<hbm>>) target(%dma_start3A_71 : memref<16x1024xf32, #tpu.memory_space<vmem>>) target_semaphore(%arg8 : memref<!tpu.dma_semaphore, #tpu.memory_space<semaphore_mem>>)
      } else {
      }
      %mul3A_33 = arith.constant 32 : i32
      %mul3A_34 = arith.muli %mul3A_33, %add3A_22 : i32
      %add3A_35 = arith.addi %add3A, %mul3A_34 : i32
      %lt3A_36 = arith.constant 976 : i32
      %lt3A_37 = arith.cmpi slt, %add3A_35, %lt3A_36 : i32
      %convert_element_type3A_38 = arith.extui %lt3A_37 : i1 to i32
      %cond3A_39 = arith.constant 0 : i32
      %cond3A_40 = arith.cmpi ne, %convert_element_type3A_38, %cond3A_39 : i32
      scf.if %cond3A_40 {
        %dma_wait3A = arith.constant 0 : i32
        %dma_wait3A_63 = arith.constant 0 : i32
        %dma_wait3A_64 = tpu.memref_slice %arg4[%dma_wait3A, %dma_wait3A_63] : memref<16x1024xf32, #tpu.memory_space<vmem>> -> memref<16x1024xf32, #tpu.memory_space<vmem>>
        %dma_wait3A_65 = arith.constant 0 : i32
        %dma_wait3A_66 = arith.constant 0 : i32
        %dma_wait3A_67 = tpu.memref_slice %arg2[%dma_wait3A_65, %dma_wait3A_66] : memref<16x1000000xf32, #tpu.memory_space<hbm>> -> memref<16x1024xf32, #tpu.memory_space<hbm>>
        %dma_wait3A_68 = arith.constant 0 : i32
        %dma_wait3A_69 = arith.constant 0 : i32
        %dma_wait3A_70 = tpu.memref_slice %arg4[%dma_wait3A_68, %dma_wait3A_69] : memref<16x1024xf32, #tpu.memory_space<vmem>> -> memref<16x1024xf32, #tpu.memory_space<vmem>>
        %dma_wait3A_71 = arith.constant 0 : i32
        %dma_wait3A_72 = arith.constant 0 : i32
        %dma_wait3A_73 = tpu.memref_slice %arg2[%dma_wait3A_71, %dma_wait3A_72] : memref<16x1000000xf32, #tpu.memory_space<hbm>> -> memref<16x1024xf32, #tpu.memory_space<hbm>>
        tpu.wait_dma2 semaphore(%arg7 : memref<!tpu.dma_semaphore, #tpu.memory_space<semaphore_mem>>) src(%dma_wait3A_73 : memref<16x1024xf32, #tpu.memory_space<hbm>>) dst(%dma_wait3A_70 : memref<16x1024xf32, #tpu.memory_space<vmem>>)
        %scan3A_74 = arith.constant 0 : i32
        %scan3A_75 = arith.constant 0 : i32
        %scan3A_76 = arith.constant 1024 : i32
        %scan3A_77 = arith.addi %scan3A_75, %scan3A_76 : i32
        %scan3A_78 = arith.constant 1 : i32
        scf.for %scan3A_82 = %scan3A_75 to %scan3A_77 step %scan3A_78  : i32 {
          %broadcast_in_dim3A = vector.broadcast %scan3A_82 : i32 to vector<16xi32>
          %gather3A = tpu.vector_load_idx %arg4[%iota3A_4, %broadcast_in_dim3A] : memref<16x1024xf32, #tpu.memory_space<vmem>>[vector<16xi32>, vector<16xi32>], vector<16xf32>,
          %div3A = arith.constant 8 : i32
          %div3A_83 = arith.divsi %scan3A_82, %div3A : i32
          %rem3A = arith.constant 8 : i32
          %rem3A_84 = arith.remsi %scan3A_82, %rem3A : i32
          %mul3A_85 = arith.constant 16 : i32
          %mul3A_86 = arith.muli %rem3A_84, %mul3A_85 : i32
          %swap3A = arith.index_cast %div3A_83 : i32 to index
          %swap3A_87 = arith.index_cast %mul3A_86 : i32 to index
          %swap3A_88 = tpu.vector_load %arg6[%swap3A, %swap3A_87] {strides = array<i32>} : memref<128x128xf32, #tpu.memory_space<vmem>>, vector<16xf32>,
          tpu.vector_store %arg6[%swap3A, %swap3A_87], %gather3A {strides = array<i32>} : memref<128x128xf32, #tpu.memory_space<vmem>>, vector<16xf32>,
        }
        %scan3A_79 = arith.constant 1024 : i32
        %mul3A_80 = arith.constant 128 : i32
        %mul3A_81 = arith.muli %add3A_35, %mul3A_80 : i32
        %multiple_of3A = tpu.assume_multiple %mul3A_81, 8 : i32
        "tpu.region"() ({
          %run_scoped3A = tpu.sem_alloc : memref<!tpu.dma_semaphore, #tpu.memory_space<semaphore_mem>>
          %dma_start3A = arith.constant 0 : i32
          %dma_start3A_82 = arith.constant 0 : i32
          %dma_start3A_83 = tpu.memref_slice %arg6[%dma_start3A, %dma_start3A_82] : memref<128x128xf32, #tpu.memory_space<vmem>> -> memref<128x128xf32, #tpu.memory_space<vmem>>
          %dma_start3A_84 = arith.constant 0 : i32
          %dma_start3A_85 = tpu.memref_slice %arg3[%multiple_of3A, %dma_start3A_84] : memref<125000x128xf32, #tpu.memory_space<hbm>> -> memref<128x128xf32, #tpu.memory_space<hbm>>
          %dma_start3A_86 = arith.constant 0 : i32
          %dma_start3A_87 = tpu.memref_slice %arg3[%multiple_of3A, %dma_start3A_86] : memref<125000x128xf32, #tpu.memory_space<hbm>> -> memref<128x128xf32, #tpu.memory_space<hbm>>
          %dma_start3A_88 = arith.constant 0 : i32
          %dma_start3A_89 = arith.constant 0 : i32
          %dma_start3A_90 = tpu.memref_slice %arg6[%dma_start3A_88, %dma_start3A_89] : memref<128x128xf32, #tpu.memory_space<vmem>> -> memref<128x128xf32, #tpu.memory_space<vmem>>
          tpu.enqueue_dma source(%dma_start3A_90 : memref<128x128xf32, #tpu.memory_space<vmem>>) target(%dma_start3A_87 : memref<128x128xf32, #tpu.memory_space<hbm>>) target_semaphore(%run_scoped3A : memref<!tpu.dma_semaphore, #tpu.memory_space<semaphore_mem>>)
          %dma_wait3A_91 = arith.constant 0 : i32
          %dma_wait3A_92 = arith.constant 0 : i32
          %dma_wait3A_93 = tpu.memref_slice %arg6[%dma_wait3A_91, %dma_wait3A_92] : memref<128x128xf32, #tpu.memory_space<vmem>> -> memref<128x128xf32, #tpu.memory_space<vmem>>
          %dma_wait3A_94 = arith.constant 0 : i32
          %dma_wait3A_95 = tpu.memref_slice %arg3[%multiple_of3A, %dma_wait3A_94] : memref<125000x128xf32, #tpu.memory_space<hbm>> -> memref<128x128xf32, #tpu.memory_space<hbm>>
          %dma_wait3A_96 = arith.constant 0 : i32
          %dma_wait3A_97 = tpu.memref_slice %arg3[%multiple_of3A, %dma_wait3A_96] : memref<125000x128xf32, #tpu.memory_space<hbm>> -> memref<128x128xf32, #tpu.memory_space<hbm>>
          %dma_wait3A_98 = arith.constant 0 : i32
          %dma_wait3A_99 = arith.constant 0 : i32
          %dma_wait3A_100 = tpu.memref_slice %arg6[%dma_wait3A_98, %dma_wait3A_99] : memref<128x128xf32, #tpu.memory_space<vmem>> -> memref<128x128xf32, #tpu.memory_space<vmem>>
          tpu.wait_dma2 semaphore(%run_scoped3A : memref<!tpu.dma_semaphore, #tpu.memory_space<semaphore_mem>>) src(%dma_wait3A_100 : memref<128x128xf32, #tpu.memory_space<vmem>>) dst(%dma_wait3A_97 : memref<128x128xf32, #tpu.memory_space<hbm>>)
          tpu.yield
        }) : () -> ()
      } else {
      }
      %mul3A_41 = arith.constant 2 : i32
      %mul3A_42 = arith.muli %scan3A_18, %mul3A_41 : i32
      %add3A_43 = arith.constant 1 : i32
      %add3A_44 = arith.addi %mul3A_42, %add3A_43 : i32
      %add3A_45 = arith.constant 1 : i32
      %add3A_46 = arith.addi %add3A_44, %add3A_45 : i32
      %mul3A_47 = arith.constant 32 : i32
      %mul3A_48 = arith.muli %mul3A_47, %add3A_46 : i32
      %add3A_49 = arith.addi %add3A, %mul3A_48 : i32
      %lt3A_50 = arith.constant 976 : i32
      %lt3A_51 = arith.cmpi slt, %add3A_49, %lt3A_50 : i32
      %convert_element_type3A_52 = arith.extui %lt3A_51 : i1 to i32
      %cond3A_53 = arith.constant 0 : i32
      %cond3A_54 = arith.cmpi ne, %convert_element_type3A_52, %cond3A_53 : i32
      scf.if %cond3A_54 {
        %mul3A_63 = arith.constant 1024 : i32
        %mul3A_64 = arith.muli %add3A_49, %mul3A_63 : i32
        %multiple_of3A = tpu.assume_multiple %mul3A_64, 128 : i32
        %dma_start3A = arith.constant 0 : i32
        %dma_start3A_65 = arith.constant 0 : i32
        %dma_start3A_66 = tpu.memref_slice %arg4[%dma_start3A, %dma_start3A_65] : memref<16x1024xf32, #tpu.memory_space<vmem>> -> memref<16x1024xf32, #tpu.memory_space<vmem>>
        %dma_start3A_67 = arith.constant 0 : i32
        %dma_start3A_68 = tpu.memref_slice %arg2[%dma_start3A_67, %multiple_of3A] : memref<16x1000000xf32, #tpu.memory_space<hbm>> -> memref<16x1024xf32, #tpu.memory_space<hbm>>
        %dma_start3A_69 = arith.constant 0 : i32
        %dma_start3A_70 = arith.constant 0 : i32
        %dma_start3A_71 = tpu.memref_slice %arg4[%dma_start3A_69, %dma_start3A_70] : memref<16x1024xf32, #tpu.memory_space<vmem>> -> memref<16x1024xf32, #tpu.memory_space<vmem>>
        %dma_start3A_72 = arith.constant 0 : i32
        %dma_start3A_73 = tpu.memref_slice %arg2[%dma_start3A_72, %multiple_of3A] : memref<16x1000000xf32, #tpu.memory_space<hbm>> -> memref<16x1024xf32, #tpu.memory_space<hbm>>
        tpu.enqueue_dma source(%dma_start3A_73 : memref<16x1024xf32, #tpu.memory_space<hbm>>) target(%dma_start3A_71 : memref<16x1024xf32, #tpu.memory_space<vmem>>) target_semaphore(%arg7 : memref<!tpu.dma_semaphore, #tpu.memory_space<semaphore_mem>>)
      } else {
      }
      %mul3A_55 = arith.constant 32 : i32
      %mul3A_56 = arith.muli %mul3A_55, %add3A_44 : i32
      %add3A_57 = arith.addi %add3A, %mul3A_56 : i32
      %lt3A_58 = arith.constant 976 : i32
      %lt3A_59 = arith.cmpi slt, %add3A_57, %lt3A_58 : i32
      %convert_element_type3A_60 = arith.extui %lt3A_59 : i1 to i32
      %cond3A_61 = arith.constant 0 : i32
      %cond3A_62 = arith.cmpi ne, %convert_element_type3A_60, %cond3A_61 : i32
      scf.if %cond3A_62 {
        %dma_wait3A = arith.constant 0 : i32
        %dma_wait3A_63 = arith.constant 0 : i32
        %dma_wait3A_64 = tpu.memref_slice %arg5[%dma_wait3A, %dma_wait3A_63] : memref<16x1024xf32, #tpu.memory_space<vmem>> -> memref<16x1024xf32, #tpu.memory_space<vmem>>
        %dma_wait3A_65 = arith.constant 0 : i32
        %dma_wait3A_66 = arith.constant 0 : i32
        %dma_wait3A_67 = tpu.memref_slice %arg2[%dma_wait3A_65, %dma_wait3A_66] : memref<16x1000000xf32, #tpu.memory_space<hbm>> -> memref<16x1024xf32, #tpu.memory_space<hbm>>
        %dma_wait3A_68 = arith.constant 0 : i32
        %dma_wait3A_69 = arith.constant 0 : i32
        %dma_wait3A_70 = tpu.memref_slice %arg5[%dma_wait3A_68, %dma_wait3A_69] : memref<16x1024xf32, #tpu.memory_space<vmem>> -> memref<16x1024xf32, #tpu.memory_space<vmem>>
        %dma_wait3A_71 = arith.constant 0 : i32
        %dma_wait3A_72 = arith.constant 0 : i32
        %dma_wait3A_73 = tpu.memref_slice %arg2[%dma_wait3A_71, %dma_wait3A_72] : memref<16x1000000xf32, #tpu.memory_space<hbm>> -> memref<16x1024xf32, #tpu.memory_space<hbm>>
        tpu.wait_dma2 semaphore(%arg8 : memref<!tpu.dma_semaphore, #tpu.memory_space<semaphore_mem>>) src(%dma_wait3A_73 : memref<16x1024xf32, #tpu.memory_space<hbm>>) dst(%dma_wait3A_70 : memref<16x1024xf32, #tpu.memory_space<vmem>>)
        %scan3A_74 = arith.constant 0 : i32
        %scan3A_75 = arith.constant 0 : i32
        %scan3A_76 = arith.constant 1024 : i32
        %scan3A_77 = arith.addi %scan3A_75, %scan3A_76 : i32
        %scan3A_78 = arith.constant 1 : i32
        scf.for %scan3A_82 = %scan3A_75 to %scan3A_77 step %scan3A_78  : i32 {
          %broadcast_in_dim3A = vector.broadcast %scan3A_82 : i32 to vector<16xi32>
          %gather3A = tpu.vector_load_idx %arg5[%iota3A_4, %broadcast_in_dim3A] : memref<16x1024xf32, #tpu.memory_space<vmem>>[vector<16xi32>, vector<16xi32>], vector<16xf32>,
          %div3A = arith.constant 8 : i32
          %div3A_83 = arith.divsi %scan3A_82, %div3A : i32
          %rem3A = arith.constant 8 : i32
          %rem3A_84 = arith.remsi %scan3A_82, %rem3A : i32
          %mul3A_85 = arith.constant 16 : i32
          %mul3A_86 = arith.muli %rem3A_84, %mul3A_85 : i32
          %swap3A = arith.index_cast %div3A_83 : i32 to index
          %swap3A_87 = arith.index_cast %mul3A_86 : i32 to index
          %swap3A_88 = tpu.vector_load %arg6[%swap3A, %swap3A_87] {strides = array<i32>} : memref<128x128xf32, #tpu.memory_space<vmem>>, vector<16xf32>,
          tpu.vector_store %arg6[%swap3A, %swap3A_87], %gather3A {strides = array<i32>} : memref<128x128xf32, #tpu.memory_space<vmem>>, vector<16xf32>,
        }
        %scan3A_79 = arith.constant 1024 : i32
        %mul3A_80 = arith.constant 128 : i32
        %mul3A_81 = arith.muli %add3A_57, %mul3A_80 : i32
        %multiple_of3A = tpu.assume_multiple %mul3A_81, 8 : i32
        "tpu.region"() ({
          %run_scoped3A = tpu.sem_alloc : memref<!tpu.dma_semaphore, #tpu.memory_space<semaphore_mem>>
          %dma_start3A = arith.constant 0 : i32
          %dma_start3A_82 = arith.constant 0 : i32
          %dma_start3A_83 = tpu.memref_slice %arg6[%dma_start3A, %dma_start3A_82] : memref<128x128xf32, #tpu.memory_space<vmem>> -> memref<128x128xf32, #tpu.memory_space<vmem>>
          %dma_start3A_84 = arith.constant 0 : i32
          %dma_start3A_85 = tpu.memref_slice %arg3[%multiple_of3A, %dma_start3A_84] : memref<125000x128xf32, #tpu.memory_space<hbm>> -> memref<128x128xf32, #tpu.memory_space<hbm>>
          %dma_start3A_86 = arith.constant 0 : i32
          %dma_start3A_87 = tpu.memref_slice %arg3[%multiple_of3A, %dma_start3A_86] : memref<125000x128xf32, #tpu.memory_space<hbm>> -> memref<128x128xf32, #tpu.memory_space<hbm>>
          %dma_start3A_88 = arith.constant 0 : i32
          %dma_start3A_89 = arith.constant 0 : i32
          %dma_start3A_90 = tpu.memref_slice %arg6[%dma_start3A_88, %dma_start3A_89] : memref<128x128xf32, #tpu.memory_space<vmem>> -> memref<128x128xf32, #tpu.memory_space<vmem>>
          tpu.enqueue_dma source(%dma_start3A_90 : memref<128x128xf32, #tpu.memory_space<vmem>>) target(%dma_start3A_87 : memref<128x128xf32, #tpu.memory_space<hbm>>) target_semaphore(%run_scoped3A : memref<!tpu.dma_semaphore, #tpu.memory_space<semaphore_mem>>)
          %dma_wait3A_91 = arith.constant 0 : i32
          %dma_wait3A_92 = arith.constant 0 : i32
          %dma_wait3A_93 = tpu.memref_slice %arg6[%dma_wait3A_91, %dma_wait3A_92] : memref<128x128xf32, #tpu.memory_space<vmem>> -> memref<128x128xf32, #tpu.memory_space<vmem>>
          %dma_wait3A_94 = arith.constant 0 : i32
          %dma_wait3A_95 = tpu.memref_slice %arg3[%multiple_of3A, %dma_wait3A_94] : memref<125000x128xf32, #tpu.memory_space<hbm>> -> memref<128x128xf32, #tpu.memory_space<hbm>>
          %dma_wait3A_96 = arith.constant 0 : i32
          %dma_wait3A_97 = tpu.memref_slice %arg3[%multiple_of3A, %dma_wait3A_96] : memref<125000x128xf32, #tpu.memory_space<hbm>> -> memref<128x128xf32, #tpu.memory_space<hbm>>
          %dma_wait3A_98 = arith.constant 0 : i32
          %dma_wait3A_99 = arith.constant 0 : i32
          %dma_wait3A_100 = tpu.memref_slice %arg6[%dma_wait3A_98, %dma_wait3A_99] : memref<128x128xf32, #tpu.memory_space<vmem>> -> memref<128x128xf32, #tpu.memory_space<vmem>>
          tpu.wait_dma2 semaphore(%run_scoped3A : memref<!tpu.dma_semaphore, #tpu.memory_space<semaphore_mem>>) src(%dma_wait3A_100 : memref<128x128xf32, #tpu.memory_space<vmem>>) dst(%dma_wait3A_97 : memref<128x128xf32, #tpu.memory_space<hbm>>)
          tpu.yield
        }) : () -> ()
      } else {
      }
    }
    %scan3A_13 = arith.constant 16 : i32
    %eq3A = arith.constant 0 : i32
    %eq3A_14 = arith.cmpi eq, %add3A, %eq3A : i32
    %convert_element_type3A_15 = arith.extui %eq3A_14 : i1 to i32
    %cond3A_16 = arith.constant 0 : i32
    %cond3A_17 = arith.cmpi ne, %convert_element_type3A_15, %cond3A_16 : i32
    scf.if %cond3A_17 {
      %multiple_of3A = arith.constant 999424 : i32
      %multiple_of3A_18 = tpu.assume_multiple %multiple_of3A, 128 : i32
      "tpu.region"() ({
        %run_scoped3A = tpu.sem_alloc : memref<!tpu.dma_semaphore, #tpu.memory_space<semaphore_mem>>
        %dma_start3A = arith.constant 0 : i32
        %dma_start3A_25 = arith.constant 0 : i32
        %dma_start3A_26 = tpu.memref_slice %arg4[%dma_start3A, %dma_start3A_25] : memref<16x1024xf32, #tpu.memory_space<vmem>> -> memref<16x512xf32, #tpu.memory_space<vmem>>
        %dma_start3A_27 = arith.constant 0 : i32
        %dma_start3A_28 = tpu.memref_slice %arg2[%dma_start3A_27, %multiple_of3A_18] : memref<16x1000000xf32, #tpu.memory_space<hbm>> -> memref<16x512xf32, #tpu.memory_space<hbm>>
        %dma_start3A_29 = arith.constant 0 : i32
        %dma_start3A_30 = arith.constant 0 : i32
        %dma_start3A_31 = tpu.memref_slice %arg4[%dma_start3A_29, %dma_start3A_30] : memref<16x1024xf32, #tpu.memory_space<vmem>> -> memref<16x512xf32, #tpu.memory_space<vmem>>
        %dma_start3A_32 = arith.constant 0 : i32
        %dma_start3A_33 = tpu.memref_slice %arg2[%dma_start3A_32, %multiple_of3A_18] : memref<16x1000000xf32, #tpu.memory_space<hbm>> -> memref<16x512xf32, #tpu.memory_space<hbm>>
        tpu.enqueue_dma source(%dma_start3A_33 : memref<16x512xf32, #tpu.memory_space<hbm>>) target(%dma_start3A_31 : memref<16x512xf32, #tpu.memory_space<vmem>>) target_semaphore(%run_scoped3A : memref<!tpu.dma_semaphore, #tpu.memory_space<semaphore_mem>>)
        %dma_wait3A = arith.constant 0 : i32
        %dma_wait3A_34 = arith.constant 0 : i32
        %dma_wait3A_35 = tpu.memref_slice %arg4[%dma_wait3A, %dma_wait3A_34] : memref<16x1024xf32, #tpu.memory_space<vmem>> -> memref<16x512xf32, #tpu.memory_space<vmem>>
        %dma_wait3A_36 = arith.constant 0 : i32
        %dma_wait3A_37 = tpu.memref_slice %arg2[%dma_wait3A_36, %multiple_of3A_18] : memref<16x1000000xf32, #tpu.memory_space<hbm>> -> memref<16x512xf32, #tpu.memory_space<hbm>>
        %dma_wait3A_38 = arith.constant 0 : i32
        %dma_wait3A_39 = arith.constant 0 : i32
        %dma_wait3A_40 = tpu.memref_slice %arg4[%dma_wait3A_38, %dma_wait3A_39] : memref<16x1024xf32, #tpu.memory_space<vmem>> -> memref<16x512xf32, #tpu.memory_space<vmem>>
        %dma_wait3A_41 = arith.constant 0 : i32
        %dma_wait3A_42 = tpu.memref_slice %arg2[%dma_wait3A_41, %multiple_of3A_18] : memref<16x1000000xf32, #tpu.memory_space<hbm>> -> memref<16x512xf32, #tpu.memory_space<hbm>>
        tpu.wait_dma2 semaphore(%run_scoped3A : memref<!tpu.dma_semaphore, #tpu.memory_space<semaphore_mem>>) src(%dma_wait3A_42 : memref<16x512xf32, #tpu.memory_space<hbm>>) dst(%dma_wait3A_40 : memref<16x512xf32, #tpu.memory_space<vmem>>)
        tpu.yield
      }) : () -> ()
      %scan3A_19 = arith.constant 0 : i32
      %scan3A_20 = arith.constant 0 : i32
      %scan3A_21 = arith.constant 512 : i32
      %scan3A_22 = arith.addi %scan3A_20, %scan3A_21 : i32
      %scan3A_23 = arith.constant 1 : i32
      scf.for %scan3A_25 = %scan3A_20 to %scan3A_22 step %scan3A_23  : i32 {
        %broadcast_in_dim3A = vector.broadcast %scan3A_25 : i32 to vector<16xi32>
        %gather3A = tpu.vector_load_idx %arg4[%iota3A_4, %broadcast_in_dim3A] : memref<16x1024xf32, #tpu.memory_space<vmem>>[vector<16xi32>, vector<16xi32>], vector<16xf32>,
        %div3A = arith.constant 8 : i32
        %div3A_26 = arith.divsi %scan3A_25, %div3A : i32
        %rem3A = arith.constant 8 : i32
        %rem3A_27 = arith.remsi %scan3A_25, %rem3A : i32
        %mul3A_28 = arith.constant 16 : i32
        %mul3A_29 = arith.muli %rem3A_27, %mul3A_28 : i32
        %swap3A = arith.index_cast %div3A_26 : i32 to index
        %swap3A_30 = arith.index_cast %mul3A_29 : i32 to index
        %swap3A_31 = tpu.vector_load %arg6[%swap3A, %swap3A_30] {strides = array<i32>} : memref<128x128xf32, #tpu.memory_space<vmem>>, vector<16xf32>,
        tpu.vector_store %arg6[%swap3A, %swap3A_30], %gather3A {strides = array<i32>} : memref<128x128xf32, #tpu.memory_space<vmem>>, vector<16xf32>,
      }
      %scan3A_24 = arith.constant 512 : i32
      "tpu.region"() ({
        %run_scoped3A = tpu.sem_alloc : memref<!tpu.dma_semaphore, #tpu.memory_space<semaphore_mem>>
        %dma_start3A = arith.constant 0 : i32
        %dma_start3A_25 = arith.constant 0 : i32
        %dma_start3A_26 = tpu.memref_slice %arg6[%dma_start3A, %dma_start3A_25] : memref<128x128xf32, #tpu.memory_space<vmem>> -> memref<64x128xf32, #tpu.memory_space<vmem>>
        %dma_start3A_27 = arith.constant 124928 : i32
        %dma_start3A_28 = arith.constant 0 : i32
        %dma_start3A_29 = tpu.memref_slice %arg3[%dma_start3A_27, %dma_start3A_28] : memref<125000x128xf32, #tpu.memory_space<hbm>> -> memref<64x128xf32, #tpu.memory_space<hbm>>
        %dma_start3A_30 = arith.constant 124928 : i32
        %dma_start3A_31 = arith.constant 0 : i32
        %dma_start3A_32 = tpu.memref_slice %arg3[%dma_start3A_30, %dma_start3A_31] : memref<125000x128xf32, #tpu.memory_space<hbm>> -> memref<64x128xf32, #tpu.memory_space<hbm>>
        %dma_start3A_33 = arith.constant 0 : i32
        %dma_start3A_34 = arith.constant 0 : i32
        %dma_start3A_35 = tpu.memref_slice %arg6[%dma_start3A_33, %dma_start3A_34] : memref<128x128xf32, #tpu.memory_space<vmem>> -> memref<64x128xf32, #tpu.memory_space<vmem>>
        tpu.enqueue_dma source(%dma_start3A_35 : memref<64x128xf32, #tpu.memory_space<vmem>>) target(%dma_start3A_32 : memref<64x128xf32, #tpu.memory_space<hbm>>) target_semaphore(%run_scoped3A : memref<!tpu.dma_semaphore, #tpu.memory_space<semaphore_mem>>)
        %dma_wait3A = arith.constant 0 : i32
        %dma_wait3A_36 = arith.constant 0 : i32
        %dma_wait3A_37 = tpu.memref_slice %arg6[%dma_wait3A, %dma_wait3A_36] : memref<128x128xf32, #tpu.memory_space<vmem>> -> memref<64x128xf32, #tpu.memory_space<vmem>>
        %dma_wait3A_38 = arith.constant 124928 : i32
        %dma_wait3A_39 = arith.constant 0 : i32
        %dma_wait3A_40 = tpu.memref_slice %arg3[%dma_wait3A_38, %dma_wait3A_39] : memref<125000x128xf32, #tpu.memory_space<hbm>> -> memref<64x128xf32, #tpu.memory_space<hbm>>
        %dma_wait3A_41 = arith.constant 124928 : i32
        %dma_wait3A_42 = arith.constant 0 : i32
        %dma_wait3A_43 = tpu.memref_slice %arg3[%dma_wait3A_41, %dma_wait3A_42] : memref<125000x128xf32, #tpu.memory_space<hbm>> -> memref<64x128xf32, #tpu.memory_space<hbm>>
        %dma_wait3A_44 = arith.constant 0 : i32
        %dma_wait3A_45 = arith.constant 0 : i32
        %dma_wait3A_46 = tpu.memref_slice %arg6[%dma_wait3A_44, %dma_wait3A_45] : memref<128x128xf32, #tpu.memory_space<vmem>> -> memref<64x128xf32, #tpu.memory_space<vmem>>
        tpu.wait_dma2 semaphore(%run_scoped3A : memref<!tpu.dma_semaphore, #tpu.memory_space<semaphore_mem>>) src(%dma_wait3A_46 : memref<64x128xf32, #tpu.memory_space<vmem>>) dst(%dma_wait3A_43 : memref<64x128xf32, #tpu.memory_space<hbm>>)
        tpu.yield
      }) : () -> ()
    } else {
    }
    return
  }
}

</mosaic_0001>

<sc_bundles>
// kernel: kernel.4.cloned.1.call-start
scs
__scs_entry_jumppad:
0x0: {  	(pc) =	sbr.rel $0x88, $3  }
0x1: {  	(tag) =	ssettag $0x0;
	lr =	simm.s32 $0x1  }
0x2: {  	[smem:$0x3F9C] =	sst lr;
	_ =	strace $0xD0000000  }
0x3: {  	_ = 	snop  }
0x4: {  	_ = 	snop  }
0x5: {  	_ = 	snop  }
0x6: {  	_ = 	snop  }
0x7: {  	_ = 	snop  }
__scs_overlays_trampoline_lowered:
0x8: {  	[smem:$0x3FAB] =	sst s0  }
0x9: {  	[smem:$0x3FAC] =	sst s1  }
0xa: {  	[smem:$0x3FAD] =	sst s2  }
0xb: {  	[smem:$0x3FAE] =	sst s3  }
0xc: {  	[smem:$0x3FAF] =	sst s4  }
0xd: {  	[smem:$0x3FB0] =	sst s5  }
0xe: {  	[smem:$0x3FB1] =	sst s6  }
0xf: {  	[smem:$0x3FB2] =	sst s7  }
0x10: {  	[smem:$0x3FB3] =	sst s8  }
0x11: {  	[smem:$0x3FB4] =	sst s9;
	s0 =	simm.s32 @!p0 $0x0  }
0x12: {  	s1 =	sld [smem:$0x3F9A];
	s0 =	simm.s32 @p0 $0x1  }
0x13: {  	[smem:$0x3FB5] =	sst s0;
	s0 =	simm.s32 @!p1 $0x0  }
0x14: {  	s2 =	sld [smem:$0x3F99];
	s0 =	simm.s32 @p1 $0x1  }
0x15: {  	[smem:$0x3FB6] =	sst s0;
	s0 =	simm.s32 @!p2 $0x0  }
0x16: {  	s3 =	sld [smem:$0x3FDB];
	s0 =	simm.s32 @p2 $0x1  }
0x17: {  	s4 =	simm.s32 $0x1BF5;
	[smem:$0x3FB8] =	sst s0  }
0x18: {  	s0 =	sld [smem:$0x3F9B];
	_ =	swait.ge [sflag:s4], $0x0  }
0x19: {  	s7 =	sld [smem:$0x3F9C]  }
0x1a: {  	s8 =	sadd.s32 $0xFFFFE003, lr  }
0x1b: {  	s9 =	sadd.s32 $0xFFFFFEF7, lr;
	s5 =	simm.s32 $0xFFFFFFFF;
	p2 =	slt.u32 s8, $0xFFFFF086  }
0x1c: {  	p1 =	slt.u32 s9, $0xF7A;
	s5 =	simm.s32 @!p2 $0x0  }
0x1d: {  	s5 =	simm.s32 @p1 $0x1;
	p0 =	seq.s32 s7, s2  }
0x1e: {  	s7 =	smul.u32 @!p0 $0xF7A, s2;
	p2 =	seq.s32 @!p0 s5, $0x0  }
0x1f: {  	s9 =	smul.u32 $0xF7A, s1;
	s8 =	simm.s32 @!p0 $0x1BF5;
	p2 =	por !p2, p0  }
0x20: {  	[sflag:s8] =	ssyncset.s32 @!p0 $0xFFFFF086;
	s6 =	sadd.s32 @!p0 s3, s7;
	s7 =	simm.s32 @!p0 $0x108  }
0x21: {  	s3 =	sadd.s32 s3, s9;
	s6 =	sadd.s32 @!p0 $0x88, s6;
	s7 =	simm.s32 @p2 $0x1082  }
0x22: {  	[simem:s7], [sflag:s8] =	dma.local @!p0 [hbm:s6], $0xF7A  }
0x23: {  	s9 =	sor.u32 $0xD0000000, s2;
	s6 =	simm.s32 $0x108;
	_ =	swait.ge @!p0 [sflag:s8], $0x0  }
0x24: {  	s3 =	sadd.s32 $0x88, s3;
	s6 =	simm.s32 @!p1 $0x1082;
	[sflag:s4] =	ssyncset.s32 $0xFFFFF086  }
0x25: {  	[simem:s6], [sflag:s4] =	dma.local [hbm:s3], $0xF7A  }
0x26: {  	[smem:$0x3F9C] =	sst s1;
	(tag) =	ssettag s2;
	_ =	strace s9  }
0x27: {  	s1 =	sld [smem:$0x3FAC]  }
0x28: {  	s2 =	sld [smem:$0x3FAD]  }
0x29: {  	s4 =	sld [smem:$0x3FAF]  }
0x2a: {  	p0 =	seq.s32 s5, $0x0;
	s5 =	sld [smem:$0x3FB0]  }
0x2b: {  	s6 =	sld [smem:$0x3FB1]  }
0x2c: {  	s7 =	sld [smem:$0x3FB2]  }
0x2d: {  	s3 =	simm.s32 $0x108;
	s8 =	sld [smem:$0x3FB3]  }
0x2e: {  	s3 =	simm.s32 @!p0 $0x1082;
	s9 =	sld [smem:$0x3FB4]  }
0x2f: {  	lr =	sadd.s32 s0, s3;
	s0 =	sld [smem:$0x3FAB]  }
0x30: {  	s3 =	sld [smem:$0x3FAE]  }
0x31: {  	[smem:$0x3FB7] =	sst s10  }
0x32: {  	s10 =	sld [smem:$0x3FB5];
	_ =	sdelay $0x3  }
0x33: {  	p0 =	seq.s32 s10, $0x1;
	s10 =	sld [smem:$0x3FB7];
	_ =	sdelay $0x3  }
0x34: {  	[smem:$0x3FB7] =	sst s10  }
0x35: {  	s10 =	sld [smem:$0x3FB6];
	_ =	sdelay $0x3  }
0x36: {  	p1 =	seq.s32 s10, $0x1;
	s10 =	sld [smem:$0x3FB7];
	_ =	sdelay $0x3  }
0x37: {  	[smem:$0x3FB7] =	sst s10  }
0x38: {  	s10 =	sld [smem:$0x3FB8]  }
0x39: {  	_ = 	snop;
	(pc) =	sbr.ind lr, $3  }
0x3a: {  	_ = 	snop  }
0x3b: {  	_ = 	snop  }
0x3c: {  	p2 =	seq.s32 s10, $0x1;
	s10 =	sld [smem:$0x3FB7]  }
0x3d: {  	_ =	shalt  }
0x3e: {  	_ =	shalt  }
0x3f: {  	_ =	shalt  }
0x40: {  	_ =	shalt  }
0x41: {  	_ =	shalt  }
0x42: {  	_ =	shalt  }
0x43: {  	_ =	shalt  }
0x44: {  	_ =	shalt  }
0x45: {  	_ =	shalt  }
0x46: {  	_ =	shalt  }
0x47: {  	_ =	shalt  }
0x48: {  	_ =	shalt  }
0x49: {  	_ =	shalt  }
0x4a: {  	_ =	shalt  }
0x4b: {  	_ =	shalt  }
0x4c: {  	_ =	shalt  }
0x4d: {  	_ =	shalt  }
0x4e: {  	_ =	shalt  }
0x4f: {  	_ =	shalt  }
0x50: {  	_ =	shalt  }
0x51: {  	_ =	shalt  }
0x52: {  	_ =	shalt  }
0x53: {  	_ =	shalt  }
0x54: {  	_ =	shalt  }
0x55: {  	_ =	shalt  }
0x56: {  	_ =	shalt  }
0x57: {  	_ =	shalt  }
0x58: {  	_ =	shalt  }
0x59: {  	_ =	shalt  }
0x5a: {  	_ =	shalt  }
0x5b: {  	_ =	shalt  }
0x5c: {  	_ =	shalt  }
0x5d: {  	_ =	shalt  }
0x5e: {  	_ =	shalt  }
0x5f: {  	_ =	shalt  }
0x60: {  	_ =	shalt  }
0x61: {  	_ =	shalt  }
0x62: {  	_ =	shalt  }
0x63: {  	_ =	shalt  }
0x64: {  	_ =	shalt  }
0x65: {  	_ =	shalt  }
0x66: {  	_ =	shalt  }
0x67: {  	_ =	shalt  }
0x68: {  	_ =	shalt  }
0x69: {  	_ =	shalt  }
0x6a: {  	_ =	shalt  }
0x6b: {  	_ =	shalt  }
0x6c: {  	_ =	shalt  }
0x6d: {  	_ =	shalt  }
0x6e: {  	_ =	shalt  }
0x6f: {  	_ =	shalt  }
0x70: {  	_ =	shalt  }
0x71: {  	_ =	shalt  }
0x72: {  	_ =	shalt  }
0x73: {  	_ =	shalt  }
0x74: {  	_ =	shalt  }
0x75: {  	_ =	shalt  }
0x76: {  	_ =	shalt  }
0x77: {  	_ =	shalt  }
0x78: {  	_ =	shalt  }
0x79: {  	_ =	shalt  }
0x7a: {  	_ =	shalt  }
0x7b: {  	_ =	shalt  }
0x7c: {  	_ =	shalt  }
0x7d: {  	_ =	shalt  }
0x7e: {  	_ =	shalt  }
0x7f: {  	_ =	shalt  }
0x80: {  	_ =	shalt  }
0x81: {  	_ =	shalt  }
0x82: {  	_ =	shalt  }
0x83: {  	_ =	shalt  }
0x84: {  	_ =	shalt  }
0x85: {  	_ =	shalt  }
0x86: {  	_ =	shalt  }
0x87: {  	_ =	shalt  }
.Lfunc_end0:
.L_simem_size_0:
called_computation_lowered:
.L_overlay_start_0:
0x88: {  	s2 =	sld [smem:$0x3FD9]  }
0x89: {  	s3 =	sld [smem:$0x3FFE];
	_ =	sdelay $0x1  }
0x8a: {  	s1 =	srdreg.scid  }
0x8b: {  	s0 =	sand.u32 $0x1, s1  }
0x8c: {  	s17 =	sshll.u32 s0, $0xA;
	s2 =	sadd.s32 s3, s2  }
0x8d: {  	s2 =	sadd.s32 s2, s17  }
0x8e: {  	[smem:$0x3FC3] =	sst s2  }
0x8f: {  	_ = 	snop  }
0x90: {  	s2 =	sld [smem:$0x3FC7];
	(tm) =	ssettm $0x1  }
0x91: {  	s18 =	sld [smem:$0x3FFB];
	_ =	sdelay $0x3  }
0x92: {  	_ =	strace s18  }
0x93: {  	s3 =	sld [smem:$0x3FFC];
	_ =	sdelay $0x3  }
0x94: {  	_ =	strace s3  }
0x95: {  	s3 =	sld [smem:$0x3FFD];
	_ =	sdelay $0x3  }
0x96: {  	_ =	strace s3  }
0x97: {  	_ =	strace $0x8FFFFFFF  }
0x98: {  	s19 =	sld [smem:$0x3FDB];
	_ =	sdelay $0x1  }
0x99: {  	s4 =	simm.s32 $_scs_section_size  }
0x9a: {  	s5 =	simm.s32 $_size__tile_overlayer_lowered;
	s6 =	simm.s32 $_tile_overlayer_lowered  }
0x9b: {  	s22 =	simm.s32 $0x1BFF;
	s21 =	sshll.u32 s6, $0x1;
	s3 =	sadd.s32 s4, s19  }
0x9c: {  	s7 =	simm.s32 $0x0;
	s20 =	sshll.u32 s5, $0x1;
	s5 =	sadd.s32 s21, s3  }
0x9d: {  	[timem:s7], [sflag:s22] =	dma.local [hbm:s5], s20  }
0x9e: {  	_ =	swait.ge [sflag:s22], s20  }
0x9f: {  	s4 =	ssub.s32 $0x0, s20;
	[sflag:s22] =	ssyncset.done $0x0  }
0xa0: {  	[sflag:s22] =	ssyncadd.s32 s4;
	_ =	sdelay $0x1  }
0xa1: {  	s23 =	simm.s32 $0x1B8B  }
0xa2: {  	_ =	swait.ge [sflag:s23], $0x1  }
0xa3: {  	[sflag:s23] =	ssyncset.done $0x0  }
0xa4: {  	s25 =	simm.s32 $0x1B8E;
	s24 =	sld [smem:$0x3FFE];
	[sflag:s23] =	ssyncadd.s32 $0xFFFFFFFF  }
0xa5: {  	s26 =	simm.s32 $execute0_lowered;
	[smem:$0x3FD2] =	sst s25  }
0xa6: {  	s5 =	sshll.u32 s26, $0x1;
	_ =	strace $0x80000046;
	[dreg:$0x1] =	wrdreg $0xFFFFFFFF  }
0xa7: {  	s28 =	simm.s32 $_size_execute0_lowered;
	s3 =	sadd.s32 s3, s5;
	[dreg:$0x0] =	wrdreg $0x0  }
0xa8: {  	s5 =	sshll.u32 s28, $0x1;
	[dreg:$0x2] =	wrdreg s3  }
0xa9: {  	[dreg:$0x3] =	wrdreg s5  }
0xaa: {  	[dreg:$0x4] =	wrdreg $0xC0  }
0xab: {  	_ =	task [dreg:s7], $0x5FFFF  }
0xac: {  	[dreg:$0x1] =	wrdreg $0xFFFFFFFF  }
0xad: {  	[dreg:$0x0] =	wrdreg $0x60  }
0xae: {  	[dreg:$0x2] =	wrdreg s2  }
0xaf: {  	[dreg:$0x3] =	wrdreg s24  }
0xb0: {  	[dreg:$0x4] =	wrdreg $0x9  }
0xb1: {  	_ =	task.clear_ibuf [dreg:s7], $0x5FFFF;
	_ =	strace $0x90000046  }
0xb2: {  	s29 =	simm.s32 $0x9;
	_ =	strace $0x80000048  }
0xb3: {  	_ =	swait.ge [sflag:s29], $0x1  }
0xb4: {  	[sflag:s29] =	ssyncadd.s32 $0xFFFFFFFF  }
0xb5: {  	_ =	strace $0x90000048  }
0xb6: {  	_ =	sfence  }
0xb7: {  	s30 =	sld [smem:$0x0];
	_ =	sdelay $0x2  }
0xb8: {  	s31 =	sshll.u32 s1, $0xD;
	s1 =	sshrl.u32 s1, $0x2  }
0xb9: {  	s3 =	sand.u32 $0x4000, s31;
	s1 =	sadd.s32 s1, s30  }
0xba: {  	s0 =	sor.u32 s3, s0;
	s1 =	sshll.u32 s1, $0x11  }
0xbb: {  	s0 =	sor.u32 s1, s0  }
0xbc: {  	s0 =	sadd.s32 $0x8F2B, s0  }
0xbd: {  	[sflag:s0] =	ssyncadd.remote.s32 $0x1  }
0xbe: {  	_ =	sfence.sel $0xFFFF  }
0xbf: {  	[dreg:$0x0] =	wrdreg $0xFFFFFFFF;
	(pc) =	sbr.abs _section_cstart, $3  }
0xc0: {  	[dreg:$0x1] =	wrdreg $0xFFFFFFFF  }
0xc1: {  	_ =	task.clear_ibuf [dreg:s7], $0x2FFFF;
	_ =	strace $0x9FFFFFFF  }
0xc2: {  	(tm) =	ssettm $0x7FFFFFFF  }
0xc3: {  	_ =	shalt  }
tec
execute0_lowered:
.L_overlay_start_1:
0x0: {  	(tag) =	ssettag $0x1  }
0x1: {  	v0 =	vimm.s32 $0x2380;
	vm0 =	vcmask $0x300  }
0x2: {  	vm14 =	vcmask $0x704;
	v0 =	vsel vm0, $0x0, v0  }
0x3: {  	vm15 =	vcmask $0xB08;
	v0 =	vsel vm14, $0x80, v0  }
0x4: {  	vm4 =	vcmask $0xF0C;
	v0 =	vsel vm15, $0x100, v0  }
0x5: {  	s1 =	rddreg [dreg:$0x0];
	vm5 =	vcmask $0x1310;
	v0 =	vsel vm4, $0x180, v0  }
0x6: {  	s9 =	rddreg [dreg:$0x1];
	vm6 =	vcmask $0x1714;
	v0 =	vsel vm5, $0x200, v0  }
0x7: {  	s0 =	rddreg [dreg:$0x2];
	s4 =	srdreg.scid;
	vm7 =	vcmask $0x1B18;
	s3 =	simm.s32 $0x0;
	v0 =	vsel vm6, $0x280, v0  }
0x8: {  	s2 =	stileid.u32;
	vm8 =	vcmask $0x1F1C;
	s11 =	simm.s32 $0x2000;
	s12 =	simm.s32 $0x7A1400;
	v0 =	vsel vm7, $0x300, v0  }
0x9: {  	vm9 =	vcmask $0x2320;
	s13 =	simm.s32 $0x1;
	s14 =	simm.s32 $0x8000;
	s15 =	simm.s32 $0x4;
	v0 =	vsel vm8, $0x380, v0  }
0xa: {  	vm10 =	vcmask $0x2724;
	s16 =	simm.s32 $0x2;
	s17 =	simm.s32 $0x4000;
	s18 =	simm.s32 $0x3;
	v0 =	vsel vm9, $0x2000, v0  }
0xb: {  	vm11 =	vcmask $0x2B28;
	s19 =	simm.s32 $0x0;
	s4 =	sand.u32 $0x1, s4;
	[smem:$0x7FF] =	sst s3;
	v0 =	vsel vm10, $0x2080, v0  }
.Ltmp0:
0xc: {  	vm12 =	vcmask $0x2F2C;
	s5 =	sshll.u32 s2, $0x1;
	s8 =	sadd.s32 $0xF4000, s1;
	v0 =	vsel vm11, $0x2100, v0;
	(pc) =	sbr.rel .LBB2_1-.Ltmp0, $4  }
0xd: {  	vm13 =	vcmask $0x3330;
	s6 =	ssub.s32 $0x2, s4;
	_ =	strace $0x80000047;
	s4 =	sor.u32 s4, s5;
	v0 =	vsel vm12, $0x2180, v0  }
0xe: {  	s5 =	sadd.s32 $0x1000, s9;
	s9 =	sadd.s32 $0x1E9000, s9;
	vm14 =	vcmask $0x3734;
	s7 =	sshrl.u32 s6, $0x1;
	v0 =	vsel vm13, $0x2200, v0  }
0xf: {  	s31 =	sshll.u32 s4, $0xA;
	vm15 =	vcmask $0x3B38;
	p0 =	sne.s32 s4, $0x0;
	s10 =	ssub.s32 s6, s7;
	v0 =	vsel vm14, $0x2280, v0  }
0x10: {  	s6 =	sadd.s32 s1, s31;
	s7 =	sor.u32 $0x40, s4;
	s10 =	smax.u32 s10, $0x1;
	v0 =	vsel vm15, $0x2300, v0  }
.LBB2_11:
.Ltmp1:
0x11: {  	(pc) =	sbr.rel @!p0 .LBB2_12-.Ltmp1, $1  }
0x12: {  	_ =	sdelay $0x3  }
.LBB2_15:
0x13: {  	s19 =	sadd.s32 $0x1, s19  }
0x14: {  	p1 =	sne.s32 s19, s10  }
.Ltmp2:
0x15: {  	_ = 	snop;
	(pc) =	sbr.rel @!p1 .LBB2_16-.Ltmp2, $1  }
0x16: {  	_ =	sdelay $0x3  }
.LBB2_1:
.Ltmp3:
0x17: {  	(pc) =	sbr.rel .LBB2_2-.Ltmp3, $3  }
0x18: {  	_ =	sdelay $0x1  }
0x19: {  	[tilespmem:s3], [sflag:$0x1] =	stream.strided.gather [hbm4b:s6+s11], $0x4000, s12, s11, $0x38;
	[tilespmem:$0xC000] =	vst v63  }
0x1a: {  	s20 =	simm.s32 $0x0  }
.LBB2_10:
0x1b: {  	s20 =	sadd.s32 $0x1, s20  }
0x1c: {  	p1 =	sne.s32 s20, $0x10  }
.Ltmp4:
0x1d: {  	_ = 	snop;
	(pc) =	sbr.rel @!p1 .LBB2_11-.Ltmp4, $1  }
0x1e: {  	_ =	sdelay $0x3  }
.LBB2_2:
0x1f: {  	s22 =	sshll.u32 s20, $0x6  }
0x20: {  	s23 =	sor.u32 s22, s4  }
0x21: {  	p2 =	sgt.u32 s23, $0x3CF  }
.Ltmp5:
0x22: {  	s21 =	sor.u32 $0x20, s23;
	(pc) =	sbr.rel @p2 .LBB2_6-.Ltmp5, $4  }
0x23: {  	p1 =	sgt.u32 s21, $0x3CF  }
0x24: {  	s24 =	sshll.u32 @!p1 s21, $0xA;
	s25 =	simm.s32 @!p1 $0x2000  }
0x25: {  	s26 =	simm.s32 @!p1 $0x7A1400;
	s28 =	simm.s32 @!p1 $0x4000;
	s24 =	sadd.s32 @!p1 s1, s24  }
0x26: {  	[tilespmem:s28], [sflag:$0x2] =	stream.strided.gather @!p1 [hbm4b:s24+s25], $0x4000, s26, s25, $0x38;
	[tilespmem:$0xC000] =	vst v63  }
0x27: {  	s24 =	simm.s32 $0x0  }
0x28: {  	v1 =	vmov s24  }
0x29: {  	v2 =	vshll.u32 v1, $0x3  }
0x2a: {  	v1 =	vand.u32 $0x7F, v1;
	v2 =	vand.u32 $0x1C00, v2  }
0x2b: {  	v1 =	vor.u32 v2, v1  }
0x2c: {  	v1 =	vor.u32 v0, v1  }
0x2d: {  	s25 =	simm.s32 $0x1  }
0x2e: {  	_ =	swait.ge [sflag:s13], $0x4000;
	v2 =	vmov s25  }
0x2f: {  	[sflag:s13] =	ssyncset.done $0x0;
	v3 =	vshll.u32 v2, $0x3  }
0x30: {  	[sflag:s13] =	ssyncadd.s32 $0xFFFFC000;
	v2 =	vand.u32 $0x7F, v2;
	v3 =	vand.u32 $0x1C00, v3  }
0x31: {  	v3 =	vor.u32 v3, v2;
	v2 =	vld.idx.msk [tilespmem:v1+s3+$0x0], $0xffff  }
0x32: {  	v1 =	vor.u32 v0, v3  }
0x33: {  	s31 =	sand.u32 $0xFE00, s24  }
0x34: {  	s26 =	simm.s32 $0x2;
	s28 =	sand.u32 $0x70, s24;
	s25 =	sshrl.u32 s31, $0x2  }
0x35: {  	s28 =	sor.u32 s28, s25;
	s25 =	simm.s32 $0x0;
	v3 =	vmov s26;
	s26 =	simm.s32 $0x3  }
.LBB2_4:
0x36: {  	p2 =	sne.s32 s26, $0x3FF;
	v4 =	vshll.u32 v3, $0x3;
	[tilespmem:s28+$0x8000] =	vst v2  }
0x37: {  	v3 =	vand.u32 $0x7F, v3;
	v4 =	vand.u32 $0x1C00, v4;
	v2 =	vld.idx.msk [tilespmem:v1+s3+$0x0], $0xffff  }
.Ltmp6:
0x38: {  	v1 =	vor.u32 v4, v3;
	(pc) =	sbr.rel @p2 .LBB2_4-.Ltmp6, $4  }
0x39: {  	s24 =	sadd.s32 $0x40, s24;
	v1 =	vor.u32 v0, v1  }
0x3a: {  	s25 =	sadd.s32 $0x10, s25;
	s28 =	sand.u32 $0xFE00, s24  }
0x3b: {  	s29 =	sand.u32 $0x70, s25;
	s28 =	sshrl.u32 s28, $0x2  }
0x3c: {  	v3 =	vmov s26;
	s26 =	sadd.s32 $0x1, s26;
	s28 =	sor.u32 s29, s28  }
0x3d: {  	_ =	sdelay $0x1  }
0x3e: {  	v4 =	vshll.u32 v3, $0x3  }
0x3f: {  	[tilespmem:s28+$0x8000] =	vst v2;
	v2 =	vand.u32 $0x7F, v3;
	v3 =	vand.u32 $0x1C00, v4  }
0x40: {  	v1 =	vld.idx.msk [tilespmem:v1+s3+$0x0], $0xffff;
	v2 =	vor.u32 v3, v2  }
0x41: {  	s24 =	sadd.s32 $0x40, s24;
	v2 =	vor.u32 v0, v2  }
0x42: {  	s25 =	sadd.s32 $0x10, s25;
	s26 =	sand.u32 $0xFE00, s24  }
0x43: {  	s31 =	sand.u32 $0x70, s25;
	s26 =	sshrl.u32 s26, $0x2  }
0x44: {  	s26 =	sor.u32 s31, s26  }
0x45: {  	[tilespmem:s26+$0x8000] =	vst v1  }
0x46: {  	v1 =	vld.idx.msk [tilespmem:v2+s3+$0x0], $0xffff  }
0x47: {  	s24 =	sadd.s32 $0x40, s24  }
0x48: {  	s25 =	sadd.s32 $0x10, s25;
	s24 =	sand.u32 $0xFE00, s24  }
0x49: {  	s25 =	sand.u32 $0x70, s25;
	s24 =	sshrl.u32 s24, $0x2  }
0x4a: {  	s23 =	sshll.u32 s23, $0xB;
	s24 =	sor.u32 s25, s24  }
0x4b: {  	s23 =	sadd.s32 s5, s23;
	[tilespmem:s24+$0x8000] =	vst v1  }
0x4c: {  	[hbm4b:s23+s3] =	stream.linear.scatter [tilespmem:s14], [sflag:$0x4], $0x4000, $0x38;
	[tilespmem:$0xC000] =	vst v63  }
0x4d: {  	_ =	swait.ge [sflag:s15], $0x4000  }
0x4e: {  	[sflag:s15] =	ssyncset.done $0x0  }
0x4f: {  	[sflag:s15] =	ssyncadd.s32 $0xFFFFC000  }
.LBB2_6:
.Ltmp7:
0x50: {  	s22 =	sadd.s32 s7, s22;
	(pc) =	sbr.rel @p1 .LBB2_10-.Ltmp7, $4  }
0x51: {  	p2 =	sgt.u32 s22, $0x3CF  }
0x52: {  	s22 =	sshll.u32 @!p2 s22, $0xA;
	s23 =	simm.s32 @!p2 $0x2000  }
0x53: {  	s24 =	simm.s32 @!p2 $0x7A1400;
	s25 =	simm.s32 @!p2 $0x0;
	s22 =	sadd.s32 @!p2 s1, s22  }
0x54: {  	[tilespmem:s25], [sflag:$0x1] =	stream.strided.gather @!p2 [hbm4b:s22+s23], $0x4000, s24, s23, $0x38;
	[tilespmem:$0xC000] =	vst v63  }
0x55: {  	s22 =	simm.s32 $0x0  }
0x56: {  	v1 =	vmov s22  }
0x57: {  	v2 =	vshll.u32 v1, $0x3  }
0x58: {  	v1 =	vand.u32 $0x7F, v1;
	v2 =	vand.u32 $0x1C00, v2  }
0x59: {  	v1 =	vor.u32 v2, v1  }
0x5a: {  	v1 =	vor.u32 v0, v1  }
0x5b: {  	s23 =	simm.s32 $0x1  }
0x5c: {  	_ =	swait.ge [sflag:s16], $0x4000;
	v2 =	vmov s23  }
0x5d: {  	[sflag:s16] =	ssyncset.done $0x0;
	v3 =	vshll.u32 v2, $0x3  }
0x5e: {  	[sflag:s16] =	ssyncadd.s32 $0xFFFFC000;
	v2 =	vand.u32 $0x7F, v2;
	v3 =	vand.u32 $0x1C00, v3  }
0x5f: {  	v3 =	vor.u32 v3, v2;
	v2 =	vld.idx.msk [tilespmem:v1+s17+$0x0], $0xffff  }
0x60: {  	v1 =	vor.u32 v0, v3  }
0x61: {  	s31 =	sand.u32 $0xFE00, s22  }
0x62: {  	s24 =	simm.s32 $0x2;
	s25 =	sand.u32 $0x70, s22;
	s23 =	sshrl.u32 s31, $0x2  }
0x63: {  	s25 =	sor.u32 s25, s23;
	s23 =	simm.s32 $0x0;
	v3 =	vmov s24;
	s24 =	simm.s32 $0x3  }
.LBB2_8:
0x64: {  	p1 =	sne.s32 s24, $0x3FF;
	v4 =	vshll.u32 v3, $0x3;
	[tilespmem:s25+$0x8000] =	vst v2  }
0x65: {  	v3 =	vand.u32 $0x7F, v3;
	v4 =	vand.u32 $0x1C00, v4;
	v2 =	vld.idx.msk [tilespmem:v1+s17+$0x0], $0xffff  }
.Ltmp8:
0x66: {  	v1 =	vor.u32 v4, v3;
	(pc) =	sbr.rel @p1 .LBB2_8-.Ltmp8, $4  }
0x67: {  	s22 =	sadd.s32 $0x40, s22;
	v1 =	vor.u32 v0, v1  }
0x68: {  	s23 =	sadd.s32 $0x10, s23;
	s25 =	sand.u32 $0xFE00, s22  }
0x69: {  	s26 =	sand.u32 $0x70, s23;
	s25 =	sshrl.u32 s25, $0x2  }
0x6a: {  	v3 =	vmov s24;
	s24 =	sadd.s32 $0x1, s24;
	s25 =	sor.u32 s26, s25  }
0x6b: {  	_ =	sdelay $0x1  }
0x6c: {  	v4 =	vshll.u32 v3, $0x3  }
0x6d: {  	[tilespmem:s25+$0x8000] =	vst v2;
	v2 =	vand.u32 $0x7F, v3;
	v3 =	vand.u32 $0x1C00, v4  }
0x6e: {  	v1 =	vld.idx.msk [tilespmem:v1+s17+$0x0], $0xffff;
	v2 =	vor.u32 v3, v2  }
0x6f: {  	s22 =	sadd.s32 $0x40, s22;
	v2 =	vor.u32 v0, v2  }
0x70: {  	s23 =	sadd.s32 $0x10, s23;
	s24 =	sand.u32 $0xFE00, s22  }
0x71: {  	s31 =	sand.u32 $0x70, s23;
	s24 =	sshrl.u32 s24, $0x2  }
0x72: {  	s24 =	sor.u32 s31, s24  }
0x73: {  	[tilespmem:s24+$0x8000] =	vst v1  }
0x74: {  	v1 =	vld.idx.msk [tilespmem:v2+s17+$0x0], $0xffff  }
0x75: {  	s22 =	sadd.s32 $0x40, s22  }
0x76: {  	s23 =	sadd.s32 $0x10, s23;
	s22 =	sand.u32 $0xFE00, s22  }
0x77: {  	s23 =	sand.u32 $0x70, s23;
	s22 =	sshrl.u32 s22, $0x2  }
0x78: {  	s21 =	sshll.u32 s21, $0xB;
	s22 =	sor.u32 s23, s22  }
.Ltmp9:
0x79: {  	s21 =	sadd.s32 s5, s21;
	[tilespmem:s22+$0x8000] =	vst v1;
	(pc) =	sbr.rel .LBB2_10-.Ltmp9, $4  }
0x7a: {  	[hbm4b:s21+s3] =	stream.linear.scatter [tilespmem:s14], [sflag:$0x3], $0x4000, $0x38;
	[tilespmem:$0xC000] =	vst v63  }
0x7b: {  	_ =	swait.ge [sflag:s18], $0x4000  }
0x7c: {  	[sflag:s18] =	ssyncset.done $0x0  }
0x7d: {  	[sflag:s18] =	ssyncadd.s32 $0xFFFFC000  }
.LBB2_12:
0x7e: {  	s20 =	simm.s32 $0x0  }
0x7f: {  	v1 =	vmov s20  }
0x80: {  	v2 =	vshll.u32 v1, $0x3  }
0x81: {  	v1 =	vand.u32 $0x7F, v1;
	v2 =	vand.u32 $0xC00, v2  }
0x82: {  	[tilespmem:s20], [sflag:$0x3] =	stream.linear.gather [hbm4b:s8+s20], $0x1000, $0x38;
	v1 =	vor.u32 v2, v1;
	[tilespmem:$0xC000] =	vst v63  }
0x83: {  	s21 =	sadd.s32 $0xF4280, s8;
	s30 =	simm.s32 $0x1;
	v1 =	vor.u32 v0, v1  }
0x84: {  	[tilespmem:s11], [sflag:$0x3] =	stream.linear.gather [hbm4b:s21+s20], $0x1000, $0x38;
	[tilespmem:$0xC000] =	vst v63  }
0x85: {  	_ =	swait.ge [sflag:s18], $0x2000;
	v2 =	vmov s30  }
0x86: {  	[sflag:s18] =	ssyncset.done $0x0;
	v3 =	vshll.u32 v2, $0x3  }
0x87: {  	v2 =	vand.u32 $0x7F, v2;
	[sflag:s18] =	ssyncadd.s32 $0xFFFFE000;
	v3 =	vand.u32 $0xC00, v3  }
0x88: {  	v3 =	vor.u32 v3, v2;
	v2 =	vld.idx.msk [tilespmem:v1+s3+$0x0], $0xffff  }
0x89: {  	v1 =	vor.u32 v0, v3  }
0x8a: {  	s31 =	sand.u32 $0x7E00, s20  }
0x8b: {  	s22 =	simm.s32 $0x2;
	s23 =	sand.u32 $0x70, s20;
	s21 =	sshrl.u32 s31, $0x2  }
0x8c: {  	s23 =	sor.u32 s23, s21;
	s21 =	simm.s32 $0x0;
	v3 =	vmov s22;
	s22 =	simm.s32 $0x3  }
.LBB2_13:
0x8d: {  	p1 =	sne.s32 s22, $0x1FF;
	v4 =	vshll.u32 v3, $0x3;
	[tilespmem:s23+$0x8000] =	vst v2  }
0x8e: {  	v3 =	vand.u32 $0x7F, v3;
	v4 =	vand.u32 $0xC00, v4;
	v2 =	vld.idx.msk [tilespmem:v1+s3+$0x0], $0xffff  }
.Ltmp10:
0x8f: {  	v1 =	vor.u32 v4, v3;
	(pc) =	sbr.rel @p1 .LBB2_13-.Ltmp10, $4  }
0x90: {  	s20 =	sadd.s32 $0x40, s20;
	v1 =	vor.u32 v0, v1  }
0x91: {  	s21 =	sadd.s32 $0x10, s21;
	s23 =	sand.u32 $0x7E00, s20  }
0x92: {  	s24 =	sand.u32 $0x70, s21;
	s23 =	sshrl.u32 s23, $0x2  }
0x93: {  	v3 =	vmov s22;
	s22 =	sadd.s32 $0x1, s22;
	s23 =	sor.u32 s24, s23  }
0x94: {  	_ =	sdelay $0x1  }
0x95: {  	v4 =	vshll.u32 v3, $0x3  }
0x96: {  	[tilespmem:s23+$0x8000] =	vst v2;
	v2 =	vand.u32 $0x7F, v3;
	v3 =	vand.u32 $0xC00, v4  }
0x97: {  	v1 =	vld.idx.msk [tilespmem:v1+s3+$0x0], $0xffff;
	v2 =	vor.u32 v3, v2  }
0x98: {  	s20 =	sadd.s32 $0x40, s20;
	v2 =	vor.u32 v0, v2  }
0x99: {  	s21 =	sadd.s32 $0x10, s21;
	s22 =	sand.u32 $0x7E00, s20  }
0x9a: {  	s31 =	sand.u32 $0x70, s21;
	s22 =	sshrl.u32 s22, $0x2  }
0x9b: {  	s22 =	sor.u32 s31, s22  }
0x9c: {  	[tilespmem:s22+$0x8000] =	vst v1  }
0x9d: {  	v1 =	vld.idx.msk [tilespmem:v2+s3+$0x0], $0xffff  }
0x9e: {  	s20 =	sadd.s32 $0x40, s20  }
0x9f: {  	s21 =	sadd.s32 $0x10, s21;
	s20 =	sand.u32 $0x7E00, s20  }
0xa0: {  	s21 =	sand.u32 $0x70, s21;
	s20 =	sshrl.u32 s20, $0x2  }
0xa1: {  	s20 =	sor.u32 s21, s20  }
.Ltmp11:
0xa2: {  	[tilespmem:s20+$0x8000] =	vst v1;
	(pc) =	sbr.rel .LBB2_15-.Ltmp11, $4  }
0xa3: {  	[hbm4b:s9+s3] =	stream.linear.scatter [tilespmem:s14], [sflag:$0x3], $0x2000, $0x38;
	[tilespmem:$0xC000] =	vst v63  }
0xa4: {  	_ =	swait.ge [sflag:s18], $0x2000  }
0xa5: {  	[sflag:s18] =	ssyncset.done $0x0  }
0xa6: {  	[sflag:s18] =	ssyncadd.s32 $0xFFFFE000  }
.LBB2_16:
0xa7: {  	_ =	sfence.sel $0x180000  }
0xa8: {  	[bflag:$0x0] =	sbarrier.arrive $0xFFFF  }
0xa9: {  	p0 =	sne.s32 s2, $0x0;
	_ =	strace $0x90000047  }
0xaa: {  	s0 =	sadd.s32 @!p0 $0x100000, s0;
	[bflag:$0x2] =	sbarrier.arrive $0xFFFF  }
0xab: {  	[sflag:s0] =	ssyncadd.tile.s32 @!p0 $0x1;
	_ =	shalt  }
.Lfunc_end2:
_tile_overlayer_lowered:
.L_overlay_start_2:
0xac: {  	(tag) =	ssettag $0x2  }
0xad: {  	s0 =	rddreg [dreg:$0x0];
	s2 =	stileid.u32  }
0xae: {  	s1 =	rddreg [dreg:$0x1];
	p0 =	sne.s32 s2, $0x0  }
0xaf: {  	s3 =	rddreg [dreg:$0x2];
	[bflag:$0x3] =	sbarrier.arrive $0xFFFF;
	s2 =	simm.s32 @!p0 $0x1C03  }
0xb0: {  	[timem:s3], [sflag:s2] =	dma.local @!p0 [hbm:s0], s1  }
0xb1: {  	s0 =	simm.s32 @!p0 $0x3  }
0xb2: {  	_ =	swait.ge @!p0 [sflag:s0], s1  }
0xb3: {  	s1 =	ssub.s32 @!p0 $0x0, s1;
	[sflag:s0] =	ssyncset.done @!p0 $0x0  }
0xb4: {  	[sflag:s0] =	ssyncadd.s32 @!p0 s1  }
0xb5: {  	[bflag:$0x3] =	sbarrier.arrive $0xFFFF  }
0xb6: {  	_ =	shalt  }

// kernel: kernel.7.cloned.1.call-start
scs
__scs_entry_jumppad:
0x0: {  	(pc) =	sbr.rel $0x88, $3  }
0x1: {  	(tag) =	ssettag $0x0;
	lr =	simm.s32 $0x1  }
0x2: {  	[smem:$0x3F9C] =	sst lr;
	_ =	strace $0xD0000000  }
0x3: {  	_ = 	snop  }
0x4: {  	_ = 	snop  }
0x5: {  	_ = 	snop  }
0x6: {  	_ = 	snop  }
0x7: {  	_ = 	snop  }
__scs_overlays_trampoline_lowered:
0x8: {  	[smem:$0x3FAB] =	sst s0  }
0x9: {  	[smem:$0x3FAC] =	sst s1  }
0xa: {  	[smem:$0x3FAD] =	sst s2  }
0xb: {  	[smem:$0x3FAE] =	sst s3  }
0xc: {  	[smem:$0x3FAF] =	sst s4  }
0xd: {  	[smem:$0x3FB0] =	sst s5  }
0xe: {  	[smem:$0x3FB1] =	sst s6  }
0xf: {  	[smem:$0x3FB2] =	sst s7  }
0x10: {  	[smem:$0x3FB3] =	sst s8  }
0x11: {  	[smem:$0x3FB4] =	sst s9;
	s0 =	simm.s32 @!p0 $0x0  }
0x12: {  	s1 =	sld [smem:$0x3F9A];
	s0 =	simm.s32 @p0 $0x1  }
0x13: {  	[smem:$0x3FB5] =	sst s0;
	s0 =	simm.s32 @!p1 $0x0  }
0x14: {  	s2 =	sld [smem:$0x3F99];
	s0 =	simm.s32 @p1 $0x1  }
0x15: {  	[smem:$0x3FB6] =	sst s0;
	s0 =	simm.s32 @!p2 $0x0  }
0x16: {  	s3 =	sld [smem:$0x3FDB];
	s0 =	simm.s32 @p2 $0x1  }
0x17: {  	s4 =	simm.s32 $0x1BF5;
	[smem:$0x3FB8] =	sst s0  }
0x18: {  	s0 =	sld [smem:$0x3F9B];
	_ =	swait.ge [sflag:s4], $0x0  }
0x19: {  	s7 =	sld [smem:$0x3F9C]  }
0x1a: {  	s8 =	sadd.s32 $0xFFFFE003, lr  }
0x1b: {  	s9 =	sadd.s32 $0xFFFFFEF7, lr;
	s5 =	simm.s32 $0xFFFFFFFF;
	p2 =	slt.u32 s8, $0xFFFFF086  }
0x1c: {  	p1 =	slt.u32 s9, $0xF7A;
	s5 =	simm.s32 @!p2 $0x0  }
0x1d: {  	s5 =	simm.s32 @p1 $0x1;
	p0 =	seq.s32 s7, s2  }
0x1e: {  	s7 =	smul.u32 @!p0 $0xF7A, s2;
	p2 =	seq.s32 @!p0 s5, $0x0  }
0x1f: {  	s9 =	smul.u32 $0xF7A, s1;
	s8 =	simm.s32 @!p0 $0x1BF5;
	p2 =	por !p2, p0  }
0x20: {  	[sflag:s8] =	ssyncset.s32 @!p0 $0xFFFFF086;
	s6 =	sadd.s32 @!p0 s3, s7;
	s7 =	simm.s32 @!p0 $0x108  }
0x21: {  	s3 =	sadd.s32 s3, s9;
	s6 =	sadd.s32 @!p0 $0x88, s6;
	s7 =	simm.s32 @p2 $0x1082  }
0x22: {  	[simem:s7], [sflag:s8] =	dma.local @!p0 [hbm:s6], $0xF7A  }
0x23: {  	s9 =	sor.u32 $0xD0000000, s2;
	s6 =	simm.s32 $0x108;
	_ =	swait.ge @!p0 [sflag:s8], $0x0  }
0x24: {  	s3 =	sadd.s32 $0x88, s3;
	s6 =	simm.s32 @!p1 $0x1082;
	[sflag:s4] =	ssyncset.s32 $0xFFFFF086  }
0x25: {  	[simem:s6], [sflag:s4] =	dma.local [hbm:s3], $0xF7A  }
0x26: {  	[smem:$0x3F9C] =	sst s1;
	(tag) =	ssettag s2;
	_ =	strace s9  }
0x27: {  	s1 =	sld [smem:$0x3FAC]  }
0x28: {  	s2 =	sld [smem:$0x3FAD]  }
0x29: {  	s4 =	sld [smem:$0x3FAF]  }
0x2a: {  	p0 =	seq.s32 s5, $0x0;
	s5 =	sld [smem:$0x3FB0]  }
0x2b: {  	s6 =	sld [smem:$0x3FB1]  }
0x2c: {  	s7 =	sld [smem:$0x3FB2]  }
0x2d: {  	s3 =	simm.s32 $0x108;
	s8 =	sld [smem:$0x3FB3]  }
0x2e: {  	s3 =	simm.s32 @!p0 $0x1082;
	s9 =	sld [smem:$0x3FB4]  }
0x2f: {  	lr =	sadd.s32 s0, s3;
	s0 =	sld [smem:$0x3FAB]  }
0x30: {  	s3 =	sld [smem:$0x3FAE]  }
0x31: {  	[smem:$0x3FB7] =	sst s10  }
0x32: {  	s10 =	sld [smem:$0x3FB5];
	_ =	sdelay $0x3  }
0x33: {  	p0 =	seq.s32 s10, $0x1;
	s10 =	sld [smem:$0x3FB7];
	_ =	sdelay $0x3  }
0x34: {  	[smem:$0x3FB7] =	sst s10  }
0x35: {  	s10 =	sld [smem:$0x3FB6];
	_ =	sdelay $0x3  }
0x36: {  	p1 =	seq.s32 s10, $0x1;
	s10 =	sld [smem:$0x3FB7];
	_ =	sdelay $0x3  }
0x37: {  	[smem:$0x3FB7] =	sst s10  }
0x38: {  	s10 =	sld [smem:$0x3FB8]  }
0x39: {  	_ = 	snop;
	(pc) =	sbr.ind lr, $3  }
0x3a: {  	_ = 	snop  }
0x3b: {  	_ = 	snop  }
0x3c: {  	p2 =	seq.s32 s10, $0x1;
	s10 =	sld [smem:$0x3FB7]  }
0x3d: {  	_ =	shalt  }
0x3e: {  	_ =	shalt  }
0x3f: {  	_ =	shalt  }
0x40: {  	_ =	shalt  }
0x41: {  	_ =	shalt  }
0x42: {  	_ =	shalt  }
0x43: {  	_ =	shalt  }
0x44: {  	_ =	shalt  }
0x45: {  	_ =	shalt  }
0x46: {  	_ =	shalt  }
0x47: {  	_ =	shalt  }
0x48: {  	_ =	shalt  }
0x49: {  	_ =	shalt  }
0x4a: {  	_ =	shalt  }
0x4b: {  	_ =	shalt  }
0x4c: {  	_ =	shalt  }
0x4d: {  	_ =	shalt  }
0x4e: {  	_ =	shalt  }
0x4f: {  	_ =	shalt  }
0x50: {  	_ =	shalt  }
0x51: {  	_ =	shalt  }
0x52: {  	_ =	shalt  }
0x53: {  	_ =	shalt  }
0x54: {  	_ =	shalt  }
0x55: {  	_ =	shalt  }
0x56: {  	_ =	shalt  }
0x57: {  	_ =	shalt  }
0x58: {  	_ =	shalt  }
0x59: {  	_ =	shalt  }
0x5a: {  	_ =	shalt  }
0x5b: {  	_ =	shalt  }
0x5c: {  	_ =	shalt  }
0x5d: {  	_ =	shalt  }
0x5e: {  	_ =	shalt  }
0x5f: {  	_ =	shalt  }
0x60: {  	_ =	shalt  }
0x61: {  	_ =	shalt  }
0x62: {  	_ =	shalt  }
0x63: {  	_ =	shalt  }
0x64: {  	_ =	shalt  }
0x65: {  	_ =	shalt  }
0x66: {  	_ =	shalt  }
0x67: {  	_ =	shalt  }
0x68: {  	_ =	shalt  }
0x69: {  	_ =	shalt  }
0x6a: {  	_ =	shalt  }
0x6b: {  	_ =	shalt  }
0x6c: {  	_ =	shalt  }
0x6d: {  	_ =	shalt  }
0x6e: {  	_ =	shalt  }
0x6f: {  	_ =	shalt  }
0x70: {  	_ =	shalt  }
0x71: {  	_ =	shalt  }
0x72: {  	_ =	shalt  }
0x73: {  	_ =	shalt  }
0x74: {  	_ =	shalt  }
0x75: {  	_ =	shalt  }
0x76: {  	_ =	shalt  }
0x77: {  	_ =	shalt  }
0x78: {  	_ =	shalt  }
0x79: {  	_ =	shalt  }
0x7a: {  	_ =	shalt  }
0x7b: {  	_ =	shalt  }
0x7c: {  	_ =	shalt  }
0x7d: {  	_ =	shalt  }
0x7e: {  	_ =	shalt  }
0x7f: {  	_ =	shalt  }
0x80: {  	_ =	shalt  }
0x81: {  	_ =	shalt  }
0x82: {  	_ =	shalt  }
0x83: {  	_ =	shalt  }
0x84: {  	_ =	shalt  }
0x85: {  	_ =	shalt  }
0x86: {  	_ =	shalt  }
0x87: {  	_ =	shalt  }
.Lfunc_end0:
.L_simem_size_0:
called_computation.1_lowered:
.L_overlay_start_0:
0x88: {  	s2 =	sld [smem:$0x3FD9]  }
0x89: {  	s3 =	sld [smem:$0x3FFE];
	_ =	sdelay $0x1  }
0x8a: {  	s1 =	srdreg.scid  }
0x8b: {  	s0 =	sand.u32 $0x1, s1  }
0x8c: {  	s14 =	sshll.u32 s0, $0xA;
	s2 =	sadd.s32 s3, s2  }
0x8d: {  	s2 =	sadd.s32 s2, s14  }
0x8e: {  	[smem:$0x3FC3] =	sst s2  }
0x8f: {  	_ = 	snop  }
0x90: {  	s2 =	sld [smem:$0x3FD0];
	_ =	sdelay $0x2  }
0x91: {  	s15 =	simm.s32 $0xA;
	s4 =	simm.s32 $0x10  }
0x92: {  	[smem:s4], [sflag:s15] =	dma.local [hbm:s2], $0x1  }
0x93: {  	_ =	swait.eq [sflag:s15], $0x1  }
0x94: {  	[sflag:s15] =	ssyncset.done $0x0  }
0x95: {  	s16 =	sld [smem:$0x10];
	[sflag:s15] =	ssyncadd.s32 $0xFFFFFFFF  }
0x96: {  	s17 =	sld [smem:$0x11];
	(tm) =	ssettm $0x1  }
0x97: {  	s18 =	sld [smem:$0x3FFB];
	_ =	sdelay $0x3  }
0x98: {  	_ =	strace s18  }
0x99: {  	s4 =	sld [smem:$0x3FFC];
	_ =	sdelay $0x3  }
0x9a: {  	_ =	strace s4  }
0x9b: {  	s4 =	sld [smem:$0x3FFD];
	_ =	sdelay $0x3  }
0x9c: {  	_ =	strace s4  }
0x9d: {  	_ =	strace $0x8FFFFFFF  }
0x9e: {  	s19 =	sld [smem:$0x3FDB];
	_ =	sdelay $0x1  }
0x9f: {  	s5 =	simm.s32 $_scs_section_size  }
0xa0: {  	s6 =	simm.s32 $_size__tile_overlayer_lowered;
	s7 =	simm.s32 $_tile_overlayer_lowered  }
0xa1: {  	s22 =	simm.s32 $0x1BFF;
	s21 =	sshll.u32 s7, $0x1;
	s4 =	sadd.s32 s5, s19  }
0xa2: {  	s8 =	simm.s32 $0x0;
	s20 =	sshll.u32 s6, $0x1;
	s6 =	sadd.s32 s21, s4  }
0xa3: {  	[timem:s8], [sflag:s22] =	dma.local [hbm:s6], s20  }
0xa4: {  	_ =	swait.ge [sflag:s22], s20  }
0xa5: {  	s5 =	ssub.s32 $0x0, s20;
	[sflag:s22] =	ssyncset.done $0x0  }
0xa6: {  	[sflag:s22] =	ssyncadd.s32 s5;
	_ =	sdelay $0x1  }
0xa7: {  	s23 =	simm.s32 $0x1B8B  }
0xa8: {  	_ =	swait.ge [sflag:s23], $0x1  }
0xa9: {  	[sflag:s23] =	ssyncset.done $0x0  }
0xaa: {  	s25 =	simm.s32 $0x1B8E;
	s24 =	sld [smem:$0x3FFE];
	[sflag:s23] =	ssyncadd.s32 $0xFFFFFFFF  }
0xab: {  	s26 =	simm.s32 $execute0_lowered;
	[smem:$0x3FD2] =	sst s25  }
0xac: {  	s6 =	sshll.u32 s26, $0x1;
	_ =	strace $0x80000049;
	[dreg:$0x1] =	wrdreg $0xFFFFFFFF  }
0xad: {  	s28 =	simm.s32 $_size_execute0_lowered;
	s4 =	sadd.s32 s4, s6;
	[dreg:$0x0] =	wrdreg $0x0  }
0xae: {  	s6 =	sshll.u32 s28, $0x1;
	[dreg:$0x2] =	wrdreg s4  }
0xaf: {  	[dreg:$0x3] =	wrdreg s6  }
0xb0: {  	[dreg:$0x4] =	wrdreg $0xC0  }
0xb1: {  	_ =	task [dreg:s8], $0x5FFFF  }
0xb2: {  	[dreg:$0x1] =	wrdreg $0xFFFFFFFF  }
0xb3: {  	[dreg:$0x0] =	wrdreg $0x60  }
0xb4: {  	[dreg:$0x2] =	wrdreg s24  }
0xb5: {  	[dreg:$0x3] =	wrdreg s16  }
0xb6: {  	[dreg:$0x4] =	wrdreg s17  }
0xb7: {  	[dreg:$0x5] =	wrdreg $0x9  }
0xb8: {  	_ =	task.clear_ibuf [dreg:s8], $0x6FFFF;
	_ =	strace $0x90000049  }
0xb9: {  	s29 =	simm.s32 $0x9;
	_ =	strace $0x8000004B  }
0xba: {  	_ =	swait.ge [sflag:s29], $0x1  }
0xbb: {  	[sflag:s29] =	ssyncadd.s32 $0xFFFFFFFF  }
0xbc: {  	_ =	strace $0x9000004B  }
0xbd: {  	_ =	sfence  }
0xbe: {  	s30 =	sld [smem:$0x0];
	_ =	sdelay $0x2  }
0xbf: {  	s31 =	sshll.u32 s1, $0xD;
	s1 =	sshrl.u32 s1, $0x2  }
0xc0: {  	s3 =	sand.u32 $0x4000, s31;
	s1 =	sadd.s32 s1, s30  }
0xc1: {  	s0 =	sor.u32 s3, s0;
	s1 =	sshll.u32 s1, $0x11  }
0xc2: {  	s0 =	sor.u32 s1, s0  }
0xc3: {  	s0 =	sadd.s32 $0x8F2B, s0  }
0xc4: {  	[sflag:s0] =	ssyncadd.remote.s32 $0x1  }
0xc5: {  	_ =	sfence.sel $0xFFFF  }
0xc6: {  	[dreg:$0x0] =	wrdreg $0xFFFFFFFF;
	(pc) =	sbr.abs _section_cstart, $3  }
0xc7: {  	[dreg:$0x1] =	wrdreg $0xFFFFFFFF  }
0xc8: {  	_ =	task.clear_ibuf [dreg:s8], $0x2FFFF;
	_ =	strace $0x9FFFFFFF  }
0xc9: {  	(tm) =	ssettm $0x7FFFFFFF  }
tec
execute0_lowered:
.L_overlay_start_1:
0x0: {  	(tag) =	ssettag $0x1  }
0x1: {  	s0 =	rddreg [dreg:$0x0]  }
0x2: {  	s3 =	rddreg [dreg:$0x2]  }
0x3: {  	s1 =	srdreg.scid;
	s8 =	stileid.u32  }
0x4: {  	s4 =	simm.s32 $0x0;
	s9 =	simm.s32 $0xC000;
	s13 =	simm.s32 $0x200  }
0x5: {  	s28 =	simm.s32 $0x600;
	s29 =	simm.s32 $0x800;
	s30 =	simm.s32 $0x3  }
0x6: {  	s31 =	simm.s32 $0x80;
	s10 =	simm.s32 $0x1200;
	s11 =	simm.s32 $0x1  }
0x7: {  	s12 =	simm.s32 $0x4;
	s1 =	sand.u32 $0x1, s1;
	s2 =	sshll.u32 s8, $0x1  }
0x8: {  	[smem:$0x7FF] =	sst s4;
	s6 =	sadd.s32 $0x1000, s0;
	s7 =	sadd.s32 $0x1E9600, s0  }
0x9: {  	p0 =	seq.s32 s8, $0x0;
	s2 =	sor.u32 s1, s2;
	s14 =	ssub.s32 $0x2, s1  }
0xa: {  	s8 =	simm.s32 $0xE00;
	s5 =	smul.u32 $0x2A00, s2;
	s1 =	sshrl.u32 s14, $0x1  }
0xb: {  	_ =	strace $0x8000004A;
	s9 =	simm.s32 @!p0 $0x100000;
	s0 =	ssub.s32 s14, s1  }
0xc: {  	s1 =	simm.s32 $0x4000;
	s14 =	simm.s32 $0x15400;
	s2 =	sadd.s32 $0x10000, s5  }
0xd: {  	s15 =	sshrl.u32 s5, $0x9;
	s1 =	simm.s32 @!p0 $0x60000;
	s17 =	sadd.s32 s9, s5  }
0xe: {  	s9 =	simm.s32 $0x10000;
	s25 =	sshrl.u32 s5, $0x3;
	s0 =	smax.u32 s0, $0x1  }
0xf: {  	s2 =	smov.u32 @p0 s5;
	s1 =	sadd.s32 s1, s5;
	s18 =	sshrl.u32 s17, $0x3  }
0x10: {  	s9 =	simm.s32 @!p0 $0x150000;
	s26 =	sadd.s32 s3, s25;
	s2 =	sshrl.u32 s2, $0x3  }
0x11: {  	[dreg:$0xf] =	wrdreg s0;
	s25 =	simm.s32 $0x5;
	s2 =	sadd.s32 s7, s2  }
0x12: {  	s1 =	sshrl.u32 s1, $0x3;
	[dreg:$0x4] =	wrdreg s2;
	s2 =	simm.s32 $0x8000  }
0x13: {  	s19 =	sadd.s32 s9, s5;
	s9 =	simm.s32 $0x4200;
	s2 =	simm.s32 @!p0 $0xB0000  }
0x14: {  	s1 =	sadd.s32 s7, s1;
	s9 =	simm.s32 @!p0 $0x60200;
	s16 =	sadd.s32 s2, s5  }
0x15: {  	[dreg:$0x5] =	wrdreg s1;
	s21 =	sadd.s32 s9, s5;
	s1 =	sshrl.u32 s16, $0x3  }
0x16: {  	s9 =	simm.s32 $0x10200;
	s22 =	sshrl.u32 s21, $0x3;
	s1 =	sadd.s32 s7, s1  }
0x17: {  	s2 =	simm.s32 $0x200;
	[dreg:$0x6] =	wrdreg s1;
	s1 =	sadd.s32 s7, s18  }
0x18: {  	s2 =	simm.s32 @!p0 $0x10200;
	[dreg:$0x7] =	wrdreg s1;
	s1 =	sshrl.u32 s19, $0x3  }
0x19: {  	s9 =	simm.s32 @!p0 $0x150200;
	s20 =	sadd.s32 s2, s5;
	s1 =	sadd.s32 s7, s1  }
0x1a: {  	s21 =	sadd.s32 $0x200, s5;
	[dreg:$0x8] =	wrdreg s1;
	s1 =	sshrl.u32 s20, $0x3  }
0x1b: {  	s23 =	sadd.s32 s9, s5;
	s9 =	simm.s32 $0x1000;
	s1 =	sadd.s32 s7, s1  }
0x1c: {  	s2 =	simm.s32 $0x8200;
	[dreg:$0x9] =	wrdreg s1;
	s1 =	sadd.s32 s7, s22  }
0x1d: {  	s2 =	simm.s32 @!p0 $0xB0200;
	[dreg:$0xa] =	wrdreg s1;
	s1 =	simm.s32 $0xC200  }
0x1e: {  	s24 =	sshrl.u32 s23, $0x3;
	s2 =	sadd.s32 s2, s5;
	s1 =	simm.s32 @!p0 $0x100200  }
0x1f: {  	s19 =	sadd.s32 $0x2, s15;
	s2 =	sshrl.u32 s2, $0x3;
	s1 =	sadd.s32 s1, s5  }
0x20: {  	vm0 =	vmmov $0x1;
	vm1 =	vmmov $0x3;
	vm2 =	vmmov $0x7;
	s2 =	sadd.s32 s7, s2;
	s20 =	sadd.s32 $0x3, s15;
	s1 =	sshrl.u32 s1, $0x3  }
0x21: {  	vm3 =	vmmov $0xf;
	vm4 =	vmmov $0x1f;
	vm5 =	vmmov $0x3f;
	s15 =	simm.s32 $0x2;
	[dreg:$0xb] =	wrdreg s2;
	s1 =	sadd.s32 s7, s1  }
0x22: {  	vm6 =	vmmov $0x7f;
	vm7 =	vmmov $0xff;
	vm8 =	vmmov $0x1ff;
	s2 =	simm.s32 $0x0;
	[dreg:$0xc] =	wrdreg s1;
	s1 =	sadd.s32 s7, s24  }
0x23: {  	vm9 =	vmmov $0x3ff;
	vm10 =	vmmov $0x7ff;
	vm11 =	vmmov $0xfff;
	s24 =	simm.s32 $0xC00;
	[dreg:$0xd] =	wrdreg s1;
	s1 =	sadd.s32 $0x500, s26  }
0x24: {  	vm12 =	vmmov $0x1fff;
	vm13 =	vmmov $0x3fff;
	vm14 =	vmmov $0x7fff;
	s26 =	simm.s32 $0x400;
	[dreg:$0xe] =	wrdreg s1;
	s1 =	simm.s32 $0xA00  }
.LBB2_1:
0x25: {  	[dreg:$0x10] =	wrdreg s2  }
0x26: {  	s0 =	rddreg [dreg:$0x1];
	s23 =	simm.s32 $0x15600  }
0x27: {  	[tilespmem:s23], [sflag:$0x5] =	stream.linear.gather [hbm4b:s0+s4], $0x10, $0x38;
	[tilespmem:$0x15610] =	vst v63  }
0x28: {  	_ =	swait.ge [sflag:s25], $0x10  }
0x29: {  	[sflag:s25] =	ssyncset.done $0x0  }
0x2a: {  	[sflag:s25] =	ssyncadd.s32 $0xFFFFFFF0  }
0x2b: {  	v0 =	vld [tilespmem:$0x15600];
	_ =	sdelay $0x4  }
0x2c: {  	v0 =	vmul.f32 $1.442695020e+00, v0;
	_ =	sdelay $0x1  }
0x2d: {  	s2 =	rddreg [dreg:$0x4];
	(erf) = vpow2.f32 v0  }
0x2e: {  	[tilespmem:s4], [sflag:$0x3] =	stream.linear.gather [hbm4b:s2+s4], $0x200, $0x38;
	[tilespmem:$0x15610] =	vst v63  }
0x2f: {  	s16 =	rddreg [dreg:$0x5]  }
0x30: {  	[tilespmem:s13], [sflag:$0x3] =	stream.linear.gather [hbm4b:s16+s4], $0x200, $0x38;
	[tilespmem:$0x15610] =	vst v63  }
0x31: {  	s17 =	rddreg [dreg:$0x6]  }
0x32: {  	[tilespmem:s26], [sflag:$0x3] =	stream.linear.gather [hbm4b:s17+s4], $0x200, $0x38;
	[tilespmem:$0x15610] =	vst v63  }
0x33: {  	s18 =	rddreg [dreg:$0x7]  }
0x34: {  	[tilespmem:s28], [sflag:$0x3] =	stream.linear.gather [hbm4b:s18+s4], $0x200, $0x38;
	[tilespmem:$0x15610] =	vst v63  }
0x35: {  	s22 =	rddreg [dreg:$0x8]  }
0x36: {  	[tilespmem:s29], [sflag:$0x3] =	stream.linear.gather [hbm4b:s22+s4], $0x200, $0x38;
	v0 =	vpop (erf);
	[tilespmem:$0x15610] =	vst v63  }
0x37: {  	_ =	swait.ge [sflag:s30], $0xA00  }
0x38: {  	[sflag:s30] =	ssyncset.done $0x0  }
0x39: {  	s23 =	simm.s32 $0x1400;
	[sflag:s30] =	ssyncadd.s32 $0xFFFFF600  }
0x3a: {  	[tilespmem:s23], [sflag:$0x1] =	stream.indirect.gather [hbm4b:s6+s31], $0x10, s4, s31, $0xb8;
	[tilespmem:$0x15610] =	vst v63  }
0x3b: {  	s2 =	simm.s32 $0x1C00  }
0x3c: {  	[tilespmem:s2], [sflag:$0x1] =	stream.indirect.gather [hbm4b:s6+s31], $0x10, s31, s31, $0xb8;
	[tilespmem:$0x15610] =	vst v63  }
0x3d: {  	s16 =	simm.s32 $0x100;
	s17 =	simm.s32 $0x2400  }
0x3e: {  	[tilespmem:s17], [sflag:$0x1] =	stream.indirect.gather [hbm4b:s6+s31], $0x10, s16, s31, $0xb8;
	[tilespmem:$0x15610] =	vst v63  }
0x3f: {  	s18 =	simm.s32 $0x180;
	s22 =	simm.s32 $0x2C00  }
0x40: {  	[tilespmem:s22], [sflag:$0x1] =	stream.indirect.gather [hbm4b:s6+s31], $0x10, s18, s31, $0xb8;
	[tilespmem:$0x15610] =	vst v63  }
0x41: {  	s23 =	simm.s32 $0x3400  }
0x42: {  	[tilespmem:s23], [sflag:$0x1] =	stream.indirect.gather [hbm4b:s6+s31], $0x10, s13, s31, $0xb8;
	[tilespmem:$0x15610] =	vst v63  }
0x43: {  	s2 =	simm.s32 $0x280;
	s16 =	simm.s32 $0x3C00  }
0x44: {  	[tilespmem:s16], [sflag:$0x1] =	stream.indirect.gather [hbm4b:s6+s31], $0x10, s2, s31, $0xb8;
	[tilespmem:$0x15610] =	vst v63  }
0x45: {  	s17 =	simm.s32 $0x300;
	s18 =	simm.s32 $0x4400  }
0x46: {  	[tilespmem:s18], [sflag:$0x1] =	stream.indirect.gather [hbm4b:s6+s31], $0x10, s17, s31, $0xb8;
	[tilespmem:$0x15610] =	vst v63  }
0x47: {  	s22 =	simm.s32 $0x380;
	s23 =	simm.s32 $0x4C00  }
0x48: {  	[tilespmem:s23], [sflag:$0x1] =	stream.indirect.gather [hbm4b:s6+s31], $0x10, s22, s31, $0xb8;
	[tilespmem:$0x15610] =	vst v63  }
0x49: {  	s16 =	simm.s32 $0x5400  }
0x4a: {  	[tilespmem:s16], [sflag:$0x1] =	stream.indirect.gather [hbm4b:s6+s31], $0x10, s26, s31, $0xb8;
	[tilespmem:$0x15610] =	vst v63  }
0x4b: {  	s17 =	simm.s32 $0x480;
	s18 =	simm.s32 $0x5C00  }
0x4c: {  	[tilespmem:s18], [sflag:$0x1] =	stream.indirect.gather [hbm4b:s6+s31], $0x10, s17, s31, $0xb8;
	[tilespmem:$0x15610] =	vst v63  }
0x4d: {  	s22 =	simm.s32 $0x500;
	s23 =	simm.s32 $0x6400  }
0x4e: {  	[tilespmem:s23], [sflag:$0x1] =	stream.indirect.gather [hbm4b:s6+s31], $0x10, s22, s31, $0xb8;
	[tilespmem:$0x15610] =	vst v63  }
0x4f: {  	s16 =	simm.s32 $0x580;
	s17 =	simm.s32 $0x6C00  }
0x50: {  	[tilespmem:s17], [sflag:$0x1] =	stream.indirect.gather [hbm4b:s6+s31], $0x10, s16, s31, $0xb8;
	[tilespmem:$0x15610] =	vst v63  }
0x51: {  	s18 =	simm.s32 $0x7400  }
0x52: {  	[tilespmem:s18], [sflag:$0x1] =	stream.indirect.gather [hbm4b:s6+s31], $0x10, s28, s31, $0xb8;
	[tilespmem:$0x15610] =	vst v63  }
0x53: {  	s22 =	simm.s32 $0x680;
	s23 =	simm.s32 $0x7C00  }
0x54: {  	[tilespmem:s23], [sflag:$0x1] =	stream.indirect.gather [hbm4b:s6+s31], $0x10, s22, s31, $0xb8;
	[tilespmem:$0x15610] =	vst v63  }
0x55: {  	s16 =	simm.s32 $0x700;
	s17 =	simm.s32 $0x8400  }
0x56: {  	[tilespmem:s17], [sflag:$0x1] =	stream.indirect.gather [hbm4b:s6+s31], $0x10, s16, s31, $0xb8;
	[tilespmem:$0x15610] =	vst v63  }
0x57: {  	s18 =	simm.s32 $0x780;
	s22 =	simm.s32 $0x8C00  }
0x58: {  	[tilespmem:s22], [sflag:$0x1] =	stream.indirect.gather [hbm4b:s6+s31], $0x10, s18, s31, $0xb8;
	[tilespmem:$0x15610] =	vst v63  }
0x59: {  	s23 =	simm.s32 $0x9400  }
0x5a: {  	[tilespmem:s23], [sflag:$0x1] =	stream.indirect.gather [hbm4b:s6+s31], $0x10, s29, s31, $0xb8;
	[tilespmem:$0x15610] =	vst v63  }
0x5b: {  	s2 =	simm.s32 $0x880;
	s16 =	simm.s32 $0x9C00  }
0x5c: {  	[tilespmem:s16], [sflag:$0x1] =	stream.indirect.gather [hbm4b:s6+s31], $0x10, s2, s31, $0xb8;
	[tilespmem:$0x15610] =	vst v63  }
0x5d: {  	s17 =	simm.s32 $0x900;
	s18 =	simm.s32 $0xA400  }
0x5e: {  	[tilespmem:s18], [sflag:$0x1] =	stream.indirect.gather [hbm4b:s6+s31], $0x10, s17, s31, $0xb8;
	[tilespmem:$0x15610] =	vst v63  }
0x5f: {  	s22 =	simm.s32 $0x980;
	s23 =	simm.s32 $0xAC00  }
0x60: {  	[tilespmem:s23], [sflag:$0x1] =	stream.indirect.gather [hbm4b:s6+s31], $0x10, s22, s31, $0xb8;
	[tilespmem:$0x15610] =	vst v63  }
0x61: {  	s16 =	rddreg [dreg:$0x9]  }
0x62: {  	[tilespmem:s1], [sflag:$0x4] =	stream.linear.gather [hbm4b:s16+s4], $0x200, $0x38;
	[tilespmem:$0x15610] =	vst v63  }
0x63: {  	s17 =	rddreg [dreg:$0xa]  }
0x64: {  	[tilespmem:s24], [sflag:$0x4] =	stream.linear.gather [hbm4b:s17+s4], $0x200, $0x38;
	[tilespmem:$0x15610] =	vst v63  }
0x65: {  	s18 =	rddreg [dreg:$0xb]  }
0x66: {  	[tilespmem:s8], [sflag:$0x4] =	stream.linear.gather [hbm4b:s18+s4], $0x200, $0x38;
	[tilespmem:$0x15610] =	vst v63  }
0x67: {  	s22 =	rddreg [dreg:$0xc]  }
0x68: {  	[tilespmem:s9], [sflag:$0x4] =	stream.linear.gather [hbm4b:s22+s4], $0x200, $0x38;
	[tilespmem:$0x15610] =	vst v63  }
0x69: {  	s23 =	rddreg [dreg:$0xd];
	s16 =	simm.s32 $0x0  }
0x6a: {  	v1 =	vbroadcast v0, $0x0;
	v0 =	vbroadcast v0, $0x1;
	[tilespmem:s10], [sflag:$0x4] =	stream.linear.gather [hbm4b:s23+s4], $0x200, $0x38;
	[tilespmem:$0x15610] =	vst v63  }
.LBB2_2:
0x6b: {  	_ =	swait.ge [sflag:s11], $0xA000  }
0x6c: {  	[sflag:s11] =	ssyncset.done $0x0  }
0x6d: {  	[sflag:s11] =	ssyncadd.s32 $0xFFFF6000  }
0x6e: {  	_ =	swait.ge [sflag:s12], $0xA00  }
0x6f: {  	[sflag:s12] =	ssyncset.done $0x0  }
0x70: {  	s0 =	simm.s32 $0xB400;
	[sflag:s12] =	ssyncadd.s32 $0xFFFFF600  }
0x71: {  	[tilespmem:s0], [sflag:$0x2] =	stream.indirect.gather [hbm4b:s6+s31], $0x10, s1, s31, $0xb8;
	[tilespmem:$0x15610] =	vst v63  }
0x72: {  	s23 =	simm.s32 $0xA80;
	s2 =	simm.s32 $0xBC00  }
0x73: {  	[tilespmem:s2], [sflag:$0x2] =	stream.indirect.gather [hbm4b:s6+s31], $0x10, s23, s31, $0xb8;
	[tilespmem:$0x15610] =	vst v63  }
0x74: {  	s17 =	simm.s32 $0xB00;
	s18 =	simm.s32 $0xC400  }
0x75: {  	[tilespmem:s18], [sflag:$0x2] =	stream.indirect.gather [hbm4b:s6+s31], $0x10, s17, s31, $0xb8;
	[tilespmem:$0x15610] =	vst v63  }
0x76: {  	s22 =	simm.s32 $0xB80;
	s23 =	simm.s32 $0xCC00  }
0x77: {  	[tilespmem:s23], [sflag:$0x2] =	stream.indirect.gather [hbm4b:s6+s31], $0x10, s22, s31, $0xb8;
	[tilespmem:$0x15610] =	vst v63  }
0x78: {  	s2 =	simm.s32 $0xD400  }
0x79: {  	[tilespmem:s2], [sflag:$0x2] =	stream.indirect.gather [hbm4b:s6+s31], $0x10, s24, s31, $0xb8;
	[tilespmem:$0x15610] =	vst v63  }
0x7a: {  	s17 =	simm.s32 $0xC80;
	s18 =	simm.s32 $0xDC00  }
0x7b: {  	[tilespmem:s18], [sflag:$0x2] =	stream.indirect.gather [hbm4b:s6+s31], $0x10, s17, s31, $0xb8;
	[tilespmem:$0x15610] =	vst v63  }
0x7c: {  	s22 =	simm.s32 $0xD00;
	s23 =	simm.s32 $0xE400  }
0x7d: {  	[tilespmem:s23], [sflag:$0x2] =	stream.indirect.gather [hbm4b:s6+s31], $0x10, s22, s31, $0xb8;
	[tilespmem:$0x15610] =	vst v63  }
0x7e: {  	s2 =	simm.s32 $0xD80;
	s17 =	simm.s32 $0xEC00  }
0x7f: {  	[tilespmem:s17], [sflag:$0x2] =	stream.indirect.gather [hbm4b:s6+s31], $0x10, s2, s31, $0xb8;
	[tilespmem:$0x15610] =	vst v63  }
0x80: {  	s18 =	simm.s32 $0xF400  }
0x81: {  	[tilespmem:s18], [sflag:$0x2] =	stream.indirect.gather [hbm4b:s6+s31], $0x10, s8, s31, $0xb8;
	[tilespmem:$0x15610] =	vst v63  }
0x82: {  	s22 =	simm.s32 $0xE80;
	s23 =	simm.s32 $0xFC00  }
0x83: {  	[tilespmem:s23], [sflag:$0x2] =	stream.indirect.gather [hbm4b:s6+s31], $0x10, s22, s31, $0xb8;
	[tilespmem:$0x15610] =	vst v63  }
0x84: {  	s17 =	simm.s32 $0xF00;
	s18 =	simm.s32 $0x10400  }
0x85: {  	[tilespmem:s18], [sflag:$0x2] =	stream.indirect.gather [hbm4b:s6+s31], $0x10, s17, s31, $0xb8;
	[tilespmem:$0x15610] =	vst v63  }
0x86: {  	s22 =	simm.s32 $0xF80;
	s23 =	simm.s32 $0x10C00  }
0x87: {  	[tilespmem:s23], [sflag:$0x2] =	stream.indirect.gather [hbm4b:s6+s31], $0x10, s22, s31, $0xb8;
	[tilespmem:$0x15610] =	vst v63  }
0x88: {  	s2 =	simm.s32 $0x11400  }
0x89: {  	[tilespmem:s2], [sflag:$0x2] =	stream.indirect.gather [hbm4b:s6+s31], $0x10, s9, s31, $0xb8;
	[tilespmem:$0x15610] =	vst v63  }
0x8a: {  	s17 =	simm.s32 $0x1080;
	s18 =	simm.s32 $0x11C00  }
0x8b: {  	[tilespmem:s18], [sflag:$0x2] =	stream.indirect.gather [hbm4b:s6+s31], $0x10, s17, s31, $0xb8;
	[tilespmem:$0x15610] =	vst v63  }
0x8c: {  	s22 =	simm.s32 $0x1100;
	s23 =	simm.s32 $0x12400  }
0x8d: {  	[tilespmem:s23], [sflag:$0x2] =	stream.indirect.gather [hbm4b:s6+s31], $0x10, s22, s31, $0xb8;
	[tilespmem:$0x15610] =	vst v63  }
0x8e: {  	s2 =	simm.s32 $0x1180;
	s17 =	simm.s32 $0x12C00  }
0x8f: {  	[tilespmem:s17], [sflag:$0x2] =	stream.indirect.gather [hbm4b:s6+s31], $0x10, s2, s31, $0xb8;
	[tilespmem:$0x15610] =	vst v63  }
0x90: {  	s18 =	simm.s32 $0x13400  }
0x91: {  	[tilespmem:s18], [sflag:$0x2] =	stream.indirect.gather [hbm4b:s6+s31], $0x10, s10, s31, $0xb8;
	[tilespmem:$0x15610] =	vst v63  }
0x92: {  	s22 =	simm.s32 $0x1280;
	s23 =	simm.s32 $0x13C00  }
0x93: {  	[tilespmem:s23], [sflag:$0x2] =	stream.indirect.gather [hbm4b:s6+s31], $0x10, s22, s31, $0xb8;
	[tilespmem:$0x15610] =	vst v63  }
0x94: {  	s17 =	simm.s32 $0x1300;
	s18 =	simm.s32 $0x14400  }
0x95: {  	[tilespmem:s18], [sflag:$0x2] =	stream.indirect.gather [hbm4b:s6+s31], $0x10, s17, s31, $0xb8;
	[tilespmem:$0x15610] =	vst v63  }
0x96: {  	s18 =	sshll.u32 s16, $0x1  }
0x97: {  	s22 =	simm.s32 $0x1380;
	s23 =	simm.s32 $0x14C00;
	s17 =	sadd.s32 s18, s19  }
0x98: {  	[tilespmem:s23], [sflag:$0x2] =	stream.indirect.gather [hbm4b:s6+s31], $0x10, s22, s31, $0xb8;
	[tilespmem:$0x15610] =	vst v63  }
0x99: {  	s22 =	sshll.u32 s17, $0x9  }
0x9a: {  	s23 =	sadd.s32 $0x10000, s22  }
0x9b: {  	p0 =	slt.u32 s17, $0x20;
	s17 =	smov.u32 s23  }
0x9c: {  	s17 =	smov.u32 @p0 s22  }
0x9d: {  	s17 =	sshrl.u32 s17, $0x3  }
0x9e: {  	s2 =	simm.s32 $0x0;
	s17 =	sadd.s32 s7, s17  }
0x9f: {  	[tilespmem:s2], [sflag:$0x3] =	stream.linear.gather [hbm4b:s17+s2], $0x200, $0x38;
	[tilespmem:$0x15610] =	vst v63  }
0xa0: {  	s17 =	simm.s32 $0x4000  }
0xa1: {  	s17 =	simm.s32 @!p0 $0x60000  }
0xa2: {  	s17 =	sadd.s32 s22, s17  }
0xa3: {  	s17 =	sshrl.u32 s17, $0x3  }
0xa4: {  	s17 =	sadd.s32 s7, s17  }
0xa5: {  	[tilespmem:s13], [sflag:$0x3] =	stream.linear.gather [hbm4b:s17+s2], $0x200, $0x38;
	[tilespmem:$0x15610] =	vst v63  }
0xa6: {  	s17 =	simm.s32 $0x8000  }
0xa7: {  	s17 =	simm.s32 @!p0 $0xB0000  }
0xa8: {  	s17 =	sadd.s32 s22, s17  }
0xa9: {  	s17 =	sshrl.u32 s17, $0x3  }
0xaa: {  	s17 =	sadd.s32 s7, s17  }
0xab: {  	[tilespmem:s26], [sflag:$0x3] =	stream.linear.gather [hbm4b:s17+s2], $0x200, $0x38;
	[tilespmem:$0x15610] =	vst v63  }
0xac: {  	s17 =	simm.s32 $0xC000  }
0xad: {  	s17 =	simm.s32 @!p0 $0x100000  }
0xae: {  	s17 =	sadd.s32 s22, s17  }
0xaf: {  	s17 =	sshrl.u32 s17, $0x3  }
0xb0: {  	s17 =	sadd.s32 s7, s17  }
0xb1: {  	[tilespmem:s28], [sflag:$0x3] =	stream.linear.gather [hbm4b:s17+s2], $0x200, $0x38;
	[tilespmem:$0x15610] =	vst v63  }
0xb2: {  	s17 =	sadd.s32 $0x150000, s22  }
0xb3: {  	s17 =	smov.u32 @p0 s23  }
0xb4: {  	s17 =	sshrl.u32 s17, $0x3  }
0xb5: {  	s23 =	simm.s32 $0x0;
	s17 =	sadd.s32 s7, s17  }
0xb6: {  	[tilespmem:s29], [sflag:$0x3] =	stream.linear.gather [hbm4b:s17+s2], $0x200, $0x38;
	[tilespmem:$0x15610] =	vst v63  }
0xb7: {  	v8 =	vld [tilespmem:s23+$0x14E0]  }
0xb8: {  	v9 =	vld [tilespmem:s23+$0x14C0]  }
0xb9: {  	v10 =	vld [tilespmem:s23+$0x34E0]  }
0xba: {  	v11 =	vld [tilespmem:s23+$0x14B0]  }
0xbb: {  	v12 =	vld [tilespmem:s23+$0x34C0]  }
0xbc: {  	v13 =	vld [tilespmem:s23+$0x54E0]  }
0xbd: {  	v2 =	vld [tilespmem:s23+$0x94F0]  }
0xbe: {  	v14 =	vld [tilespmem:s23+$0x1490]  }
0xbf: {  	v15 =	vld [tilespmem:s23+$0x34B0]  }
0xc0: {  	v16 =	vld [tilespmem:s23+$0x1480]  }
0xc1: {  	v17 =	vld [tilespmem:s23+$0x54C0]  }
0xc2: {  	v18 =	vld [tilespmem:s23+$0x94E0]  }
0xc3: {  	v19 =	vld [tilespmem:s23+$0x74E0]  }
0xc4: {  	v20 =	vld [tilespmem:s23+$0x3490]  }
0xc5: {  	v21 =	vld [tilespmem:s23+$0x54B0]  }
0xc6: {  	v4 =	vld [tilespmem:s23+$0x94D0]  }
0xc7: {  	v5 =	vld [tilespmem:s23+$0x74D0]  }
0xc8: {  	v22 =	vld [tilespmem:s23+$0x1460]  }
0xc9: {  	v23 =	vld [tilespmem:s23+$0x3480]  }
0xca: {  	v24 =	vld [tilespmem:s23+$0x94C0]  }
0xcb: {  	v25 =	vld [tilespmem:s23+$0x74C0]  }
0xcc: {  	v26 =	vld [tilespmem:s23+$0x1450]  }
0xcd: {  	v27 =	vld [tilespmem:s23+$0x5490]  }
0xce: {  	v28 =	vld [tilespmem:s23+$0x94B0]  }
0xcf: {  	v29 =	vld [tilespmem:s23+$0x74B0]  }
0xd0: {  	v30 =	vld [tilespmem:s23+$0x3460]  }
0xd1: {  	v31 =	vld [tilespmem:s23+$0x5480]  }
0xd2: {  	v37 =	vld [tilespmem:s23+$0x9490]  }
0xd3: {  	v39 =	vld [tilespmem:s23+$0x7490]  }
0xd4: {  	v6 =	vld [tilespmem:s23+$0x94A0];
	v32 =	vadd.f32 v18, v19  }
0xd5: {  	v7 =	vld [tilespmem:s23+$0x74A0]  }
0xd6: {  	v34 =	vld [tilespmem:s23+$0x1430];
	v33 =	vadd.f32 v32, v13  }
0xd7: {  	v35 =	vld [tilespmem:s23+$0x3450];
	v38 =	vadd.f32 v24, v25;
	v40 =	vadd.f32 v28, v29  }
0xd8: {  	v41 =	vld [tilespmem:s23+$0x5460];
	v18 =	vmul.f32 v18, v19;
	v60 =	vadd.f32 v37, v39;
	v36 =	vadd.f32 v33, v10  }
0xd9: {  	v43 =	vld [tilespmem:s23+$0x7480];
	v24 =	vmul.f32 v24, v25;
	v56 =	vadd.f32 v38, v17;
	v42 =	vadd.f32 v40, v21  }
0xda: {  	v58 =	vld [tilespmem:s23+$0x5450];
	v62 =	vadd.f32 v60, v27;
	v10 =	vmul.f32 v33, v10;
	v8 =	vmul.f32 v36, v8  }
0xdb: {  	v59 =	vld [tilespmem:s23+$0x9460];
	v57 =	vadd.f32 v56, v12;
	v44 =	vadd.f32 v42, v15;
	v12 =	vmul.f32 v56, v12  }
0xdc: {  	v63 =	vadd.f32 v62, v20;
	v8 =	vadd.f32 v8, v10;
	v10 =	vmul.f32 v32, v13;
	v13 =	vld [tilespmem:s23+$0x9480]  }
0xdd: {  	v46 =	vld [tilespmem:s23+$0x5430];
	v15 =	vmul.f32 v42, v15;
	v11 =	vmul.f32 v44, v11  }
0xde: {  	v25 =	vld [tilespmem:s23+$0x7450];
	v20 =	vmul.f32 v62, v20;
	v14 =	vmul.f32 v63, v14;
	v10 =	vadd.f32 v8, v10  }
0xdf: {  	v9 =	vmul.f32 v57, v9;
	v11 =	vadd.f32 v11, v15;
	v15 =	vmul.f32 v40, v21;
	v21 =	vld [tilespmem:s23+$0x9450]  }
0xe0: {  	v19 =	vld [tilespmem:s23+$0x3430];
	v14 =	vadd.f32 v14, v20;
	v20 =	vmul.f32 v60, v27;
	v18 =	vadd.f32 v10, v18  }
0xe1: {  	v10 =	vadd.f32 v9, v12;
	v12 =	vmul.f32 v38, v17;
	v17 =	vld [tilespmem:s23+$0x7460];
	v61 =	vadd.f32 v13, v43  }
0xe2: {  	v28 =	vmul.f32 v28, v29;
	v33 =	vld [tilespmem:s23+$0x1420];
	v15 =	vadd.f32 v11, v15;
	v14 =	vadd.f32 v14, v20  }
0xe3: {  	v42 =	vld [tilespmem:s23+$0x5420];
	v20 =	vmul.f32 v37, v39;
	v9 =	vadd.f32 v4, v5;
	v29 =	vadd.f32 v61, v31  }
0xe4: {  	v27 =	vld [tilespmem:s23+$0x7430];
	v15 =	vadd.f32 v15, v28;
	v48 =	vadd.f32 v21, v25  }
0xe5: {  	v40 =	vld [tilespmem:s23+$0x5400];
	v14 =	vadd.f32 v14, v20;
	v45 =	vadd.f32 v29, v23  }
0xe6: {  	v11 =	vld [tilespmem:s23+$0x7470];
	v50 =	vadd.f32 v48, v58;
	v47 =	vadd.f32 v59, v17  }
0xe7: {  	v12 =	vadd.f32 v10, v12;
	v10 =	vld [tilespmem:s23+$0x9470];
	v23 =	vmul.f32 v29, v23;
	v16 =	vmul.f32 v45, v16  }
0xe8: {  	v29 =	vld [tilespmem:s23+$0x9430];
	v52 =	vadd.f32 v50, v35;
	v49 =	vadd.f32 v47, v41  }
0xe9: {  	v37 =	vld [tilespmem:s23+$0x9420];
	v24 =	vadd.f32 v12, v24;
	v16 =	vadd.f32 v16, v23;
	v23 =	vmul.f32 v61, v31  }
0xea: {  	v39 =	vld [tilespmem:s23+$0x7400];
	v35 =	vmul.f32 v50, v35;
	v26 =	vmul.f32 v52, v26;
	v51 =	vadd.f32 v49, v30  }
0xeb: {  	v13 =	vmul.f32 v13, v43;
	v12 =	vadd.f32 v6, v7;
	v16 =	vadd.f32 v16, v23;
	v23 =	vld [tilespmem:s23+$0x7420]  }
0xec: {  	v28 =	vld [tilespmem:s23+$0x3420];
	v30 =	vmul.f32 v49, v30;
	v26 =	vadd.f32 v26, v35;
	v22 =	vmul.f32 v51, v22  }
0xed: {  	v20 =	vld [tilespmem:s23+$0x7440];
	v32 =	vmul.f32 v48, v58;
	v35 =	vadd.f32 v10, v11;
	v53 =	vadd.f32 v29, v27  }
0xee: {  	v13 =	vadd.f32 v16, v13;
	v16 =	vld [tilespmem:s23+$0x9400];
	v22 =	vadd.f32 v22, v30;
	v30 =	vmul.f32 v47, v41  }
0xef: {  	v21 =	vmul.f32 v21, v25;
	v31 =	vld [tilespmem:s23+$0x9440];
	v26 =	vadd.f32 v26, v32;
	v54 =	vadd.f32 v53, v46  }
0xf0: {  	v25 =	vld [tilespmem:s23+$0x7410];
	v17 =	vmul.f32 v59, v17;
	v22 =	vadd.f32 v22, v30;
	v55 =	vadd.f32 v37, v23  }
0xf1: {  	v21 =	vadd.f32 v26, v21;
	v56 =	vadd.f32 v54, v19;
	v30 =	vld [tilespmem:s23+$0x9410]  }
0xf2: {  	v17 =	vadd.f32 v22, v17;
	v22 =	vld [tilespmem:s23+$0x3400];
	v57 =	vadd.f32 v55, v42  }
0xf3: {  	v58 =	vld [tilespmem:s23+$0x5410];
	v19 =	vmul.f32 v54, v19;
	v32 =	vmul.f32 v56, v34;
	v26 =	vadd.f32 v16, v39  }
0xf4: {  	v59 =	vld [tilespmem:s23+$0x1400];
	v61 =	vadd.f32 v31, v20;
	v60 =	vadd.f32 v57, v28  }
0xf5: {  	v63 =	vld [tilespmem:s23+$0x3410];
	v38 =	vmul.f32 v53, v46;
	v19 =	vadd.f32 v32, v19;
	v62 =	vadd.f32 v26, v40  }
0xf6: {  	v49 =	vld [tilespmem:s23+$0x5440];
	v48 =	vadd.f32 v30, v25;
	v28 =	vmul.f32 v57, v28;
	v33 =	vmul.f32 v60, v33  }
0xf7: {  	v27 =	vmul.f32 v29, v27;
	v51 =	vld [tilespmem:s23+$0x1410];
	v19 =	vadd.f32 v19, v38;
	v50 =	vadd.f32 v62, v22  }
0xf8: {  	v53 =	vld [tilespmem:s23+$0x3440];
	v52 =	vmul.f32 v55, v42;
	v29 =	vadd.f32 v48, v58;
	v28 =	vadd.f32 v33, v28  }
0xf9: {  	v22 =	vmul.f32 v62, v22;
	v19 =	vadd.f32 v19, v27;
	v27 =	vld [tilespmem:s23+$0x5470];
	v34 =	vmul.f32 v50, v59  }
0xfa: {  	(xrf2) =	vadd.scan.msk.f32 $0xffff, v18;
	v54 =	vld [tilespmem:s23+$0x1440];
	v23 =	vmul.f32 v37, v23;
	v18 =	vadd.f32 v29, v63;
	v28 =	vadd.f32 v28, v52  }
0xfb: {  	(xrf2) =	vadd.scan.msk.f32 $0xffff, v24;
	v55 =	vld [tilespmem:s23+$0x3470];
	v24 =	vmul.f32 v26, v40;
	v26 =	vadd.f32 v61, v49;
	v22 =	vadd.f32 v34, v22  }
0xfc: {  	(xrf2) =	vadd.scan.msk.f32 $0xffff, v15;
	v15 =	vmul.f32 v18, v51;
	v18 =	vmul.f32 v29, v63;
	v23 =	vadd.f32 v28, v23;
	v28 =	vld [tilespmem:s23+$0x54A0]  }
0xfd: {  	(xrf2) =	vadd.scan.msk.f32 $0xffff, v14;
	v16 =	vmul.f32 v16, v39;
	v14 =	vadd.f32 v22, v24;
	v22 =	vadd.f32 v26, v53;
	v24 =	vld [tilespmem:s23+$0x1470]  }
0xfe: {  	(xrf2) =	vadd.scan.msk.f32 $0xffff, v13;
	v29 =	vld [tilespmem:s23+$0x34A0];
	v13 =	vadd.f32 v15, v18;
	v15 =	vmul.f32 v48, v58;
	v18 =	vadd.f32 v35, v27  }
0xff: {  	(xrf2) =	vadd.scan.msk.f32 $0xffff, v17;
	v17 =	vmul.f32 v26, v53;
	v14 =	vadd.f32 v14, v16;
	v16 =	vmul.f32 v22, v54;
	v22 =	vld [tilespmem:s23+$0x54D0]  }
0x100: {  	(xrf2) =	vadd.scan.msk.f32 $0xffff, v21;
	v13 =	vadd.f32 v13, v15;
	v15 =	vmul.f32 v30, v25;
	v21 =	vadd.f32 v18, v55;
	v25 =	vld [tilespmem:s23+$0x14A0]  }
0x101: {  	(xrf2) =	vadd.scan.msk.f32 $0xffff, v19;
	v26 =	vld [tilespmem:s23+$0x34D0];
	v16 =	vadd.f32 v16, v17;
	v17 =	vmul.f32 v61, v49;
	v19 =	vadd.f32 v12, v28  }
0x102: {  	v3 =	vld [tilespmem:s23+$0x74F0];
	(xrf2) =	vadd.scan.msk.f32 $0xffff, v23;
	v18 =	vmul.f32 v18, v55;
	v13 =	vadd.f32 v13, v15;
	v15 =	vmul.f32 v21, v24  }
0x103: {  	(xrf2) =	vadd.scan.msk.f32 $0xffff, v14;
	v14 =	vadd.f32 v16, v17;
	v16 =	vmul.f32 v31, v20;
	v20 =	vld [tilespmem:s23+$0x14D0];
	v17 =	vadd.f32 v19, v29  }
0x104: {  	v21 =	vld [tilespmem:s23+$0x54F0];
	v15 =	vadd.f32 v15, v18;
	v18 =	vmul.f32 v35, v27;
	v24 =	vadd.f32 v9, v22  }
0x105: {  	v14 =	vadd.f32 v14, v16;
	v16 =	vmul.f32 v17, v25;
	v17 =	vmul.f32 v19, v29  }
0x106: {  	v10 =	vmul.f32 v10, v11;
	v23, _, _ =	vpop (xrf2);
	(xrf2) =	vadd.scan.msk.f32 $0xffff, v13;
	v19 =	vld [tilespmem:s23+$0x34F0];
	v15 =	vadd.f32 v15, v18;
	v11 =	vadd.f32 v24, v26  }
0x107: {  	v8 =	vadd.f32 v2, v3;
	v12 =	vmul.f32 v12, v28;
	v13, _, _ =	vpop (xrf2);
	(xrf2) =	vadd.scan.msk.f32 $0xffff, v14;
	v16 =	vadd.f32 v16, v17  }
0x108: {  	v25, _, _ =	vpop (xrf2);
	v17 =	vld [tilespmem:s23+$0x14F0];
	v10 =	vadd.f32 v15, v10;
	v11 =	vmul.f32 v11, v20;
	v15 =	vmul.f32 v24, v26  }
0x109: {  	v6 =	vmul.f32 v6, v7;
	v27 =	vadd.f32 v8, v21;
	v18, _, _ =	vpop (xrf2);
	v12 =	vadd.f32 v16, v12  }
0x10a: {  	v14, _, _ =	vpop (xrf2);
	v11 =	vadd.f32 v11, v15  }
0x10b: {  	v4 =	vmul.f32 v4, v5;
	v20, _, _ =	vpop (xrf2);
	v15 =	vadd.f32 v27, v19;
	v6 =	vadd.f32 v12, v6  }
0x10c: {  	v9 =	vmul.f32 v9, v22;
	(xrf2) =	vadd.scan.msk.f32 $0xffff, v10;
	v7, _, _ =	vpop (xrf2);
	v12 =	vmul.f32 v27, v19  }
0x10d: {  	v10, _, _ =	vpop (xrf2);
	v5 =	vmul.f32 v15, v17;
	(xrf2) =	vadd.scan.msk.f32 $0xffff, v6;
	v6 =	vmul.f32 v8, v21  }
0x10e: {  	v9 =	vadd.f32 v11, v9;
	v16, _, _ =	vpop (xrf2)  }
0x10f: {  	v11, _, _ =	vpop (xrf2);
	v5 =	vadd.f32 v5, v12  }
0x110: {  	v2 =	vmul.f32 v2, v3;
	v4 =	vadd.f32 v9, v4;
	v8, _, _ =	vpop (xrf2)  }
0x111: {  	v9 =	vbroadcast v11, $0xF;
	v8 =	vbroadcast v8, $0xF;
	v5 =	vadd.f32 v5, v6;
	v6, _, _ =	vpop (xrf2)  }
0x112: {  	v11 =	vbroadcast v16, $0xF;
	(xrf2) =	vadd.scan.msk.f32 $0xffff, v4;
	v6 =	vbroadcast v6, $0xF  }
0x113: {  	v4 =	vbroadcast v10, $0xF;
	v3 =	vsel vm0, v9, v8  }
0x114: {  	v3 =	vsel vm1, v3, v11;
	v2 =	vadd.f32 v5, v2  }
0x115: {  	v5 =	vbroadcast v20, $0xF;
	v3 =	vsel vm2, v3, v4;
	v4 =	vbroadcast v7, $0xF  }
0x116: {  	v3 =	vsel vm3, v3, v6;
	v6, _, _ =	vpop (xrf2)  }
0x117: {  	(xrf2) =	vadd.scan.msk.f32 $0xffff, v2;
	v2 =	vsel vm4, v3, v4;
	v3 =	vbroadcast v6, $0xF  }
0x118: {  	v4 =	vbroadcast v14, $0xF;
	v2 =	vsel vm5, v2, v5  }
0x119: {  	v5, _, _ =	vpop (xrf2);
	v2 =	vsel vm6, v2, v3;
	v3 =	vbroadcast v18, $0xF  }
0x11a: {  	v2 =	vsel vm7, v2, v4;
	v4 =	vbroadcast v5, $0xF  }
0x11b: {  	v2 =	vsel vm8, v2, v3;
	v3 =	vbroadcast v25, $0xF  }
0x11c: {  	v5, _, _ =	vpop (xrf2);
	v2 =	vsel vm9, v2, v4  }
0x11d: {  	v4 =	vbroadcast v13, $0xF;
	v2 =	vsel vm10, v2, v3;
	v3 =	vbroadcast v5, $0xF;
	_ =	sdelay $0x1  }
0x11e: {  	v2 =	vsel vm11, v2, v4;
	v4 =	vbroadcast v23, $0xF  }
0x11f: {  	v2 =	vsel vm12, v2, v3  }
0x120: {  	v2 =	vsel vm13, v2, v4;
	v3, _, _ =	vpop (xrf2)  }
0x121: {  	v2 =	vsel vm14, v2, v3  }
0x122: {  	v2 =	vmul.f32 v2, v1;
	_ =	sdelay $0x1  }
0x123: {  	v2 =	vmul.f32 $1.442695020e+00, v2;
	_ =	sdelay $0x1  }
0x124: {  	(erf) = vpow2.f32 v2;
	_ =	sdelay $0x8  }
0x125: {  	v2 =	vpop (erf)  }
0x126: {  	v2 =	vmul.f32 v2, v0  }
0x127: {  	s22 =	simm.s32 $0x15400  }
0x128: {  	s17 =	simm.s32 $0x100;
	[tilespmem:s22+$0x0] =	vst v2  }
0x129: {  	v8 =	vld [tilespmem:s17+$0x14E0]  }
0x12a: {  	v9 =	vld [tilespmem:s17+$0x14C0]  }
0x12b: {  	v10 =	vld [tilespmem:s17+$0x34E0]  }
0x12c: {  	v11 =	vld [tilespmem:s17+$0x14B0]  }
0x12d: {  	v12 =	vld [tilespmem:s17+$0x34C0]  }
0x12e: {  	v13 =	vld [tilespmem:s17+$0x54E0]  }
0x12f: {  	v2 =	vld [tilespmem:s17+$0x94F0]  }
0x130: {  	v3 =	vld [tilespmem:s17+$0x74F0]  }
0x131: {  	v16 =	vld [tilespmem:s17+$0x1490]  }
0x132: {  	v17 =	vld [tilespmem:s17+$0x34B0]  }
0x133: {  	v19 =	vld [tilespmem:s17+$0x1480]  }
0x134: {  	v20 =	vld [tilespmem:s17+$0x54C0]  }
0x135: {  	v18 =	vld [tilespmem:s17+$0x94E0]  }
0x136: {  	v21 =	vld [tilespmem:s17+$0x74E0]  }
0x137: {  	v23 =	vld [tilespmem:s17+$0x3490]  }
0x138: {  	v22 =	vld [tilespmem:s17+$0x54B0]  }
0x139: {  	v4 =	vld [tilespmem:s17+$0x94D0]  }
0x13a: {  	v5 =	vld [tilespmem:s17+$0x74D0]  }
0x13b: {  	v24 =	vld [tilespmem:s17+$0x1460]  }
0x13c: {  	v25 =	vld [tilespmem:s17+$0x3480]  }
0x13d: {  	v26 =	vld [tilespmem:s17+$0x94C0]  }
0x13e: {  	v27 =	vld [tilespmem:s17+$0x74C0]  }
0x13f: {  	v29 =	vld [tilespmem:s17+$0x1450]  }
0x140: {  	v28 =	vld [tilespmem:s17+$0x5490]  }
0x141: {  	v30 =	vld [tilespmem:s17+$0x94B0]  }
0x142: {  	v31 =	vld [tilespmem:s17+$0x74B0]  }
0x143: {  	v32 =	vld [tilespmem:s17+$0x3460]  }
0x144: {  	v33 =	vld [tilespmem:s17+$0x5480]  }
0x145: {  	v6 =	vld [tilespmem:s17+$0x94A0]  }
0x146: {  	v37 =	vld [tilespmem:s17+$0x9490]  }
0x147: {  	v39 =	vld [tilespmem:s17+$0x7490];
	v56 =	vadd.f32 v18, v21  }
0x148: {  	v53 =	vld [tilespmem:s17+$0x9460]  }
0x149: {  	v54 =	vld [tilespmem:s17+$0x7460];
	v14 =	vadd.f32 v56, v13  }
0x14a: {  	v62 =	vld [tilespmem:s17+$0x9480];
	v59 =	vadd.f32 v30, v31  }
0x14b: {  	v63 =	vld [tilespmem:s17+$0x7480];
	v58 =	vadd.f32 v26, v27;
	v57 =	vadd.f32 v14, v10  }
0x14c: {  	v7 =	vld [tilespmem:s17+$0x74A0];
	v55 =	vadd.f32 v37, v39;
	v61 =	vadd.f32 v59, v22  }
0x14d: {  	v15 =	vld [tilespmem:s17+$0x1430];
	v60 =	vadd.f32 v58, v20;
	v10 =	vmul.f32 v14, v10;
	v8 =	vmul.f32 v57, v8  }
0x14e: {  	v35 =	vld [tilespmem:s17+$0x3450];
	v21 =	vmul.f32 v18, v21;
	v48 =	vadd.f32 v53, v54;
	v51 =	vadd.f32 v61, v17  }
0x14f: {  	v41 =	vld [tilespmem:s17+$0x5460];
	v8 =	vadd.f32 v8, v10;
	v10 =	vmul.f32 v56, v13;
	v13 =	vadd.f32 v60, v12  }
0x150: {  	v52 =	vld [tilespmem:s17+$0x5450];
	v11 =	vmul.f32 v51, v11;
	v57 =	vadd.f32 v62, v63;
	v12 =	vmul.f32 v60, v12  }
0x151: {  	v18 =	vld [tilespmem:s17+$0x3430];
	v10 =	vadd.f32 v8, v10;
	v9 =	vmul.f32 v13, v9;
	v13 =	vmul.f32 v61, v17  }
0x152: {  	v14 =	vld [tilespmem:s17+$0x1420];
	v8 =	vadd.f32 v2, v3;
	v17 =	vmul.f32 v58, v20;
	v20 =	vadd.f32 v55, v28  }
0x153: {  	v56 =	vld [tilespmem:s17+$0x9450];
	v12 =	vadd.f32 v9, v12;
	v11 =	vadd.f32 v11, v13;
	v13 =	vmul.f32 v59, v22  }
0x154: {  	v58 =	vld [tilespmem:s17+$0x7450];
	v10 =	vadd.f32 v10, v21;
	v9 =	vadd.f32 v4, v5  }
0x155: {  	v22 =	vld [tilespmem:s17+$0x5430];
	v12 =	vadd.f32 v12, v17;
	v17 =	vmul.f32 v26, v27;
	v13 =	vadd.f32 v11, v13  }
0x156: {  	v21 =	vmul.f32 v30, v31;
	v11 =	vld [tilespmem:s17+$0x9470];
	v26 =	vadd.f32 v57, v33;
	(xrf2) =	vadd.scan.msk.f32 $0xffff, v10;
	v10 =	vadd.f32 v48, v41  }
0x157: {  	v34 =	vmul.f32 v62, v63;
	v30 =	vadd.f32 v12, v17;
	v12 =	vld [tilespmem:s17+$0x7470];
	v17 =	vadd.f32 v20, v23  }
0x158: {  	v59 =	vadd.f32 v13, v21;
	v21 =	vld [tilespmem:s17+$0x3420];
	v27 =	vadd.f32 v26, v25;
	v25 =	vmul.f32 v26, v25  }
0x159: {  	v49 =	vadd.f32 v56, v58;
	v16 =	vmul.f32 v17, v16;
	v17 =	vmul.f32 v20, v23;
	v23 =	vld [tilespmem:s17+$0x9430]  }
0x15a: {  	v13 =	vadd.f32 v6, v7;
	v26 =	vmul.f32 v55, v28;
	v19 =	vmul.f32 v27, v19;
	v27 =	vld [tilespmem:s17+$0x7430]  }
0x15b: {  	v28 =	vmul.f32 v57, v33;
	v60 =	vadd.f32 v10, v32;
	v31 =	vadd.f32 v49, v52;
	v20 =	vld [tilespmem:s17+$0x5420]  }
0x15c: {  	v10 =	vmul.f32 v10, v32;
	(xrf2) =	vadd.scan.msk.f32 $0xffff, v30;
	v30 =	vld [tilespmem:s17+$0x5400];
	v17 =	vadd.f32 v16, v17;
	v19 =	vadd.f32 v19, v25  }
0x15d: {  	v24 =	vmul.f32 v60, v24;
	v61 =	vadd.f32 v31, v35;
	v35 =	vmul.f32 v31, v35;
	v25 =	vld [tilespmem:s17+$0x9420]  }
0x15e: {  	v17 =	vadd.f32 v17, v26;
	v26 =	vmul.f32 v37, v39;
	v19 =	vadd.f32 v19, v28;
	v28 =	vld [tilespmem:s17+$0x7420]  }
0x15f: {  	(xrf2) =	vadd.scan.msk.f32 $0xffff, v59;
	v16 =	vld [tilespmem:s17+$0x9440];
	v10 =	vadd.f32 v24, v10;
	v37 =	vmul.f32 v61, v29;
	v32 =	vadd.f32 v23, v27  }
0x160: {  	v24 =	vmul.f32 v48, v41;
	v29 =	vld [tilespmem:s17+$0x7400];
	v62 =	vadd.f32 v17, v26;
	v31 =	vadd.f32 v19, v34  }
0x161: {  	v63 =	vmul.f32 v49, v52;
	v26 =	vld [tilespmem:s17+$0x9400];
	v37 =	vadd.f32 v37, v35;
	v19 =	vadd.f32 v11, v12  }
0x162: {  	v36 =	vmul.f32 v53, v54;
	v17 =	vld [tilespmem:s17+$0x7440];
	v35 =	vadd.f32 v10, v24;
	v34 =	vadd.f32 v32, v22;
	(xrf2) =	vadd.scan.msk.f32 $0xffff, v62  }
0x163: {  	s23 =	simm.s32 $0x800;
	v38 =	vmul.f32 v56, v58;
	v24 =	vld [tilespmem:s17+$0x9410];
	v10, _, _ =	vpop (xrf2);
	v37 =	vadd.f32 v37, v63;
	v33 =	vadd.f32 v25, v28  }
.LBB2_3:
0x164: {  	p0 =	sne.s32 s23, $0x7C00;
	v39 =	vld [tilespmem:s17+$0x7410];
	v40 =	vadd.f32 v34, v18;
	v35 =	vadd.f32 v35, v36  }
0x165: {  	v36 =	vld [tilespmem:s17+$0x3400];
	v41 =	vadd.f32 v33, v20;
	v37 =	vadd.f32 v37, v38;
	(xrf2) =	vadd.scan.msk.f32 $0xffff, v31  }
0x166: {  	v18 =	vmul.f32 v34, v18;
	v31 =	vadd.f32 v26, v29;
	v38 =	vld [tilespmem:s17+$0x5410];
	v40 =	vmul.f32 v40, v15;
	v15, _, _ =	vpop (xrf2)  }
0x167: {  	v43 =	vadd.f32 v16, v17;
	v34 =	vld [tilespmem:s17+$0x1400];
	v42 =	vadd.f32 v41, v21  }
0x168: {  	v22 =	vmul.f32 v32, v22;
	v44 =	vadd.f32 v31, v30;
	v45 =	vld [tilespmem:s17+$0x3410];
	v18 =	vadd.f32 v40, v18;
	(xrf2) =	vadd.scan.msk.f32 $0xffff, v35  }
0x169: {  	v21 =	vmul.f32 v41, v21;
	v32 =	vadd.f32 v24, v39;
	v35 =	vmul.f32 v42, v14;
	v40 =	vld [tilespmem:s17+$0x5440];
	v14, _, _ =	vpop (xrf2)  }
0x16a: {  	v41 =	vadd.f32 v44, v36;
	v42 =	vld [tilespmem:s17+$0x1410];
	v46 =	vadd.f32 v18, v22;
	v22 =	vmul.f32 v23, v27  }
0x16b: {  	v20 =	vmul.f32 v33, v20;
	v23 =	vadd.f32 v32, v38;
	v21 =	vadd.f32 v35, v21;
	v27 =	vld [tilespmem:s17+$0x3440];
	(xrf2) =	vadd.scan.msk.f32 $0xffff, v37  }
0x16c: {  	v37 =	vmul.f32 v44, v36;
	v33 =	vmul.f32 v41, v34;
	v22 =	vadd.f32 v46, v22;
	v35 =	vld [tilespmem:s17+$0x5470];
	v18, _, _ =	vpop (xrf2)  }
0x16d: {  	v36 =	vadd.f32 v23, v45;
	v20 =	vadd.f32 v21, v20;
	v21 =	vmul.f32 v25, v28;
	v25 =	vld [tilespmem:s17+$0x1440]  }
0x16e: {  	v30 =	vmul.f32 v31, v30;
	v28 =	vadd.f32 v33, v37;
	v31 =	vadd.f32 v43, v40;
	v33 =	vld [tilespmem:s17+$0x3470];
	(xrf2) =	vadd.scan.msk.f32 $0xffff, v22  }
0x16f: {  	v23 =	vmul.f32 v23, v45;
	v22 =	vmul.f32 v36, v42;
	v20 =	vadd.f32 v20, v21;
	v21 =	vld [tilespmem:s17+$0x54A0];
	v34, _, _ =	vpop (xrf2)  }
0x170: {  	v26 =	vmul.f32 v26, v29;
	v37 =	vadd.f32 v28, v30;
	v29 =	vadd.f32 v31, v27;
	v30 =	vld [tilespmem:s17+$0x1470]  }
0x171: {  	v22 =	vadd.f32 v22, v23;
	v23 =	vmul.f32 v32, v38;
	v32 =	vadd.f32 v19, v35;
	v36 =	vld [tilespmem:s17+$0x34A0];
	(xrf2) =	vadd.scan.msk.f32 $0xffff, v20  }
0x172: {  	v20 =	vadd.f32 v37, v26;
	v25 =	vmul.f32 v29, v25;
	v26 =	vmul.f32 v31, v27;
	v27 =	vld [tilespmem:s17+$0x54D0];
	v28, _, _ =	vpop (xrf2)  }
0x173: {  	v22 =	vadd.f32 v22, v23;
	v23 =	vmul.f32 v24, v39;
	v24 =	vadd.f32 v32, v33;
	v29 =	vld [tilespmem:s17+$0x14A0]  }
0x174: {  	v25 =	vadd.f32 v25, v26;
	v26 =	vmul.f32 v43, v40;
	v31 =	vadd.f32 v13, v21;
	v37 =	vld [tilespmem:s17+$0x34D0];
	(xrf2) =	vadd.scan.msk.f32 $0xffff, v20  }
0x175: {  	v20 =	vadd.f32 v22, v23;
	v22 =	vmul.f32 v24, v30;
	v23 =	vmul.f32 v32, v33;
	v24 =	vld [tilespmem:s17+$0x54F0];
	v30, _, _ =	vpop (xrf2)  }
0x176: {  	v16 =	vmul.f32 v16, v17;
	v25 =	vadd.f32 v25, v26;
	v17 =	vadd.f32 v31, v36;
	v26 =	vld [tilespmem:s17+$0x14D0]  }
0x177: {  	v19 =	vmul.f32 v19, v35;
	v22 =	vadd.f32 v22, v23;
	v23 =	vadd.f32 v9, v27;
	(xrf2) =	vadd.scan.msk.f32 $0xffff, v20  }
0x178: {  	v20 =	vmul.f32 v31, v36;
	v16 =	vadd.f32 v25, v16;
	v17 =	vmul.f32 v17, v29;
	v25 =	vld [tilespmem:s17+$0x34F0];
	v29, _, _ =	vpop (xrf2)  }
0x179: {  	v11 =	vmul.f32 v11, v12;
	v22 =	vadd.f32 v22, v19;
	v12 =	vadd.f32 v23, v37  }
0x17a: {  	v13 =	vmul.f32 v13, v21;
	v17 =	vadd.f32 v17, v20;
	v20 =	vld [tilespmem:s17+$0x14F0];
	v21 =	vadd.f32 v8, v24;
	(xrf2) =	vadd.scan.msk.f32 $0xffff, v16  }
0x17b: {  	v16 =	vmul.f32 v23, v37;
	v11 =	vadd.f32 v22, v11;
	v12 =	vmul.f32 v12, v26;
	v19, _, _ =	vpop (xrf2)  }
0x17c: {  	v6 =	vmul.f32 v6, v7;
	v17 =	vadd.f32 v17, v13  }
0x17d: {  	v9 =	vmul.f32 v9, v27;
	v7 =	vadd.f32 v12, v16;
	v12 =	vadd.f32 v21, v25;
	(xrf2) =	vadd.scan.msk.f32 $0xffff, v11  }
0x17e: {  	v11 =	vmul.f32 v21, v25;
	v6 =	vadd.f32 v17, v6;
	v13, _, _ =	vpop (xrf2)  }
0x17f: {  	v4 =	vmul.f32 v4, v5;
	v9 =	vadd.f32 v7, v9;
	v5 =	vmul.f32 v12, v20  }
0x180: {  	(xrf2) =	vadd.scan.msk.f32 $0xffff, v6  }
0x181: {  	v4 =	vadd.f32 v9, v4;
	v5 =	vadd.f32 v5, v11;
	v11 =	vmul.f32 v8, v24;
	v7, _, _ =	vpop (xrf2)  }
0x182: {  	v8 =	vbroadcast v13, $0xF;
	v7 =	vbroadcast v7, $0xF  }
0x183: {  	v2 =	vmul.f32 v2, v3;
	v9 =	vbroadcast v19, $0xF;
	v5 =	vadd.f32 v5, v11;
	(xrf2) =	vadd.scan.msk.f32 $0xffff, v4  }
0x184: {  	v4 =	vbroadcast v29, $0xF;
	v3 =	vsel vm0, v8, v7;
	v6, _, _ =	vpop (xrf2)  }
0x185: {  	v3 =	vsel vm1, v3, v9;
	v7 =	vbroadcast v6, $0xF;
	v2 =	vadd.f32 v5, v2  }
0x186: {  	v3 =	vsel vm2, v3, v4;
	v4 =	vbroadcast v30, $0xF  }
0x187: {  	v3 =	vsel vm3, v3, v7;
	v7 =	vbroadcast v28, $0xF;
	v6, _, _ =	vpop (xrf2);
	(xrf2) =	vadd.scan.msk.f32 $0xffff, v2  }
0x188: {  	v2 =	vsel vm4, v3, v4;
	v3 =	vbroadcast v6, $0xF  }
0x189: {  	v4 =	vbroadcast v34, $0xF;
	v2 =	vsel vm5, v2, v7  }
0x18a: {  	v2 =	vsel vm6, v2, v3;
	v3 =	vbroadcast v18, $0xF;
	v5, _, _ =	vpop (xrf2)  }
0x18b: {  	v2 =	vsel vm7, v2, v4;
	v4 =	vbroadcast v5, $0xF  }
0x18c: {  	v2 =	vsel vm8, v2, v3;
	v3 =	vbroadcast v14, $0xF  }
0x18d: {  	v2 =	vsel vm9, v2, v4;
	v4 =	vbroadcast v15, $0xF;
	v5, _, _ =	vpop (xrf2)  }
0x18e: {  	v2 =	vsel vm10, v2, v3;
	v5 =	vbroadcast v5, $0xF  }
0x18f: {  	v2 =	vsel vm11, v2, v4;
	v4 =	vbroadcast v10, $0xF  }
0x190: {  	v2 =	vsel vm12, v2, v5  }
0x191: {  	v2 =	vsel vm13, v2, v4;
	v3, _, _ =	vpop (xrf2)  }
0x192: {  	v2 =	vsel vm14, v2, v3  }
0x193: {  	v2 =	vmul.f32 v2, v1;
	_ =	sdelay $0x1  }
0x194: {  	v2 =	vmul.f32 $1.442695020e+00, v2;
	_ =	sdelay $0x1  }
0x195: {  	(erf) = vpow2.f32 v2;
	_ =	sdelay $0x8  }
0x196: {  	v2 =	vpop (erf)  }
0x197: {  	v2 =	vmul.f32 v2, v0  }
0x198: {  	s22 =	sadd.s32 $0x10, s22  }
0x199: {  	s17 =	sshra.s32 s23, $0x2;
	[tilespmem:s22+$0x0] =	vst v2  }
0x19a: {  	v8 =	vld [tilespmem:s17+$0x14E0]  }
0x19b: {  	v9 =	vld [tilespmem:s17+$0x14C0]  }
0x19c: {  	v11 =	vld [tilespmem:s17+$0x34E0]  }
0x19d: {  	v12 =	vld [tilespmem:s17+$0x14B0]  }
0x19e: {  	v13 =	vld [tilespmem:s17+$0x34C0]  }
0x19f: {  	v16 =	vld [tilespmem:s17+$0x54E0]  }
0x1a0: {  	v2 =	vld [tilespmem:s17+$0x94F0]  }
0x1a1: {  	v3 =	vld [tilespmem:s17+$0x74F0]  }
0x1a2: {  	v17 =	vld [tilespmem:s17+$0x1490]  }
0x1a3: {  	v19 =	vld [tilespmem:s17+$0x34B0]  }
0x1a4: {  	v23 =	vld [tilespmem:s17+$0x1480]  }
0x1a5: {  	v20 =	vld [tilespmem:s17+$0x54C0]  }
0x1a6: {  	v18 =	vld [tilespmem:s17+$0x94E0]  }
0x1a7: {  	v21 =	vld [tilespmem:s17+$0x74E0]  }
0x1a8: {  	v24 =	vld [tilespmem:s17+$0x3490]  }
0x1a9: {  	v22 =	vld [tilespmem:s17+$0x54B0]  }
0x1aa: {  	v4 =	vld [tilespmem:s17+$0x94D0]  }
0x1ab: {  	v5 =	vld [tilespmem:s17+$0x74D0]  }
0x1ac: {  	v10 =	vld [tilespmem:s17+$0x1460]  }
0x1ad: {  	v25 =	vld [tilespmem:s17+$0x3480]  }
0x1ae: {  	v26 =	vld [tilespmem:s17+$0x94C0]  }
0x1af: {  	v27 =	vld [tilespmem:s17+$0x74C0]  }
0x1b0: {  	v29 =	vld [tilespmem:s17+$0x1450]  }
0x1b1: {  	v28 =	vld [tilespmem:s17+$0x5490]  }
0x1b2: {  	v30 =	vld [tilespmem:s17+$0x94B0]  }
0x1b3: {  	v31 =	vld [tilespmem:s17+$0x74B0]  }
0x1b4: {  	v32 =	vld [tilespmem:s17+$0x3460]  }
0x1b5: {  	v34 =	vadd.f32 v18, v21;
	v33 =	vld [tilespmem:s17+$0x5480]  }
0x1b6: {  	v6 =	vld [tilespmem:s17+$0x94A0]  }
0x1b7: {  	v14 =	vadd.f32 v34, v16;
	v7 =	vld [tilespmem:s17+$0x74A0]  }
0x1b8: {  	v15 =	vld [tilespmem:s17+$0x1430]  }
0x1b9: {  	v36 =	vadd.f32 v14, v11;
	v35 =	vld [tilespmem:s17+$0x3450]  }
0x1ba: {  	v38 =	vadd.f32 v26, v27;
	v37 =	vld [tilespmem:s17+$0x9490]  }
0x1bb: {  	v11 =	vmul.f32 v14, v11;
	v8 =	vmul.f32 v36, v8;
	v40 =	vadd.f32 v30, v31;
	v39 =	vld [tilespmem:s17+$0x7490]  }
0x1bc: {  	v36 =	vadd.f32 v38, v20;
	v14 =	vld [tilespmem:s17+$0x1420]  }
0x1bd: {  	v8 =	vadd.f32 v8, v11;
	v11 =	vmul.f32 v34, v16;
	v42 =	vadd.f32 v40, v22;
	v41 =	vld [tilespmem:s17+$0x5460]  }
0x1be: {  	v16 =	vadd.f32 v36, v13;
	v34 =	vld [tilespmem:s17+$0x9480]  }
0x1bf: {  	v21 =	vmul.f32 v18, v21;
	v11 =	vadd.f32 v8, v11;
	v44 =	vadd.f32 v42, v19;
	v43 =	vld [tilespmem:s17+$0x7480]  }
0x1c0: {  	v8 =	vadd.f32 v2, v3;
	v13 =	vmul.f32 v36, v13;
	v9 =	vmul.f32 v16, v9;
	v18 =	vld [tilespmem:s17+$0x3430]  }
0x1c1: {  	v16 =	vmul.f32 v42, v19;
	v19 =	vadd.f32 v11, v21;
	v12 =	vmul.f32 v44, v12;
	v36 =	vld [tilespmem:s17+$0x5450]  }
0x1c2: {  	v11 =	vadd.f32 v9, v13;
	v13 =	vmul.f32 v38, v20;
	v9 =	vadd.f32 v4, v5;
	v42 =	vld [tilespmem:s17+$0x9460]  }
0x1c3: {  	v44 =	vadd.f32 v37, v39;
	v12 =	vadd.f32 v12, v16;
	v16 =	vmul.f32 v40, v22;
	v38 =	vld [tilespmem:s17+$0x7460]  }
0x1c4: {  	v20 =	vmul.f32 v26, v27;
	v13 =	vadd.f32 v11, v13;
	v40 =	vld [tilespmem:s17+$0x9450];
	v45 =	vadd.f32 v34, v43  }
0x1c5: {  	v21 =	vmul.f32 v30, v31;
	v26 =	vadd.f32 v44, v28;
	v16 =	vadd.f32 v12, v16;
	v46 =	vld [tilespmem:s17+$0x7450]  }
0x1c6: {  	v30 =	vadd.f32 v13, v20;
	v11 =	vld [tilespmem:s17+$0x9470];
	v27 =	vadd.f32 v45, v33  }
0x1c7: {  	v20 =	vadd.f32 v26, v24;
	v47 =	vadd.f32 v16, v21;
	v12 =	vld [tilespmem:s17+$0x7470]  }
0x1c8: {  	v13 =	vadd.f32 v6, v7;
	v21 =	vld [tilespmem:s17+$0x3420];
	v16 =	vadd.f32 v27, v25  }
0x1c9: {  	v24 =	vmul.f32 v26, v24;
	v17 =	vmul.f32 v20, v17;
	v48 =	vadd.f32 v42, v38;
	v22 =	vld [tilespmem:s17+$0x5430]  }
0x1ca: {  	v25 =	vmul.f32 v27, v25;
	v20 =	vld [tilespmem:s17+$0x5420];
	v49 =	vadd.f32 v40, v46;
	v16 =	vmul.f32 v16, v23;
	(xrf2) =	vadd.scan.msk.f32 $0xffff, v19  }
0x1cb: {  	v17 =	vadd.f32 v17, v24;
	v24 =	vmul.f32 v44, v28;
	v19 =	vadd.f32 v48, v41;
	v23 =	vld [tilespmem:s17+$0x9430]  }
0x1cc: {  	v31 =	vmul.f32 v45, v33;
	v27 =	vld [tilespmem:s17+$0x7430];
	v26 =	vadd.f32 v49, v36;
	v28 =	vadd.f32 v16, v25  }
0x1cd: {  	v17 =	vadd.f32 v17, v24;
	v24 =	vmul.f32 v37, v39;
	v33 =	vadd.f32 v19, v32;
	v16 =	vld [tilespmem:s17+$0x9440];
	(xrf2) =	vadd.scan.msk.f32 $0xffff, v30  }
0x1ce: {  	v34 =	vmul.f32 v34, v43;
	v25 =	vld [tilespmem:s17+$0x9420];
	v30 =	vadd.f32 v26, v35;
	v31 =	vadd.f32 v28, v31  }
0x1cf: {  	v19 =	vmul.f32 v19, v32;
	v24 =	vadd.f32 v17, v24;
	v10 =	vmul.f32 v33, v10;
	v28 =	vld [tilespmem:s17+$0x7420]  }
.Ltmp0:
0x1d0: {  	v33 =	vmul.f32 v26, v35;
	v17 =	vld [tilespmem:s17+$0x7440];
	v30 =	vmul.f32 v30, v29;
	v31 =	vadd.f32 v31, v34;
	(xrf2) =	vadd.scan.msk.f32 $0xffff, v47;
	(pc) =	sbr.rel @p0 .LBB2_3-.Ltmp0, $4  }
0x1d1: {  	v35 =	vmul.f32 v48, v41;
	v43 =	vadd.f32 v10, v19;
	v26 =	vld [tilespmem:s17+$0x9400];
	v32 =	vadd.f32 v23, v27  }
0x1d2: {  	v39 =	vmul.f32 v49, v36;
	v19 =	vadd.f32 v11, v12;
	v29 =	vld [tilespmem:s17+$0x7400];
	v37 =	vadd.f32 v30, v33  }
0x1d3: {  	v36 =	vmul.f32 v42, v38;
	v35 =	vadd.f32 v43, v35;
	v30 =	vld [tilespmem:s17+$0x5400];
	v34 =	vadd.f32 v32, v22;
	(xrf2) =	vadd.scan.msk.f32 $0xffff, v24  }
0x1d4: {  	s23 =	sadd.s32 $0x400, s23;
	v38 =	vmul.f32 v40, v46;
	v24 =	vld [tilespmem:s17+$0x9410];
	v33 =	vadd.f32 v25, v28;
	v37 =	vadd.f32 v37, v39;
	v10, _, _ =	vpop (xrf2)  }
0x1d5: {  	v39 =	vld [tilespmem:s17+$0x7410];
	v40 =	vadd.f32 v34, v18  }
0x1d6: {  	v35 =	vadd.f32 v35, v36;
	v57 =	vld [tilespmem:s17+$0x3400];
	v18 =	vmul.f32 v34, v18;
	v41 =	vadd.f32 v33, v20  }
0x1d7: {  	v42 =	vld [tilespmem:s17+$0x5410];
	v43 =	vadd.f32 v16, v17;
	v58 =	vadd.f32 v26, v29;
	v15 =	vmul.f32 v40, v15  }
0x1d8: {  	v59 =	vld [tilespmem:s17+$0x1400];
	v37 =	vadd.f32 v37, v38;
	v60 =	vadd.f32 v41, v21  }
0x1d9: {  	v45 =	vld [tilespmem:s17+$0x3410];
	v44 =	vadd.f32 v58, v30;
	v15 =	vadd.f32 v15, v18;
	v18 =	vmul.f32 v32, v22  }
0x1da: {  	v61 =	vld [tilespmem:s17+$0x5440];
	v21 =	vmul.f32 v41, v21;
	v22 =	vadd.f32 v24, v39;
	v14 =	vmul.f32 v60, v14  }
0x1db: {  	v63 =	vld [tilespmem:s17+$0x1410];
	v62 =	vadd.f32 v44, v57;
	v15 =	vadd.f32 v15, v18;
	v18 =	vmul.f32 v23, v27  }
0x1dc: {  	v20 =	vmul.f32 v33, v20;
	v23 =	vadd.f32 v22, v42;
	v14 =	vadd.f32 v14, v21;
	v21 =	vld [tilespmem:s17+$0x3440]  }
0x1dd: {  	v36 =	vmul.f32 v44, v57;
	v27 =	vmul.f32 v62, v59;
	v15 =	vadd.f32 v15, v18;
	v18 =	vld [tilespmem:s17+$0x5470]  }
0x1de: {  	v40 =	vadd.f32 v23, v45;
	v14 =	vadd.f32 v14, v20;
	v20 =	vmul.f32 v25, v28;
	v25 =	vld [tilespmem:s17+$0x1440]  }
0x1df: {  	v44 =	vld [tilespmem:s17+$0x3470];
	v28 =	vmul.f32 v58, v30;
	v30 =	vadd.f32 v43, v61;
	v27 =	vadd.f32 v27, v36  }
0x1e0: {  	v23 =	vmul.f32 v23, v45;
	v34 =	vmul.f32 v40, v63;
	v14 =	vadd.f32 v14, v20;
	v20 =	vld [tilespmem:s17+$0x54A0]  }
0x1e1: {  	v26 =	vmul.f32 v26, v29;
	v29 =	vld [tilespmem:s17+$0x1470];
	v27 =	vadd.f32 v27, v28;
	v28 =	vadd.f32 v30, v21  }
0x1e2: {  	(xrf2) =	vadd.scan.msk.f32 $0xffff, v31;
	v46 =	vld [tilespmem:s17+$0x34A0];
	v22 =	vmul.f32 v22, v42;
	v23 =	vadd.f32 v34, v23;
	v31 =	vadd.f32 v19, v18  }
0x1e3: {  	(xrf2) =	vadd.scan.msk.f32 $0xffff, v35;
	v21 =	vmul.f32 v30, v21;
	v26 =	vadd.f32 v27, v26;
	v25 =	vmul.f32 v28, v25;
	v27 =	vld [tilespmem:s17+$0x54D0]  }
0x1e4: {  	(xrf2) =	vadd.scan.msk.f32 $0xffff, v37;
	v28 =	vld [tilespmem:s17+$0x14A0];
	v22 =	vadd.f32 v23, v22;
	v23 =	vmul.f32 v24, v39;
	v24 =	vadd.f32 v31, v44  }
0x1e5: {  	(xrf2) =	vadd.scan.msk.f32 $0xffff, v15;
	v30 =	vld [tilespmem:s17+$0x34D0];
	v15 =	vadd.f32 v25, v21;
	v21 =	vmul.f32 v43, v61;
	v25 =	vadd.f32 v13, v20  }
0x1e6: {  	(xrf2) =	vadd.scan.msk.f32 $0xffff, v14;
	v14 =	vadd.f32 v22, v23;
	v22 =	vmul.f32 v24, v29;
	v23 =	vmul.f32 v31, v44  }
0x1e7: {  	v16 =	vmul.f32 v16, v17;
	v15 =	vadd.f32 v15, v21;
	v17 =	vadd.f32 v25, v46;
	v21 =	vld [tilespmem:s17+$0x14D0]  }
0x1e8: {  	v18 =	vmul.f32 v19, v18;
	(xrf2) =	vadd.scan.msk.f32 $0xffff, v26;
	v24 =	vld [tilespmem:s17+$0x54F0];
	v22 =	vadd.f32 v22, v23;
	v19 =	vadd.f32 v9, v27  }
0x1e9: {  	v15 =	vadd.f32 v15, v16;
	v16 =	vmul.f32 v17, v28;
	v17 =	vmul.f32 v25, v46  }
0x1ea: {  	v11 =	vmul.f32 v11, v12;
	(xrf2) =	vadd.scan.msk.f32 $0xffff, v14;
	v14, _, _ =	vpop (xrf2);
	v18 =	vadd.f32 v22, v18;
	v12 =	vadd.f32 v19, v30  }
0x1eb: {  	v13 =	vmul.f32 v13, v20;
	v23 =	vld [tilespmem:s17+$0x34F0];
	v25, _, _ =	vpop (xrf2);
	v16 =	vadd.f32 v16, v17  }
0x1ec: {  	v22, _, _ =	vpop (xrf2);
	(xrf2) =	vadd.scan.msk.f32 $0xffff, v15;
	v11 =	vadd.f32 v18, v11;
	v12 =	vmul.f32 v12, v21;
	v18 =	vmul.f32 v19, v30  }
0x1ed: {  	v17 =	vld [tilespmem:s17+$0x14F0];
	v20 =	vadd.f32 v8, v24;
	v15, _, _ =	vpop (xrf2)  }
0x1ee: {  	v6 =	vmul.f32 v6, v7;
	v13 =	vadd.f32 v16, v13;
	v19, _, _ =	vpop (xrf2);
	v12 =	vadd.f32 v12, v18  }
0x1ef: {  	v7, _, _ =	vpop (xrf2)  }
0x1f0: {  	v9 =	vmul.f32 v9, v27;
	v16 =	vadd.f32 v20, v23;
	(xrf2) =	vadd.scan.msk.f32 $0xffff, v11;
	v6 =	vadd.f32 v13, v6;
	v11, _, _ =	vpop (xrf2)  }
0x1f1: {  	v4 =	vmul.f32 v4, v5;
	v13 =	vmul.f32 v20, v23;
	v18, _, _ =	vpop (xrf2)  }
0x1f2: {  	v9 =	vadd.f32 v12, v9;
	v5 =	vmul.f32 v16, v17;
	v12, _, _ =	vpop (xrf2);
	(xrf2) =	vadd.scan.msk.f32 $0xffff, v6;
	v6 =	vmul.f32 v8, v24;
	_ =	sdelay $0x1  }
0x1f3: {  	v5 =	vadd.f32 v5, v13  }
0x1f4: {  	v2 =	vmul.f32 v2, v3;
	v4 =	vadd.f32 v9, v4;
	v8, _, _ =	vpop (xrf2)  }
0x1f5: {  	v9 =	vbroadcast v12, $0xF;
	v8 =	vbroadcast v8, $0xF;
	v5 =	vadd.f32 v5, v6;
	v6, _, _ =	vpop (xrf2)  }
0x1f6: {  	v12 =	vbroadcast v18, $0xF;
	(xrf2) =	vadd.scan.msk.f32 $0xffff, v4;
	v6 =	vbroadcast v6, $0xF  }
0x1f7: {  	v4 =	vbroadcast v11, $0xF;
	v3 =	vsel vm0, v9, v8  }
0x1f8: {  	v2 =	vadd.f32 v5, v2;
	v3 =	vsel vm1, v3, v12  }
0x1f9: {  	v5 =	vbroadcast v19, $0xF;
	v3 =	vsel vm2, v3, v4;
	v4 =	vbroadcast v7, $0xF  }
0x1fa: {  	v3 =	vsel vm3, v3, v6;
	v6, _, _ =	vpop (xrf2)  }
0x1fb: {  	(xrf2) =	vadd.scan.msk.f32 $0xffff, v2;
	v2 =	vsel vm4, v3, v4;
	v3 =	vbroadcast v6, $0xF  }
0x1fc: {  	v4 =	vbroadcast v15, $0xF;
	v2 =	vsel vm5, v2, v5  }
0x1fd: {  	v5, _, _ =	vpop (xrf2);
	v2 =	vsel vm6, v2, v3;
	v3 =	vbroadcast v22, $0xF  }
0x1fe: {  	v2 =	vsel vm7, v2, v4;
	v4 =	vbroadcast v5, $0xF  }
0x1ff: {  	v2 =	vsel vm8, v2, v3;
	v3 =	vbroadcast v25, $0xF  }
0x200: {  	v5, _, _ =	vpop (xrf2);
	v2 =	vsel vm9, v2, v4  }
0x201: {  	v4 =	vbroadcast v14, $0xF;
	v2 =	vsel vm10, v2, v3;
	v3 =	vbroadcast v5, $0xF;
	_ =	sdelay $0x1  }
0x202: {  	v2 =	vsel vm11, v2, v4;
	v4 =	vbroadcast v10, $0xF  }
0x203: {  	v2 =	vsel vm12, v2, v3  }
0x204: {  	v2 =	vsel vm13, v2, v4;
	v3, _, _ =	vpop (xrf2)  }
0x205: {  	v2 =	vsel vm14, v2, v3  }
0x206: {  	v2 =	vmul.f32 v2, v1;
	_ =	sdelay $0x1  }
0x207: {  	v2 =	vmul.f32 $1.442695020e+00, v2;
	_ =	sdelay $0x1  }
0x208: {  	(erf) = vpow2.f32 v2;
	_ =	sdelay $0x8  }
0x209: {  	s17 =	sshll.u32 s16, $0xA;
	v2 =	vpop (erf)  }
0x20a: {  	s0 =	sadd.s32 s5, s17;
	v2 =	vmul.f32 v2, v0  }
0x20b: {  	s22 =	sadd.s32 $0x10, s22;
	s0 =	sshrl.u32 s0, $0x3  }
0x20c: {  	s0 =	sadd.s32 s3, s0;
	[tilespmem:s22+$0x0] =	vst v2  }
0x20d: {  	[hbm4b:s0+s4] =	stream.linear.scatter [tilespmem:s14], [sflag:$0x5], $0x200, $0x38;
	[tilespmem:$0x15610] =	vst v63  }
0x20e: {  	_ =	swait.ge [sflag:s25], $0x200  }
0x20f: {  	[sflag:s25] =	ssyncset.done $0x0  }
0x210: {  	[sflag:s25] =	ssyncadd.s32 $0xFFFFFE00  }
0x211: {  	_ =	swait.ge [sflag:s15], $0xA000  }
0x212: {  	[sflag:s15] =	ssyncset.done $0x0  }
0x213: {  	[sflag:s15] =	ssyncadd.s32 $0xFFFF6000  }
0x214: {  	_ =	swait.ge [sflag:s30], $0xA00  }
0x215: {  	[sflag:s30] =	ssyncset.done $0x0  }
0x216: {  	s2 =	simm.s32 $0x1400;
	[sflag:s30] =	ssyncadd.s32 $0xFFFFF600  }
0x217: {  	[tilespmem:s2], [sflag:$0x1] =	stream.indirect.gather [hbm4b:s6+s31], $0x10, s4, s31, $0xb8;
	[tilespmem:$0x15610] =	vst v63  }
0x218: {  	s22 =	simm.s32 $0x1C00  }
0x219: {  	[tilespmem:s22], [sflag:$0x1] =	stream.indirect.gather [hbm4b:s6+s31], $0x10, s31, s31, $0xb8;
	[tilespmem:$0x15610] =	vst v63  }
0x21a: {  	s23 =	simm.s32 $0x100;
	s2 =	simm.s32 $0x2400  }
0x21b: {  	[tilespmem:s2], [sflag:$0x1] =	stream.indirect.gather [hbm4b:s6+s31], $0x10, s23, s31, $0xb8;
	[tilespmem:$0x15610] =	vst v63  }
0x21c: {  	s22 =	simm.s32 $0x180;
	s23 =	simm.s32 $0x2C00  }
0x21d: {  	[tilespmem:s23], [sflag:$0x1] =	stream.indirect.gather [hbm4b:s6+s31], $0x10, s22, s31, $0xb8;
	[tilespmem:$0x15610] =	vst v63  }
0x21e: {  	s2 =	simm.s32 $0x3400  }
0x21f: {  	[tilespmem:s2], [sflag:$0x1] =	stream.indirect.gather [hbm4b:s6+s31], $0x10, s13, s31, $0xb8;
	[tilespmem:$0x15610] =	vst v63  }
0x220: {  	s22 =	simm.s32 $0x280;
	s23 =	simm.s32 $0x3C00  }
0x221: {  	[tilespmem:s23], [sflag:$0x1] =	stream.indirect.gather [hbm4b:s6+s31], $0x10, s22, s31, $0xb8;
	[tilespmem:$0x15610] =	vst v63  }
0x222: {  	s22 =	simm.s32 $0x300;
	s23 =	simm.s32 $0x4400  }
0x223: {  	[tilespmem:s23], [sflag:$0x1] =	stream.indirect.gather [hbm4b:s6+s31], $0x10, s22, s31, $0xb8;
	[tilespmem:$0x15610] =	vst v63  }
0x224: {  	s22 =	simm.s32 $0x380;
	s23 =	simm.s32 $0x4C00  }
0x225: {  	[tilespmem:s23], [sflag:$0x1] =	stream.indirect.gather [hbm4b:s6+s31], $0x10, s22, s31, $0xb8;
	[tilespmem:$0x15610] =	vst v63  }
0x226: {  	s2 =	simm.s32 $0x5400  }
0x227: {  	[tilespmem:s2], [sflag:$0x1] =	stream.indirect.gather [hbm4b:s6+s31], $0x10, s26, s31, $0xb8;
	[tilespmem:$0x15610] =	vst v63  }
0x228: {  	s22 =	simm.s32 $0x480;
	s23 =	simm.s32 $0x5C00  }
0x229: {  	[tilespmem:s23], [sflag:$0x1] =	stream.indirect.gather [hbm4b:s6+s31], $0x10, s22, s31, $0xb8;
	[tilespmem:$0x15610] =	vst v63  }
0x22a: {  	s22 =	simm.s32 $0x500;
	s23 =	simm.s32 $0x6400  }
0x22b: {  	[tilespmem:s23], [sflag:$0x1] =	stream.indirect.gather [hbm4b:s6+s31], $0x10, s22, s31, $0xb8;
	[tilespmem:$0x15610] =	vst v63  }
0x22c: {  	s22 =	simm.s32 $0x580;
	s23 =	simm.s32 $0x6C00  }
0x22d: {  	[tilespmem:s23], [sflag:$0x1] =	stream.indirect.gather [hbm4b:s6+s31], $0x10, s22, s31, $0xb8;
	[tilespmem:$0x15610] =	vst v63  }
0x22e: {  	s2 =	simm.s32 $0x7400  }
0x22f: {  	[tilespmem:s2], [sflag:$0x1] =	stream.indirect.gather [hbm4b:s6+s31], $0x10, s28, s31, $0xb8;
	[tilespmem:$0x15610] =	vst v63  }
0x230: {  	s22 =	simm.s32 $0x680;
	s23 =	simm.s32 $0x7C00  }
0x231: {  	[tilespmem:s23], [sflag:$0x1] =	stream.indirect.gather [hbm4b:s6+s31], $0x10, s22, s31, $0xb8;
	[tilespmem:$0x15610] =	vst v63  }
0x232: {  	s22 =	simm.s32 $0x700;
	s23 =	simm.s32 $0x8400  }
0x233: {  	[tilespmem:s23], [sflag:$0x1] =	stream.indirect.gather [hbm4b:s6+s31], $0x10, s22, s31, $0xb8;
	[tilespmem:$0x15610] =	vst v63  }
0x234: {  	s22 =	simm.s32 $0x780;
	s23 =	simm.s32 $0x8C00  }
0x235: {  	[tilespmem:s23], [sflag:$0x1] =	stream.indirect.gather [hbm4b:s6+s31], $0x10, s22, s31, $0xb8;
	[tilespmem:$0x15610] =	vst v63  }
0x236: {  	p0 =	seq.s32 s16, $0x9;
	s2 =	simm.s32 $0x9400  }
0x237: {  	[tilespmem:s2], [sflag:$0x1] =	stream.indirect.gather [hbm4b:s6+s31], $0x10, s29, s31, $0xb8;
	[tilespmem:$0x15610] =	vst v63  }
0x238: {  	s0 =	sadd.s32 @!p0 s18, s20;
	s22 =	simm.s32 $0x880;
	s23 =	simm.s32 $0x9C00  }
0x239: {  	[tilespmem:s23], [sflag:$0x1] =	stream.indirect.gather [hbm4b:s6+s31], $0x10, s22, s31, $0xb8;
	[tilespmem:$0x15610] =	vst v63  }
0x23a: {  	p1 =	slt.u32 @!p0 s0, $0x20;
	s22 =	simm.s32 $0x900;
	s23 =	simm.s32 $0xA400  }
0x23b: {  	[tilespmem:s23], [sflag:$0x1] =	stream.indirect.gather [hbm4b:s6+s31], $0x10, s22, s31, $0xb8;
	[tilespmem:$0x15610] =	vst v63  }
0x23c: {  	s0 =	sshll.u32 @!p0 s0, $0x9;
	s2 =	simm.s32 $0x980;
	s22 =	simm.s32 $0xAC00  }
0x23d: {  	[tilespmem:s22], [sflag:$0x1] =	stream.indirect.gather [hbm4b:s6+s31], $0x10, s2, s31, $0xb8;
	[tilespmem:$0x15610] =	vst v63  }
0x23e: {  	s18 =	sadd.s32 @!p0 $0x10000, s0;
	p1 =	por !p1, p0;
	s22 =	smov.u32 s0  }
0x23f: {  	s22 =	smov.u32 @p1 s18  }
0x240: {  	s22 =	sshrl.u32 @!p0 s22, $0x3  }
0x241: {  	s23 =	simm.s32 @!p0 $0x0;
	s2 =	simm.s32 @!p0 $0xA00;
	s22 =	sadd.s32 @!p0 s7, s22  }
0x242: {  	[tilespmem:s2], [sflag:$0x4] =	stream.linear.gather @!p0 [hbm4b:s22+s23], $0x200, $0x38;
	[tilespmem:$0x15610] =	vst v63  }
0x243: {  	s2 =	simm.s32 @!p0 $0x4000  }
0x244: {  	s2 =	simm.s32 @p1 $0x60000  }
0x245: {  	s2 =	sadd.s32 @!p0 s0, s2  }
0x246: {  	s2 =	sshrl.u32 @!p0 s2, $0x3  }
0x247: {  	s22 =	simm.s32 @!p0 $0xC00;
	s2 =	sadd.s32 @!p0 s7, s2  }
0x248: {  	[tilespmem:s22], [sflag:$0x4] =	stream.linear.gather @!p0 [hbm4b:s2+s23], $0x200, $0x38;
	[tilespmem:$0x15610] =	vst v63  }
0x249: {  	s2 =	simm.s32 @!p0 $0x8000  }
0x24a: {  	s2 =	simm.s32 @p1 $0xB0000  }
0x24b: {  	s2 =	sadd.s32 @!p0 s0, s2  }
0x24c: {  	s2 =	sshrl.u32 @!p0 s2, $0x3  }
0x24d: {  	s22 =	simm.s32 @!p0 $0xE00;
	s2 =	sadd.s32 @!p0 s7, s2  }
0x24e: {  	[tilespmem:s22], [sflag:$0x4] =	stream.linear.gather @!p0 [hbm4b:s2+s23], $0x200, $0x38;
	[tilespmem:$0x15610] =	vst v63  }
0x24f: {  	s2 =	simm.s32 @!p0 $0xC000  }
0x250: {  	s2 =	simm.s32 @p1 $0x100000  }
0x251: {  	s2 =	sadd.s32 @!p0 s0, s2;
	s0 =	sadd.s32 @!p0 $0x150000, s0  }
0x252: {  	s2 =	sshrl.u32 @!p0 s2, $0x3;
	s18 =	smov.u32 @p1 s0  }
0x253: {  	s22 =	simm.s32 @!p0 $0x1000;
	s2 =	sadd.s32 @!p0 s7, s2;
	s0 =	sshrl.u32 @!p0 s18, $0x3  }
0x254: {  	[tilespmem:s22], [sflag:$0x4] =	stream.linear.gather @!p0 [hbm4b:s2+s23], $0x200, $0x38;
	[tilespmem:$0x15610] =	vst v63  }
0x255: {  	s0 =	sadd.s32 @!p0 s7, s0;
	s2 =	simm.s32 @!p0 $0x1200  }
0x256: {  	[tilespmem:s2], [sflag:$0x4] =	stream.linear.gather @!p0 [hbm4b:s0+s23], $0x200, $0x38;
	[tilespmem:$0x15610] =	vst v63  }
0x257: {  	s23 =	simm.s32 $0x0  }
0x258: {  	v8 =	vld [tilespmem:s23+$0xB4E0]  }
0x259: {  	v9 =	vld [tilespmem:s23+$0xB4C0]  }
0x25a: {  	v10 =	vld [tilespmem:s23+$0xD4E0]  }
0x25b: {  	v11 =	vld [tilespmem:s23+$0xB4B0]  }
0x25c: {  	v12 =	vld [tilespmem:s23+$0xD4C0]  }
0x25d: {  	v13 =	vld [tilespmem:s23+$0xF4E0]  }
0x25e: {  	v2 =	vld [tilespmem:s23+$0x134F0]  }
0x25f: {  	v14 =	vld [tilespmem:s23+$0xB490]  }
0x260: {  	v15 =	vld [tilespmem:s23+$0xD4B0]  }
0x261: {  	v16 =	vld [tilespmem:s23+$0xB480]  }
0x262: {  	v17 =	vld [tilespmem:s23+$0xF4C0]  }
0x263: {  	v18 =	vld [tilespmem:s23+$0x134E0]  }
0x264: {  	v19 =	vld [tilespmem:s23+$0x114E0]  }
0x265: {  	v20 =	vld [tilespmem:s23+$0xD490]  }
0x266: {  	v21 =	vld [tilespmem:s23+$0xF4B0]  }
0x267: {  	v4 =	vld [tilespmem:s23+$0x134D0]  }
0x268: {  	v5 =	vld [tilespmem:s23+$0x114D0]  }
0x269: {  	v22 =	vld [tilespmem:s23+$0xB460]  }
0x26a: {  	v23 =	vld [tilespmem:s23+$0xD480]  }
0x26b: {  	v24 =	vld [tilespmem:s23+$0x134C0]  }
0x26c: {  	v25 =	vld [tilespmem:s23+$0x114C0]  }
0x26d: {  	v26 =	vld [tilespmem:s23+$0xB450]  }
0x26e: {  	v27 =	vld [tilespmem:s23+$0xF490]  }
0x26f: {  	v28 =	vld [tilespmem:s23+$0x134B0]  }
0x270: {  	v29 =	vld [tilespmem:s23+$0x114B0]  }
0x271: {  	v30 =	vld [tilespmem:s23+$0xD460]  }
0x272: {  	v31 =	vld [tilespmem:s23+$0xF480]  }
0x273: {  	v37 =	vld [tilespmem:s23+$0x13490]  }
0x274: {  	v39 =	vld [tilespmem:s23+$0x11490]  }
0x275: {  	v6 =	vld [tilespmem:s23+$0x134A0];
	v47 =	vadd.f32 v18, v19  }
0x276: {  	v7 =	vld [tilespmem:s23+$0x114A0]  }
0x277: {  	v34 =	vld [tilespmem:s23+$0xB430];
	v48 =	vadd.f32 v47, v13  }
0x278: {  	v35 =	vld [tilespmem:s23+$0xD450];
	v50 =	vadd.f32 v24, v25;
	v51 =	vadd.f32 v28, v29  }
0x279: {  	v33 =	vld [tilespmem:s23+$0xB420];
	v18 =	vmul.f32 v18, v19;
	v59 =	vadd.f32 v37, v39;
	v49 =	vadd.f32 v48, v10  }
0x27a: {  	v41 =	vld [tilespmem:s23+$0xF460];
	v24 =	vmul.f32 v24, v25;
	v52 =	vadd.f32 v50, v17;
	v53 =	vadd.f32 v51, v21  }
0x27b: {  	v55 =	vld [tilespmem:s23+$0x11480];
	v61 =	vadd.f32 v59, v27;
	v10 =	vmul.f32 v48, v10;
	v8 =	vmul.f32 v49, v8  }
0x27c: {  	v57 =	vld [tilespmem:s23+$0xF450];
	v54 =	vadd.f32 v52, v12;
	v56 =	vadd.f32 v53, v15;
	v12 =	vmul.f32 v52, v12  }
0x27d: {  	v62 =	vadd.f32 v61, v20;
	v8 =	vadd.f32 v8, v10;
	v10 =	vmul.f32 v47, v13;
	v13 =	vld [tilespmem:s23+$0x13480]  }
0x27e: {  	v58 =	vld [tilespmem:s23+$0x13460];
	v15 =	vmul.f32 v53, v15;
	v11 =	vmul.f32 v56, v11  }
0x27f: {  	v25 =	vld [tilespmem:s23+$0x11450];
	v20 =	vmul.f32 v61, v20;
	v14 =	vmul.f32 v62, v14;
	v10 =	vadd.f32 v8, v10  }
0x280: {  	v9 =	vmul.f32 v54, v9;
	v11 =	vadd.f32 v11, v15;
	v15 =	vmul.f32 v51, v21;
	v21 =	vld [tilespmem:s23+$0x13450]  }
0x281: {  	v46 =	vld [tilespmem:s23+$0xF430];
	v14 =	vadd.f32 v14, v20;
	v20 =	vmul.f32 v59, v27;
	v18 =	vadd.f32 v10, v18  }
0x282: {  	v10 =	vadd.f32 v9, v12;
	v12 =	vmul.f32 v50, v17;
	v17 =	vld [tilespmem:s23+$0x11460];
	v60 =	vadd.f32 v13, v55  }
0x283: {  	v42 =	vld [tilespmem:s23+$0xF420];
	v28 =	vmul.f32 v28, v29;
	v15 =	vadd.f32 v11, v15;
	v14 =	vadd.f32 v14, v20  }
0x284: {  	v40 =	vld [tilespmem:s23+$0xF400];
	v20 =	vmul.f32 v37, v39;
	v9 =	vadd.f32 v4, v5;
	v29 =	vadd.f32 v60, v31  }
0x285: {  	v19 =	vld [tilespmem:s23+$0xD430];
	v15 =	vadd.f32 v15, v28;
	v48 =	vadd.f32 v21, v25  }
0x286: {  	v27 =	vld [tilespmem:s23+$0x11430];
	v14 =	vadd.f32 v14, v20;
	v63 =	vadd.f32 v29, v23  }
0x287: {  	v11 =	vld [tilespmem:s23+$0x11470];
	v50 =	vadd.f32 v48, v57;
	v47 =	vadd.f32 v58, v17  }
0x288: {  	v12 =	vadd.f32 v10, v12;
	v10 =	vld [tilespmem:s23+$0x13470];
	v23 =	vmul.f32 v29, v23;
	v16 =	vmul.f32 v63, v16  }
0x289: {  	v29 =	vld [tilespmem:s23+$0x13430];
	v52 =	vadd.f32 v50, v35;
	v49 =	vadd.f32 v47, v41  }
0x28a: {  	v37 =	vld [tilespmem:s23+$0x13420];
	v24 =	vadd.f32 v12, v24;
	v16 =	vadd.f32 v16, v23;
	v23 =	vmul.f32 v60, v31  }
0x28b: {  	v39 =	vld [tilespmem:s23+$0x11400];
	v35 =	vmul.f32 v50, v35;
	v26 =	vmul.f32 v52, v26;
	v51 =	vadd.f32 v49, v30  }
0x28c: {  	v13 =	vmul.f32 v13, v55;
	v12 =	vadd.f32 v6, v7;
	v16 =	vadd.f32 v16, v23;
	v23 =	vld [tilespmem:s23+$0x11420]  }
0x28d: {  	v28 =	vld [tilespmem:s23+$0xD420];
	v30 =	vmul.f32 v49, v30;
	v26 =	vadd.f32 v26, v35;
	v22 =	vmul.f32 v51, v22  }
0x28e: {  	v20 =	vld [tilespmem:s23+$0x11440];
	v32 =	vmul.f32 v48, v57;
	v35 =	vadd.f32 v10, v11;
	v53 =	vadd.f32 v29, v27  }
0x28f: {  	v13 =	vadd.f32 v16, v13;
	v16 =	vld [tilespmem:s23+$0x13400];
	v22 =	vadd.f32 v22, v30;
	v30 =	vmul.f32 v47, v41  }
0x290: {  	v21 =	vmul.f32 v21, v25;
	v31 =	vld [tilespmem:s23+$0x13440];
	v26 =	vadd.f32 v26, v32;
	v54 =	vadd.f32 v53, v46  }
0x291: {  	v25 =	vld [tilespmem:s23+$0x11410];
	v17 =	vmul.f32 v58, v17;
	v22 =	vadd.f32 v22, v30;
	v55 =	vadd.f32 v37, v23  }
0x292: {  	v21 =	vadd.f32 v26, v21;
	v56 =	vadd.f32 v54, v19;
	v30 =	vld [tilespmem:s23+$0x13410]  }
0x293: {  	v17 =	vadd.f32 v22, v17;
	v22 =	vld [tilespmem:s23+$0xD400];
	v57 =	vadd.f32 v55, v42  }
0x294: {  	v58 =	vld [tilespmem:s23+$0xF410];
	v19 =	vmul.f32 v54, v19;
	v32 =	vmul.f32 v56, v34;
	v26 =	vadd.f32 v16, v39  }
0x295: {  	v59 =	vld [tilespmem:s23+$0xB400];
	v61 =	vadd.f32 v31, v20;
	v60 =	vadd.f32 v57, v28  }
0x296: {  	v63 =	vld [tilespmem:s23+$0xD410];
	v38 =	vmul.f32 v53, v46;
	v19 =	vadd.f32 v32, v19;
	v62 =	vadd.f32 v26, v40  }
0x297: {  	v49 =	vld [tilespmem:s23+$0xF440];
	v48 =	vadd.f32 v30, v25;
	v28 =	vmul.f32 v57, v28;
	v33 =	vmul.f32 v60, v33  }
0x298: {  	v27 =	vmul.f32 v29, v27;
	v51 =	vld [tilespmem:s23+$0xB410];
	v19 =	vadd.f32 v19, v38;
	v50 =	vadd.f32 v62, v22  }
0x299: {  	v53 =	vld [tilespmem:s23+$0xD440];
	v52 =	vmul.f32 v55, v42;
	v29 =	vadd.f32 v48, v58;
	v28 =	vadd.f32 v33, v28  }
0x29a: {  	v22 =	vmul.f32 v62, v22;
	v19 =	vadd.f32 v19, v27;
	v27 =	vld [tilespmem:s23+$0xF470];
	v34 =	vmul.f32 v50, v59  }
0x29b: {  	(xrf2) =	vadd.scan.msk.f32 $0xffff, v18;
	v54 =	vld [tilespmem:s23+$0xB440];
	v23 =	vmul.f32 v37, v23;
	v18 =	vadd.f32 v29, v63;
	v28 =	vadd.f32 v28, v52  }
0x29c: {  	(xrf2) =	vadd.scan.msk.f32 $0xffff, v24;
	v55 =	vld [tilespmem:s23+$0xD470];
	v24 =	vmul.f32 v26, v40;
	v26 =	vadd.f32 v61, v49;
	v22 =	vadd.f32 v34, v22  }
0x29d: {  	(xrf2) =	vadd.scan.msk.f32 $0xffff, v15;
	v15 =	vmul.f32 v18, v51;
	v18 =	vmul.f32 v29, v63;
	v23 =	vadd.f32 v28, v23;
	v28 =	vld [tilespmem:s23+$0xF4A0]  }
0x29e: {  	(xrf2) =	vadd.scan.msk.f32 $0xffff, v14;
	v16 =	vmul.f32 v16, v39;
	v14 =	vadd.f32 v22, v24;
	v22 =	vadd.f32 v26, v53;
	v24 =	vld [tilespmem:s23+$0xB470]  }
0x29f: {  	(xrf2) =	vadd.scan.msk.f32 $0xffff, v13;
	v29 =	vld [tilespmem:s23+$0xD4A0];
	v13 =	vadd.f32 v15, v18;
	v15 =	vmul.f32 v48, v58;
	v18 =	vadd.f32 v35, v27  }
0x2a0: {  	(xrf2) =	vadd.scan.msk.f32 $0xffff, v17;
	v17 =	vmul.f32 v26, v53;
	v14 =	vadd.f32 v14, v16;
	v16 =	vmul.f32 v22, v54;
	v22 =	vld [tilespmem:s23+$0xF4D0]  }
0x2a1: {  	(xrf2) =	vadd.scan.msk.f32 $0xffff, v21;
	v13 =	vadd.f32 v13, v15;
	v15 =	vmul.f32 v30, v25;
	v21 =	vadd.f32 v18, v55;
	v25 =	vld [tilespmem:s23+$0xB4A0]  }
0x2a2: {  	(xrf2) =	vadd.scan.msk.f32 $0xffff, v19;
	v26 =	vld [tilespmem:s23+$0xD4D0];
	v16 =	vadd.f32 v16, v17;
	v17 =	vmul.f32 v61, v49;
	v19 =	vadd.f32 v12, v28  }
0x2a3: {  	v3 =	vld [tilespmem:s23+$0x114F0];
	(xrf2) =	vadd.scan.msk.f32 $0xffff, v23;
	v18 =	vmul.f32 v18, v55;
	v13 =	vadd.f32 v13, v15;
	v15 =	vmul.f32 v21, v24  }
0x2a4: {  	(xrf2) =	vadd.scan.msk.f32 $0xffff, v14;
	v14 =	vadd.f32 v16, v17;
	v16 =	vmul.f32 v31, v20;
	v20 =	vld [tilespmem:s23+$0xB4D0];
	v17 =	vadd.f32 v19, v29  }
0x2a5: {  	v21 =	vld [tilespmem:s23+$0xF4F0];
	v15 =	vadd.f32 v15, v18;
	v18 =	vmul.f32 v35, v27;
	v24 =	vadd.f32 v9, v22  }
0x2a6: {  	v14 =	vadd.f32 v14, v16;
	v16 =	vmul.f32 v17, v25;
	v17 =	vmul.f32 v19, v29  }
0x2a7: {  	v10 =	vmul.f32 v10, v11;
	v23, _, _ =	vpop (xrf2);
	(xrf2) =	vadd.scan.msk.f32 $0xffff, v13;
	v19 =	vld [tilespmem:s23+$0xD4F0];
	v15 =	vadd.f32 v15, v18;
	v11 =	vadd.f32 v24, v26  }
0x2a8: {  	v8 =	vadd.f32 v2, v3;
	v12 =	vmul.f32 v12, v28;
	v13, _, _ =	vpop (xrf2);
	(xrf2) =	vadd.scan.msk.f32 $0xffff, v14;
	v16 =	vadd.f32 v16, v17  }
0x2a9: {  	v25, _, _ =	vpop (xrf2);
	v17 =	vld [tilespmem:s23+$0xB4F0];
	v10 =	vadd.f32 v15, v10;
	v11 =	vmul.f32 v11, v20;
	v15 =	vmul.f32 v24, v26  }
0x2aa: {  	v6 =	vmul.f32 v6, v7;
	v27 =	vadd.f32 v8, v21;
	v18, _, _ =	vpop (xrf2);
	v12 =	vadd.f32 v16, v12  }
0x2ab: {  	v14, _, _ =	vpop (xrf2);
	v11 =	vadd.f32 v11, v15  }
0x2ac: {  	v4 =	vmul.f32 v4, v5;
	v20, _, _ =	vpop (xrf2);
	v15 =	vadd.f32 v27, v19;
	v6 =	vadd.f32 v12, v6  }
0x2ad: {  	v9 =	vmul.f32 v9, v22;
	(xrf2) =	vadd.scan.msk.f32 $0xffff, v10;
	v7, _, _ =	vpop (xrf2);
	v12 =	vmul.f32 v27, v19  }
0x2ae: {  	v10, _, _ =	vpop (xrf2);
	v5 =	vmul.f32 v15, v17;
	(xrf2) =	vadd.scan.msk.f32 $0xffff, v6;
	v6 =	vmul.f32 v8, v21  }
0x2af: {  	v9 =	vadd.f32 v11, v9;
	v16, _, _ =	vpop (xrf2)  }
0x2b0: {  	v11, _, _ =	vpop (xrf2);
	v5 =	vadd.f32 v5, v12  }
0x2b1: {  	v2 =	vmul.f32 v2, v3;
	v4 =	vadd.f32 v9, v4;
	v8, _, _ =	vpop (xrf2)  }
0x2b2: {  	v9 =	vbroadcast v11, $0xF;
	v8 =	vbroadcast v8, $0xF;
	v5 =	vadd.f32 v5, v6;
	v6, _, _ =	vpop (xrf2)  }
0x2b3: {  	v11 =	vbroadcast v16, $0xF;
	(xrf2) =	vadd.scan.msk.f32 $0xffff, v4;
	v6 =	vbroadcast v6, $0xF  }
0x2b4: {  	v4 =	vbroadcast v10, $0xF;
	v3 =	vsel vm0, v9, v8  }
0x2b5: {  	v3 =	vsel vm1, v3, v11;
	v2 =	vadd.f32 v5, v2  }
0x2b6: {  	v5 =	vbroadcast v20, $0xF;
	v3 =	vsel vm2, v3, v4;
	v4 =	vbroadcast v7, $0xF  }
0x2b7: {  	v3 =	vsel vm3, v3, v6;
	v6, _, _ =	vpop (xrf2)  }
0x2b8: {  	(xrf2) =	vadd.scan.msk.f32 $0xffff, v2;
	v2 =	vsel vm4, v3, v4;
	v3 =	vbroadcast v6, $0xF  }
0x2b9: {  	v4 =	vbroadcast v14, $0xF;
	v2 =	vsel vm5, v2, v5  }
0x2ba: {  	v5, _, _ =	vpop (xrf2);
	v2 =	vsel vm6, v2, v3;
	v3 =	vbroadcast v18, $0xF  }
0x2bb: {  	v2 =	vsel vm7, v2, v4;
	v4 =	vbroadcast v5, $0xF  }
0x2bc: {  	v2 =	vsel vm8, v2, v3;
	v3 =	vbroadcast v25, $0xF  }
0x2bd: {  	v5, _, _ =	vpop (xrf2);
	v2 =	vsel vm9, v2, v4  }
0x2be: {  	v4 =	vbroadcast v13, $0xF;
	v2 =	vsel vm10, v2, v3;
	v3 =	vbroadcast v5, $0xF;
	_ =	sdelay $0x1  }
0x2bf: {  	v2 =	vsel vm11, v2, v4;
	v4 =	vbroadcast v23, $0xF  }
0x2c0: {  	v2 =	vsel vm12, v2, v3  }
0x2c1: {  	v2 =	vsel vm13, v2, v4;
	v3, _, _ =	vpop (xrf2)  }
0x2c2: {  	v2 =	vsel vm14, v2, v3  }
0x2c3: {  	v2 =	vmul.f32 v2, v1;
	_ =	sdelay $0x1  }
0x2c4: {  	v2 =	vmul.f32 $1.442695020e+00, v2;
	_ =	sdelay $0x1  }
0x2c5: {  	(erf) = vpow2.f32 v2;
	_ =	sdelay $0x8  }
0x2c6: {  	v2 =	vpop (erf)  }
0x2c7: {  	v2 =	vmul.f32 v2, v0  }
0x2c8: {  	s18 =	simm.s32 $0x15400  }
0x2c9: {  	s22 =	simm.s32 $0x100;
	[tilespmem:s18+$0x0] =	vst v2  }
0x2ca: {  	v8 =	vld [tilespmem:s22+$0xB4E0]  }
0x2cb: {  	v9 =	vld [tilespmem:s22+$0xB4C0]  }
0x2cc: {  	v10 =	vld [tilespmem:s22+$0xD4E0]  }
0x2cd: {  	v11 =	vld [tilespmem:s22+$0xB4B0]  }
0x2ce: {  	v12 =	vld [tilespmem:s22+$0xD4C0]  }
0x2cf: {  	v13 =	vld [tilespmem:s22+$0xF4E0]  }
0x2d0: {  	v2 =	vld [tilespmem:s22+$0x134F0]  }
0x2d1: {  	v3 =	vld [tilespmem:s22+$0x114F0]  }
0x2d2: {  	v16 =	vld [tilespmem:s22+$0xB490]  }
0x2d3: {  	v17 =	vld [tilespmem:s22+$0xD4B0]  }
0x2d4: {  	v19 =	vld [tilespmem:s22+$0xB480]  }
0x2d5: {  	v20 =	vld [tilespmem:s22+$0xF4C0]  }
0x2d6: {  	v18 =	vld [tilespmem:s22+$0x134E0]  }
0x2d7: {  	v21 =	vld [tilespmem:s22+$0x114E0]  }
0x2d8: {  	v23 =	vld [tilespmem:s22+$0xD490]  }
0x2d9: {  	v22 =	vld [tilespmem:s22+$0xF4B0]  }
0x2da: {  	v4 =	vld [tilespmem:s22+$0x134D0]  }
0x2db: {  	v5 =	vld [tilespmem:s22+$0x114D0]  }
0x2dc: {  	v24 =	vld [tilespmem:s22+$0xB460]  }
0x2dd: {  	v25 =	vld [tilespmem:s22+$0xD480]  }
0x2de: {  	v26 =	vld [tilespmem:s22+$0x134C0]  }
0x2df: {  	v27 =	vld [tilespmem:s22+$0x114C0]  }
0x2e0: {  	v29 =	vld [tilespmem:s22+$0xB450]  }
0x2e1: {  	v28 =	vld [tilespmem:s22+$0xF490]  }
0x2e2: {  	v30 =	vld [tilespmem:s22+$0x134B0]  }
0x2e3: {  	v31 =	vld [tilespmem:s22+$0x114B0]  }
0x2e4: {  	v32 =	vld [tilespmem:s22+$0xD460]  }
0x2e5: {  	v33 =	vld [tilespmem:s22+$0xF480]  }
0x2e6: {  	v6 =	vld [tilespmem:s22+$0x134A0]  }
0x2e7: {  	v37 =	vld [tilespmem:s22+$0x13490]  }
0x2e8: {  	v39 =	vld [tilespmem:s22+$0x11490];
	v56 =	vadd.f32 v18, v21  }
0x2e9: {  	v53 =	vld [tilespmem:s22+$0x13460]  }
0x2ea: {  	v54 =	vld [tilespmem:s22+$0x11460];
	v14 =	vadd.f32 v56, v13  }
0x2eb: {  	v62 =	vld [tilespmem:s22+$0x13480];
	v59 =	vadd.f32 v30, v31  }
0x2ec: {  	v63 =	vld [tilespmem:s22+$0x11480];
	v58 =	vadd.f32 v26, v27;
	v57 =	vadd.f32 v14, v10  }
0x2ed: {  	v7 =	vld [tilespmem:s22+$0x114A0];
	v55 =	vadd.f32 v37, v39;
	v61 =	vadd.f32 v59, v22  }
0x2ee: {  	v15 =	vld [tilespmem:s22+$0xB430];
	v60 =	vadd.f32 v58, v20;
	v10 =	vmul.f32 v14, v10;
	v8 =	vmul.f32 v57, v8  }
0x2ef: {  	v35 =	vld [tilespmem:s22+$0xD450];
	v21 =	vmul.f32 v18, v21;
	v48 =	vadd.f32 v53, v54;
	v51 =	vadd.f32 v61, v17  }
0x2f0: {  	v41 =	vld [tilespmem:s22+$0xF460];
	v8 =	vadd.f32 v8, v10;
	v10 =	vmul.f32 v56, v13;
	v13 =	vadd.f32 v60, v12  }
0x2f1: {  	v52 =	vld [tilespmem:s22+$0xF450];
	v11 =	vmul.f32 v51, v11;
	v57 =	vadd.f32 v62, v63;
	v12 =	vmul.f32 v60, v12  }
0x2f2: {  	v18 =	vld [tilespmem:s22+$0xD430];
	v10 =	vadd.f32 v8, v10;
	v9 =	vmul.f32 v13, v9;
	v13 =	vmul.f32 v61, v17  }
0x2f3: {  	v14 =	vld [tilespmem:s22+$0xB420];
	v8 =	vadd.f32 v2, v3;
	v17 =	vmul.f32 v58, v20;
	v20 =	vadd.f32 v55, v28  }
0x2f4: {  	v56 =	vld [tilespmem:s22+$0x13450];
	v12 =	vadd.f32 v9, v12;
	v11 =	vadd.f32 v11, v13;
	v13 =	vmul.f32 v59, v22  }
0x2f5: {  	v58 =	vld [tilespmem:s22+$0x11450];
	v10 =	vadd.f32 v10, v21;
	v9 =	vadd.f32 v4, v5  }
0x2f6: {  	v22 =	vld [tilespmem:s22+$0xF430];
	v12 =	vadd.f32 v12, v17;
	v17 =	vmul.f32 v26, v27;
	v13 =	vadd.f32 v11, v13  }
0x2f7: {  	v21 =	vmul.f32 v30, v31;
	v11 =	vld [tilespmem:s22+$0x13470];
	v26 =	vadd.f32 v57, v33;
	(xrf2) =	vadd.scan.msk.f32 $0xffff, v10;
	v10 =	vadd.f32 v48, v41  }
0x2f8: {  	v34 =	vmul.f32 v62, v63;
	v30 =	vadd.f32 v12, v17;
	v12 =	vld [tilespmem:s22+$0x11470];
	v17 =	vadd.f32 v20, v23  }
0x2f9: {  	v59 =	vadd.f32 v13, v21;
	v21 =	vld [tilespmem:s22+$0xD420];
	v27 =	vadd.f32 v26, v25;
	v25 =	vmul.f32 v26, v25  }
0x2fa: {  	v49 =	vadd.f32 v56, v58;
	v16 =	vmul.f32 v17, v16;
	v17 =	vmul.f32 v20, v23;
	v23 =	vld [tilespmem:s22+$0x13430]  }
0x2fb: {  	v13 =	vadd.f32 v6, v7;
	v26 =	vmul.f32 v55, v28;
	v19 =	vmul.f32 v27, v19;
	v27 =	vld [tilespmem:s22+$0x11430]  }
0x2fc: {  	v28 =	vmul.f32 v57, v33;
	v60 =	vadd.f32 v10, v32;
	v31 =	vadd.f32 v49, v52;
	v20 =	vld [tilespmem:s22+$0xF420]  }
0x2fd: {  	v10 =	vmul.f32 v10, v32;
	(xrf2) =	vadd.scan.msk.f32 $0xffff, v30;
	v30 =	vld [tilespmem:s22+$0xF400];
	v17 =	vadd.f32 v16, v17;
	v19 =	vadd.f32 v19, v25  }
0x2fe: {  	v24 =	vmul.f32 v60, v24;
	v61 =	vadd.f32 v31, v35;
	v35 =	vmul.f32 v31, v35;
	v25 =	vld [tilespmem:s22+$0x13420]  }
0x2ff: {  	v17 =	vadd.f32 v17, v26;
	v26 =	vmul.f32 v37, v39;
	v19 =	vadd.f32 v19, v28;
	v28 =	vld [tilespmem:s22+$0x11420]  }
0x300: {  	(xrf2) =	vadd.scan.msk.f32 $0xffff, v59;
	v16 =	vld [tilespmem:s22+$0x13440];
	v10 =	vadd.f32 v24, v10;
	v37 =	vmul.f32 v61, v29;
	v32 =	vadd.f32 v23, v27  }
0x301: {  	v24 =	vmul.f32 v48, v41;
	v29 =	vld [tilespmem:s22+$0x11400];
	v62 =	vadd.f32 v17, v26;
	v31 =	vadd.f32 v19, v34  }
0x302: {  	v63 =	vmul.f32 v49, v52;
	v26 =	vld [tilespmem:s22+$0x13400];
	v37 =	vadd.f32 v37, v35;
	v19 =	vadd.f32 v11, v12  }
0x303: {  	v36 =	vmul.f32 v53, v54;
	v17 =	vld [tilespmem:s22+$0x11440];
	v35 =	vadd.f32 v10, v24;
	v34 =	vadd.f32 v32, v22;
	(xrf2) =	vadd.scan.msk.f32 $0xffff, v62  }
0x304: {  	s23 =	simm.s32 $0x800;
	v38 =	vmul.f32 v56, v58;
	v24 =	vld [tilespmem:s22+$0x13410];
	v10, _, _ =	vpop (xrf2);
	v37 =	vadd.f32 v37, v63;
	v33 =	vadd.f32 v25, v28  }
.LBB2_5:
0x305: {  	p0 =	sne.s32 s23, $0x7C00;
	v39 =	vld [tilespmem:s22+$0x11410];
	v40 =	vadd.f32 v34, v18;
	v35 =	vadd.f32 v35, v36  }
0x306: {  	v36 =	vld [tilespmem:s22+$0xD400];
	v41 =	vadd.f32 v33, v20;
	v37 =	vadd.f32 v37, v38;
	(xrf2) =	vadd.scan.msk.f32 $0xffff, v31  }
0x307: {  	v18 =	vmul.f32 v34, v18;
	v31 =	vadd.f32 v26, v29;
	v38 =	vld [tilespmem:s22+$0xF410];
	v40 =	vmul.f32 v40, v15;
	v15, _, _ =	vpop (xrf2)  }
0x308: {  	v43 =	vadd.f32 v16, v17;
	v34 =	vld [tilespmem:s22+$0xB400];
	v42 =	vadd.f32 v41, v21  }
0x309: {  	v22 =	vmul.f32 v32, v22;
	v44 =	vadd.f32 v31, v30;
	v45 =	vld [tilespmem:s22+$0xD410];
	v18 =	vadd.f32 v40, v18;
	(xrf2) =	vadd.scan.msk.f32 $0xffff, v35  }
0x30a: {  	v21 =	vmul.f32 v41, v21;
	v32 =	vadd.f32 v24, v39;
	v35 =	vmul.f32 v42, v14;
	v40 =	vld [tilespmem:s22+$0xF440];
	v14, _, _ =	vpop (xrf2)  }
0x30b: {  	v41 =	vadd.f32 v44, v36;
	v42 =	vld [tilespmem:s22+$0xB410];
	v46 =	vadd.f32 v18, v22;
	v22 =	vmul.f32 v23, v27  }
0x30c: {  	v20 =	vmul.f32 v33, v20;
	v23 =	vadd.f32 v32, v38;
	v21 =	vadd.f32 v35, v21;
	v27 =	vld [tilespmem:s22+$0xD440];
	(xrf2) =	vadd.scan.msk.f32 $0xffff, v37  }
0x30d: {  	v37 =	vmul.f32 v44, v36;
	v33 =	vmul.f32 v41, v34;
	v22 =	vadd.f32 v46, v22;
	v35 =	vld [tilespmem:s22+$0xF470];
	v18, _, _ =	vpop (xrf2)  }
0x30e: {  	v36 =	vadd.f32 v23, v45;
	v20 =	vadd.f32 v21, v20;
	v21 =	vmul.f32 v25, v28;
	v25 =	vld [tilespmem:s22+$0xB440]  }
0x30f: {  	v30 =	vmul.f32 v31, v30;
	v28 =	vadd.f32 v33, v37;
	v31 =	vadd.f32 v43, v40;
	v33 =	vld [tilespmem:s22+$0xD470];
	(xrf2) =	vadd.scan.msk.f32 $0xffff, v22  }
0x310: {  	v23 =	vmul.f32 v23, v45;
	v22 =	vmul.f32 v36, v42;
	v20 =	vadd.f32 v20, v21;
	v21 =	vld [tilespmem:s22+$0xF4A0];
	v34, _, _ =	vpop (xrf2)  }
0x311: {  	v26 =	vmul.f32 v26, v29;
	v37 =	vadd.f32 v28, v30;
	v29 =	vadd.f32 v31, v27;
	v30 =	vld [tilespmem:s22+$0xB470]  }
0x312: {  	v22 =	vadd.f32 v22, v23;
	v23 =	vmul.f32 v32, v38;
	v32 =	vadd.f32 v19, v35;
	v36 =	vld [tilespmem:s22+$0xD4A0];
	(xrf2) =	vadd.scan.msk.f32 $0xffff, v20  }
0x313: {  	v20 =	vadd.f32 v37, v26;
	v25 =	vmul.f32 v29, v25;
	v26 =	vmul.f32 v31, v27;
	v27 =	vld [tilespmem:s22+$0xF4D0];
	v28, _, _ =	vpop (xrf2)  }
0x314: {  	v22 =	vadd.f32 v22, v23;
	v23 =	vmul.f32 v24, v39;
	v24 =	vadd.f32 v32, v33;
	v29 =	vld [tilespmem:s22+$0xB4A0]  }
0x315: {  	v25 =	vadd.f32 v25, v26;
	v26 =	vmul.f32 v43, v40;
	v31 =	vadd.f32 v13, v21;
	v37 =	vld [tilespmem:s22+$0xD4D0];
	(xrf2) =	vadd.scan.msk.f32 $0xffff, v20  }
0x316: {  	v20 =	vadd.f32 v22, v23;
	v22 =	vmul.f32 v24, v30;
	v23 =	vmul.f32 v32, v33;
	v24 =	vld [tilespmem:s22+$0xF4F0];
	v30, _, _ =	vpop (xrf2)  }
0x317: {  	v16 =	vmul.f32 v16, v17;
	v25 =	vadd.f32 v25, v26;
	v17 =	vadd.f32 v31, v36;
	v26 =	vld [tilespmem:s22+$0xB4D0]  }
0x318: {  	v19 =	vmul.f32 v19, v35;
	v22 =	vadd.f32 v22, v23;
	v23 =	vadd.f32 v9, v27;
	(xrf2) =	vadd.scan.msk.f32 $0xffff, v20  }
0x319: {  	v20 =	vmul.f32 v31, v36;
	v16 =	vadd.f32 v25, v16;
	v17 =	vmul.f32 v17, v29;
	v25 =	vld [tilespmem:s22+$0xD4F0];
	v29, _, _ =	vpop (xrf2)  }
0x31a: {  	v11 =	vmul.f32 v11, v12;
	v22 =	vadd.f32 v22, v19;
	v12 =	vadd.f32 v23, v37  }
0x31b: {  	v13 =	vmul.f32 v13, v21;
	v17 =	vadd.f32 v17, v20;
	v20 =	vld [tilespmem:s22+$0xB4F0];
	v21 =	vadd.f32 v8, v24;
	(xrf2) =	vadd.scan.msk.f32 $0xffff, v16  }
0x31c: {  	v16 =	vmul.f32 v23, v37;
	v11 =	vadd.f32 v22, v11;
	v12 =	vmul.f32 v12, v26;
	v19, _, _ =	vpop (xrf2)  }
0x31d: {  	v6 =	vmul.f32 v6, v7;
	v17 =	vadd.f32 v17, v13  }
0x31e: {  	v9 =	vmul.f32 v9, v27;
	v7 =	vadd.f32 v12, v16;
	v12 =	vadd.f32 v21, v25;
	(xrf2) =	vadd.scan.msk.f32 $0xffff, v11  }
0x31f: {  	v11 =	vmul.f32 v21, v25;
	v6 =	vadd.f32 v17, v6;
	v13, _, _ =	vpop (xrf2)  }
0x320: {  	v4 =	vmul.f32 v4, v5;
	v9 =	vadd.f32 v7, v9;
	v5 =	vmul.f32 v12, v20  }
0x321: {  	(xrf2) =	vadd.scan.msk.f32 $0xffff, v6  }
0x322: {  	v4 =	vadd.f32 v9, v4;
	v5 =	vadd.f32 v5, v11;
	v11 =	vmul.f32 v8, v24;
	v7, _, _ =	vpop (xrf2)  }
0x323: {  	v8 =	vbroadcast v13, $0xF;
	v7 =	vbroadcast v7, $0xF  }
0x324: {  	v2 =	vmul.f32 v2, v3;
	v9 =	vbroadcast v19, $0xF;
	v5 =	vadd.f32 v5, v11;
	(xrf2) =	vadd.scan.msk.f32 $0xffff, v4  }
0x325: {  	v4 =	vbroadcast v29, $0xF;
	v3 =	vsel vm0, v8, v7;
	v6, _, _ =	vpop (xrf2)  }
0x326: {  	v3 =	vsel vm1, v3, v9;
	v7 =	vbroadcast v6, $0xF;
	v2 =	vadd.f32 v5, v2  }
0x327: {  	v3 =	vsel vm2, v3, v4;
	v4 =	vbroadcast v30, $0xF  }
0x328: {  	v3 =	vsel vm3, v3, v7;
	v7 =	vbroadcast v28, $0xF;
	v6, _, _ =	vpop (xrf2);
	(xrf2) =	vadd.scan.msk.f32 $0xffff, v2  }
0x329: {  	v2 =	vsel vm4, v3, v4;
	v3 =	vbroadcast v6, $0xF  }
0x32a: {  	v4 =	vbroadcast v34, $0xF;
	v2 =	vsel vm5, v2, v7  }
0x32b: {  	v2 =	vsel vm6, v2, v3;
	v3 =	vbroadcast v18, $0xF;
	v5, _, _ =	vpop (xrf2)  }
0x32c: {  	v2 =	vsel vm7, v2, v4;
	v4 =	vbroadcast v5, $0xF  }
0x32d: {  	v2 =	vsel vm8, v2, v3;
	v3 =	vbroadcast v14, $0xF  }
0x32e: {  	v2 =	vsel vm9, v2, v4;
	v4 =	vbroadcast v15, $0xF;
	v5, _, _ =	vpop (xrf2)  }
0x32f: {  	v2 =	vsel vm10, v2, v3;
	v5 =	vbroadcast v5, $0xF  }
0x330: {  	v2 =	vsel vm11, v2, v4;
	v4 =	vbroadcast v10, $0xF  }
0x331: {  	v2 =	vsel vm12, v2, v5  }
0x332: {  	v2 =	vsel vm13, v2, v4;
	v3, _, _ =	vpop (xrf2)  }
0x333: {  	v2 =	vsel vm14, v2, v3  }
0x334: {  	v2 =	vmul.f32 v2, v1;
	_ =	sdelay $0x1  }
0x335: {  	v2 =	vmul.f32 $1.442695020e+00, v2;
	_ =	sdelay $0x1  }
0x336: {  	(erf) = vpow2.f32 v2;
	_ =	sdelay $0x8  }
0x337: {  	v2 =	vpop (erf)  }
0x338: {  	v2 =	vmul.f32 v2, v0  }
0x339: {  	s18 =	sadd.s32 $0x10, s18  }
0x33a: {  	s22 =	sshra.s32 s23, $0x2;
	[tilespmem:s18+$0x0] =	vst v2  }
0x33b: {  	v8 =	vld [tilespmem:s22+$0xB4E0]  }
0x33c: {  	v9 =	vld [tilespmem:s22+$0xB4C0]  }
0x33d: {  	v11 =	vld [tilespmem:s22+$0xD4E0]  }
0x33e: {  	v12 =	vld [tilespmem:s22+$0xB4B0]  }
0x33f: {  	v13 =	vld [tilespmem:s22+$0xD4C0]  }
0x340: {  	v16 =	vld [tilespmem:s22+$0xF4E0]  }
0x341: {  	v2 =	vld [tilespmem:s22+$0x134F0]  }
0x342: {  	v3 =	vld [tilespmem:s22+$0x114F0]  }
0x343: {  	v17 =	vld [tilespmem:s22+$0xB490]  }
0x344: {  	v19 =	vld [tilespmem:s22+$0xD4B0]  }
0x345: {  	v23 =	vld [tilespmem:s22+$0xB480]  }
0x346: {  	v20 =	vld [tilespmem:s22+$0xF4C0]  }
0x347: {  	v18 =	vld [tilespmem:s22+$0x134E0]  }
0x348: {  	v21 =	vld [tilespmem:s22+$0x114E0]  }
0x349: {  	v24 =	vld [tilespmem:s22+$0xD490]  }
0x34a: {  	v22 =	vld [tilespmem:s22+$0xF4B0]  }
0x34b: {  	v4 =	vld [tilespmem:s22+$0x134D0]  }
0x34c: {  	v5 =	vld [tilespmem:s22+$0x114D0]  }
0x34d: {  	v10 =	vld [tilespmem:s22+$0xB460]  }
0x34e: {  	v25 =	vld [tilespmem:s22+$0xD480]  }
0x34f: {  	v26 =	vld [tilespmem:s22+$0x134C0]  }
0x350: {  	v27 =	vld [tilespmem:s22+$0x114C0]  }
0x351: {  	v29 =	vld [tilespmem:s22+$0xB450]  }
0x352: {  	v28 =	vld [tilespmem:s22+$0xF490]  }
0x353: {  	v30 =	vld [tilespmem:s22+$0x134B0]  }
0x354: {  	v31 =	vld [tilespmem:s22+$0x114B0]  }
0x355: {  	v32 =	vld [tilespmem:s22+$0xD460]  }
0x356: {  	v34 =	vadd.f32 v18, v21;
	v33 =	vld [tilespmem:s22+$0xF480]  }
0x357: {  	v6 =	vld [tilespmem:s22+$0x134A0]  }
0x358: {  	v14 =	vadd.f32 v34, v16;
	v7 =	vld [tilespmem:s22+$0x114A0]  }
0x359: {  	v15 =	vld [tilespmem:s22+$0xB430]  }
0x35a: {  	v36 =	vadd.f32 v14, v11;
	v35 =	vld [tilespmem:s22+$0xD450]  }
0x35b: {  	v38 =	vadd.f32 v26, v27;
	v37 =	vld [tilespmem:s22+$0x13490]  }
0x35c: {  	v11 =	vmul.f32 v14, v11;
	v8 =	vmul.f32 v36, v8;
	v40 =	vadd.f32 v30, v31;
	v39 =	vld [tilespmem:s22+$0x11490]  }
0x35d: {  	v36 =	vadd.f32 v38, v20;
	v14 =	vld [tilespmem:s22+$0xB420]  }
0x35e: {  	v8 =	vadd.f32 v8, v11;
	v11 =	vmul.f32 v34, v16;
	v42 =	vadd.f32 v40, v22;
	v41 =	vld [tilespmem:s22+$0xF460]  }
0x35f: {  	v16 =	vadd.f32 v36, v13;
	v34 =	vld [tilespmem:s22+$0x13480]  }
0x360: {  	v21 =	vmul.f32 v18, v21;
	v11 =	vadd.f32 v8, v11;
	v44 =	vadd.f32 v42, v19;
	v43 =	vld [tilespmem:s22+$0x11480]  }
0x361: {  	v8 =	vadd.f32 v2, v3;
	v13 =	vmul.f32 v36, v13;
	v9 =	vmul.f32 v16, v9;
	v18 =	vld [tilespmem:s22+$0xD430]  }
0x362: {  	v16 =	vmul.f32 v42, v19;
	v19 =	vadd.f32 v11, v21;
	v12 =	vmul.f32 v44, v12;
	v36 =	vld [tilespmem:s22+$0xF450]  }
0x363: {  	v11 =	vadd.f32 v9, v13;
	v13 =	vmul.f32 v38, v20;
	v9 =	vadd.f32 v4, v5;
	v42 =	vld [tilespmem:s22+$0x13460]  }
0x364: {  	v44 =	vadd.f32 v37, v39;
	v12 =	vadd.f32 v12, v16;
	v16 =	vmul.f32 v40, v22;
	v38 =	vld [tilespmem:s22+$0x11460]  }
0x365: {  	v20 =	vmul.f32 v26, v27;
	v13 =	vadd.f32 v11, v13;
	v40 =	vld [tilespmem:s22+$0x13450];
	v45 =	vadd.f32 v34, v43  }
0x366: {  	v21 =	vmul.f32 v30, v31;
	v26 =	vadd.f32 v44, v28;
	v16 =	vadd.f32 v12, v16;
	v46 =	vld [tilespmem:s22+$0x11450]  }
0x367: {  	v30 =	vadd.f32 v13, v20;
	v11 =	vld [tilespmem:s22+$0x13470];
	v27 =	vadd.f32 v45, v33  }
0x368: {  	v20 =	vadd.f32 v26, v24;
	v47 =	vadd.f32 v16, v21;
	v12 =	vld [tilespmem:s22+$0x11470]  }
0x369: {  	v13 =	vadd.f32 v6, v7;
	v21 =	vld [tilespmem:s22+$0xD420];
	v16 =	vadd.f32 v27, v25  }
0x36a: {  	v24 =	vmul.f32 v26, v24;
	v17 =	vmul.f32 v20, v17;
	v48 =	vadd.f32 v42, v38;
	v22 =	vld [tilespmem:s22+$0xF430]  }
0x36b: {  	v25 =	vmul.f32 v27, v25;
	v20 =	vld [tilespmem:s22+$0xF420];
	v49 =	vadd.f32 v40, v46;
	v16 =	vmul.f32 v16, v23;
	(xrf2) =	vadd.scan.msk.f32 $0xffff, v19  }
0x36c: {  	v17 =	vadd.f32 v17, v24;
	v24 =	vmul.f32 v44, v28;
	v19 =	vadd.f32 v48, v41;
	v23 =	vld [tilespmem:s22+$0x13430]  }
0x36d: {  	v31 =	vmul.f32 v45, v33;
	v27 =	vld [tilespmem:s22+$0x11430];
	v26 =	vadd.f32 v49, v36;
	v28 =	vadd.f32 v16, v25  }
0x36e: {  	v17 =	vadd.f32 v17, v24;
	v24 =	vmul.f32 v37, v39;
	v33 =	vadd.f32 v19, v32;
	v16 =	vld [tilespmem:s22+$0x13440];
	(xrf2) =	vadd.scan.msk.f32 $0xffff, v30  }
0x36f: {  	v34 =	vmul.f32 v34, v43;
	v25 =	vld [tilespmem:s22+$0x13420];
	v30 =	vadd.f32 v26, v35;
	v31 =	vadd.f32 v28, v31  }
0x370: {  	v19 =	vmul.f32 v19, v32;
	v24 =	vadd.f32 v17, v24;
	v10 =	vmul.f32 v33, v10;
	v28 =	vld [tilespmem:s22+$0x11420]  }
.Ltmp1:
0x371: {  	v33 =	vmul.f32 v26, v35;
	v17 =	vld [tilespmem:s22+$0x11440];
	v30 =	vmul.f32 v30, v29;
	v31 =	vadd.f32 v31, v34;
	(xrf2) =	vadd.scan.msk.f32 $0xffff, v47;
	(pc) =	sbr.rel @p0 .LBB2_5-.Ltmp1, $4  }
0x372: {  	v35 =	vmul.f32 v48, v41;
	v43 =	vadd.f32 v10, v19;
	v26 =	vld [tilespmem:s22+$0x13400];
	v32 =	vadd.f32 v23, v27  }
0x373: {  	v39 =	vmul.f32 v49, v36;
	v19 =	vadd.f32 v11, v12;
	v29 =	vld [tilespmem:s22+$0x11400];
	v37 =	vadd.f32 v30, v33  }
0x374: {  	v36 =	vmul.f32 v42, v38;
	v35 =	vadd.f32 v43, v35;
	v30 =	vld [tilespmem:s22+$0xF400];
	v34 =	vadd.f32 v32, v22;
	(xrf2) =	vadd.scan.msk.f32 $0xffff, v24  }
0x375: {  	s23 =	sadd.s32 $0x400, s23;
	v38 =	vmul.f32 v40, v46;
	v24 =	vld [tilespmem:s22+$0x13410];
	v33 =	vadd.f32 v25, v28;
	v37 =	vadd.f32 v37, v39;
	v10, _, _ =	vpop (xrf2)  }
0x376: {  	v39 =	vld [tilespmem:s22+$0x11410]  }
0x377: {  	v40 =	vadd.f32 v34, v18;
	v60 =	vld [tilespmem:s22+$0xD400]  }
0x378: {  	v35 =	vadd.f32 v35, v36;
	v48 =	vmul.f32 v32, v22;
	v32 =	vld [tilespmem:s22+$0xF440];
	v41 =	vadd.f32 v33, v20  }
0x379: {  	v42 =	vld [tilespmem:s22+$0xF410];
	v37 =	vadd.f32 v37, v38;
	v38 =	vadd.f32 v26, v29  }
0x37a: {  	v61 =	vmul.f32 v34, v18;
	v43 =	vadd.f32 v16, v17;
	v45 =	vld [tilespmem:s22+$0xD410];
	v15 =	vmul.f32 v40, v15  }
0x37b: {  	v53 =	vmul.f32 v23, v27;
	v56 =	vld [tilespmem:s22+$0xD440];
	v63 =	vadd.f32 v41, v21;
	v44 =	vadd.f32 v38, v30  }
0x37c: {  	v62 =	vld [tilespmem:s22+$0xB400];
	v50 =	vmul.f32 v41, v21;
	v15 =	vadd.f32 v15, v61;
	v49 =	vadd.f32 v24, v39  }
0x37d: {  	v52 =	vld [tilespmem:s22+$0xB410];
	v14 =	vmul.f32 v63, v14;
	v63 =	vadd.f32 v43, v32;
	v51 =	vadd.f32 v44, v60  }
0x37e: {  	v18 =	vld [tilespmem:s22+$0xF470];
	v55 =	vmul.f32 v33, v20;
	v15 =	vadd.f32 v15, v48;
	v54 =	vadd.f32 v49, v42  }
0x37f: {  	v61 =	vld [tilespmem:s22+$0xB440];
	v58 =	vmul.f32 v44, v60;
	v60 =	vmul.f32 v25, v28;
	v14 =	vadd.f32 v14, v50  }
0x380: {  	v36 =	vld [tilespmem:s22+$0xD470];
	v41 =	vadd.f32 v63, v56;
	v22 =	vmul.f32 v49, v42;
	v59 =	vadd.f32 v54, v45  }
0x381: {  	v57 =	vmul.f32 v51, v62;
	v15 =	vadd.f32 v15, v53;
	v62 =	vmul.f32 v38, v30  }
0x382: {  	v38 =	vld [tilespmem:s22+$0xF4A0];
	v14 =	vadd.f32 v14, v55;
	v23 =	vmul.f32 v54, v45;
	v34 =	vmul.f32 v59, v52  }
0x383: {  	v44 =	vld [tilespmem:s22+$0xB470];
	v21 =	vmul.f32 v63, v56;
	v45 =	vadd.f32 v19, v18;
	v27 =	vadd.f32 v57, v58  }
0x384: {  	(xrf2) =	vadd.scan.msk.f32 $0xffff, v31;
	v46 =	vld [tilespmem:s22+$0xD4A0];
	v25 =	vmul.f32 v41, v61;
	v14 =	vadd.f32 v14, v60;
	v23 =	vadd.f32 v34, v23  }
0x385: {  	v47 =	vld [tilespmem:s22+$0xF4D0];
	v40 =	vmul.f32 v26, v29;
	(xrf2) =	vadd.scan.msk.f32 $0xffff, v35;
	v49 =	vadd.f32 v45, v36;
	v27 =	vadd.f32 v27, v62  }
0x386: {  	(xrf2) =	vadd.scan.msk.f32 $0xffff, v37;
	v48 =	vmul.f32 v24, v39;
	v50 =	vld [tilespmem:s22+$0xB4A0];
	v51 =	vadd.f32 v25, v21;
	v22 =	vadd.f32 v23, v22  }
0x387: {  	v54 =	vld [tilespmem:s22+$0xD4D0];
	(xrf2) =	vadd.scan.msk.f32 $0xffff, v15;
	v52 =	vmul.f32 v43, v32;
	v53 =	vadd.f32 v13, v38;
	v26 =	vadd.f32 v27, v40  }
0x388: {  	v57 =	vmul.f32 v45, v36;
	(xrf2) =	vadd.scan.msk.f32 $0xffff, v14;
	v56 =	vmul.f32 v49, v44;
	v55 =	vadd.f32 v22, v48  }
0x389: {  	v61 =	vld [tilespmem:s22+$0xB4D0];
	v59 =	vmul.f32 v16, v17;
	v15 =	vadd.f32 v51, v52;
	v60 =	vadd.f32 v53, v46;
	(xrf2) =	vadd.scan.msk.f32 $0xffff, v26  }
0x38a: {  	v18 =	vmul.f32 v19, v18;
	v58 =	vld [tilespmem:s22+$0xF4F0];
	v62 =	vadd.f32 v9, v47;
	v22 =	vadd.f32 v56, v57;
	(xrf2) =	vadd.scan.msk.f32 $0xffff, v55  }
0x38b: {  	v63, _, _ =	vpop (xrf2);
	v15 =	vadd.f32 v15, v59;
	v29 =	vmul.f32 v53, v46;
	v28 =	vmul.f32 v60, v50  }
0x38c: {  	v31 =	vld [tilespmem:s22+$0xD4F0];
	v11 =	vmul.f32 v11, v12;
	v32, _, _ =	vpop (xrf2);
	v33 =	vadd.f32 v62, v54;
	v18 =	vadd.f32 v22, v18  }
0x38d: {  	v35 =	vmul.f32 v13, v38;
	v34, _, _ =	vpop (xrf2);
	v16 =	vadd.f32 v28, v29;
	(xrf2) =	vadd.scan.msk.f32 $0xffff, v15  }
0x38e: {  	v36 =	vld [tilespmem:s22+$0xB4F0];
	v39 =	vmul.f32 v62, v54;
	v38, _, _ =	vpop (xrf2);
	v12 =	vmul.f32 v33, v61;
	v11 =	vadd.f32 v18, v11  }
0x38f: {  	v6 =	vmul.f32 v6, v7;
	v37 =	vadd.f32 v8, v58;
	v40, _, _ =	vpop (xrf2);
	v13 =	vadd.f32 v16, v35  }
0x390: {  	v42 =	vmul.f32 v9, v47;
	v41, _, _ =	vpop (xrf2);
	v12 =	vadd.f32 v12, v39;
	(xrf2) =	vadd.scan.msk.f32 $0xffff, v11  }
0x391: {  	v43 =	vadd.f32 v37, v31;
	v44, _, _ =	vpop (xrf2);
	v6 =	vadd.f32 v13, v6  }
0x392: {  	v4 =	vmul.f32 v4, v5;
	v9 =	vadd.f32 v12, v42;
	v46, _, _ =	vpop (xrf2)  }
0x393: {  	v45 =	vmul.f32 v37, v31;
	v47 =	vmul.f32 v43, v36;
	(xrf2) =	vadd.scan.msk.f32 $0xffff, v6;
	v48, _, _ =	vpop (xrf2)  }
0x394: {  	v49 =	vmul.f32 v8, v58;
	v4 =	vadd.f32 v9, v4;
	v50, _, _ =	vpop (xrf2)  }
0x395: {  	v5 =	vadd.f32 v47, v45;
	v51 =	vbroadcast v48, $0xF;
	v8 =	vbroadcast v50, $0xF  }
0x396: {  	v2 =	vmul.f32 v2, v3;
	v52 =	vbroadcast v46, $0xF;
	(xrf2) =	vadd.scan.msk.f32 $0xffff, v4  }
0x397: {  	v53 =	vbroadcast v44, $0xF;
	v5 =	vadd.f32 v5, v49;
	v54, _, _ =	vpop (xrf2);
	v3 =	vsel vm0, v51, v8  }
0x398: {  	v6 =	vbroadcast v54, $0xF;
	v3 =	vsel vm1, v3, v52  }
0x399: {  	v55 =	vbroadcast v41, $0xF;
	v2 =	vadd.f32 v5, v2;
	v3 =	vsel vm2, v3, v53  }
0x39a: {  	v56 =	vbroadcast v40, $0xF;
	v57, _, _ =	vpop (xrf2);
	v3 =	vsel vm3, v3, v6  }
0x39b: {  	(xrf2) =	vadd.scan.msk.f32 $0xffff, v2;
	v2 =	vsel vm4, v3, v55;
	v3 =	vbroadcast v57, $0xF  }
0x39c: {  	v58 =	vbroadcast v38, $0xF;
	v2 =	vsel vm5, v2, v56  }
0x39d: {  	v59, _, _ =	vpop (xrf2);
	v2 =	vsel vm6, v2, v3;
	v3 =	vbroadcast v34, $0xF  }
0x39e: {  	v60 =	vbroadcast v59, $0xF;
	v2 =	vsel vm7, v2, v58  }
0x39f: {  	v2 =	vsel vm8, v2, v3;
	v3 =	vbroadcast v32, $0xF  }
0x3a0: {  	v62, _, _ =	vpop (xrf2);
	v2 =	vsel vm9, v2, v60  }
0x3a1: {  	v61 =	vbroadcast v63, $0xF;
	v2 =	vsel vm10, v2, v3;
	v3 =	vbroadcast v62, $0xF;
	_ =	sdelay $0x1  }
0x3a2: {  	v63 =	vbroadcast v10, $0xF;
	v2 =	vsel vm11, v2, v61  }
0x3a3: {  	v2 =	vsel vm12, v2, v3  }
0x3a4: {  	v2 =	vsel vm13, v2, v63;
	v3, _, _ =	vpop (xrf2)  }
0x3a5: {  	v2 =	vsel vm14, v2, v3  }
0x3a6: {  	v2 =	vmul.f32 v2, v1;
	_ =	sdelay $0x1  }
0x3a7: {  	v2 =	vmul.f32 $1.442695020e+00, v2;
	_ =	sdelay $0x1  }
0x3a8: {  	(erf) = vpow2.f32 v2;
	_ =	sdelay $0x8  }
0x3a9: {  	v2 =	vpop (erf)  }
0x3aa: {  	s0 =	sadd.s32 s17, s21;
	s16 =	sadd.s32 $0x1, s16;
	v2 =	vmul.f32 v2, v0  }
0x3ab: {  	s2 =	sadd.s32 $0x10, s18;
	s0 =	sshrl.u32 s0, $0x3;
	p0 =	sne.s32 s16, $0xA  }
.Ltmp2:
0x3ac: {  	s0 =	sadd.s32 s3, s0;
	[tilespmem:s2+$0x0] =	vst v2;
	(pc) =	sbr.rel @p0 .LBB2_2-.Ltmp2, $4  }
0x3ad: {  	[hbm4b:s0+s4] =	stream.linear.scatter [tilespmem:s14], [sflag:$0x5], $0x200, $0x38;
	[tilespmem:$0x15610] =	vst v63  }
0x3ae: {  	_ =	swait.ge [sflag:s25], $0x200  }
0x3af: {  	[sflag:s25] =	ssyncset.done $0x0  }
0x3b0: {  	[sflag:s25] =	ssyncadd.s32 $0xFFFFFE00  }
0x3b1: {  	_ =	swait.ge [sflag:s11], $0xA000  }
0x3b2: {  	[sflag:s11] =	ssyncset.done $0x0  }
0x3b3: {  	s16 =	simm.s32 $0x0;
	[sflag:s11] =	ssyncadd.s32 $0xFFFF6000  }
0x3b4: {  	v8 =	vld [tilespmem:s16+$0x14E0]  }
0x3b5: {  	v9 =	vld [tilespmem:s16+$0x14C0]  }
0x3b6: {  	v10 =	vld [tilespmem:s16+$0x34E0]  }
0x3b7: {  	v11 =	vld [tilespmem:s16+$0x14B0]  }
0x3b8: {  	v12 =	vld [tilespmem:s16+$0x34C0]  }
0x3b9: {  	v13 =	vld [tilespmem:s16+$0x54E0]  }
0x3ba: {  	v2 =	vld [tilespmem:s16+$0x94F0]  }
0x3bb: {  	v14 =	vld [tilespmem:s16+$0x1490]  }
0x3bc: {  	v15 =	vld [tilespmem:s16+$0x34B0]  }
0x3bd: {  	v16 =	vld [tilespmem:s16+$0x1480]  }
0x3be: {  	v17 =	vld [tilespmem:s16+$0x54C0]  }
0x3bf: {  	v18 =	vld [tilespmem:s16+$0x94E0]  }
0x3c0: {  	v19 =	vld [tilespmem:s16+$0x74E0]  }
0x3c1: {  	v20 =	vld [tilespmem:s16+$0x3490]  }
0x3c2: {  	v21 =	vld [tilespmem:s16+$0x54B0]  }
0x3c3: {  	v4 =	vld [tilespmem:s16+$0x94D0]  }
0x3c4: {  	v5 =	vld [tilespmem:s16+$0x74D0]  }
0x3c5: {  	v22 =	vld [tilespmem:s16+$0x1460]  }
0x3c6: {  	v23 =	vld [tilespmem:s16+$0x3480]  }
0x3c7: {  	v24 =	vld [tilespmem:s16+$0x94C0]  }
0x3c8: {  	v25 =	vld [tilespmem:s16+$0x74C0]  }
0x3c9: {  	v26 =	vld [tilespmem:s16+$0x1450]  }
0x3ca: {  	v27 =	vld [tilespmem:s16+$0x5490]  }
0x3cb: {  	v28 =	vld [tilespmem:s16+$0x94B0]  }
0x3cc: {  	v29 =	vld [tilespmem:s16+$0x74B0]  }
0x3cd: {  	v30 =	vld [tilespmem:s16+$0x3460]  }
0x3ce: {  	v31 =	vld [tilespmem:s16+$0x5480]  }
0x3cf: {  	v37 =	vld [tilespmem:s16+$0x9490]  }
0x3d0: {  	v39 =	vld [tilespmem:s16+$0x7490]  }
0x3d1: {  	v6 =	vld [tilespmem:s16+$0x94A0];
	v32 =	vadd.f32 v18, v19  }
0x3d2: {  	v7 =	vld [tilespmem:s16+$0x74A0]  }
0x3d3: {  	v34 =	vld [tilespmem:s16+$0x1430];
	v33 =	vadd.f32 v32, v13  }
0x3d4: {  	v35 =	vld [tilespmem:s16+$0x3450];
	v38 =	vadd.f32 v24, v25;
	v40 =	vadd.f32 v28, v29  }
0x3d5: {  	v41 =	vld [tilespmem:s16+$0x5460];
	v18 =	vmul.f32 v18, v19;
	v60 =	vadd.f32 v37, v39;
	v36 =	vadd.f32 v33, v10  }
0x3d6: {  	v43 =	vld [tilespmem:s16+$0x7480];
	v24 =	vmul.f32 v24, v25;
	v56 =	vadd.f32 v38, v17;
	v42 =	vadd.f32 v40, v21  }
0x3d7: {  	v58 =	vld [tilespmem:s16+$0x5450];
	v62 =	vadd.f32 v60, v27;
	v10 =	vmul.f32 v33, v10;
	v8 =	vmul.f32 v36, v8  }
0x3d8: {  	v59 =	vld [tilespmem:s16+$0x9460];
	v57 =	vadd.f32 v56, v12;
	v44 =	vadd.f32 v42, v15;
	v12 =	vmul.f32 v56, v12  }
0x3d9: {  	v63 =	vadd.f32 v62, v20;
	v8 =	vadd.f32 v8, v10;
	v10 =	vmul.f32 v32, v13;
	v13 =	vld [tilespmem:s16+$0x9480]  }
0x3da: {  	v46 =	vld [tilespmem:s16+$0x5430];
	v15 =	vmul.f32 v42, v15;
	v11 =	vmul.f32 v44, v11  }
0x3db: {  	v25 =	vld [tilespmem:s16+$0x7450];
	v20 =	vmul.f32 v62, v20;
	v14 =	vmul.f32 v63, v14;
	v10 =	vadd.f32 v8, v10  }
0x3dc: {  	v9 =	vmul.f32 v57, v9;
	v11 =	vadd.f32 v11, v15;
	v15 =	vmul.f32 v40, v21;
	v21 =	vld [tilespmem:s16+$0x9450]  }
0x3dd: {  	v19 =	vld [tilespmem:s16+$0x3430];
	v14 =	vadd.f32 v14, v20;
	v20 =	vmul.f32 v60, v27;
	v18 =	vadd.f32 v10, v18  }
0x3de: {  	v10 =	vadd.f32 v9, v12;
	v12 =	vmul.f32 v38, v17;
	v17 =	vld [tilespmem:s16+$0x7460];
	v61 =	vadd.f32 v13, v43  }
0x3df: {  	v28 =	vmul.f32 v28, v29;
	v33 =	vld [tilespmem:s16+$0x1420];
	v15 =	vadd.f32 v11, v15;
	v14 =	vadd.f32 v14, v20  }
0x3e0: {  	v42 =	vld [tilespmem:s16+$0x5420];
	v20 =	vmul.f32 v37, v39;
	v9 =	vadd.f32 v4, v5;
	v29 =	vadd.f32 v61, v31  }
0x3e1: {  	v27 =	vld [tilespmem:s16+$0x7430];
	v15 =	vadd.f32 v15, v28;
	v48 =	vadd.f32 v21, v25  }
0x3e2: {  	v40 =	vld [tilespmem:s16+$0x5400];
	v14 =	vadd.f32 v14, v20;
	v45 =	vadd.f32 v29, v23  }
0x3e3: {  	v11 =	vld [tilespmem:s16+$0x7470];
	v50 =	vadd.f32 v48, v58;
	v47 =	vadd.f32 v59, v17  }
0x3e4: {  	v12 =	vadd.f32 v10, v12;
	v10 =	vld [tilespmem:s16+$0x9470];
	v23 =	vmul.f32 v29, v23;
	v16 =	vmul.f32 v45, v16  }
0x3e5: {  	v29 =	vld [tilespmem:s16+$0x9430];
	v52 =	vadd.f32 v50, v35;
	v49 =	vadd.f32 v47, v41  }
0x3e6: {  	v37 =	vld [tilespmem:s16+$0x9420];
	v24 =	vadd.f32 v12, v24;
	v16 =	vadd.f32 v16, v23;
	v23 =	vmul.f32 v61, v31  }
0x3e7: {  	v39 =	vld [tilespmem:s16+$0x7400];
	v35 =	vmul.f32 v50, v35;
	v26 =	vmul.f32 v52, v26;
	v51 =	vadd.f32 v49, v30  }
0x3e8: {  	v13 =	vmul.f32 v13, v43;
	v12 =	vadd.f32 v6, v7;
	v16 =	vadd.f32 v16, v23;
	v23 =	vld [tilespmem:s16+$0x7420]  }
0x3e9: {  	v28 =	vld [tilespmem:s16+$0x3420];
	v30 =	vmul.f32 v49, v30;
	v26 =	vadd.f32 v26, v35;
	v22 =	vmul.f32 v51, v22  }
0x3ea: {  	v20 =	vld [tilespmem:s16+$0x7440];
	v32 =	vmul.f32 v48, v58;
	v35 =	vadd.f32 v10, v11;
	v53 =	vadd.f32 v29, v27  }
0x3eb: {  	v13 =	vadd.f32 v16, v13;
	v16 =	vld [tilespmem:s16+$0x9400];
	v22 =	vadd.f32 v22, v30;
	v30 =	vmul.f32 v47, v41  }
0x3ec: {  	v21 =	vmul.f32 v21, v25;
	v31 =	vld [tilespmem:s16+$0x9440];
	v26 =	vadd.f32 v26, v32;
	v54 =	vadd.f32 v53, v46  }
0x3ed: {  	v25 =	vld [tilespmem:s16+$0x7410];
	v17 =	vmul.f32 v59, v17;
	v22 =	vadd.f32 v22, v30;
	v55 =	vadd.f32 v37, v23  }
0x3ee: {  	v21 =	vadd.f32 v26, v21;
	v56 =	vadd.f32 v54, v19;
	v30 =	vld [tilespmem:s16+$0x9410]  }
0x3ef: {  	v17 =	vadd.f32 v22, v17;
	v22 =	vld [tilespmem:s16+$0x3400];
	v57 =	vadd.f32 v55, v42  }
0x3f0: {  	v58 =	vld [tilespmem:s16+$0x5410];
	v19 =	vmul.f32 v54, v19;
	v32 =	vmul.f32 v56, v34;
	v26 =	vadd.f32 v16, v39  }
0x3f1: {  	v59 =	vld [tilespmem:s16+$0x1400];
	v61 =	vadd.f32 v31, v20;
	v60 =	vadd.f32 v57, v28  }
0x3f2: {  	v63 =	vld [tilespmem:s16+$0x3410];
	v38 =	vmul.f32 v53, v46;
	v19 =	vadd.f32 v32, v19;
	v62 =	vadd.f32 v26, v40  }
0x3f3: {  	v49 =	vld [tilespmem:s16+$0x5440];
	v48 =	vadd.f32 v30, v25;
	v28 =	vmul.f32 v57, v28;
	v33 =	vmul.f32 v60, v33  }
0x3f4: {  	v27 =	vmul.f32 v29, v27;
	v51 =	vld [tilespmem:s16+$0x1410];
	v19 =	vadd.f32 v19, v38;
	v50 =	vadd.f32 v62, v22  }
0x3f5: {  	v53 =	vld [tilespmem:s16+$0x3440];
	v52 =	vmul.f32 v55, v42;
	v29 =	vadd.f32 v48, v58;
	v28 =	vadd.f32 v33, v28  }
0x3f6: {  	v22 =	vmul.f32 v62, v22;
	v19 =	vadd.f32 v19, v27;
	v27 =	vld [tilespmem:s16+$0x5470];
	v34 =	vmul.f32 v50, v59  }
0x3f7: {  	(xrf2) =	vadd.scan.msk.f32 $0xffff, v18;
	v54 =	vld [tilespmem:s16+$0x1440];
	v23 =	vmul.f32 v37, v23;
	v18 =	vadd.f32 v29, v63;
	v28 =	vadd.f32 v28, v52  }
0x3f8: {  	(xrf2) =	vadd.scan.msk.f32 $0xffff, v24;
	v55 =	vld [tilespmem:s16+$0x3470];
	v24 =	vmul.f32 v26, v40;
	v26 =	vadd.f32 v61, v49;
	v22 =	vadd.f32 v34, v22  }
0x3f9: {  	(xrf2) =	vadd.scan.msk.f32 $0xffff, v15;
	v15 =	vmul.f32 v18, v51;
	v18 =	vmul.f32 v29, v63;
	v23 =	vadd.f32 v28, v23;
	v28 =	vld [tilespmem:s16+$0x54A0]  }
0x3fa: {  	(xrf2) =	vadd.scan.msk.f32 $0xffff, v14;
	v16 =	vmul.f32 v16, v39;
	v14 =	vadd.f32 v22, v24;
	v22 =	vadd.f32 v26, v53;
	v24 =	vld [tilespmem:s16+$0x1470]  }
0x3fb: {  	(xrf2) =	vadd.scan.msk.f32 $0xffff, v13;
	v29 =	vld [tilespmem:s16+$0x34A0];
	v13 =	vadd.f32 v15, v18;
	v15 =	vmul.f32 v48, v58;
	v18 =	vadd.f32 v35, v27  }
0x3fc: {  	(xrf2) =	vadd.scan.msk.f32 $0xffff, v17;
	v17 =	vmul.f32 v26, v53;
	v14 =	vadd.f32 v14, v16;
	v16 =	vmul.f32 v22, v54;
	v22 =	vld [tilespmem:s16+$0x54D0]  }
0x3fd: {  	(xrf2) =	vadd.scan.msk.f32 $0xffff, v21;
	v13 =	vadd.f32 v13, v15;
	v15 =	vmul.f32 v30, v25;
	v21 =	vadd.f32 v18, v55;
	v25 =	vld [tilespmem:s16+$0x14A0]  }
0x3fe: {  	(xrf2) =	vadd.scan.msk.f32 $0xffff, v19;
	v26 =	vld [tilespmem:s16+$0x34D0];
	v16 =	vadd.f32 v16, v17;
	v17 =	vmul.f32 v61, v49;
	v19 =	vadd.f32 v12, v28  }
0x3ff: {  	v3 =	vld [tilespmem:s16+$0x74F0];
	(xrf2) =	vadd.scan.msk.f32 $0xffff, v23;
	v18 =	vmul.f32 v18, v55;
	v13 =	vadd.f32 v13, v15;
	v15 =	vmul.f32 v21, v24  }
0x400: {  	(xrf2) =	vadd.scan.msk.f32 $0xffff, v14;
	v14 =	vadd.f32 v16, v17;
	v16 =	vmul.f32 v31, v20;
	v20 =	vld [tilespmem:s16+$0x14D0];
	v17 =	vadd.f32 v19, v29  }
0x401: {  	v21 =	vld [tilespmem:s16+$0x54F0];
	v15 =	vadd.f32 v15, v18;
	v18 =	vmul.f32 v35, v27;
	v24 =	vadd.f32 v9, v22  }
0x402: {  	v14 =	vadd.f32 v14, v16;
	v16 =	vmul.f32 v17, v25;
	v17 =	vmul.f32 v19, v29  }
0x403: {  	v10 =	vmul.f32 v10, v11;
	v23, _, _ =	vpop (xrf2);
	(xrf2) =	vadd.scan.msk.f32 $0xffff, v13;
	v19 =	vld [tilespmem:s16+$0x34F0];
	v15 =	vadd.f32 v15, v18;
	v11 =	vadd.f32 v24, v26  }
0x404: {  	v8 =	vadd.f32 v2, v3;
	v12 =	vmul.f32 v12, v28;
	v13, _, _ =	vpop (xrf2);
	(xrf2) =	vadd.scan.msk.f32 $0xffff, v14;
	v16 =	vadd.f32 v16, v17  }
0x405: {  	v25, _, _ =	vpop (xrf2);
	v17 =	vld [tilespmem:s16+$0x14F0];
	v10 =	vadd.f32 v15, v10;
	v11 =	vmul.f32 v11, v20;
	v15 =	vmul.f32 v24, v26  }
0x406: {  	v6 =	vmul.f32 v6, v7;
	v27 =	vadd.f32 v8, v21;
	v18, _, _ =	vpop (xrf2);
	v12 =	vadd.f32 v16, v12  }
0x407: {  	v14, _, _ =	vpop (xrf2);
	v11 =	vadd.f32 v11, v15  }
0x408: {  	v4 =	vmul.f32 v4, v5;
	v20, _, _ =	vpop (xrf2);
	v15 =	vadd.f32 v27, v19;
	v6 =	vadd.f32 v12, v6  }
0x409: {  	v9 =	vmul.f32 v9, v22;
	(xrf2) =	vadd.scan.msk.f32 $0xffff, v10;
	v7, _, _ =	vpop (xrf2);
	v12 =	vmul.f32 v27, v19  }
0x40a: {  	v10, _, _ =	vpop (xrf2);
	v5 =	vmul.f32 v15, v17;
	(xrf2) =	vadd.scan.msk.f32 $0xffff, v6;
	v6 =	vmul.f32 v8, v21  }
0x40b: {  	v9 =	vadd.f32 v11, v9;
	v16, _, _ =	vpop (xrf2)  }
0x40c: {  	v11, _, _ =	vpop (xrf2);
	v5 =	vadd.f32 v5, v12  }
0x40d: {  	v2 =	vmul.f32 v2, v3;
	v4 =	vadd.f32 v9, v4;
	v8, _, _ =	vpop (xrf2)  }
0x40e: {  	v9 =	vbroadcast v11, $0xF;
	v8 =	vbroadcast v8, $0xF;
	v5 =	vadd.f32 v5, v6;
	v6, _, _ =	vpop (xrf2)  }
0x40f: {  	v11 =	vbroadcast v16, $0xF;
	(xrf2) =	vadd.scan.msk.f32 $0xffff, v4;
	v6 =	vbroadcast v6, $0xF  }
0x410: {  	v4 =	vbroadcast v10, $0xF;
	v3 =	vsel vm0, v9, v8  }
0x411: {  	v3 =	vsel vm1, v3, v11;
	v2 =	vadd.f32 v5, v2  }
0x412: {  	v5 =	vbroadcast v20, $0xF;
	v3 =	vsel vm2, v3, v4;
	v4 =	vbroadcast v7, $0xF  }
0x413: {  	v3 =	vsel vm3, v3, v6;
	v6, _, _ =	vpop (xrf2)  }
0x414: {  	(xrf2) =	vadd.scan.msk.f32 $0xffff, v2;
	v2 =	vsel vm4, v3, v4;
	v3 =	vbroadcast v6, $0xF  }
0x415: {  	v4 =	vbroadcast v14, $0xF;
	v2 =	vsel vm5, v2, v5  }
0x416: {  	v5, _, _ =	vpop (xrf2);
	v2 =	vsel vm6, v2, v3;
	v3 =	vbroadcast v18, $0xF  }
0x417: {  	v2 =	vsel vm7, v2, v4;
	v4 =	vbroadcast v5, $0xF  }
0x418: {  	v2 =	vsel vm8, v2, v3;
	v3 =	vbroadcast v25, $0xF  }
0x419: {  	v5, _, _ =	vpop (xrf2);
	v2 =	vsel vm9, v2, v4  }
0x41a: {  	v4 =	vbroadcast v13, $0xF;
	v2 =	vsel vm10, v2, v3;
	v3 =	vbroadcast v5, $0xF;
	_ =	sdelay $0x1  }
0x41b: {  	v2 =	vsel vm11, v2, v4;
	v4 =	vbroadcast v23, $0xF  }
0x41c: {  	v2 =	vsel vm12, v2, v3  }
0x41d: {  	v2 =	vsel vm13, v2, v4;
	v3, _, _ =	vpop (xrf2)  }
0x41e: {  	v2 =	vsel vm14, v2, v3  }
0x41f: {  	v2 =	vmul.f32 v2, v1;
	_ =	sdelay $0x1  }
0x420: {  	v2 =	vmul.f32 $1.442695020e+00, v2;
	_ =	sdelay $0x1  }
0x421: {  	(erf) = vpow2.f32 v2;
	_ =	sdelay $0x8  }
0x422: {  	v2 =	vpop (erf)  }
0x423: {  	v2 =	vmul.f32 v2, v0  }
0x424: {  	s16 =	simm.s32 $0x15400  }
0x425: {  	s17 =	simm.s32 $0x100;
	[tilespmem:s16+$0x0] =	vst v2  }
0x426: {  	v8 =	vld [tilespmem:s17+$0x14E0]  }
0x427: {  	v9 =	vld [tilespmem:s17+$0x14C0]  }
0x428: {  	v10 =	vld [tilespmem:s17+$0x34E0]  }
0x429: {  	v11 =	vld [tilespmem:s17+$0x14B0]  }
0x42a: {  	v12 =	vld [tilespmem:s17+$0x34C0]  }
0x42b: {  	v13 =	vld [tilespmem:s17+$0x54E0]  }
0x42c: {  	v2 =	vld [tilespmem:s17+$0x94F0]  }
0x42d: {  	v3 =	vld [tilespmem:s17+$0x74F0]  }
0x42e: {  	v16 =	vld [tilespmem:s17+$0x1490]  }
0x42f: {  	v17 =	vld [tilespmem:s17+$0x34B0]  }
0x430: {  	v19 =	vld [tilespmem:s17+$0x1480]  }
0x431: {  	v20 =	vld [tilespmem:s17+$0x54C0]  }
0x432: {  	v18 =	vld [tilespmem:s17+$0x94E0]  }
0x433: {  	v21 =	vld [tilespmem:s17+$0x74E0]  }
0x434: {  	v23 =	vld [tilespmem:s17+$0x3490]  }
0x435: {  	v22 =	vld [tilespmem:s17+$0x54B0]  }
0x436: {  	v4 =	vld [tilespmem:s17+$0x94D0]  }
0x437: {  	v5 =	vld [tilespmem:s17+$0x74D0]  }
0x438: {  	v24 =	vld [tilespmem:s17+$0x1460]  }
0x439: {  	v25 =	vld [tilespmem:s17+$0x3480]  }
0x43a: {  	v26 =	vld [tilespmem:s17+$0x94C0]  }
0x43b: {  	v27 =	vld [tilespmem:s17+$0x74C0]  }
0x43c: {  	v29 =	vld [tilespmem:s17+$0x1450]  }
0x43d: {  	v28 =	vld [tilespmem:s17+$0x5490]  }
0x43e: {  	v30 =	vld [tilespmem:s17+$0x94B0]  }
0x43f: {  	v31 =	vld [tilespmem:s17+$0x74B0]  }
0x440: {  	v32 =	vld [tilespmem:s17+$0x3460]  }
0x441: {  	v33 =	vld [tilespmem:s17+$0x5480]  }
0x442: {  	v6 =	vld [tilespmem:s17+$0x94A0]  }
0x443: {  	v37 =	vld [tilespmem:s17+$0x9490]  }
0x444: {  	v39 =	vld [tilespmem:s17+$0x7490];
	v56 =	vadd.f32 v18, v21  }
0x445: {  	v53 =	vld [tilespmem:s17+$0x9460]  }
0x446: {  	v54 =	vld [tilespmem:s17+$0x7460];
	v14 =	vadd.f32 v56, v13  }
0x447: {  	v62 =	vld [tilespmem:s17+$0x9480];
	v59 =	vadd.f32 v30, v31  }
0x448: {  	v63 =	vld [tilespmem:s17+$0x7480];
	v58 =	vadd.f32 v26, v27;
	v57 =	vadd.f32 v14, v10  }
0x449: {  	v7 =	vld [tilespmem:s17+$0x74A0];
	v55 =	vadd.f32 v37, v39;
	v61 =	vadd.f32 v59, v22  }
0x44a: {  	v15 =	vld [tilespmem:s17+$0x1430];
	v60 =	vadd.f32 v58, v20;
	v10 =	vmul.f32 v14, v10;
	v8 =	vmul.f32 v57, v8  }
0x44b: {  	v35 =	vld [tilespmem:s17+$0x3450];
	v21 =	vmul.f32 v18, v21;
	v48 =	vadd.f32 v53, v54;
	v51 =	vadd.f32 v61, v17  }
0x44c: {  	v41 =	vld [tilespmem:s17+$0x5460];
	v8 =	vadd.f32 v8, v10;
	v10 =	vmul.f32 v56, v13;
	v13 =	vadd.f32 v60, v12  }
0x44d: {  	v52 =	vld [tilespmem:s17+$0x5450];
	v11 =	vmul.f32 v51, v11;
	v57 =	vadd.f32 v62, v63;
	v12 =	vmul.f32 v60, v12  }
0x44e: {  	v18 =	vld [tilespmem:s17+$0x3430];
	v10 =	vadd.f32 v8, v10;
	v9 =	vmul.f32 v13, v9;
	v13 =	vmul.f32 v61, v17  }
0x44f: {  	v14 =	vld [tilespmem:s17+$0x1420];
	v8 =	vadd.f32 v2, v3;
	v17 =	vmul.f32 v58, v20;
	v20 =	vadd.f32 v55, v28  }
0x450: {  	v56 =	vld [tilespmem:s17+$0x9450];
	v12 =	vadd.f32 v9, v12;
	v11 =	vadd.f32 v11, v13;
	v13 =	vmul.f32 v59, v22  }
0x451: {  	v58 =	vld [tilespmem:s17+$0x7450];
	v10 =	vadd.f32 v10, v21;
	v9 =	vadd.f32 v4, v5  }
0x452: {  	v22 =	vld [tilespmem:s17+$0x5430];
	v12 =	vadd.f32 v12, v17;
	v17 =	vmul.f32 v26, v27;
	v13 =	vadd.f32 v11, v13  }
0x453: {  	v21 =	vmul.f32 v30, v31;
	v11 =	vld [tilespmem:s17+$0x9470];
	v26 =	vadd.f32 v57, v33;
	(xrf2) =	vadd.scan.msk.f32 $0xffff, v10;
	v10 =	vadd.f32 v48, v41  }
0x454: {  	v34 =	vmul.f32 v62, v63;
	v30 =	vadd.f32 v12, v17;
	v12 =	vld [tilespmem:s17+$0x7470];
	v17 =	vadd.f32 v20, v23  }
0x455: {  	v59 =	vadd.f32 v13, v21;
	v21 =	vld [tilespmem:s17+$0x3420];
	v27 =	vadd.f32 v26, v25;
	v25 =	vmul.f32 v26, v25  }
0x456: {  	v49 =	vadd.f32 v56, v58;
	v16 =	vmul.f32 v17, v16;
	v17 =	vmul.f32 v20, v23;
	v23 =	vld [tilespmem:s17+$0x9430]  }
0x457: {  	v13 =	vadd.f32 v6, v7;
	v26 =	vmul.f32 v55, v28;
	v19 =	vmul.f32 v27, v19;
	v27 =	vld [tilespmem:s17+$0x7430]  }
0x458: {  	v28 =	vmul.f32 v57, v33;
	v60 =	vadd.f32 v10, v32;
	v31 =	vadd.f32 v49, v52;
	v20 =	vld [tilespmem:s17+$0x5420]  }
0x459: {  	v10 =	vmul.f32 v10, v32;
	(xrf2) =	vadd.scan.msk.f32 $0xffff, v30;
	v30 =	vld [tilespmem:s17+$0x5400];
	v17 =	vadd.f32 v16, v17;
	v19 =	vadd.f32 v19, v25  }
0x45a: {  	v24 =	vmul.f32 v60, v24;
	v61 =	vadd.f32 v31, v35;
	v35 =	vmul.f32 v31, v35;
	v25 =	vld [tilespmem:s17+$0x9420]  }
0x45b: {  	v17 =	vadd.f32 v17, v26;
	v26 =	vmul.f32 v37, v39;
	v19 =	vadd.f32 v19, v28;
	v28 =	vld [tilespmem:s17+$0x7420]  }
0x45c: {  	(xrf2) =	vadd.scan.msk.f32 $0xffff, v59;
	v16 =	vld [tilespmem:s17+$0x9440];
	v10 =	vadd.f32 v24, v10;
	v37 =	vmul.f32 v61, v29;
	v32 =	vadd.f32 v23, v27  }
0x45d: {  	v24 =	vmul.f32 v48, v41;
	v29 =	vld [tilespmem:s17+$0x7400];
	v62 =	vadd.f32 v17, v26;
	v31 =	vadd.f32 v19, v34  }
0x45e: {  	v63 =	vmul.f32 v49, v52;
	v26 =	vld [tilespmem:s17+$0x9400];
	v37 =	vadd.f32 v37, v35;
	v19 =	vadd.f32 v11, v12  }
0x45f: {  	v36 =	vmul.f32 v53, v54;
	v17 =	vld [tilespmem:s17+$0x7440];
	v35 =	vadd.f32 v10, v24;
	v34 =	vadd.f32 v32, v22;
	(xrf2) =	vadd.scan.msk.f32 $0xffff, v62  }
0x460: {  	s18 =	simm.s32 $0x800;
	s2 =	rddreg [dreg:$0x10];
	v38 =	vmul.f32 v56, v58;
	v24 =	vld [tilespmem:s17+$0x9410];
	v10, _, _ =	vpop (xrf2);
	v37 =	vadd.f32 v37, v63;
	v33 =	vadd.f32 v25, v28  }
.LBB2_8:
0x461: {  	p0 =	sne.s32 s18, $0x7C00;
	v39 =	vld [tilespmem:s17+$0x7410];
	v40 =	vadd.f32 v34, v18;
	v35 =	vadd.f32 v35, v36  }
0x462: {  	v36 =	vld [tilespmem:s17+$0x3400];
	v41 =	vadd.f32 v33, v20;
	v37 =	vadd.f32 v37, v38;
	(xrf2) =	vadd.scan.msk.f32 $0xffff, v31  }
0x463: {  	v18 =	vmul.f32 v34, v18;
	v31 =	vadd.f32 v26, v29;
	v38 =	vld [tilespmem:s17+$0x5410];
	v40 =	vmul.f32 v40, v15;
	v15, _, _ =	vpop (xrf2)  }
0x464: {  	v43 =	vadd.f32 v16, v17;
	v34 =	vld [tilespmem:s17+$0x1400];
	v42 =	vadd.f32 v41, v21  }
0x465: {  	v22 =	vmul.f32 v32, v22;
	v44 =	vadd.f32 v31, v30;
	v45 =	vld [tilespmem:s17+$0x3410];
	v18 =	vadd.f32 v40, v18;
	(xrf2) =	vadd.scan.msk.f32 $0xffff, v35  }
0x466: {  	v21 =	vmul.f32 v41, v21;
	v32 =	vadd.f32 v24, v39;
	v35 =	vmul.f32 v42, v14;
	v40 =	vld [tilespmem:s17+$0x5440];
	v14, _, _ =	vpop (xrf2)  }
0x467: {  	v41 =	vadd.f32 v44, v36;
	v42 =	vld [tilespmem:s17+$0x1410];
	v46 =	vadd.f32 v18, v22;
	v22 =	vmul.f32 v23, v27  }
0x468: {  	v20 =	vmul.f32 v33, v20;
	v23 =	vadd.f32 v32, v38;
	v21 =	vadd.f32 v35, v21;
	v27 =	vld [tilespmem:s17+$0x3440];
	(xrf2) =	vadd.scan.msk.f32 $0xffff, v37  }
0x469: {  	v37 =	vmul.f32 v44, v36;
	v33 =	vmul.f32 v41, v34;
	v22 =	vadd.f32 v46, v22;
	v35 =	vld [tilespmem:s17+$0x5470];
	v18, _, _ =	vpop (xrf2)  }
0x46a: {  	v36 =	vadd.f32 v23, v45;
	v20 =	vadd.f32 v21, v20;
	v21 =	vmul.f32 v25, v28;
	v25 =	vld [tilespmem:s17+$0x1440]  }
0x46b: {  	v30 =	vmul.f32 v31, v30;
	v28 =	vadd.f32 v33, v37;
	v31 =	vadd.f32 v43, v40;
	v33 =	vld [tilespmem:s17+$0x3470];
	(xrf2) =	vadd.scan.msk.f32 $0xffff, v22  }
0x46c: {  	v23 =	vmul.f32 v23, v45;
	v22 =	vmul.f32 v36, v42;
	v20 =	vadd.f32 v20, v21;
	v21 =	vld [tilespmem:s17+$0x54A0];
	v34, _, _ =	vpop (xrf2)  }
0x46d: {  	v26 =	vmul.f32 v26, v29;
	v37 =	vadd.f32 v28, v30;
	v29 =	vadd.f32 v31, v27;
	v30 =	vld [tilespmem:s17+$0x1470]  }
0x46e: {  	v22 =	vadd.f32 v22, v23;
	v23 =	vmul.f32 v32, v38;
	v32 =	vadd.f32 v19, v35;
	v36 =	vld [tilespmem:s17+$0x34A0];
	(xrf2) =	vadd.scan.msk.f32 $0xffff, v20  }
0x46f: {  	v20 =	vadd.f32 v37, v26;
	v25 =	vmul.f32 v29, v25;
	v26 =	vmul.f32 v31, v27;
	v27 =	vld [tilespmem:s17+$0x54D0];
	v28, _, _ =	vpop (xrf2)  }
0x470: {  	v22 =	vadd.f32 v22, v23;
	v23 =	vmul.f32 v24, v39;
	v24 =	vadd.f32 v32, v33;
	v29 =	vld [tilespmem:s17+$0x14A0]  }
0x471: {  	v25 =	vadd.f32 v25, v26;
	v26 =	vmul.f32 v43, v40;
	v31 =	vadd.f32 v13, v21;
	v37 =	vld [tilespmem:s17+$0x34D0];
	(xrf2) =	vadd.scan.msk.f32 $0xffff, v20  }
0x472: {  	v20 =	vadd.f32 v22, v23;
	v22 =	vmul.f32 v24, v30;
	v23 =	vmul.f32 v32, v33;
	v24 =	vld [tilespmem:s17+$0x54F0];
	v30, _, _ =	vpop (xrf2)  }
0x473: {  	v16 =	vmul.f32 v16, v17;
	v25 =	vadd.f32 v25, v26;
	v17 =	vadd.f32 v31, v36;
	v26 =	vld [tilespmem:s17+$0x14D0]  }
0x474: {  	v19 =	vmul.f32 v19, v35;
	v22 =	vadd.f32 v22, v23;
	v23 =	vadd.f32 v9, v27;
	(xrf2) =	vadd.scan.msk.f32 $0xffff, v20  }
0x475: {  	v20 =	vmul.f32 v31, v36;
	v16 =	vadd.f32 v25, v16;
	v17 =	vmul.f32 v17, v29;
	v25 =	vld [tilespmem:s17+$0x34F0];
	v29, _, _ =	vpop (xrf2)  }
0x476: {  	v11 =	vmul.f32 v11, v12;
	v22 =	vadd.f32 v22, v19;
	v12 =	vadd.f32 v23, v37  }
0x477: {  	v13 =	vmul.f32 v13, v21;
	v17 =	vadd.f32 v17, v20;
	v20 =	vld [tilespmem:s17+$0x14F0];
	v21 =	vadd.f32 v8, v24;
	(xrf2) =	vadd.scan.msk.f32 $0xffff, v16  }
0x478: {  	v16 =	vmul.f32 v23, v37;
	v11 =	vadd.f32 v22, v11;
	v12 =	vmul.f32 v12, v26;
	v19, _, _ =	vpop (xrf2)  }
0x479: {  	v6 =	vmul.f32 v6, v7;
	v17 =	vadd.f32 v17, v13  }
0x47a: {  	v9 =	vmul.f32 v9, v27;
	v7 =	vadd.f32 v12, v16;
	v12 =	vadd.f32 v21, v25;
	(xrf2) =	vadd.scan.msk.f32 $0xffff, v11  }
0x47b: {  	v11 =	vmul.f32 v21, v25;
	v6 =	vadd.f32 v17, v6;
	v13, _, _ =	vpop (xrf2)  }
0x47c: {  	v4 =	vmul.f32 v4, v5;
	v9 =	vadd.f32 v7, v9;
	v5 =	vmul.f32 v12, v20  }
0x47d: {  	(xrf2) =	vadd.scan.msk.f32 $0xffff, v6  }
0x47e: {  	v4 =	vadd.f32 v9, v4;
	v5 =	vadd.f32 v5, v11;
	v11 =	vmul.f32 v8, v24;
	v7, _, _ =	vpop (xrf2)  }
0x47f: {  	v8 =	vbroadcast v13, $0xF;
	v7 =	vbroadcast v7, $0xF  }
0x480: {  	v2 =	vmul.f32 v2, v3;
	v9 =	vbroadcast v19, $0xF;
	v5 =	vadd.f32 v5, v11;
	(xrf2) =	vadd.scan.msk.f32 $0xffff, v4  }
0x481: {  	v4 =	vbroadcast v29, $0xF;
	v3 =	vsel vm0, v8, v7;
	v6, _, _ =	vpop (xrf2)  }
0x482: {  	v3 =	vsel vm1, v3, v9;
	v7 =	vbroadcast v6, $0xF;
	v2 =	vadd.f32 v5, v2  }
0x483: {  	v3 =	vsel vm2, v3, v4;
	v4 =	vbroadcast v30, $0xF  }
0x484: {  	v3 =	vsel vm3, v3, v7;
	v7 =	vbroadcast v28, $0xF;
	v6, _, _ =	vpop (xrf2);
	(xrf2) =	vadd.scan.msk.f32 $0xffff, v2  }
0x485: {  	v2 =	vsel vm4, v3, v4;
	v3 =	vbroadcast v6, $0xF  }
0x486: {  	v4 =	vbroadcast v34, $0xF;
	v2 =	vsel vm5, v2, v7  }
0x487: {  	v2 =	vsel vm6, v2, v3;
	v3 =	vbroadcast v18, $0xF;
	v5, _, _ =	vpop (xrf2)  }
0x488: {  	v2 =	vsel vm7, v2, v4;
	v4 =	vbroadcast v5, $0xF  }
0x489: {  	v2 =	vsel vm8, v2, v3;
	v3 =	vbroadcast v14, $0xF  }
0x48a: {  	v2 =	vsel vm9, v2, v4;
	v4 =	vbroadcast v15, $0xF;
	v5, _, _ =	vpop (xrf2)  }
0x48b: {  	v2 =	vsel vm10, v2, v3;
	v5 =	vbroadcast v5, $0xF  }
0x48c: {  	v2 =	vsel vm11, v2, v4;
	v4 =	vbroadcast v10, $0xF  }
0x48d: {  	v2 =	vsel vm12, v2, v5  }
0x48e: {  	v2 =	vsel vm13, v2, v4;
	v3, _, _ =	vpop (xrf2)  }
0x48f: {  	v2 =	vsel vm14, v2, v3  }
0x490: {  	v2 =	vmul.f32 v2, v1;
	_ =	sdelay $0x1  }
0x491: {  	v2 =	vmul.f32 $1.442695020e+00, v2;
	_ =	sdelay $0x1  }
0x492: {  	(erf) = vpow2.f32 v2;
	_ =	sdelay $0x8  }
0x493: {  	v2 =	vpop (erf)  }
0x494: {  	v2 =	vmul.f32 v2, v0  }
0x495: {  	s16 =	sadd.s32 $0x10, s16  }
0x496: {  	s17 =	sshra.s32 s18, $0x2;
	[tilespmem:s16+$0x0] =	vst v2  }
0x497: {  	v8 =	vld [tilespmem:s17+$0x14E0]  }
0x498: {  	v9 =	vld [tilespmem:s17+$0x14C0]  }
0x499: {  	v11 =	vld [tilespmem:s17+$0x34E0]  }
0x49a: {  	v12 =	vld [tilespmem:s17+$0x14B0]  }
0x49b: {  	v13 =	vld [tilespmem:s17+$0x34C0]  }
0x49c: {  	v16 =	vld [tilespmem:s17+$0x54E0]  }
0x49d: {  	v2 =	vld [tilespmem:s17+$0x94F0]  }
0x49e: {  	v3 =	vld [tilespmem:s17+$0x74F0]  }
0x49f: {  	v17 =	vld [tilespmem:s17+$0x1490]  }
0x4a0: {  	v19 =	vld [tilespmem:s17+$0x34B0]  }
0x4a1: {  	v23 =	vld [tilespmem:s17+$0x1480]  }
0x4a2: {  	v20 =	vld [tilespmem:s17+$0x54C0]  }
0x4a3: {  	v18 =	vld [tilespmem:s17+$0x94E0]  }
0x4a4: {  	v21 =	vld [tilespmem:s17+$0x74E0]  }
0x4a5: {  	v24 =	vld [tilespmem:s17+$0x3490]  }
0x4a6: {  	v22 =	vld [tilespmem:s17+$0x54B0]  }
0x4a7: {  	v4 =	vld [tilespmem:s17+$0x94D0]  }
0x4a8: {  	v5 =	vld [tilespmem:s17+$0x74D0]  }
0x4a9: {  	v10 =	vld [tilespmem:s17+$0x1460]  }
0x4aa: {  	v25 =	vld [tilespmem:s17+$0x3480]  }
0x4ab: {  	v26 =	vld [tilespmem:s17+$0x94C0]  }
0x4ac: {  	v27 =	vld [tilespmem:s17+$0x74C0]  }
0x4ad: {  	v29 =	vld [tilespmem:s17+$0x1450]  }
0x4ae: {  	v28 =	vld [tilespmem:s17+$0x5490]  }
0x4af: {  	v30 =	vld [tilespmem:s17+$0x94B0]  }
0x4b0: {  	v31 =	vld [tilespmem:s17+$0x74B0]  }
0x4b1: {  	v32 =	vld [tilespmem:s17+$0x3460]  }
0x4b2: {  	v34 =	vadd.f32 v18, v21;
	v33 =	vld [tilespmem:s17+$0x5480]  }
0x4b3: {  	v6 =	vld [tilespmem:s17+$0x94A0]  }
0x4b4: {  	v14 =	vadd.f32 v34, v16;
	v7 =	vld [tilespmem:s17+$0x74A0]  }
0x4b5: {  	v15 =	vld [tilespmem:s17+$0x1430]  }
0x4b6: {  	v36 =	vadd.f32 v14, v11;
	v35 =	vld [tilespmem:s17+$0x3450]  }
0x4b7: {  	v38 =	vadd.f32 v26, v27;
	v37 =	vld [tilespmem:s17+$0x9490]  }
0x4b8: {  	v11 =	vmul.f32 v14, v11;
	v8 =	vmul.f32 v36, v8;
	v40 =	vadd.f32 v30, v31;
	v39 =	vld [tilespmem:s17+$0x7490]  }
0x4b9: {  	v36 =	vadd.f32 v38, v20;
	v14 =	vld [tilespmem:s17+$0x1420]  }
0x4ba: {  	v8 =	vadd.f32 v8, v11;
	v11 =	vmul.f32 v34, v16;
	v42 =	vadd.f32 v40, v22;
	v41 =	vld [tilespmem:s17+$0x5460]  }
0x4bb: {  	v16 =	vadd.f32 v36, v13;
	v34 =	vld [tilespmem:s17+$0x9480]  }
0x4bc: {  	v21 =	vmul.f32 v18, v21;
	v11 =	vadd.f32 v8, v11;
	v44 =	vadd.f32 v42, v19;
	v43 =	vld [tilespmem:s17+$0x7480]  }
0x4bd: {  	v8 =	vadd.f32 v2, v3;
	v13 =	vmul.f32 v36, v13;
	v9 =	vmul.f32 v16, v9;
	v18 =	vld [tilespmem:s17+$0x3430]  }
0x4be: {  	v16 =	vmul.f32 v42, v19;
	v19 =	vadd.f32 v11, v21;
	v12 =	vmul.f32 v44, v12;
	v36 =	vld [tilespmem:s17+$0x5450]  }
0x4bf: {  	v11 =	vadd.f32 v9, v13;
	v13 =	vmul.f32 v38, v20;
	v9 =	vadd.f32 v4, v5;
	v42 =	vld [tilespmem:s17+$0x9460]  }
0x4c0: {  	v44 =	vadd.f32 v37, v39;
	v12 =	vadd.f32 v12, v16;
	v16 =	vmul.f32 v40, v22;
	v38 =	vld [tilespmem:s17+$0x7460]  }
0x4c1: {  	v20 =	vmul.f32 v26, v27;
	v13 =	vadd.f32 v11, v13;
	v40 =	vld [tilespmem:s17+$0x9450];
	v45 =	vadd.f32 v34, v43  }
0x4c2: {  	v21 =	vmul.f32 v30, v31;
	v26 =	vadd.f32 v44, v28;
	v16 =	vadd.f32 v12, v16;
	v46 =	vld [tilespmem:s17+$0x7450]  }
0x4c3: {  	v30 =	vadd.f32 v13, v20;
	v11 =	vld [tilespmem:s17+$0x9470];
	v27 =	vadd.f32 v45, v33  }
0x4c4: {  	v20 =	vadd.f32 v26, v24;
	v47 =	vadd.f32 v16, v21;
	v12 =	vld [tilespmem:s17+$0x7470]  }
0x4c5: {  	v13 =	vadd.f32 v6, v7;
	v21 =	vld [tilespmem:s17+$0x3420];
	v16 =	vadd.f32 v27, v25  }
0x4c6: {  	v24 =	vmul.f32 v26, v24;
	v17 =	vmul.f32 v20, v17;
	v48 =	vadd.f32 v42, v38;
	v22 =	vld [tilespmem:s17+$0x5430]  }
0x4c7: {  	v25 =	vmul.f32 v27, v25;
	v20 =	vld [tilespmem:s17+$0x5420];
	v49 =	vadd.f32 v40, v46;
	v16 =	vmul.f32 v16, v23;
	(xrf2) =	vadd.scan.msk.f32 $0xffff, v19  }
0x4c8: {  	v17 =	vadd.f32 v17, v24;
	v24 =	vmul.f32 v44, v28;
	v19 =	vadd.f32 v48, v41;
	v23 =	vld [tilespmem:s17+$0x9430]  }
0x4c9: {  	v31 =	vmul.f32 v45, v33;
	v27 =	vld [tilespmem:s17+$0x7430];
	v26 =	vadd.f32 v49, v36;
	v28 =	vadd.f32 v16, v25  }
0x4ca: {  	v17 =	vadd.f32 v17, v24;
	v24 =	vmul.f32 v37, v39;
	v33 =	vadd.f32 v19, v32;
	v16 =	vld [tilespmem:s17+$0x9440];
	(xrf2) =	vadd.scan.msk.f32 $0xffff, v30  }
0x4cb: {  	v34 =	vmul.f32 v34, v43;
	v25 =	vld [tilespmem:s17+$0x9420];
	v30 =	vadd.f32 v26, v35;
	v31 =	vadd.f32 v28, v31  }
0x4cc: {  	v19 =	vmul.f32 v19, v32;
	v24 =	vadd.f32 v17, v24;
	v10 =	vmul.f32 v33, v10;
	v28 =	vld [tilespmem:s17+$0x7420]  }
.Ltmp3:
0x4cd: {  	v33 =	vmul.f32 v26, v35;
	v17 =	vld [tilespmem:s17+$0x7440];
	v30 =	vmul.f32 v30, v29;
	v31 =	vadd.f32 v31, v34;
	(xrf2) =	vadd.scan.msk.f32 $0xffff, v47;
	(pc) =	sbr.rel @p0 .LBB2_8-.Ltmp3, $4  }
0x4ce: {  	v35 =	vmul.f32 v48, v41;
	v43 =	vadd.f32 v10, v19;
	v26 =	vld [tilespmem:s17+$0x9400];
	v32 =	vadd.f32 v23, v27  }
0x4cf: {  	v39 =	vmul.f32 v49, v36;
	v19 =	vadd.f32 v11, v12;
	v29 =	vld [tilespmem:s17+$0x7400];
	v37 =	vadd.f32 v30, v33  }
0x4d0: {  	v36 =	vmul.f32 v42, v38;
	v35 =	vadd.f32 v43, v35;
	v30 =	vld [tilespmem:s17+$0x5400];
	v34 =	vadd.f32 v32, v22;
	(xrf2) =	vadd.scan.msk.f32 $0xffff, v24  }
0x4d1: {  	s18 =	sadd.s32 $0x400, s18;
	v38 =	vmul.f32 v40, v46;
	v24 =	vld [tilespmem:s17+$0x9410];
	v33 =	vadd.f32 v25, v28;
	v37 =	vadd.f32 v37, v39;
	v10, _, _ =	vpop (xrf2)  }
0x4d2: {  	v39 =	vld [tilespmem:s17+$0x7410]  }
0x4d3: {  	v58 =	vld [tilespmem:s17+$0x3400]  }
0x4d4: {  	v42 =	vld [tilespmem:s17+$0x5410]  }
0x4d5: {  	v40 =	vadd.f32 v34, v18;
	v35 =	vadd.f32 v35, v36;
	v60 =	vmul.f32 v34, v18;
	v61 =	vld [tilespmem:s17+$0x1400]  }
0x4d6: {  	v43 =	vadd.f32 v16, v17;
	v63 =	vmul.f32 v32, v22;
	v47 =	vld [tilespmem:s17+$0x5440];
	v50 =	vmul.f32 v23, v27  }
0x4d7: {  	v18 =	vld [tilespmem:s17+$0x5470];
	v57 =	vmul.f32 v25, v28;
	v41 =	vadd.f32 v33, v20;
	v37 =	vadd.f32 v37, v38  }
0x4d8: {  	v45 =	vld [tilespmem:s17+$0x3410];
	v52 =	vmul.f32 v33, v20;
	v59 =	vadd.f32 v26, v29;
	v15 =	vmul.f32 v40, v15  }
0x4d9: {  	v53 =	vld [tilespmem:s17+$0x3440];
	v62 =	vadd.f32 v41, v21;
	v46 =	vmul.f32 v41, v21;
	v22 =	vadd.f32 v24, v39  }
0x4da: {  	v49 =	vld [tilespmem:s17+$0x1410];
	v44 =	vadd.f32 v59, v30;
	v15 =	vadd.f32 v15, v60;
	v59 =	vmul.f32 v59, v30  }
0x4db: {  	v14 =	vmul.f32 v62, v14;
	v60 =	vadd.f32 v43, v47;
	v51 =	vadd.f32 v22, v42  }
0x4dc: {  	v20 =	vld [tilespmem:s17+$0x54A0];
	v62 =	vmul.f32 v26, v29;
	v38 =	vadd.f32 v19, v18;
	v48 =	vadd.f32 v44, v58  }
0x4dd: {  	v15 =	vadd.f32 v15, v63;
	v55 =	vmul.f32 v44, v58;
	v58 =	vld [tilespmem:s17+$0x1440];
	v56 =	vadd.f32 v51, v45  }
0x4de: {  	v14 =	vadd.f32 v14, v46;
	v63 =	vadd.f32 v60, v53;
	v54 =	vmul.f32 v48, v61;
	v61 =	vld [tilespmem:s17+$0x3470]  }
0x4df: {  	v15 =	vadd.f32 v15, v50;
	v23 =	vmul.f32 v51, v45;
	v34 =	vmul.f32 v56, v49  }
0x4e0: {  	v36 =	vld [tilespmem:s17+$0x1470];
	v22 =	vmul.f32 v22, v42;
	v14 =	vadd.f32 v14, v52;
	v27 =	vadd.f32 v54, v55  }
0x4e1: {  	(xrf2) =	vadd.scan.msk.f32 $0xffff, v31;
	v40 =	vld [tilespmem:s17+$0x34A0];
	v21 =	vmul.f32 v60, v53;
	v48 =	vadd.f32 v13, v20;
	v23 =	vadd.f32 v34, v23  }
0x4e2: {  	(xrf2) =	vadd.scan.msk.f32 $0xffff, v35;
	v41 =	vld [tilespmem:s17+$0x54D0];
	v14 =	vadd.f32 v14, v57;
	v25 =	vmul.f32 v63, v58;
	v27 =	vadd.f32 v27, v59  }
0x4e3: {  	(xrf2) =	vadd.scan.msk.f32 $0xffff, v37;
	v42 =	vmul.f32 v24, v39;
	v45 =	vld [tilespmem:s17+$0x14A0];
	v44 =	vadd.f32 v38, v61;
	v22 =	vadd.f32 v23, v22  }
0x4e4: {  	v47 =	vmul.f32 v43, v47;
	(xrf2) =	vadd.scan.msk.f32 $0xffff, v15;
	v49 =	vld [tilespmem:s17+$0x34D0];
	v46 =	vadd.f32 v25, v21;
	v26 =	vadd.f32 v27, v62  }
0x4e5: {  	v53 =	vld [tilespmem:s17+$0x54F0];
	(xrf2) =	vadd.scan.msk.f32 $0xffff, v14;
	v52 =	vmul.f32 v38, v61;
	v51 =	vmul.f32 v44, v36;
	v50 =	vadd.f32 v22, v42  }
0x4e6: {  	v54 =	vmul.f32 v16, v17;
	v55 =	vadd.f32 v48, v40;
	v56 =	vld [tilespmem:s17+$0x14D0];
	v15 =	vadd.f32 v46, v47;
	(xrf2) =	vadd.scan.msk.f32 $0xffff, v26  }
0x4e7: {  	v18 =	vmul.f32 v19, v18;
	v57 =	vadd.f32 v9, v41;
	v22 =	vadd.f32 v51, v52;
	(xrf2) =	vadd.scan.msk.f32 $0xffff, v50  }
0x4e8: {  	v60 =	vld [tilespmem:s17+$0x34F0];
	v59 =	vmul.f32 v48, v40;
	v58 =	vmul.f32 v55, v45;
	v14, _, _ =	vpop (xrf2);
	v15 =	vadd.f32 v15, v54  }
0x4e9: {  	v11 =	vmul.f32 v11, v12;
	v61, _, _ =	vpop (xrf2);
	v62 =	vadd.f32 v57, v49;
	v18 =	vadd.f32 v22, v18  }
0x4ea: {  	v28 =	vld [tilespmem:s17+$0x14F0];
	v29 =	vadd.f32 v8, v53;
	v16 =	vadd.f32 v58, v59;
	v26 =	vmul.f32 v13, v20;
	v63, _, _ =	vpop (xrf2);
	(xrf2) =	vadd.scan.msk.f32 $0xffff, v15  }
0x4eb: {  	v32 =	vmul.f32 v57, v49;
	v31, _, _ =	vpop (xrf2);
	v12 =	vmul.f32 v62, v56;
	v11 =	vadd.f32 v18, v11  }
0x4ec: {  	v6 =	vmul.f32 v6, v7;
	v13 =	vadd.f32 v16, v26;
	v33, _, _ =	vpop (xrf2)  }
0x4ed: {  	v35 =	vmul.f32 v9, v41;
	v36 =	vadd.f32 v29, v60;
	v34, _, _ =	vpop (xrf2);
	v12 =	vadd.f32 v12, v32;
	(xrf2) =	vadd.scan.msk.f32 $0xffff, v11  }
0x4ee: {  	v4 =	vmul.f32 v4, v5;
	v6 =	vadd.f32 v13, v6;
	v37, _, _ =	vpop (xrf2)  }
0x4ef: {  	v38 =	vmul.f32 v29, v60;
	v40 =	vmul.f32 v36, v28;
	v9 =	vadd.f32 v12, v35;
	v39, _, _ =	vpop (xrf2)  }
0x4f0: {  	(xrf2) =	vadd.scan.msk.f32 $0xffff, v6;
	v41, _, _ =	vpop (xrf2)  }
0x4f1: {  	v42 =	vmul.f32 v8, v53;
	v5 =	vadd.f32 v40, v38;
	v4 =	vadd.f32 v9, v4;
	v43, _, _ =	vpop (xrf2)  }
0x4f2: {  	v44 =	vbroadcast v41, $0xF;
	v8 =	vbroadcast v43, $0xF  }
0x4f3: {  	v2 =	vmul.f32 v2, v3;
	v5 =	vadd.f32 v5, v42;
	v45 =	vbroadcast v39, $0xF;
	(xrf2) =	vadd.scan.msk.f32 $0xffff, v4  }
0x4f4: {  	v47 =	vbroadcast v37, $0xF;
	v48, _, _ =	vpop (xrf2);
	v46 =	vsel vm0, v44, v8  }
0x4f5: {  	v2 =	vadd.f32 v5, v2;
	v6 =	vbroadcast v48, $0xF;
	v3 =	vsel vm1, v46, v45  }
0x4f6: {  	v49 =	vbroadcast v34, $0xF;
	v3 =	vsel vm2, v3, v47  }
0x4f7: {  	v50 =	vbroadcast v33, $0xF;
	(xrf2) =	vadd.scan.msk.f32 $0xffff, v2;
	v51, _, _ =	vpop (xrf2);
	v3 =	vsel vm3, v3, v6  }
0x4f8: {  	v53 =	vbroadcast v51, $0xF;
	v52 =	vsel vm4, v3, v49  }
0x4f9: {  	v54 =	vbroadcast v31, $0xF;
	v2 =	vsel vm5, v52, v50  }
0x4fa: {  	v55 =	vbroadcast v63, $0xF;
	v56, _, _ =	vpop (xrf2);
	v2 =	vsel vm6, v2, v53  }
0x4fb: {  	v57 =	vbroadcast v56, $0xF;
	v2 =	vsel vm7, v2, v54  }
0x4fc: {  	v58 =	vbroadcast v61, $0xF;
	v2 =	vsel vm8, v2, v55  }
0x4fd: {  	v59 =	vbroadcast v14, $0xF;
	v60, _, _ =	vpop (xrf2);
	v2 =	vsel vm9, v2, v57  }
0x4fe: {  	v61 =	vbroadcast v60, $0xF;
	v2 =	vsel vm10, v2, v58  }
0x4ff: {  	v62 =	vbroadcast v10, $0xF;
	v2 =	vsel vm11, v2, v59  }
0x500: {  	v2 =	vsel vm12, v2, v61  }
0x501: {  	v63, _, _ =	vpop (xrf2);
	v2 =	vsel vm13, v2, v62  }
0x502: {  	v2 =	vsel vm14, v2, v63  }
0x503: {  	v1 =	vmul.f32 v2, v1;
	_ =	sdelay $0x1  }
0x504: {  	v1 =	vmul.f32 $1.442695020e+00, v1;
	_ =	sdelay $0x1  }
0x505: {  	(erf) = vpow2.f32 v1;
	_ =	sdelay $0x8  }
0x506: {  	v1 =	vpop (erf)  }
0x507: {  	v0 =	vmul.f32 v1, v0  }
0x508: {  	s0 =	sadd.s32 $0x10, s16  }
0x509: {  	s22 =	rddreg [dreg:$0xe];
	[tilespmem:s0+$0x0] =	vst v0  }
0x50a: {  	[hbm4b:s22+s4] =	stream.linear.scatter [tilespmem:s14], [sflag:$0x5], $0x200, $0x38;
	[tilespmem:$0x15610] =	vst v63  }
0x50b: {  	_ =	swait.ge [sflag:s25], $0x200  }
0x50c: {  	s2 =	sadd.s32 $0x1, s2;
	s23 =	rddreg [dreg:$0xf]  }
0x50d: {  	p0 =	sne.s32 s2, s23  }
.Ltmp4:
0x50e: {  	_ = 	snop;
	(pc) =	sbr.rel @p0 .LBB2_1-.Ltmp4, $3  }
0x50f: {  	_ =	sdelay $0x1  }
0x510: {  	[sflag:s25] =	ssyncset.done $0x0  }
0x511: {  	[sflag:s25] =	ssyncadd.s32 $0xFFFFFE00  }
0x512: {  	_ =	sfence.sel $0x180000  }
0x513: {  	[bflag:$0x0] =	sbarrier.arrive $0xFFFF  }
0x514: {  	_ =	strace $0x9000004A  }
0x515: {  	s0 =	stileid.u32;
	[bflag:$0x2] =	sbarrier.arrive $0xFFFF  }
0x516: {  	p0 =	sne.s32 s0, $0x0;
	s0 =	rddreg [dreg:$0x3]  }
0x517: {  	s0 =	sadd.s32 @!p0 $0x100000, s0  }
0x518: {  	[sflag:s0] =	ssyncadd.tile.s32 @!p0 $0x1;
	_ =	shalt  }
.Lfunc_end2:
_tile_overlayer_lowered:
.L_overlay_start_2:
0x519: {  	(tag) =	ssettag $0x2  }
0x51a: {  	s0 =	rddreg [dreg:$0x0];
	s2 =	stileid.u32  }
0x51b: {  	s1 =	rddreg [dreg:$0x1];
	p0 =	sne.s32 s2, $0x0  }
0x51c: {  	s3 =	rddreg [dreg:$0x2];
	[bflag:$0x3] =	sbarrier.arrive $0xFFFF;
	s2 =	simm.s32 @!p0 $0x1C05  }
0x51d: {  	[timem:s3], [sflag:s2] =	dma.local @!p0 [hbm:s0], s1  }
0x51e: {  	s0 =	simm.s32 @!p0 $0x5  }
0x51f: {  	_ =	swait.ge @!p0 [sflag:s0], s1  }
0x520: {  	s1 =	ssub.s32 @!p0 $0x0, s1;
	[sflag:s0] =	ssyncset.done @!p0 $0x0  }
0x521: {  	[sflag:s0] =	ssyncadd.s32 @!p0 s1  }
0x522: {  	[bflag:$0x3] =	sbarrier.arrive $0xFFFF  }
0x523: {  	_ =	shalt  }

</sc_bundles>
